<compile_context>
chip_gen: v7x
topology: tpu7x:2x2x1
jax: 0.10.2.dev20260603
libtpu: 0.0.44.dev20260713+nightly
codegen_flags: <defaults>
</compile_context>

<pallas_src>
import functools

import jax
import jax.numpy as jnp
from jax import lax
from jax.experimental import pallas as pl
from jax.experimental.pallas import tpu as pltpu
from jax.experimental.pallas import tpu_sc as plsc

NUM_CORES = 2
NUM_SUBCORES = 16
LANES = 16
QB = 256
NB = 5

B = 4096
L = 200
D = 32
VB = D // 8
LG = 25
BG = 1024


@jax.jit
def _sc_embed(xt, table, pos):
    d2 = (B // 128) * 8 * 128
    osz = (QB // 128) * 8 * 128
    nq = BG // QB
    upw = LG * nq

    mesh = plsc.VectorSubcoreMesh(
        core_axis_name="c", subcore_axis_name="s",
        num_cores=NUM_CORES, num_subcores=NUM_SUBCORES,
    )

    @functools.partial(
        pl.kernel,
        mesh=mesh,
        out_type=jax.ShapeDtypeStruct((L, VB, d2), jnp.float32),
        scratch_types=[
            pltpu.VMEM((LG, BG), jnp.int32),
            pltpu.VMEM((LG, D), jnp.float32),
            [pltpu.VMEM((QB, D), jnp.float32) for _ in range(NB)],
            [pltpu.VMEM((VB * osz,), jnp.float32) for _ in range(NB)],
            [pltpu.SemaphoreType.DMA for _ in range(NB)],
            [[pltpu.SemaphoreType.DMA for _ in range(VB)] for _ in range(NB)],
        ],
        compiler_params=pltpu.CompilerParams(
            use_tc_tiling_on_sc=False, needs_layout_passes=False),
    )
    def k(xt_h, t_h, pos_h, out_h, idx_all, pos_v, rows, obuf, gsem, osem):
        wid = lax.axis_index("s") * NUM_CORES + lax.axis_index("c")
        gi = lax.shift_right_logical(wid, 2)
        gj = lax.bitwise_and(wid, 3)
        l0 = gi * LG
        iota = lax.iota(jnp.int32, LANES)
        pat0 = lax.shift_right_logical(iota, 3) * osz + \
            lax.bitwise_and(iota, 7) * 128
        pat1 = pat0 + 2 * osz

        pltpu.sync_copy(xt_h.at[pl.ds(l0, LG), pl.ds(gj * BG, BG)], idx_all)
        pltpu.sync_copy(pos_h.at[pl.ds(l0, LG)], pos_v)

        def unit_idx(j):
            return lax.shift_right_logical(j, 2), lax.bitwise_and(j, 3)

        def gather_op(j, b):
            lloc, qloc = unit_idx(j)
            return pltpu.make_async_copy(
                t_h.at[idx_all.at[lloc, pl.ds(qloc * QB, QB)]],
                rows[b], gsem[b])

        def stage(j, b):
            gather_op(j, b).start()

        def wait_gather(j, b):
            gather_op(j, b).wait()

        def transpose_add(j, b):
            lloc, _ = unit_idx(j)
            p0 = pos_v[lloc, pl.ds(0, LANES)]
            p1 = pos_v[lloc, pl.ds(LANES, LANES)]

            @plsc.parallel_loop(0, QB, unroll=8)
            def jbody(jj):
                off = lax.shift_right_logical(jj, 7) * 1024 + \
                    lax.bitwise_and(jj, 127)
                v0 = rows[b][jj, pl.ds(0, LANES)]
                v1 = rows[b][jj, pl.ds(LANES, LANES)]
                plsc.store_scatter(obuf[b], [pat0 + off], v0 + p0)
                plsc.store_scatter(obuf[b], [pat1 + off], v1 + p1)

        def out_copies(j, b):
            lloc, qloc = unit_idx(j)
            qg = gj * nq + qloc
            return [
                pltpu.make_async_copy(
                    obuf[b].at[pl.ds(vb * osz, osz)],
                    out_h.at[l0 + lloc, vb, pl.ds(qg * osz, osz)],
                    osem[b][vb])
                for vb in range(VB)
            ]

        def start_out(j, b):
            for c in out_copies(j, b):
                c.start()

        def wait_out(j, b):
            for c in out_copies(j, b):
                c.wait()

        for b in range(NB):
            stage(b, b)
        for j in range(NB):
            b = j % NB
            wait_gather(j, b)
            transpose_add(j, b)
            stage(j + NB, b)
            start_out(j, b)

        def group(g, c):
            for b in range(NB):
                j = g * NB + b
                wait_gather(j, b)
                wait_out(j - NB, b)
                transpose_add(j, b)
                stage(j + NB, b)
                start_out(j, b)
            return c

        lax.fori_loop(1, upw // NB - 1, group, 0)

        for j in range(upw - NB, upw):
            b = j % NB
            wait_gather(j, b)
            wait_out(j - NB, b)
            transpose_add(j, b)
            start_out(j, b)
        for j in range(upw - NB, upw):
            wait_out(j, j % NB)

    return k(xt, table, pos)


def kernel(x, table, pos_emb):
    xt = jnp.transpose(x).astype(jnp.int32)
    o5 = _sc_embed(xt, table, pos_emb[:L])
    o = o5.reshape(L, VB, B // 128, 8, 128).transpose(2, 4, 0, 1, 3)
    return o.reshape(B, L, D)

# --- scband reference (transcript-rebuilt; emitter-appended) ---
"""Pipeline reference for scband-spacy-embedding-37787122270288 (READ-ONLY COPY).

The authoritative reference and input builder live on the scoring server;
editing this copy changes nothing except your own understanding.
"""

import jax, jax.numpy as jnp
import numpy as np

VOCAB = 1000000
EMB = 32
BATCH = 4096
SEQ = 200


def setup_inputs(seed: int = 0) -> dict:
    key = jax.random.key(seed)
    k_idx, k_tab, k_pos = jax.random.split(key, 3)
    x = jax.random.randint(k_idx, (BATCH, SEQ), 0, VOCAB, dtype=jnp.int64 if jax.config.jax_enable_x64 else jnp.int32)
    table = jax.random.normal(k_tab, (VOCAB, EMB), dtype=jnp.float32)
    pos_emb = jax.random.normal(k_pos, (SEQ, EMB), dtype=jnp.float32)
    return {"x": x, "table": table, "pos_emb": pos_emb}


def reference(x, table, pos_emb):
    # Lambda(x.long()) -> nn.Embedding lookup
    idx = x.astype(jnp.int32)
    emb = jnp.take(table, idx, axis=0)  # [B, L, D]
    # PositionalEmbedding: add pos_emb[:L] broadcast over batch
    out = emb + pos_emb[: x.shape[1]]
    # Dropout with p_drop=0.0 is identity
    return out

if __name__ == "__main__":
    import jax
    _d = setup_inputs()
    print(jax.jit(kernel)(*tuple(_d.values())))

</pallas_src>

<mosaic_0001>
#map = affine_map<(d0, d1) -> (0, 0)>
#map1 = affine_map<(d0, d1) -> (0, 0, 0)>
module attributes {stable_mosaic.version = 14 : i64} {
  func.func @k(%arg0: i32, %arg1: i32, %arg2: memref<200x4096xi32, #tpu.memory_space<hbm>>, %arg3: memref<1000000x32xf32, #tpu.memory_space<hbm>>, %arg4: memref<200x32xf32, #tpu.memory_space<hbm>>, %arg5: memref<200x4x32768xf32, #tpu.memory_space<hbm>>, %arg6: memref<25x1024xi32, #tpu.memory_space<vmem>>, %arg7: memref<25x32xf32, #tpu.memory_space<vmem>>, %arg8: memref<256x32xf32, #tpu.memory_space<vmem>>, %arg9: memref<256x32xf32, #tpu.memory_space<vmem>>, %arg10: memref<256x32xf32, #tpu.memory_space<vmem>>, %arg11: memref<256x32xf32, #tpu.memory_space<vmem>>, %arg12: memref<256x32xf32, #tpu.memory_space<vmem>>, %arg13: memref<8192xf32, #tpu.memory_space<vmem>>, %arg14: memref<8192xf32, #tpu.memory_space<vmem>>, %arg15: memref<8192xf32, #tpu.memory_space<vmem>>, %arg16: memref<8192xf32, #tpu.memory_space<vmem>>, %arg17: memref<8192xf32, #tpu.memory_space<vmem>>, %arg18: memref<!tpu.dma_semaphore, #tpu.memory_space<semaphore_mem>>, %arg19: memref<!tpu.dma_semaphore, #tpu.memory_space<semaphore_mem>>, %arg20: memref<!tpu.dma_semaphore, #tpu.memory_space<semaphore_mem>>, %arg21: memref<!tpu.dma_semaphore, #tpu.memory_space<semaphore_mem>>, %arg22: memref<!tpu.dma_semaphore, #tpu.memory_space<semaphore_mem>>, %arg23: memref<!tpu.dma_semaphore, #tpu.memory_space<semaphore_mem>>, %arg24: memref<!tpu.dma_semaphore, #tpu.memory_space<semaphore_mem>>, %arg25: memref<!tpu.dma_semaphore, #tpu.memory_space<semaphore_mem>>, %arg26: memref<!tpu.dma_semaphore, #tpu.memory_space<semaphore_mem>>, %arg27: memref<!tpu.dma_semaphore, #tpu.memory_space<semaphore_mem>>, %arg28: memref<!tpu.dma_semaphore, #tpu.memory_space<semaphore_mem>>, %arg29: memref<!tpu.dma_semaphore, #tpu.memory_space<semaphore_mem>>, %arg30: memref<!tpu.dma_semaphore, #tpu.memory_space<semaphore_mem>>, %arg31: memref<!tpu.dma_semaphore, #tpu.memory_space<semaphore_mem>>, %arg32: memref<!tpu.dma_semaphore, #tpu.memory_space<semaphore_mem>>, %arg33: memref<!tpu.dma_semaphore, #tpu.memory_space<semaphore_mem>>, %arg34: memref<!tpu.dma_semaphore, #tpu.memory_space<semaphore_mem>>, %arg35: memref<!tpu.dma_semaphore, #tpu.memory_space<semaphore_mem>>, %arg36: memref<!tpu.dma_semaphore, #tpu.memory_space<semaphore_mem>>, %arg37: memref<!tpu.dma_semaphore, #tpu.memory_space<semaphore_mem>>, %arg38: memref<!tpu.dma_semaphore, #tpu.memory_space<semaphore_mem>>, %arg39: memref<!tpu.dma_semaphore, #tpu.memory_space<semaphore_mem>>, %arg40: memref<!tpu.dma_semaphore, #tpu.memory_space<semaphore_mem>>, %arg41: memref<!tpu.dma_semaphore, #tpu.memory_space<semaphore_mem>>, %arg42: memref<!tpu.dma_semaphore, #tpu.memory_space<semaphore_mem>>) attributes {dimension_semantics = [#tpu.dimension_semantics<core_parallel>, #tpu.dimension_semantics<subcore_parallel>], iteration_bounds = array<i64: 2, 16>, scalar_prefetch = 0 : i64, scratch_operands = 37 : i64, tpu.core_type = #tpu.core_type<sc_vector_subcore>, window_params = [{transform_indices = #map}, {transform_indices = #map}, {transform_indices = #map}, {transform_indices = #map1}]} {
    %mul3A = arith.constant 2 : i32
    %mul3A_0 = arith.muli %arg1, %mul3A : i32
    %add3A = arith.addi %mul3A_0, %arg0 : i32
    %shift_right_logical3A = arith.constant 2 : i32
    %shift_right_logical3A_1 = arith.shrui %add3A, %shift_right_logical3A : i32
    %and3A = arith.constant 3 : i32
    %and3A_2 = arith.andi %add3A, %and3A : i32
    %mul3A_3 = arith.constant 25 : i32
    %mul3A_4 = arith.muli %shift_right_logical3A_1, %mul3A_3 : i32
    %iota3A = tpu.iota {dimensions = array<i32: 0>} : vector<16xi32>
    %shift_right_logical3A_5 = arith.constant 3 : i32
    %shift_right_logical3A_6 = vector.broadcast %shift_right_logical3A_5 : i32 to vector<16xi32>
    %shift_right_logical3A_7 = arith.shrui %iota3A, %shift_right_logical3A_6 : vector<16xi32>
    %mul3A_8 = arith.constant 2048 : i32
    %mul3A_9 = vector.broadcast %mul3A_8 : i32 to vector<16xi32>
    %mul3A_10 = arith.muli %shift_right_logical3A_7, %mul3A_9 : vector<16xi32>
    %and3A_11 = arith.constant 7 : i32
    %and3A_12 = vector.broadcast %and3A_11 : i32 to vector<16xi32>
    %and3A_13 = arith.andi %iota3A, %and3A_12 : vector<16xi32>
    %mul3A_14 = arith.constant 128 : i32
    %mul3A_15 = vector.broadcast %mul3A_14 : i32 to vector<16xi32>
    %mul3A_16 = arith.muli %and3A_13, %mul3A_15 : vector<16xi32>
    %add3A_17 = arith.addi %mul3A_10, %mul3A_16 : vector<16xi32>
    %add3A_18 = arith.constant 4096 : i32
    %add3A_19 = vector.broadcast %add3A_18 : i32 to vector<16xi32>
    %add3A_20 = arith.addi %add3A_17, %add3A_19 : vector<16xi32>
    %mul3A_21 = arith.constant 1024 : i32
    %mul3A_22 = arith.muli %and3A_2, %mul3A_21 : i32
    "tpu.region"() ({
      %run_scoped3A = tpu.sem_alloc : memref<!tpu.dma_semaphore, #tpu.memory_space<semaphore_mem>>
      %dma_start3A_1574 = tpu.memref_slice %arg2[%mul3A_4, %mul3A_22] : memref<200x4096xi32, #tpu.memory_space<hbm>> -> memref<25x1024xi32, #tpu.memory_space<hbm>>
      %dma_start3A_1575 = tpu.memref_slice %arg2[%mul3A_4, %mul3A_22] : memref<200x4096xi32, #tpu.memory_space<hbm>> -> memref<25x1024xi32, #tpu.memory_space<hbm>>
      tpu.enqueue_dma source(%dma_start3A_1575 : memref<25x1024xi32, #tpu.memory_space<hbm>>) target(%arg6 : memref<25x1024xi32, #tpu.memory_space<vmem>>) target_semaphore(%run_scoped3A : memref<!tpu.dma_semaphore, #tpu.memory_space<semaphore_mem>>)
      %dma_wait3A_1576 = tpu.memref_slice %arg2[%mul3A_4, %mul3A_22] : memref<200x4096xi32, #tpu.memory_space<hbm>> -> memref<25x1024xi32, #tpu.memory_space<hbm>>
      %dma_wait3A_1577 = tpu.memref_slice %arg2[%mul3A_4, %mul3A_22] : memref<200x4096xi32, #tpu.memory_space<hbm>> -> memref<25x1024xi32, #tpu.memory_space<hbm>>
      tpu.wait_dma2 semaphore(%run_scoped3A : memref<!tpu.dma_semaphore, #tpu.memory_space<semaphore_mem>>) src(%dma_wait3A_1577 : memref<25x1024xi32, #tpu.memory_space<hbm>>) dst(%arg6 : memref<25x1024xi32, #tpu.memory_space<vmem>>)
      tpu.yield
    }) : () -> ()
    "tpu.region"() ({
      %run_scoped3A = tpu.sem_alloc : memref<!tpu.dma_semaphore, #tpu.memory_space<semaphore_mem>>
      %dma_start3A_1574 = arith.constant 0 : i32
      %dma_start3A_1575 = tpu.memref_slice %arg4[%mul3A_4, %dma_start3A_1574] : memref<200x32xf32, #tpu.memory_space<hbm>> -> memref<25x32xf32, #tpu.memory_space<hbm>>
      %dma_start3A_1576 = arith.constant 0 : i32
      %dma_start3A_1577 = tpu.memref_slice %arg4[%mul3A_4, %dma_start3A_1576] : memref<200x32xf32, #tpu.memory_space<hbm>> -> memref<25x32xf32, #tpu.memory_space<hbm>>
      tpu.enqueue_dma source(%dma_start3A_1577 : memref<25x32xf32, #tpu.memory_space<hbm>>) target(%arg7 : memref<25x32xf32, #tpu.memory_space<vmem>>) target_semaphore(%run_scoped3A : memref<!tpu.dma_semaphore, #tpu.memory_space<semaphore_mem>>)
      %dma_wait3A_1578 = arith.constant 0 : i32
      %dma_wait3A_1579 = tpu.memref_slice %arg4[%mul3A_4, %dma_wait3A_1578] : memref<200x32xf32, #tpu.memory_space<hbm>> -> memref<25x32xf32, #tpu.memory_space<hbm>>
      %dma_wait3A_1580 = arith.constant 0 : i32
      %dma_wait3A_1581 = tpu.memref_slice %arg4[%mul3A_4, %dma_wait3A_1580] : memref<200x32xf32, #tpu.memory_space<hbm>> -> memref<25x32xf32, #tpu.memory_space<hbm>>
      tpu.wait_dma2 semaphore(%run_scoped3A : memref<!tpu.dma_semaphore, #tpu.memory_space<semaphore_mem>>) src(%dma_wait3A_1581 : memref<25x32xf32, #tpu.memory_space<hbm>>) dst(%arg7 : memref<25x32xf32, #tpu.memory_space<vmem>>)
      tpu.yield
    }) : () -> ()
    %shift_right_logical3A_23 = arith.constant 0 : i32
    %shift_right_logical3A_24 = arith.constant 2 : i32
    %shift_right_logical3A_25 = arith.shrui %shift_right_logical3A_23, %shift_right_logical3A_24 : i32
    %and3A_26 = arith.constant 0 : i32
    %and3A_27 = arith.constant 3 : i32
    %and3A_28 = arith.andi %and3A_26, %and3A_27 : i32
    %mul3A_29 = arith.constant 256 : i32
    %mul3A_30 = arith.muli %and3A_28, %mul3A_29 : i32
    %dma_start3A = tpu.memref_slice %arg6[%shift_right_logical3A_25, %mul3A_30] : memref<25x1024xi32, #tpu.memory_space<vmem>> -> memref<1x256xi32, #tpu.memory_space<vmem>>
    %dma_start3A_31 = tpu.memref_squeeze %dma_start3A : memref<1x256xi32, #tpu.memory_space<vmem>> -> memref<256xi32, #tpu.memory_space<vmem>>
    %dma_start3A_32 = arith.constant 0 : i32
    %dma_start3A_33 = arith.constant 0 : i32
    %dma_start3A_34 = tpu.memref_slice %arg3[%dma_start3A_32, %dma_start3A_33] : memref<1000000x32xf32, #tpu.memory_space<hbm>> -> memref<1000000x32xf32, #tpu.memory_space<hbm>>
    tpu.enqueue_indirect_dma source(%dma_start3A_34 : memref<1000000x32xf32, #tpu.memory_space<hbm>>) target(%arg8 : memref<256x32xf32, #tpu.memory_space<vmem>>) offsets(%dma_start3A_31 : memref<256xi32, #tpu.memory_space<vmem>>) semaphore(%arg18 : memref<!tpu.dma_semaphore, #tpu.memory_space<semaphore_mem>>)
    %shift_right_logical3A_35 = arith.constant 1 : i32
    %shift_right_logical3A_36 = arith.constant 2 : i32
    %shift_right_logical3A_37 = arith.shrui %shift_right_logical3A_35, %shift_right_logical3A_36 : i32
    %and3A_38 = arith.constant 1 : i32
    %and3A_39 = arith.constant 3 : i32
    %and3A_40 = arith.andi %and3A_38, %and3A_39 : i32
    %mul3A_41 = arith.constant 256 : i32
    %mul3A_42 = arith.muli %and3A_40, %mul3A_41 : i32
    %dma_start3A_43 = tpu.memref_slice %arg6[%shift_right_logical3A_37, %mul3A_42] : memref<25x1024xi32, #tpu.memory_space<vmem>> -> memref<1x256xi32, #tpu.memory_space<vmem>>
    %dma_start3A_44 = tpu.memref_squeeze %dma_start3A_43 : memref<1x256xi32, #tpu.memory_space<vmem>> -> memref<256xi32, #tpu.memory_space<vmem>>
    %dma_start3A_45 = arith.constant 0 : i32
    %dma_start3A_46 = arith.constant 0 : i32
    %dma_start3A_47 = tpu.memref_slice %arg3[%dma_start3A_45, %dma_start3A_46] : memref<1000000x32xf32, #tpu.memory_space<hbm>> -> memref<1000000x32xf32, #tpu.memory_space<hbm>>
    tpu.enqueue_indirect_dma source(%dma_start3A_47 : memref<1000000x32xf32, #tpu.memory_space<hbm>>) target(%arg9 : memref<256x32xf32, #tpu.memory_space<vmem>>) offsets(%dma_start3A_44 : memref<256xi32, #tpu.memory_space<vmem>>) semaphore(%arg19 : memref<!tpu.dma_semaphore, #tpu.memory_space<semaphore_mem>>)
    %shift_right_logical3A_48 = arith.constant 2 : i32
    %shift_right_logical3A_49 = arith.constant 2 : i32
    %shift_right_logical3A_50 = arith.shrui %shift_right_logical3A_48, %shift_right_logical3A_49 : i32
    %and3A_51 = arith.constant 2 : i32
    %and3A_52 = arith.constant 3 : i32
    %and3A_53 = arith.andi %and3A_51, %and3A_52 : i32
    %mul3A_54 = arith.constant 256 : i32
    %mul3A_55 = arith.muli %and3A_53, %mul3A_54 : i32
    %dma_start3A_56 = tpu.memref_slice %arg6[%shift_right_logical3A_50, %mul3A_55] : memref<25x1024xi32, #tpu.memory_space<vmem>> -> memref<1x256xi32, #tpu.memory_space<vmem>>
    %dma_start3A_57 = tpu.memref_squeeze %dma_start3A_56 : memref<1x256xi32, #tpu.memory_space<vmem>> -> memref<256xi32, #tpu.memory_space<vmem>>
    %dma_start3A_58 = arith.constant 0 : i32
    %dma_start3A_59 = arith.constant 0 : i32
    %dma_start3A_60 = tpu.memref_slice %arg3[%dma_start3A_58, %dma_start3A_59] : memref<1000000x32xf32, #tpu.memory_space<hbm>> -> memref<1000000x32xf32, #tpu.memory_space<hbm>>
    tpu.enqueue_indirect_dma source(%dma_start3A_60 : memref<1000000x32xf32, #tpu.memory_space<hbm>>) target(%arg10 : memref<256x32xf32, #tpu.memory_space<vmem>>) offsets(%dma_start3A_57 : memref<256xi32, #tpu.memory_space<vmem>>) semaphore(%arg20 : memref<!tpu.dma_semaphore, #tpu.memory_space<semaphore_mem>>)
    %shift_right_logical3A_61 = arith.constant 3 : i32
    %shift_right_logical3A_62 = arith.constant 2 : i32
    %shift_right_logical3A_63 = arith.shrui %shift_right_logical3A_61, %shift_right_logical3A_62 : i32
    %and3A_64 = arith.constant 3 : i32
    %and3A_65 = arith.constant 3 : i32
    %and3A_66 = arith.andi %and3A_64, %and3A_65 : i32
    %mul3A_67 = arith.constant 256 : i32
    %mul3A_68 = arith.muli %and3A_66, %mul3A_67 : i32
    %dma_start3A_69 = tpu.memref_slice %arg6[%shift_right_logical3A_63, %mul3A_68] : memref<25x1024xi32, #tpu.memory_space<vmem>> -> memref<1x256xi32, #tpu.memory_space<vmem>>
    %dma_start3A_70 = tpu.memref_squeeze %dma_start3A_69 : memref<1x256xi32, #tpu.memory_space<vmem>> -> memref<256xi32, #tpu.memory_space<vmem>>
    %dma_start3A_71 = arith.constant 0 : i32
    %dma_start3A_72 = arith.constant 0 : i32
    %dma_start3A_73 = tpu.memref_slice %arg3[%dma_start3A_71, %dma_start3A_72] : memref<1000000x32xf32, #tpu.memory_space<hbm>> -> memref<1000000x32xf32, #tpu.memory_space<hbm>>
    tpu.enqueue_indirect_dma source(%dma_start3A_73 : memref<1000000x32xf32, #tpu.memory_space<hbm>>) target(%arg11 : memref<256x32xf32, #tpu.memory_space<vmem>>) offsets(%dma_start3A_70 : memref<256xi32, #tpu.memory_space<vmem>>) semaphore(%arg21 : memref<!tpu.dma_semaphore, #tpu.memory_space<semaphore_mem>>)
    %shift_right_logical3A_74 = arith.constant 4 : i32
    %shift_right_logical3A_75 = arith.constant 2 : i32
    %shift_right_logical3A_76 = arith.shrui %shift_right_logical3A_74, %shift_right_logical3A_75 : i32
    %and3A_77 = arith.constant 4 : i32
    %and3A_78 = arith.constant 3 : i32
    %and3A_79 = arith.andi %and3A_77, %and3A_78 : i32
    %mul3A_80 = arith.constant 256 : i32
    %mul3A_81 = arith.muli %and3A_79, %mul3A_80 : i32
    %dma_start3A_82 = tpu.memref_slice %arg6[%shift_right_logical3A_76, %mul3A_81] : memref<25x1024xi32, #tpu.memory_space<vmem>> -> memref<1x256xi32, #tpu.memory_space<vmem>>
    %dma_start3A_83 = tpu.memref_squeeze %dma_start3A_82 : memref<1x256xi32, #tpu.memory_space<vmem>> -> memref<256xi32, #tpu.memory_space<vmem>>
    %dma_start3A_84 = arith.constant 0 : i32
    %dma_start3A_85 = arith.constant 0 : i32
    %dma_start3A_86 = tpu.memref_slice %arg3[%dma_start3A_84, %dma_start3A_85] : memref<1000000x32xf32, #tpu.memory_space<hbm>> -> memref<1000000x32xf32, #tpu.memory_space<hbm>>
    tpu.enqueue_indirect_dma source(%dma_start3A_86 : memref<1000000x32xf32, #tpu.memory_space<hbm>>) target(%arg12 : memref<256x32xf32, #tpu.memory_space<vmem>>) offsets(%dma_start3A_83 : memref<256xi32, #tpu.memory_space<vmem>>) semaphore(%arg22 : memref<!tpu.dma_semaphore, #tpu.memory_space<semaphore_mem>>)
    %shift_right_logical3A_87 = arith.constant 0 : i32
    %shift_right_logical3A_88 = arith.constant 2 : i32
    %shift_right_logical3A_89 = arith.shrui %shift_right_logical3A_87, %shift_right_logical3A_88 : i32
    %and3A_90 = arith.constant 0 : i32
    %and3A_91 = arith.constant 3 : i32
    %and3A_92 = arith.andi %and3A_90, %and3A_91 : i32
    %mul3A_93 = arith.constant 256 : i32
    %mul3A_94 = arith.muli %and3A_92, %mul3A_93 : i32
    %dma_wait3A = tpu.memref_slice %arg6[%shift_right_logical3A_89, %mul3A_94] : memref<25x1024xi32, #tpu.memory_space<vmem>> -> memref<1x256xi32, #tpu.memory_space<vmem>>
    %dma_wait3A_95 = tpu.memref_squeeze %dma_wait3A : memref<1x256xi32, #tpu.memory_space<vmem>> -> memref<256xi32, #tpu.memory_space<vmem>>
    %dma_wait3A_96 = arith.constant 0 : i32
    %dma_wait3A_97 = arith.constant 0 : i32
    %dma_wait3A_98 = tpu.memref_slice %arg3[%dma_wait3A_96, %dma_wait3A_97] : memref<1000000x32xf32, #tpu.memory_space<hbm>> -> memref<1000000x32xf32, #tpu.memory_space<hbm>>
    tpu.wait_indirect_dma semaphore(%arg18 : memref<!tpu.dma_semaphore, #tpu.memory_space<semaphore_mem>>) src(%dma_wait3A_98 : memref<1000000x32xf32, #tpu.memory_space<hbm>>) dst(%arg8 : memref<256x32xf32, #tpu.memory_space<vmem>>)
    %shift_right_logical3A_99 = arith.constant 0 : i32
    %shift_right_logical3A_100 = arith.constant 2 : i32
    %shift_right_logical3A_101 = arith.shrui %shift_right_logical3A_99, %shift_right_logical3A_100 : i32
    %and3A_102 = arith.constant 0 : i32
    %and3A_103 = arith.constant 3 : i32
    %and3A_104 = arith.andi %and3A_102, %and3A_103 : i32
    %get3A = arith.index_cast %shift_right_logical3A_101 : i32 to index
    %get3A_105 = arith.constant 0 : index
    %get3A_106 = tpu.vector_load %arg7[%get3A, %get3A_105] {strides = array<i32>} : memref<25x32xf32, #tpu.memory_space<vmem>>, vector<16xf32>,
    %get3A_107 = arith.index_cast %shift_right_logical3A_101 : i32 to index
    %get3A_108 = arith.constant 16 : index
    %get3A_109 = tpu.vector_load %arg7[%get3A_107, %get3A_108] {strides = array<i32>} : memref<25x32xf32, #tpu.memory_space<vmem>>, vector<16xf32>,
    %parallel_loop3A = arith.constant 0 : i32
    %parallel_loop3A_110 = arith.constant 256 : i32
    %parallel_loop3A_111 = arith.constant 1 : i32
    scf.for %parallel_loop3A_1574 = %parallel_loop3A to %parallel_loop3A_110 step %parallel_loop3A_111  : i32 {
      %parallel_loop3A_1575 = arith.constant 7 : i32
      %parallel_loop3A_1576 = arith.shrui %parallel_loop3A_1574, %parallel_loop3A_1575 : i32
      %parallel_loop3A_1577 = arith.constant 1024 : i32
      %parallel_loop3A_1578 = arith.muli %parallel_loop3A_1576, %parallel_loop3A_1577 : i32
      %parallel_loop3A_1579 = arith.constant 127 : i32
      %parallel_loop3A_1580 = arith.andi %parallel_loop3A_1574, %parallel_loop3A_1579 : i32
      %parallel_loop3A_1581 = arith.addi %parallel_loop3A_1578, %parallel_loop3A_1580 : i32
      %parallel_loop3A_1582 = arith.index_cast %parallel_loop3A_1574 : i32 to index
      %parallel_loop3A_1583 = arith.constant 0 : index
      %parallel_loop3A_1584 = tpu.vector_load %arg8[%parallel_loop3A_1582, %parallel_loop3A_1583] {strides = array<i32>} : memref<256x32xf32, #tpu.memory_space<vmem>>, vector<16xf32>,
      %parallel_loop3A_1585 = arith.index_cast %parallel_loop3A_1574 : i32 to index
      %parallel_loop3A_1586 = arith.constant 16 : index
      %parallel_loop3A_1587 = tpu.vector_load %arg8[%parallel_loop3A_1585, %parallel_loop3A_1586] {strides = array<i32>} : memref<256x32xf32, #tpu.memory_space<vmem>>, vector<16xf32>,
      %parallel_loop3A_1588 = vector.broadcast %parallel_loop3A_1581 : i32 to vector<16xi32>
      %parallel_loop3A_1589 = arith.addi %add3A_17, %parallel_loop3A_1588 : vector<16xi32>
      %parallel_loop3A_1590 = arith.addf %parallel_loop3A_1584, %get3A_106 : vector<16xf32>
      tpu.vector_store_idx %arg13[%parallel_loop3A_1589], %parallel_loop3A_1590 : memref<8192xf32, #tpu.memory_space<vmem>>[vector<16xi32>], vector<16xf32>,
      %parallel_loop3A_1591 = vector.broadcast %parallel_loop3A_1581 : i32 to vector<16xi32>
      %parallel_loop3A_1592 = arith.addi %add3A_20, %parallel_loop3A_1591 : vector<16xi32>
      %parallel_loop3A_1593 = arith.addf %parallel_loop3A_1587, %get3A_109 : vector<16xf32>
      tpu.vector_store_idx %arg13[%parallel_loop3A_1592], %parallel_loop3A_1593 : memref<8192xf32, #tpu.memory_space<vmem>>[vector<16xi32>], vector<16xf32>,
    } {sc.loop_unroll_factor = 8 : i64, sc.parallel_access}
    %shift_right_logical3A_112 = arith.constant 5 : i32
    %shift_right_logical3A_113 = arith.constant 2 : i32
    %shift_right_logical3A_114 = arith.shrui %shift_right_logical3A_112, %shift_right_logical3A_113 : i32
    %and3A_115 = arith.constant 5 : i32
    %and3A_116 = arith.constant 3 : i32
    %and3A_117 = arith.andi %and3A_115, %and3A_116 : i32
    %mul3A_118 = arith.constant 256 : i32
    %mul3A_119 = arith.muli %and3A_117, %mul3A_118 : i32
    %dma_start3A_120 = tpu.memref_slice %arg6[%shift_right_logical3A_114, %mul3A_119] : memref<25x1024xi32, #tpu.memory_space<vmem>> -> memref<1x256xi32, #tpu.memory_space<vmem>>
    %dma_start3A_121 = tpu.memref_squeeze %dma_start3A_120 : memref<1x256xi32, #tpu.memory_space<vmem>> -> memref<256xi32, #tpu.memory_space<vmem>>
    %dma_start3A_122 = arith.constant 0 : i32
    %dma_start3A_123 = arith.constant 0 : i32
    %dma_start3A_124 = tpu.memref_slice %arg3[%dma_start3A_122, %dma_start3A_123] : memref<1000000x32xf32, #tpu.memory_space<hbm>> -> memref<1000000x32xf32, #tpu.memory_space<hbm>>
    tpu.enqueue_indirect_dma source(%dma_start3A_124 : memref<1000000x32xf32, #tpu.memory_space<hbm>>) target(%arg8 : memref<256x32xf32, #tpu.memory_space<vmem>>) offsets(%dma_start3A_121 : memref<256xi32, #tpu.memory_space<vmem>>) semaphore(%arg18 : memref<!tpu.dma_semaphore, #tpu.memory_space<semaphore_mem>>)
    %shift_right_logical3A_125 = arith.constant 0 : i32
    %shift_right_logical3A_126 = arith.constant 2 : i32
    %shift_right_logical3A_127 = arith.shrui %shift_right_logical3A_125, %shift_right_logical3A_126 : i32
    %and3A_128 = arith.constant 0 : i32
    %and3A_129 = arith.constant 3 : i32
    %and3A_130 = arith.andi %and3A_128, %and3A_129 : i32
    %mul3A_131 = arith.constant 4 : i32
    %mul3A_132 = arith.muli %and3A_2, %mul3A_131 : i32
    %add3A_133 = arith.addi %mul3A_132, %and3A_130 : i32
    %add3A_134 = arith.addi %mul3A_4, %shift_right_logical3A_127 : i32
    %mul3A_135 = arith.constant 2048 : i32
    %mul3A_136 = arith.muli %add3A_133, %mul3A_135 : i32
    %add3A_137 = arith.addi %mul3A_4, %shift_right_logical3A_127 : i32
    %mul3A_138 = arith.constant 2048 : i32
    %mul3A_139 = arith.muli %add3A_133, %mul3A_138 : i32
    %add3A_140 = arith.addi %mul3A_4, %shift_right_logical3A_127 : i32
    %mul3A_141 = arith.constant 2048 : i32
    %mul3A_142 = arith.muli %add3A_133, %mul3A_141 : i32
    %add3A_143 = arith.addi %mul3A_4, %shift_right_logical3A_127 : i32
    %mul3A_144 = arith.constant 2048 : i32
    %mul3A_145 = arith.muli %add3A_133, %mul3A_144 : i32
    %dma_start3A_146 = arith.constant 0 : i32
    %dma_start3A_147 = arith.constant 0 : i32
    %dma_start3A_148 = tpu.memref_slice %arg13[%dma_start3A_147] : memref<8192xf32, #tpu.memory_space<vmem>> -> memref<2048xf32, #tpu.memory_space<vmem>>
    %dma_start3A_149 = tpu.memref_slice %arg5[%add3A_134, %dma_start3A_146, %mul3A_136] : memref<200x4x32768xf32, #tpu.memory_space<hbm>> -> memref<1x1x2048xf32, #tpu.memory_space<hbm>>
    %dma_start3A_150 = tpu.memref_squeeze %dma_start3A_149 : memref<1x1x2048xf32, #tpu.memory_space<hbm>> -> memref<2048xf32, #tpu.memory_space<hbm>>
    %dma_start3A_151 = tpu.memref_slice %arg5[%add3A_134, %dma_start3A_146, %mul3A_136] : memref<200x4x32768xf32, #tpu.memory_space<hbm>> -> memref<1x1x2048xf32, #tpu.memory_space<hbm>>
    %dma_start3A_152 = tpu.memref_squeeze %dma_start3A_151 : memref<1x1x2048xf32, #tpu.memory_space<hbm>> -> memref<2048xf32, #tpu.memory_space<hbm>>
    %dma_start3A_153 = arith.constant 0 : i32
    %dma_start3A_154 = tpu.memref_slice %arg13[%dma_start3A_153] : memref<8192xf32, #tpu.memory_space<vmem>> -> memref<2048xf32, #tpu.memory_space<vmem>>
    tpu.enqueue_dma source(%dma_start3A_154 : memref<2048xf32, #tpu.memory_space<vmem>>) target(%dma_start3A_152 : memref<2048xf32, #tpu.memory_space<hbm>>) target_semaphore(%arg23 : memref<!tpu.dma_semaphore, #tpu.memory_space<semaphore_mem>>)
    %dma_start3A_155 = arith.constant 1 : i32
    %dma_start3A_156 = arith.constant 2048 : i32
    %dma_start3A_157 = tpu.memref_slice %arg13[%dma_start3A_156] : memref<8192xf32, #tpu.memory_space<vmem>> -> memref<2048xf32, #tpu.memory_space<vmem>>
    %dma_start3A_158 = tpu.memref_slice %arg5[%add3A_137, %dma_start3A_155, %mul3A_139] : memref<200x4x32768xf32, #tpu.memory_space<hbm>> -> memref<1x1x2048xf32, #tpu.memory_space<hbm>>
    %dma_start3A_159 = tpu.memref_squeeze %dma_start3A_158 : memref<1x1x2048xf32, #tpu.memory_space<hbm>> -> memref<2048xf32, #tpu.memory_space<hbm>>
    %dma_start3A_160 = tpu.memref_slice %arg5[%add3A_137, %dma_start3A_155, %mul3A_139] : memref<200x4x32768xf32, #tpu.memory_space<hbm>> -> memref<1x1x2048xf32, #tpu.memory_space<hbm>>
    %dma_start3A_161 = tpu.memref_squeeze %dma_start3A_160 : memref<1x1x2048xf32, #tpu.memory_space<hbm>> -> memref<2048xf32, #tpu.memory_space<hbm>>
    %dma_start3A_162 = arith.constant 2048 : i32
    %dma_start3A_163 = tpu.memref_slice %arg13[%dma_start3A_162] : memref<8192xf32, #tpu.memory_space<vmem>> -> memref<2048xf32, #tpu.memory_space<vmem>>
    tpu.enqueue_dma source(%dma_start3A_163 : memref<2048xf32, #tpu.memory_space<vmem>>) target(%dma_start3A_161 : memref<2048xf32, #tpu.memory_space<hbm>>) target_semaphore(%arg24 : memref<!tpu.dma_semaphore, #tpu.memory_space<semaphore_mem>>)
    %dma_start3A_164 = arith.constant 2 : i32
    %dma_start3A_165 = arith.constant 4096 : i32
    %dma_start3A_166 = tpu.memref_slice %arg13[%dma_start3A_165] : memref<8192xf32, #tpu.memory_space<vmem>> -> memref<2048xf32, #tpu.memory_space<vmem>>
    %dma_start3A_167 = tpu.memref_slice %arg5[%add3A_140, %dma_start3A_164, %mul3A_142] : memref<200x4x32768xf32, #tpu.memory_space<hbm>> -> memref<1x1x2048xf32, #tpu.memory_space<hbm>>
    %dma_start3A_168 = tpu.memref_squeeze %dma_start3A_167 : memref<1x1x2048xf32, #tpu.memory_space<hbm>> -> memref<2048xf32, #tpu.memory_space<hbm>>
    %dma_start3A_169 = tpu.memref_slice %arg5[%add3A_140, %dma_start3A_164, %mul3A_142] : memref<200x4x32768xf32, #tpu.memory_space<hbm>> -> memref<1x1x2048xf32, #tpu.memory_space<hbm>>
    %dma_start3A_170 = tpu.memref_squeeze %dma_start3A_169 : memref<1x1x2048xf32, #tpu.memory_space<hbm>> -> memref<2048xf32, #tpu.memory_space<hbm>>
    %dma_start3A_171 = arith.constant 4096 : i32
    %dma_start3A_172 = tpu.memref_slice %arg13[%dma_start3A_171] : memref<8192xf32, #tpu.memory_space<vmem>> -> memref<2048xf32, #tpu.memory_space<vmem>>
    tpu.enqueue_dma source(%dma_start3A_172 : memref<2048xf32, #tpu.memory_space<vmem>>) target(%dma_start3A_170 : memref<2048xf32, #tpu.memory_space<hbm>>) target_semaphore(%arg25 : memref<!tpu.dma_semaphore, #tpu.memory_space<semaphore_mem>>)
    %dma_start3A_173 = arith.constant 3 : i32
    %dma_start3A_174 = arith.constant 6144 : i32
    %dma_start3A_175 = tpu.memref_slice %arg13[%dma_start3A_174] : memref<8192xf32, #tpu.memory_space<vmem>> -> memref<2048xf32, #tpu.memory_space<vmem>>
    %dma_start3A_176 = tpu.memref_slice %arg5[%add3A_143, %dma_start3A_173, %mul3A_145] : memref<200x4x32768xf32, #tpu.memory_space<hbm>> -> memref<1x1x2048xf32, #tpu.memory_space<hbm>>
    %dma_start3A_177 = tpu.memref_squeeze %dma_start3A_176 : memref<1x1x2048xf32, #tpu.memory_space<hbm>> -> memref<2048xf32, #tpu.memory_space<hbm>>
    %dma_start3A_178 = tpu.memref_slice %arg5[%add3A_143, %dma_start3A_173, %mul3A_145] : memref<200x4x32768xf32, #tpu.memory_space<hbm>> -> memref<1x1x2048xf32, #tpu.memory_space<hbm>>
    %dma_start3A_179 = tpu.memref_squeeze %dma_start3A_178 : memref<1x1x2048xf32, #tpu.memory_space<hbm>> -> memref<2048xf32, #tpu.memory_space<hbm>>
    %dma_start3A_180 = arith.constant 6144 : i32
    %dma_start3A_181 = tpu.memref_slice %arg13[%dma_start3A_180] : memref<8192xf32, #tpu.memory_space<vmem>> -> memref<2048xf32, #tpu.memory_space<vmem>>
    tpu.enqueue_dma source(%dma_start3A_181 : memref<2048xf32, #tpu.memory_space<vmem>>) target(%dma_start3A_179 : memref<2048xf32, #tpu.memory_space<hbm>>) target_semaphore(%arg26 : memref<!tpu.dma_semaphore, #tpu.memory_space<semaphore_mem>>)
    %shift_right_logical3A_182 = arith.constant 1 : i32
    %shift_right_logical3A_183 = arith.constant 2 : i32
    %shift_right_logical3A_184 = arith.shrui %shift_right_logical3A_182, %shift_right_logical3A_183 : i32
    %and3A_185 = arith.constant 1 : i32
    %and3A_186 = arith.constant 3 : i32
    %and3A_187 = arith.andi %and3A_185, %and3A_186 : i32
    %mul3A_188 = arith.constant 256 : i32
    %mul3A_189 = arith.muli %and3A_187, %mul3A_188 : i32
    %dma_wait3A_190 = tpu.memref_slice %arg6[%shift_right_logical3A_184, %mul3A_189] : memref<25x1024xi32, #tpu.memory_space<vmem>> -> memref<1x256xi32, #tpu.memory_space<vmem>>
    %dma_wait3A_191 = tpu.memref_squeeze %dma_wait3A_190 : memref<1x256xi32, #tpu.memory_space<vmem>> -> memref<256xi32, #tpu.memory_space<vmem>>
    %dma_wait3A_192 = arith.constant 0 : i32
    %dma_wait3A_193 = arith.constant 0 : i32
    %dma_wait3A_194 = tpu.memref_slice %arg3[%dma_wait3A_192, %dma_wait3A_193] : memref<1000000x32xf32, #tpu.memory_space<hbm>> -> memref<1000000x32xf32, #tpu.memory_space<hbm>>
    tpu.wait_indirect_dma semaphore(%arg19 : memref<!tpu.dma_semaphore, #tpu.memory_space<semaphore_mem>>) src(%dma_wait3A_194 : memref<1000000x32xf32, #tpu.memory_space<hbm>>) dst(%arg9 : memref<256x32xf32, #tpu.memory_space<vmem>>)
    %shift_right_logical3A_195 = arith.constant 1 : i32
    %shift_right_logical3A_196 = arith.constant 2 : i32
    %shift_right_logical3A_197 = arith.shrui %shift_right_logical3A_195, %shift_right_logical3A_196 : i32
    %and3A_198 = arith.constant 1 : i32
    %and3A_199 = arith.constant 3 : i32
    %and3A_200 = arith.andi %and3A_198, %and3A_199 : i32
    %get3A_201 = arith.index_cast %shift_right_logical3A_197 : i32 to index
    %get3A_202 = arith.constant 0 : index
    %get3A_203 = tpu.vector_load %arg7[%get3A_201, %get3A_202] {strides = array<i32>} : memref<25x32xf32, #tpu.memory_space<vmem>>, vector<16xf32>,
    %get3A_204 = arith.index_cast %shift_right_logical3A_197 : i32 to index
    %get3A_205 = arith.constant 16 : index
    %get3A_206 = tpu.vector_load %arg7[%get3A_204, %get3A_205] {strides = array<i32>} : memref<25x32xf32, #tpu.memory_space<vmem>>, vector<16xf32>,
    %parallel_loop3A_207 = arith.constant 0 : i32
    %parallel_loop3A_208 = arith.constant 256 : i32
    %parallel_loop3A_209 = arith.constant 1 : i32
    scf.for %parallel_loop3A_1574 = %parallel_loop3A_207 to %parallel_loop3A_208 step %parallel_loop3A_209  : i32 {
      %parallel_loop3A_1575 = arith.constant 7 : i32
      %parallel_loop3A_1576 = arith.shrui %parallel_loop3A_1574, %parallel_loop3A_1575 : i32
      %parallel_loop3A_1577 = arith.constant 1024 : i32
      %parallel_loop3A_1578 = arith.muli %parallel_loop3A_1576, %parallel_loop3A_1577 : i32
      %parallel_loop3A_1579 = arith.constant 127 : i32
      %parallel_loop3A_1580 = arith.andi %parallel_loop3A_1574, %parallel_loop3A_1579 : i32
      %parallel_loop3A_1581 = arith.addi %parallel_loop3A_1578, %parallel_loop3A_1580 : i32
      %parallel_loop3A_1582 = arith.index_cast %parallel_loop3A_1574 : i32 to index
      %parallel_loop3A_1583 = arith.constant 0 : index
      %parallel_loop3A_1584 = tpu.vector_load %arg9[%parallel_loop3A_1582, %parallel_loop3A_1583] {strides = array<i32>} : memref<256x32xf32, #tpu.memory_space<vmem>>, vector<16xf32>,
      %parallel_loop3A_1585 = arith.index_cast %parallel_loop3A_1574 : i32 to index
      %parallel_loop3A_1586 = arith.constant 16 : index
      %parallel_loop3A_1587 = tpu.vector_load %arg9[%parallel_loop3A_1585, %parallel_loop3A_1586] {strides = array<i32>} : memref<256x32xf32, #tpu.memory_space<vmem>>, vector<16xf32>,
      %parallel_loop3A_1588 = vector.broadcast %parallel_loop3A_1581 : i32 to vector<16xi32>
      %parallel_loop3A_1589 = arith.addi %add3A_17, %parallel_loop3A_1588 : vector<16xi32>
      %parallel_loop3A_1590 = arith.addf %parallel_loop3A_1584, %get3A_203 : vector<16xf32>
      tpu.vector_store_idx %arg14[%parallel_loop3A_1589], %parallel_loop3A_1590 : memref<8192xf32, #tpu.memory_space<vmem>>[vector<16xi32>], vector<16xf32>,
      %parallel_loop3A_1591 = vector.broadcast %parallel_loop3A_1581 : i32 to vector<16xi32>
      %parallel_loop3A_1592 = arith.addi %add3A_20, %parallel_loop3A_1591 : vector<16xi32>
      %parallel_loop3A_1593 = arith.addf %parallel_loop3A_1587, %get3A_206 : vector<16xf32>
      tpu.vector_store_idx %arg14[%parallel_loop3A_1592], %parallel_loop3A_1593 : memref<8192xf32, #tpu.memory_space<vmem>>[vector<16xi32>], vector<16xf32>,
    } {sc.loop_unroll_factor = 8 : i64, sc.parallel_access}
    %shift_right_logical3A_210 = arith.constant 6 : i32
    %shift_right_logical3A_211 = arith.constant 2 : i32
    %shift_right_logical3A_212 = arith.shrui %shift_right_logical3A_210, %shift_right_logical3A_211 : i32
    %and3A_213 = arith.constant 6 : i32
    %and3A_214 = arith.constant 3 : i32
    %and3A_215 = arith.andi %and3A_213, %and3A_214 : i32
    %mul3A_216 = arith.constant 256 : i32
    %mul3A_217 = arith.muli %and3A_215, %mul3A_216 : i32
    %dma_start3A_218 = tpu.memref_slice %arg6[%shift_right_logical3A_212, %mul3A_217] : memref<25x1024xi32, #tpu.memory_space<vmem>> -> memref<1x256xi32, #tpu.memory_space<vmem>>
    %dma_start3A_219 = tpu.memref_squeeze %dma_start3A_218 : memref<1x256xi32, #tpu.memory_space<vmem>> -> memref<256xi32, #tpu.memory_space<vmem>>
    %dma_start3A_220 = arith.constant 0 : i32
    %dma_start3A_221 = arith.constant 0 : i32
    %dma_start3A_222 = tpu.memref_slice %arg3[%dma_start3A_220, %dma_start3A_221] : memref<1000000x32xf32, #tpu.memory_space<hbm>> -> memref<1000000x32xf32, #tpu.memory_space<hbm>>
    tpu.enqueue_indirect_dma source(%dma_start3A_222 : memref<1000000x32xf32, #tpu.memory_space<hbm>>) target(%arg9 : memref<256x32xf32, #tpu.memory_space<vmem>>) offsets(%dma_start3A_219 : memref<256xi32, #tpu.memory_space<vmem>>) semaphore(%arg19 : memref<!tpu.dma_semaphore, #tpu.memory_space<semaphore_mem>>)
    %shift_right_logical3A_223 = arith.constant 1 : i32
    %shift_right_logical3A_224 = arith.constant 2 : i32
    %shift_right_logical3A_225 = arith.shrui %shift_right_logical3A_223, %shift_right_logical3A_224 : i32
    %and3A_226 = arith.constant 1 : i32
    %and3A_227 = arith.constant 3 : i32
    %and3A_228 = arith.andi %and3A_226, %and3A_227 : i32
    %mul3A_229 = arith.constant 4 : i32
    %mul3A_230 = arith.muli %and3A_2, %mul3A_229 : i32
    %add3A_231 = arith.addi %mul3A_230, %and3A_228 : i32
    %add3A_232 = arith.addi %mul3A_4, %shift_right_logical3A_225 : i32
    %mul3A_233 = arith.constant 2048 : i32
    %mul3A_234 = arith.muli %add3A_231, %mul3A_233 : i32
    %add3A_235 = arith.addi %mul3A_4, %shift_right_logical3A_225 : i32
    %mul3A_236 = arith.constant 2048 : i32
    %mul3A_237 = arith.muli %add3A_231, %mul3A_236 : i32
    %add3A_238 = arith.addi %mul3A_4, %shift_right_logical3A_225 : i32
    %mul3A_239 = arith.constant 2048 : i32
    %mul3A_240 = arith.muli %add3A_231, %mul3A_239 : i32
    %add3A_241 = arith.addi %mul3A_4, %shift_right_logical3A_225 : i32
    %mul3A_242 = arith.constant 2048 : i32
    %mul3A_243 = arith.muli %add3A_231, %mul3A_242 : i32
    %dma_start3A_244 = arith.constant 0 : i32
    %dma_start3A_245 = arith.constant 0 : i32
    %dma_start3A_246 = tpu.memref_slice %arg14[%dma_start3A_245] : memref<8192xf32, #tpu.memory_space<vmem>> -> memref<2048xf32, #tpu.memory_space<vmem>>
    %dma_start3A_247 = tpu.memref_slice %arg5[%add3A_232, %dma_start3A_244, %mul3A_234] : memref<200x4x32768xf32, #tpu.memory_space<hbm>> -> memref<1x1x2048xf32, #tpu.memory_space<hbm>>
    %dma_start3A_248 = tpu.memref_squeeze %dma_start3A_247 : memref<1x1x2048xf32, #tpu.memory_space<hbm>> -> memref<2048xf32, #tpu.memory_space<hbm>>
    %dma_start3A_249 = tpu.memref_slice %arg5[%add3A_232, %dma_start3A_244, %mul3A_234] : memref<200x4x32768xf32, #tpu.memory_space<hbm>> -> memref<1x1x2048xf32, #tpu.memory_space<hbm>>
    %dma_start3A_250 = tpu.memref_squeeze %dma_start3A_249 : memref<1x1x2048xf32, #tpu.memory_space<hbm>> -> memref<2048xf32, #tpu.memory_space<hbm>>
    %dma_start3A_251 = arith.constant 0 : i32
    %dma_start3A_252 = tpu.memref_slice %arg14[%dma_start3A_251] : memref<8192xf32, #tpu.memory_space<vmem>> -> memref<2048xf32, #tpu.memory_space<vmem>>
    tpu.enqueue_dma source(%dma_start3A_252 : memref<2048xf32, #tpu.memory_space<vmem>>) target(%dma_start3A_250 : memref<2048xf32, #tpu.memory_space<hbm>>) target_semaphore(%arg27 : memref<!tpu.dma_semaphore, #tpu.memory_space<semaphore_mem>>)
    %dma_start3A_253 = arith.constant 1 : i32
    %dma_start3A_254 = arith.constant 2048 : i32
    %dma_start3A_255 = tpu.memref_slice %arg14[%dma_start3A_254] : memref<8192xf32, #tpu.memory_space<vmem>> -> memref<2048xf32, #tpu.memory_space<vmem>>
    %dma_start3A_256 = tpu.memref_slice %arg5[%add3A_235, %dma_start3A_253, %mul3A_237] : memref<200x4x32768xf32, #tpu.memory_space<hbm>> -> memref<1x1x2048xf32, #tpu.memory_space<hbm>>
    %dma_start3A_257 = tpu.memref_squeeze %dma_start3A_256 : memref<1x1x2048xf32, #tpu.memory_space<hbm>> -> memref<2048xf32, #tpu.memory_space<hbm>>
    %dma_start3A_258 = tpu.memref_slice %arg5[%add3A_235, %dma_start3A_253, %mul3A_237] : memref<200x4x32768xf32, #tpu.memory_space<hbm>> -> memref<1x1x2048xf32, #tpu.memory_space<hbm>>
    %dma_start3A_259 = tpu.memref_squeeze %dma_start3A_258 : memref<1x1x2048xf32, #tpu.memory_space<hbm>> -> memref<2048xf32, #tpu.memory_space<hbm>>
    %dma_start3A_260 = arith.constant 2048 : i32
    %dma_start3A_261 = tpu.memref_slice %arg14[%dma_start3A_260] : memref<8192xf32, #tpu.memory_space<vmem>> -> memref<2048xf32, #tpu.memory_space<vmem>>
    tpu.enqueue_dma source(%dma_start3A_261 : memref<2048xf32, #tpu.memory_space<vmem>>) target(%dma_start3A_259 : memref<2048xf32, #tpu.memory_space<hbm>>) target_semaphore(%arg28 : memref<!tpu.dma_semaphore, #tpu.memory_space<semaphore_mem>>)
    %dma_start3A_262 = arith.constant 2 : i32
    %dma_start3A_263 = arith.constant 4096 : i32
    %dma_start3A_264 = tpu.memref_slice %arg14[%dma_start3A_263] : memref<8192xf32, #tpu.memory_space<vmem>> -> memref<2048xf32, #tpu.memory_space<vmem>>
    %dma_start3A_265 = tpu.memref_slice %arg5[%add3A_238, %dma_start3A_262, %mul3A_240] : memref<200x4x32768xf32, #tpu.memory_space<hbm>> -> memref<1x1x2048xf32, #tpu.memory_space<hbm>>
    %dma_start3A_266 = tpu.memref_squeeze %dma_start3A_265 : memref<1x1x2048xf32, #tpu.memory_space<hbm>> -> memref<2048xf32, #tpu.memory_space<hbm>>
    %dma_start3A_267 = tpu.memref_slice %arg5[%add3A_238, %dma_start3A_262, %mul3A_240] : memref<200x4x32768xf32, #tpu.memory_space<hbm>> -> memref<1x1x2048xf32, #tpu.memory_space<hbm>>
    %dma_start3A_268 = tpu.memref_squeeze %dma_start3A_267 : memref<1x1x2048xf32, #tpu.memory_space<hbm>> -> memref<2048xf32, #tpu.memory_space<hbm>>
    %dma_start3A_269 = arith.constant 4096 : i32
    %dma_start3A_270 = tpu.memref_slice %arg14[%dma_start3A_269] : memref<8192xf32, #tpu.memory_space<vmem>> -> memref<2048xf32, #tpu.memory_space<vmem>>
    tpu.enqueue_dma source(%dma_start3A_270 : memref<2048xf32, #tpu.memory_space<vmem>>) target(%dma_start3A_268 : memref<2048xf32, #tpu.memory_space<hbm>>) target_semaphore(%arg29 : memref<!tpu.dma_semaphore, #tpu.memory_space<semaphore_mem>>)
    %dma_start3A_271 = arith.constant 3 : i32
    %dma_start3A_272 = arith.constant 6144 : i32
    %dma_start3A_273 = tpu.memref_slice %arg14[%dma_start3A_272] : memref<8192xf32, #tpu.memory_space<vmem>> -> memref<2048xf32, #tpu.memory_space<vmem>>
    %dma_start3A_274 = tpu.memref_slice %arg5[%add3A_241, %dma_start3A_271, %mul3A_243] : memref<200x4x32768xf32, #tpu.memory_space<hbm>> -> memref<1x1x2048xf32, #tpu.memory_space<hbm>>
    %dma_start3A_275 = tpu.memref_squeeze %dma_start3A_274 : memref<1x1x2048xf32, #tpu.memory_space<hbm>> -> memref<2048xf32, #tpu.memory_space<hbm>>
    %dma_start3A_276 = tpu.memref_slice %arg5[%add3A_241, %dma_start3A_271, %mul3A_243] : memref<200x4x32768xf32, #tpu.memory_space<hbm>> -> memref<1x1x2048xf32, #tpu.memory_space<hbm>>
    %dma_start3A_277 = tpu.memref_squeeze %dma_start3A_276 : memref<1x1x2048xf32, #tpu.memory_space<hbm>> -> memref<2048xf32, #tpu.memory_space<hbm>>
    %dma_start3A_278 = arith.constant 6144 : i32
    %dma_start3A_279 = tpu.memref_slice %arg14[%dma_start3A_278] : memref<8192xf32, #tpu.memory_space<vmem>> -> memref<2048xf32, #tpu.memory_space<vmem>>
    tpu.enqueue_dma source(%dma_start3A_279 : memref<2048xf32, #tpu.memory_space<vmem>>) target(%dma_start3A_277 : memref<2048xf32, #tpu.memory_space<hbm>>) target_semaphore(%arg30 : memref<!tpu.dma_semaphore, #tpu.memory_space<semaphore_mem>>)
    %shift_right_logical3A_280 = arith.constant 2 : i32
    %shift_right_logical3A_281 = arith.constant 2 : i32
    %shift_right_logical3A_282 = arith.shrui %shift_right_logical3A_280, %shift_right_logical3A_281 : i32
    %and3A_283 = arith.constant 2 : i32
    %and3A_284 = arith.constant 3 : i32
    %and3A_285 = arith.andi %and3A_283, %and3A_284 : i32
    %mul3A_286 = arith.constant 256 : i32
    %mul3A_287 = arith.muli %and3A_285, %mul3A_286 : i32
    %dma_wait3A_288 = tpu.memref_slice %arg6[%shift_right_logical3A_282, %mul3A_287] : memref<25x1024xi32, #tpu.memory_space<vmem>> -> memref<1x256xi32, #tpu.memory_space<vmem>>
    %dma_wait3A_289 = tpu.memref_squeeze %dma_wait3A_288 : memref<1x256xi32, #tpu.memory_space<vmem>> -> memref<256xi32, #tpu.memory_space<vmem>>
    %dma_wait3A_290 = arith.constant 0 : i32
    %dma_wait3A_291 = arith.constant 0 : i32
    %dma_wait3A_292 = tpu.memref_slice %arg3[%dma_wait3A_290, %dma_wait3A_291] : memref<1000000x32xf32, #tpu.memory_space<hbm>> -> memref<1000000x32xf32, #tpu.memory_space<hbm>>
    tpu.wait_indirect_dma semaphore(%arg20 : memref<!tpu.dma_semaphore, #tpu.memory_space<semaphore_mem>>) src(%dma_wait3A_292 : memref<1000000x32xf32, #tpu.memory_space<hbm>>) dst(%arg10 : memref<256x32xf32, #tpu.memory_space<vmem>>)
    %shift_right_logical3A_293 = arith.constant 2 : i32
    %shift_right_logical3A_294 = arith.constant 2 : i32
    %shift_right_logical3A_295 = arith.shrui %shift_right_logical3A_293, %shift_right_logical3A_294 : i32
    %and3A_296 = arith.constant 2 : i32
    %and3A_297 = arith.constant 3 : i32
    %and3A_298 = arith.andi %and3A_296, %and3A_297 : i32
    %get3A_299 = arith.index_cast %shift_right_logical3A_295 : i32 to index
    %get3A_300 = arith.constant 0 : index
    %get3A_301 = tpu.vector_load %arg7[%get3A_299, %get3A_300] {strides = array<i32>} : memref<25x32xf32, #tpu.memory_space<vmem>>, vector<16xf32>,
    %get3A_302 = arith.index_cast %shift_right_logical3A_295 : i32 to index
    %get3A_303 = arith.constant 16 : index
    %get3A_304 = tpu.vector_load %arg7[%get3A_302, %get3A_303] {strides = array<i32>} : memref<25x32xf32, #tpu.memory_space<vmem>>, vector<16xf32>,
    %parallel_loop3A_305 = arith.constant 0 : i32
    %parallel_loop3A_306 = arith.constant 256 : i32
    %parallel_loop3A_307 = arith.constant 1 : i32
    scf.for %parallel_loop3A_1574 = %parallel_loop3A_305 to %parallel_loop3A_306 step %parallel_loop3A_307  : i32 {
      %parallel_loop3A_1575 = arith.constant 7 : i32
      %parallel_loop3A_1576 = arith.shrui %parallel_loop3A_1574, %parallel_loop3A_1575 : i32
      %parallel_loop3A_1577 = arith.constant 1024 : i32
      %parallel_loop3A_1578 = arith.muli %parallel_loop3A_1576, %parallel_loop3A_1577 : i32
      %parallel_loop3A_1579 = arith.constant 127 : i32
      %parallel_loop3A_1580 = arith.andi %parallel_loop3A_1574, %parallel_loop3A_1579 : i32
      %parallel_loop3A_1581 = arith.addi %parallel_loop3A_1578, %parallel_loop3A_1580 : i32
      %parallel_loop3A_1582 = arith.index_cast %parallel_loop3A_1574 : i32 to index
      %parallel_loop3A_1583 = arith.constant 0 : index
      %parallel_loop3A_1584 = tpu.vector_load %arg10[%parallel_loop3A_1582, %parallel_loop3A_1583] {strides = array<i32>} : memref<256x32xf32, #tpu.memory_space<vmem>>, vector<16xf32>,
      %parallel_loop3A_1585 = arith.index_cast %parallel_loop3A_1574 : i32 to index
      %parallel_loop3A_1586 = arith.constant 16 : index
      %parallel_loop3A_1587 = tpu.vector_load %arg10[%parallel_loop3A_1585, %parallel_loop3A_1586] {strides = array<i32>} : memref<256x32xf32, #tpu.memory_space<vmem>>, vector<16xf32>,
      %parallel_loop3A_1588 = vector.broadcast %parallel_loop3A_1581 : i32 to vector<16xi32>
      %parallel_loop3A_1589 = arith.addi %add3A_17, %parallel_loop3A_1588 : vector<16xi32>
      %parallel_loop3A_1590 = arith.addf %parallel_loop3A_1584, %get3A_301 : vector<16xf32>
      tpu.vector_store_idx %arg15[%parallel_loop3A_1589], %parallel_loop3A_1590 : memref<8192xf32, #tpu.memory_space<vmem>>[vector<16xi32>], vector<16xf32>,
      %parallel_loop3A_1591 = vector.broadcast %parallel_loop3A_1581 : i32 to vector<16xi32>
      %parallel_loop3A_1592 = arith.addi %add3A_20, %parallel_loop3A_1591 : vector<16xi32>
      %parallel_loop3A_1593 = arith.addf %parallel_loop3A_1587, %get3A_304 : vector<16xf32>
      tpu.vector_store_idx %arg15[%parallel_loop3A_1592], %parallel_loop3A_1593 : memref<8192xf32, #tpu.memory_space<vmem>>[vector<16xi32>], vector<16xf32>,
    } {sc.loop_unroll_factor = 8 : i64, sc.parallel_access}
    %shift_right_logical3A_308 = arith.constant 7 : i32
    %shift_right_logical3A_309 = arith.constant 2 : i32
    %shift_right_logical3A_310 = arith.shrui %shift_right_logical3A_308, %shift_right_logical3A_309 : i32
    %and3A_311 = arith.constant 7 : i32
    %and3A_312 = arith.constant 3 : i32
    %and3A_313 = arith.andi %and3A_311, %and3A_312 : i32
    %mul3A_314 = arith.constant 256 : i32
    %mul3A_315 = arith.muli %and3A_313, %mul3A_314 : i32
    %dma_start3A_316 = tpu.memref_slice %arg6[%shift_right_logical3A_310, %mul3A_315] : memref<25x1024xi32, #tpu.memory_space<vmem>> -> memref<1x256xi32, #tpu.memory_space<vmem>>
    %dma_start3A_317 = tpu.memref_squeeze %dma_start3A_316 : memref<1x256xi32, #tpu.memory_space<vmem>> -> memref<256xi32, #tpu.memory_space<vmem>>
    %dma_start3A_318 = arith.constant 0 : i32
    %dma_start3A_319 = arith.constant 0 : i32
    %dma_start3A_320 = tpu.memref_slice %arg3[%dma_start3A_318, %dma_start3A_319] : memref<1000000x32xf32, #tpu.memory_space<hbm>> -> memref<1000000x32xf32, #tpu.memory_space<hbm>>
    tpu.enqueue_indirect_dma source(%dma_start3A_320 : memref<1000000x32xf32, #tpu.memory_space<hbm>>) target(%arg10 : memref<256x32xf32, #tpu.memory_space<vmem>>) offsets(%dma_start3A_317 : memref<256xi32, #tpu.memory_space<vmem>>) semaphore(%arg20 : memref<!tpu.dma_semaphore, #tpu.memory_space<semaphore_mem>>)
    %shift_right_logical3A_321 = arith.constant 2 : i32
    %shift_right_logical3A_322 = arith.constant 2 : i32
    %shift_right_logical3A_323 = arith.shrui %shift_right_logical3A_321, %shift_right_logical3A_322 : i32
    %and3A_324 = arith.constant 2 : i32
    %and3A_325 = arith.constant 3 : i32
    %and3A_326 = arith.andi %and3A_324, %and3A_325 : i32
    %mul3A_327 = arith.constant 4 : i32
    %mul3A_328 = arith.muli %and3A_2, %mul3A_327 : i32
    %add3A_329 = arith.addi %mul3A_328, %and3A_326 : i32
    %add3A_330 = arith.addi %mul3A_4, %shift_right_logical3A_323 : i32
    %mul3A_331 = arith.constant 2048 : i32
    %mul3A_332 = arith.muli %add3A_329, %mul3A_331 : i32
    %add3A_333 = arith.addi %mul3A_4, %shift_right_logical3A_323 : i32
    %mul3A_334 = arith.constant 2048 : i32
    %mul3A_335 = arith.muli %add3A_329, %mul3A_334 : i32
    %add3A_336 = arith.addi %mul3A_4, %shift_right_logical3A_323 : i32
    %mul3A_337 = arith.constant 2048 : i32
    %mul3A_338 = arith.muli %add3A_329, %mul3A_337 : i32
    %add3A_339 = arith.addi %mul3A_4, %shift_right_logical3A_323 : i32
    %mul3A_340 = arith.constant 2048 : i32
    %mul3A_341 = arith.muli %add3A_329, %mul3A_340 : i32
    %dma_start3A_342 = arith.constant 0 : i32
    %dma_start3A_343 = arith.constant 0 : i32
    %dma_start3A_344 = tpu.memref_slice %arg15[%dma_start3A_343] : memref<8192xf32, #tpu.memory_space<vmem>> -> memref<2048xf32, #tpu.memory_space<vmem>>
    %dma_start3A_345 = tpu.memref_slice %arg5[%add3A_330, %dma_start3A_342, %mul3A_332] : memref<200x4x32768xf32, #tpu.memory_space<hbm>> -> memref<1x1x2048xf32, #tpu.memory_space<hbm>>
    %dma_start3A_346 = tpu.memref_squeeze %dma_start3A_345 : memref<1x1x2048xf32, #tpu.memory_space<hbm>> -> memref<2048xf32, #tpu.memory_space<hbm>>
    %dma_start3A_347 = tpu.memref_slice %arg5[%add3A_330, %dma_start3A_342, %mul3A_332] : memref<200x4x32768xf32, #tpu.memory_space<hbm>> -> memref<1x1x2048xf32, #tpu.memory_space<hbm>>
    %dma_start3A_348 = tpu.memref_squeeze %dma_start3A_347 : memref<1x1x2048xf32, #tpu.memory_space<hbm>> -> memref<2048xf32, #tpu.memory_space<hbm>>
    %dma_start3A_349 = arith.constant 0 : i32
    %dma_start3A_350 = tpu.memref_slice %arg15[%dma_start3A_349] : memref<8192xf32, #tpu.memory_space<vmem>> -> memref<2048xf32, #tpu.memory_space<vmem>>
    tpu.enqueue_dma source(%dma_start3A_350 : memref<2048xf32, #tpu.memory_space<vmem>>) target(%dma_start3A_348 : memref<2048xf32, #tpu.memory_space<hbm>>) target_semaphore(%arg31 : memref<!tpu.dma_semaphore, #tpu.memory_space<semaphore_mem>>)
    %dma_start3A_351 = arith.constant 1 : i32
    %dma_start3A_352 = arith.constant 2048 : i32
    %dma_start3A_353 = tpu.memref_slice %arg15[%dma_start3A_352] : memref<8192xf32, #tpu.memory_space<vmem>> -> memref<2048xf32, #tpu.memory_space<vmem>>
    %dma_start3A_354 = tpu.memref_slice %arg5[%add3A_333, %dma_start3A_351, %mul3A_335] : memref<200x4x32768xf32, #tpu.memory_space<hbm>> -> memref<1x1x2048xf32, #tpu.memory_space<hbm>>
    %dma_start3A_355 = tpu.memref_squeeze %dma_start3A_354 : memref<1x1x2048xf32, #tpu.memory_space<hbm>> -> memref<2048xf32, #tpu.memory_space<hbm>>
    %dma_start3A_356 = tpu.memref_slice %arg5[%add3A_333, %dma_start3A_351, %mul3A_335] : memref<200x4x32768xf32, #tpu.memory_space<hbm>> -> memref<1x1x2048xf32, #tpu.memory_space<hbm>>
    %dma_start3A_357 = tpu.memref_squeeze %dma_start3A_356 : memref<1x1x2048xf32, #tpu.memory_space<hbm>> -> memref<2048xf32, #tpu.memory_space<hbm>>
    %dma_start3A_358 = arith.constant 2048 : i32
    %dma_start3A_359 = tpu.memref_slice %arg15[%dma_start3A_358] : memref<8192xf32, #tpu.memory_space<vmem>> -> memref<2048xf32, #tpu.memory_space<vmem>>
    tpu.enqueue_dma source(%dma_start3A_359 : memref<2048xf32, #tpu.memory_space<vmem>>) target(%dma_start3A_357 : memref<2048xf32, #tpu.memory_space<hbm>>) target_semaphore(%arg32 : memref<!tpu.dma_semaphore, #tpu.memory_space<semaphore_mem>>)
    %dma_start3A_360 = arith.constant 2 : i32
    %dma_start3A_361 = arith.constant 4096 : i32
    %dma_start3A_362 = tpu.memref_slice %arg15[%dma_start3A_361] : memref<8192xf32, #tpu.memory_space<vmem>> -> memref<2048xf32, #tpu.memory_space<vmem>>
    %dma_start3A_363 = tpu.memref_slice %arg5[%add3A_336, %dma_start3A_360, %mul3A_338] : memref<200x4x32768xf32, #tpu.memory_space<hbm>> -> memref<1x1x2048xf32, #tpu.memory_space<hbm>>
    %dma_start3A_364 = tpu.memref_squeeze %dma_start3A_363 : memref<1x1x2048xf32, #tpu.memory_space<hbm>> -> memref<2048xf32, #tpu.memory_space<hbm>>
    %dma_start3A_365 = tpu.memref_slice %arg5[%add3A_336, %dma_start3A_360, %mul3A_338] : memref<200x4x32768xf32, #tpu.memory_space<hbm>> -> memref<1x1x2048xf32, #tpu.memory_space<hbm>>
    %dma_start3A_366 = tpu.memref_squeeze %dma_start3A_365 : memref<1x1x2048xf32, #tpu.memory_space<hbm>> -> memref<2048xf32, #tpu.memory_space<hbm>>
    %dma_start3A_367 = arith.constant 4096 : i32
    %dma_start3A_368 = tpu.memref_slice %arg15[%dma_start3A_367] : memref<8192xf32, #tpu.memory_space<vmem>> -> memref<2048xf32, #tpu.memory_space<vmem>>
    tpu.enqueue_dma source(%dma_start3A_368 : memref<2048xf32, #tpu.memory_space<vmem>>) target(%dma_start3A_366 : memref<2048xf32, #tpu.memory_space<hbm>>) target_semaphore(%arg33 : memref<!tpu.dma_semaphore, #tpu.memory_space<semaphore_mem>>)
    %dma_start3A_369 = arith.constant 3 : i32
    %dma_start3A_370 = arith.constant 6144 : i32
    %dma_start3A_371 = tpu.memref_slice %arg15[%dma_start3A_370] : memref<8192xf32, #tpu.memory_space<vmem>> -> memref<2048xf32, #tpu.memory_space<vmem>>
    %dma_start3A_372 = tpu.memref_slice %arg5[%add3A_339, %dma_start3A_369, %mul3A_341] : memref<200x4x32768xf32, #tpu.memory_space<hbm>> -> memref<1x1x2048xf32, #tpu.memory_space<hbm>>
    %dma_start3A_373 = tpu.memref_squeeze %dma_start3A_372 : memref<1x1x2048xf32, #tpu.memory_space<hbm>> -> memref<2048xf32, #tpu.memory_space<hbm>>
    %dma_start3A_374 = tpu.memref_slice %arg5[%add3A_339, %dma_start3A_369, %mul3A_341] : memref<200x4x32768xf32, #tpu.memory_space<hbm>> -> memref<1x1x2048xf32, #tpu.memory_space<hbm>>
    %dma_start3A_375 = tpu.memref_squeeze %dma_start3A_374 : memref<1x1x2048xf32, #tpu.memory_space<hbm>> -> memref<2048xf32, #tpu.memory_space<hbm>>
    %dma_start3A_376 = arith.constant 6144 : i32
    %dma_start3A_377 = tpu.memref_slice %arg15[%dma_start3A_376] : memref<8192xf32, #tpu.memory_space<vmem>> -> memref<2048xf32, #tpu.memory_space<vmem>>
    tpu.enqueue_dma source(%dma_start3A_377 : memref<2048xf32, #tpu.memory_space<vmem>>) target(%dma_start3A_375 : memref<2048xf32, #tpu.memory_space<hbm>>) target_semaphore(%arg34 : memref<!tpu.dma_semaphore, #tpu.memory_space<semaphore_mem>>)
    %shift_right_logical3A_378 = arith.constant 3 : i32
    %shift_right_logical3A_379 = arith.constant 2 : i32
    %shift_right_logical3A_380 = arith.shrui %shift_right_logical3A_378, %shift_right_logical3A_379 : i32
    %and3A_381 = arith.constant 3 : i32
    %and3A_382 = arith.constant 3 : i32
    %and3A_383 = arith.andi %and3A_381, %and3A_382 : i32
    %mul3A_384 = arith.constant 256 : i32
    %mul3A_385 = arith.muli %and3A_383, %mul3A_384 : i32
    %dma_wait3A_386 = tpu.memref_slice %arg6[%shift_right_logical3A_380, %mul3A_385] : memref<25x1024xi32, #tpu.memory_space<vmem>> -> memref<1x256xi32, #tpu.memory_space<vmem>>
    %dma_wait3A_387 = tpu.memref_squeeze %dma_wait3A_386 : memref<1x256xi32, #tpu.memory_space<vmem>> -> memref<256xi32, #tpu.memory_space<vmem>>
    %dma_wait3A_388 = arith.constant 0 : i32
    %dma_wait3A_389 = arith.constant 0 : i32
    %dma_wait3A_390 = tpu.memref_slice %arg3[%dma_wait3A_388, %dma_wait3A_389] : memref<1000000x32xf32, #tpu.memory_space<hbm>> -> memref<1000000x32xf32, #tpu.memory_space<hbm>>
    tpu.wait_indirect_dma semaphore(%arg21 : memref<!tpu.dma_semaphore, #tpu.memory_space<semaphore_mem>>) src(%dma_wait3A_390 : memref<1000000x32xf32, #tpu.memory_space<hbm>>) dst(%arg11 : memref<256x32xf32, #tpu.memory_space<vmem>>)
    %shift_right_logical3A_391 = arith.constant 3 : i32
    %shift_right_logical3A_392 = arith.constant 2 : i32
    %shift_right_logical3A_393 = arith.shrui %shift_right_logical3A_391, %shift_right_logical3A_392 : i32
    %and3A_394 = arith.constant 3 : i32
    %and3A_395 = arith.constant 3 : i32
    %and3A_396 = arith.andi %and3A_394, %and3A_395 : i32
    %get3A_397 = arith.index_cast %shift_right_logical3A_393 : i32 to index
    %get3A_398 = arith.constant 0 : index
    %get3A_399 = tpu.vector_load %arg7[%get3A_397, %get3A_398] {strides = array<i32>} : memref<25x32xf32, #tpu.memory_space<vmem>>, vector<16xf32>,
    %get3A_400 = arith.index_cast %shift_right_logical3A_393 : i32 to index
    %get3A_401 = arith.constant 16 : index
    %get3A_402 = tpu.vector_load %arg7[%get3A_400, %get3A_401] {strides = array<i32>} : memref<25x32xf32, #tpu.memory_space<vmem>>, vector<16xf32>,
    %parallel_loop3A_403 = arith.constant 0 : i32
    %parallel_loop3A_404 = arith.constant 256 : i32
    %parallel_loop3A_405 = arith.constant 1 : i32
    scf.for %parallel_loop3A_1574 = %parallel_loop3A_403 to %parallel_loop3A_404 step %parallel_loop3A_405  : i32 {
      %parallel_loop3A_1575 = arith.constant 7 : i32
      %parallel_loop3A_1576 = arith.shrui %parallel_loop3A_1574, %parallel_loop3A_1575 : i32
      %parallel_loop3A_1577 = arith.constant 1024 : i32
      %parallel_loop3A_1578 = arith.muli %parallel_loop3A_1576, %parallel_loop3A_1577 : i32
      %parallel_loop3A_1579 = arith.constant 127 : i32
      %parallel_loop3A_1580 = arith.andi %parallel_loop3A_1574, %parallel_loop3A_1579 : i32
      %parallel_loop3A_1581 = arith.addi %parallel_loop3A_1578, %parallel_loop3A_1580 : i32
      %parallel_loop3A_1582 = arith.index_cast %parallel_loop3A_1574 : i32 to index
      %parallel_loop3A_1583 = arith.constant 0 : index
      %parallel_loop3A_1584 = tpu.vector_load %arg11[%parallel_loop3A_1582, %parallel_loop3A_1583] {strides = array<i32>} : memref<256x32xf32, #tpu.memory_space<vmem>>, vector<16xf32>,
      %parallel_loop3A_1585 = arith.index_cast %parallel_loop3A_1574 : i32 to index
      %parallel_loop3A_1586 = arith.constant 16 : index
      %parallel_loop3A_1587 = tpu.vector_load %arg11[%parallel_loop3A_1585, %parallel_loop3A_1586] {strides = array<i32>} : memref<256x32xf32, #tpu.memory_space<vmem>>, vector<16xf32>,
      %parallel_loop3A_1588 = vector.broadcast %parallel_loop3A_1581 : i32 to vector<16xi32>
      %parallel_loop3A_1589 = arith.addi %add3A_17, %parallel_loop3A_1588 : vector<16xi32>
      %parallel_loop3A_1590 = arith.addf %parallel_loop3A_1584, %get3A_399 : vector<16xf32>
      tpu.vector_store_idx %arg16[%parallel_loop3A_1589], %parallel_loop3A_1590 : memref<8192xf32, #tpu.memory_space<vmem>>[vector<16xi32>], vector<16xf32>,
      %parallel_loop3A_1591 = vector.broadcast %parallel_loop3A_1581 : i32 to vector<16xi32>
      %parallel_loop3A_1592 = arith.addi %add3A_20, %parallel_loop3A_1591 : vector<16xi32>
      %parallel_loop3A_1593 = arith.addf %parallel_loop3A_1587, %get3A_402 : vector<16xf32>
      tpu.vector_store_idx %arg16[%parallel_loop3A_1592], %parallel_loop3A_1593 : memref<8192xf32, #tpu.memory_space<vmem>>[vector<16xi32>], vector<16xf32>,
    } {sc.loop_unroll_factor = 8 : i64, sc.parallel_access}
    %shift_right_logical3A_406 = arith.constant 8 : i32
    %shift_right_logical3A_407 = arith.constant 2 : i32
    %shift_right_logical3A_408 = arith.shrui %shift_right_logical3A_406, %shift_right_logical3A_407 : i32
    %and3A_409 = arith.constant 8 : i32
    %and3A_410 = arith.constant 3 : i32
    %and3A_411 = arith.andi %and3A_409, %and3A_410 : i32
    %mul3A_412 = arith.constant 256 : i32
    %mul3A_413 = arith.muli %and3A_411, %mul3A_412 : i32
    %dma_start3A_414 = tpu.memref_slice %arg6[%shift_right_logical3A_408, %mul3A_413] : memref<25x1024xi32, #tpu.memory_space<vmem>> -> memref<1x256xi32, #tpu.memory_space<vmem>>
    %dma_start3A_415 = tpu.memref_squeeze %dma_start3A_414 : memref<1x256xi32, #tpu.memory_space<vmem>> -> memref<256xi32, #tpu.memory_space<vmem>>
    %dma_start3A_416 = arith.constant 0 : i32
    %dma_start3A_417 = arith.constant 0 : i32
    %dma_start3A_418 = tpu.memref_slice %arg3[%dma_start3A_416, %dma_start3A_417] : memref<1000000x32xf32, #tpu.memory_space<hbm>> -> memref<1000000x32xf32, #tpu.memory_space<hbm>>
    tpu.enqueue_indirect_dma source(%dma_start3A_418 : memref<1000000x32xf32, #tpu.memory_space<hbm>>) target(%arg11 : memref<256x32xf32, #tpu.memory_space<vmem>>) offsets(%dma_start3A_415 : memref<256xi32, #tpu.memory_space<vmem>>) semaphore(%arg21 : memref<!tpu.dma_semaphore, #tpu.memory_space<semaphore_mem>>)
    %shift_right_logical3A_419 = arith.constant 3 : i32
    %shift_right_logical3A_420 = arith.constant 2 : i32
    %shift_right_logical3A_421 = arith.shrui %shift_right_logical3A_419, %shift_right_logical3A_420 : i32
    %and3A_422 = arith.constant 3 : i32
    %and3A_423 = arith.constant 3 : i32
    %and3A_424 = arith.andi %and3A_422, %and3A_423 : i32
    %mul3A_425 = arith.constant 4 : i32
    %mul3A_426 = arith.muli %and3A_2, %mul3A_425 : i32
    %add3A_427 = arith.addi %mul3A_426, %and3A_424 : i32
    %add3A_428 = arith.addi %mul3A_4, %shift_right_logical3A_421 : i32
    %mul3A_429 = arith.constant 2048 : i32
    %mul3A_430 = arith.muli %add3A_427, %mul3A_429 : i32
    %add3A_431 = arith.addi %mul3A_4, %shift_right_logical3A_421 : i32
    %mul3A_432 = arith.constant 2048 : i32
    %mul3A_433 = arith.muli %add3A_427, %mul3A_432 : i32
    %add3A_434 = arith.addi %mul3A_4, %shift_right_logical3A_421 : i32
    %mul3A_435 = arith.constant 2048 : i32
    %mul3A_436 = arith.muli %add3A_427, %mul3A_435 : i32
    %add3A_437 = arith.addi %mul3A_4, %shift_right_logical3A_421 : i32
    %mul3A_438 = arith.constant 2048 : i32
    %mul3A_439 = arith.muli %add3A_427, %mul3A_438 : i32
    %dma_start3A_440 = arith.constant 0 : i32
    %dma_start3A_441 = arith.constant 0 : i32
    %dma_start3A_442 = tpu.memref_slice %arg16[%dma_start3A_441] : memref<8192xf32, #tpu.memory_space<vmem>> -> memref<2048xf32, #tpu.memory_space<vmem>>
    %dma_start3A_443 = tpu.memref_slice %arg5[%add3A_428, %dma_start3A_440, %mul3A_430] : memref<200x4x32768xf32, #tpu.memory_space<hbm>> -> memref<1x1x2048xf32, #tpu.memory_space<hbm>>
    %dma_start3A_444 = tpu.memref_squeeze %dma_start3A_443 : memref<1x1x2048xf32, #tpu.memory_space<hbm>> -> memref<2048xf32, #tpu.memory_space<hbm>>
    %dma_start3A_445 = tpu.memref_slice %arg5[%add3A_428, %dma_start3A_440, %mul3A_430] : memref<200x4x32768xf32, #tpu.memory_space<hbm>> -> memref<1x1x2048xf32, #tpu.memory_space<hbm>>
    %dma_start3A_446 = tpu.memref_squeeze %dma_start3A_445 : memref<1x1x2048xf32, #tpu.memory_space<hbm>> -> memref<2048xf32, #tpu.memory_space<hbm>>
    %dma_start3A_447 = arith.constant 0 : i32
    %dma_start3A_448 = tpu.memref_slice %arg16[%dma_start3A_447] : memref<8192xf32, #tpu.memory_space<vmem>> -> memref<2048xf32, #tpu.memory_space<vmem>>
    tpu.enqueue_dma source(%dma_start3A_448 : memref<2048xf32, #tpu.memory_space<vmem>>) target(%dma_start3A_446 : memref<2048xf32, #tpu.memory_space<hbm>>) target_semaphore(%arg35 : memref<!tpu.dma_semaphore, #tpu.memory_space<semaphore_mem>>)
    %dma_start3A_449 = arith.constant 1 : i32
    %dma_start3A_450 = arith.constant 2048 : i32
    %dma_start3A_451 = tpu.memref_slice %arg16[%dma_start3A_450] : memref<8192xf32, #tpu.memory_space<vmem>> -> memref<2048xf32, #tpu.memory_space<vmem>>
    %dma_start3A_452 = tpu.memref_slice %arg5[%add3A_431, %dma_start3A_449, %mul3A_433] : memref<200x4x32768xf32, #tpu.memory_space<hbm>> -> memref<1x1x2048xf32, #tpu.memory_space<hbm>>
    %dma_start3A_453 = tpu.memref_squeeze %dma_start3A_452 : memref<1x1x2048xf32, #tpu.memory_space<hbm>> -> memref<2048xf32, #tpu.memory_space<hbm>>
    %dma_start3A_454 = tpu.memref_slice %arg5[%add3A_431, %dma_start3A_449, %mul3A_433] : memref<200x4x32768xf32, #tpu.memory_space<hbm>> -> memref<1x1x2048xf32, #tpu.memory_space<hbm>>
    %dma_start3A_455 = tpu.memref_squeeze %dma_start3A_454 : memref<1x1x2048xf32, #tpu.memory_space<hbm>> -> memref<2048xf32, #tpu.memory_space<hbm>>
    %dma_start3A_456 = arith.constant 2048 : i32
    %dma_start3A_457 = tpu.memref_slice %arg16[%dma_start3A_456] : memref<8192xf32, #tpu.memory_space<vmem>> -> memref<2048xf32, #tpu.memory_space<vmem>>
    tpu.enqueue_dma source(%dma_start3A_457 : memref<2048xf32, #tpu.memory_space<vmem>>) target(%dma_start3A_455 : memref<2048xf32, #tpu.memory_space<hbm>>) target_semaphore(%arg36 : memref<!tpu.dma_semaphore, #tpu.memory_space<semaphore_mem>>)
    %dma_start3A_458 = arith.constant 2 : i32
    %dma_start3A_459 = arith.constant 4096 : i32
    %dma_start3A_460 = tpu.memref_slice %arg16[%dma_start3A_459] : memref<8192xf32, #tpu.memory_space<vmem>> -> memref<2048xf32, #tpu.memory_space<vmem>>
    %dma_start3A_461 = tpu.memref_slice %arg5[%add3A_434, %dma_start3A_458, %mul3A_436] : memref<200x4x32768xf32, #tpu.memory_space<hbm>> -> memref<1x1x2048xf32, #tpu.memory_space<hbm>>
    %dma_start3A_462 = tpu.memref_squeeze %dma_start3A_461 : memref<1x1x2048xf32, #tpu.memory_space<hbm>> -> memref<2048xf32, #tpu.memory_space<hbm>>
    %dma_start3A_463 = tpu.memref_slice %arg5[%add3A_434, %dma_start3A_458, %mul3A_436] : memref<200x4x32768xf32, #tpu.memory_space<hbm>> -> memref<1x1x2048xf32, #tpu.memory_space<hbm>>
    %dma_start3A_464 = tpu.memref_squeeze %dma_start3A_463 : memref<1x1x2048xf32, #tpu.memory_space<hbm>> -> memref<2048xf32, #tpu.memory_space<hbm>>
    %dma_start3A_465 = arith.constant 4096 : i32
    %dma_start3A_466 = tpu.memref_slice %arg16[%dma_start3A_465] : memref<8192xf32, #tpu.memory_space<vmem>> -> memref<2048xf32, #tpu.memory_space<vmem>>
    tpu.enqueue_dma source(%dma_start3A_466 : memref<2048xf32, #tpu.memory_space<vmem>>) target(%dma_start3A_464 : memref<2048xf32, #tpu.memory_space<hbm>>) target_semaphore(%arg37 : memref<!tpu.dma_semaphore, #tpu.memory_space<semaphore_mem>>)
    %dma_start3A_467 = arith.constant 3 : i32
    %dma_start3A_468 = arith.constant 6144 : i32
    %dma_start3A_469 = tpu.memref_slice %arg16[%dma_start3A_468] : memref<8192xf32, #tpu.memory_space<vmem>> -> memref<2048xf32, #tpu.memory_space<vmem>>
    %dma_start3A_470 = tpu.memref_slice %arg5[%add3A_437, %dma_start3A_467, %mul3A_439] : memref<200x4x32768xf32, #tpu.memory_space<hbm>> -> memref<1x1x2048xf32, #tpu.memory_space<hbm>>
    %dma_start3A_471 = tpu.memref_squeeze %dma_start3A_470 : memref<1x1x2048xf32, #tpu.memory_space<hbm>> -> memref<2048xf32, #tpu.memory_space<hbm>>
    %dma_start3A_472 = tpu.memref_slice %arg5[%add3A_437, %dma_start3A_467, %mul3A_439] : memref<200x4x32768xf32, #tpu.memory_space<hbm>> -> memref<1x1x2048xf32, #tpu.memory_space<hbm>>
    %dma_start3A_473 = tpu.memref_squeeze %dma_start3A_472 : memref<1x1x2048xf32, #tpu.memory_space<hbm>> -> memref<2048xf32, #tpu.memory_space<hbm>>
    %dma_start3A_474 = arith.constant 6144 : i32
    %dma_start3A_475 = tpu.memref_slice %arg16[%dma_start3A_474] : memref<8192xf32, #tpu.memory_space<vmem>> -> memref<2048xf32, #tpu.memory_space<vmem>>
    tpu.enqueue_dma source(%dma_start3A_475 : memref<2048xf32, #tpu.memory_space<vmem>>) target(%dma_start3A_473 : memref<2048xf32, #tpu.memory_space<hbm>>) target_semaphore(%arg38 : memref<!tpu.dma_semaphore, #tpu.memory_space<semaphore_mem>>)
    %shift_right_logical3A_476 = arith.constant 4 : i32
    %shift_right_logical3A_477 = arith.constant 2 : i32
    %shift_right_logical3A_478 = arith.shrui %shift_right_logical3A_476, %shift_right_logical3A_477 : i32
    %and3A_479 = arith.constant 4 : i32
    %and3A_480 = arith.constant 3 : i32
    %and3A_481 = arith.andi %and3A_479, %and3A_480 : i32
    %mul3A_482 = arith.constant 256 : i32
    %mul3A_483 = arith.muli %and3A_481, %mul3A_482 : i32
    %dma_wait3A_484 = tpu.memref_slice %arg6[%shift_right_logical3A_478, %mul3A_483] : memref<25x1024xi32, #tpu.memory_space<vmem>> -> memref<1x256xi32, #tpu.memory_space<vmem>>
    %dma_wait3A_485 = tpu.memref_squeeze %dma_wait3A_484 : memref<1x256xi32, #tpu.memory_space<vmem>> -> memref<256xi32, #tpu.memory_space<vmem>>
    %dma_wait3A_486 = arith.constant 0 : i32
    %dma_wait3A_487 = arith.constant 0 : i32
    %dma_wait3A_488 = tpu.memref_slice %arg3[%dma_wait3A_486, %dma_wait3A_487] : memref<1000000x32xf32, #tpu.memory_space<hbm>> -> memref<1000000x32xf32, #tpu.memory_space<hbm>>
    tpu.wait_indirect_dma semaphore(%arg22 : memref<!tpu.dma_semaphore, #tpu.memory_space<semaphore_mem>>) src(%dma_wait3A_488 : memref<1000000x32xf32, #tpu.memory_space<hbm>>) dst(%arg12 : memref<256x32xf32, #tpu.memory_space<vmem>>)
    %shift_right_logical3A_489 = arith.constant 4 : i32
    %shift_right_logical3A_490 = arith.constant 2 : i32
    %shift_right_logical3A_491 = arith.shrui %shift_right_logical3A_489, %shift_right_logical3A_490 : i32
    %and3A_492 = arith.constant 4 : i32
    %and3A_493 = arith.constant 3 : i32
    %and3A_494 = arith.andi %and3A_492, %and3A_493 : i32
    %get3A_495 = arith.index_cast %shift_right_logical3A_491 : i32 to index
    %get3A_496 = arith.constant 0 : index
    %get3A_497 = tpu.vector_load %arg7[%get3A_495, %get3A_496] {strides = array<i32>} : memref<25x32xf32, #tpu.memory_space<vmem>>, vector<16xf32>,
    %get3A_498 = arith.index_cast %shift_right_logical3A_491 : i32 to index
    %get3A_499 = arith.constant 16 : index
    %get3A_500 = tpu.vector_load %arg7[%get3A_498, %get3A_499] {strides = array<i32>} : memref<25x32xf32, #tpu.memory_space<vmem>>, vector<16xf32>,
    %parallel_loop3A_501 = arith.constant 0 : i32
    %parallel_loop3A_502 = arith.constant 256 : i32
    %parallel_loop3A_503 = arith.constant 1 : i32
    scf.for %parallel_loop3A_1574 = %parallel_loop3A_501 to %parallel_loop3A_502 step %parallel_loop3A_503  : i32 {
      %parallel_loop3A_1575 = arith.constant 7 : i32
      %parallel_loop3A_1576 = arith.shrui %parallel_loop3A_1574, %parallel_loop3A_1575 : i32
      %parallel_loop3A_1577 = arith.constant 1024 : i32
      %parallel_loop3A_1578 = arith.muli %parallel_loop3A_1576, %parallel_loop3A_1577 : i32
      %parallel_loop3A_1579 = arith.constant 127 : i32
      %parallel_loop3A_1580 = arith.andi %parallel_loop3A_1574, %parallel_loop3A_1579 : i32
      %parallel_loop3A_1581 = arith.addi %parallel_loop3A_1578, %parallel_loop3A_1580 : i32
      %parallel_loop3A_1582 = arith.index_cast %parallel_loop3A_1574 : i32 to index
      %parallel_loop3A_1583 = arith.constant 0 : index
      %parallel_loop3A_1584 = tpu.vector_load %arg12[%parallel_loop3A_1582, %parallel_loop3A_1583] {strides = array<i32>} : memref<256x32xf32, #tpu.memory_space<vmem>>, vector<16xf32>,
      %parallel_loop3A_1585 = arith.index_cast %parallel_loop3A_1574 : i32 to index
      %parallel_loop3A_1586 = arith.constant 16 : index
      %parallel_loop3A_1587 = tpu.vector_load %arg12[%parallel_loop3A_1585, %parallel_loop3A_1586] {strides = array<i32>} : memref<256x32xf32, #tpu.memory_space<vmem>>, vector<16xf32>,
      %parallel_loop3A_1588 = vector.broadcast %parallel_loop3A_1581 : i32 to vector<16xi32>
      %parallel_loop3A_1589 = arith.addi %add3A_17, %parallel_loop3A_1588 : vector<16xi32>
      %parallel_loop3A_1590 = arith.addf %parallel_loop3A_1584, %get3A_497 : vector<16xf32>
      tpu.vector_store_idx %arg17[%parallel_loop3A_1589], %parallel_loop3A_1590 : memref<8192xf32, #tpu.memory_space<vmem>>[vector<16xi32>], vector<16xf32>,
      %parallel_loop3A_1591 = vector.broadcast %parallel_loop3A_1581 : i32 to vector<16xi32>
      %parallel_loop3A_1592 = arith.addi %add3A_20, %parallel_loop3A_1591 : vector<16xi32>
      %parallel_loop3A_1593 = arith.addf %parallel_loop3A_1587, %get3A_500 : vector<16xf32>
      tpu.vector_store_idx %arg17[%parallel_loop3A_1592], %parallel_loop3A_1593 : memref<8192xf32, #tpu.memory_space<vmem>>[vector<16xi32>], vector<16xf32>,
    } {sc.loop_unroll_factor = 8 : i64, sc.parallel_access}
    %shift_right_logical3A_504 = arith.constant 9 : i32
    %shift_right_logical3A_505 = arith.constant 2 : i32
    %shift_right_logical3A_506 = arith.shrui %shift_right_logical3A_504, %shift_right_logical3A_505 : i32
    %and3A_507 = arith.constant 9 : i32
    %and3A_508 = arith.constant 3 : i32
    %and3A_509 = arith.andi %and3A_507, %and3A_508 : i32
    %mul3A_510 = arith.constant 256 : i32
    %mul3A_511 = arith.muli %and3A_509, %mul3A_510 : i32
    %dma_start3A_512 = tpu.memref_slice %arg6[%shift_right_logical3A_506, %mul3A_511] : memref<25x1024xi32, #tpu.memory_space<vmem>> -> memref<1x256xi32, #tpu.memory_space<vmem>>
    %dma_start3A_513 = tpu.memref_squeeze %dma_start3A_512 : memref<1x256xi32, #tpu.memory_space<vmem>> -> memref<256xi32, #tpu.memory_space<vmem>>
    %dma_start3A_514 = arith.constant 0 : i32
    %dma_start3A_515 = arith.constant 0 : i32
    %dma_start3A_516 = tpu.memref_slice %arg3[%dma_start3A_514, %dma_start3A_515] : memref<1000000x32xf32, #tpu.memory_space<hbm>> -> memref<1000000x32xf32, #tpu.memory_space<hbm>>
    tpu.enqueue_indirect_dma source(%dma_start3A_516 : memref<1000000x32xf32, #tpu.memory_space<hbm>>) target(%arg12 : memref<256x32xf32, #tpu.memory_space<vmem>>) offsets(%dma_start3A_513 : memref<256xi32, #tpu.memory_space<vmem>>) semaphore(%arg22 : memref<!tpu.dma_semaphore, #tpu.memory_space<semaphore_mem>>)
    %shift_right_logical3A_517 = arith.constant 4 : i32
    %shift_right_logical3A_518 = arith.constant 2 : i32
    %shift_right_logical3A_519 = arith.shrui %shift_right_logical3A_517, %shift_right_logical3A_518 : i32
    %and3A_520 = arith.constant 4 : i32
    %and3A_521 = arith.constant 3 : i32
    %and3A_522 = arith.andi %and3A_520, %and3A_521 : i32
    %mul3A_523 = arith.constant 4 : i32
    %mul3A_524 = arith.muli %and3A_2, %mul3A_523 : i32
    %add3A_525 = arith.addi %mul3A_524, %and3A_522 : i32
    %add3A_526 = arith.addi %mul3A_4, %shift_right_logical3A_519 : i32
    %mul3A_527 = arith.constant 2048 : i32
    %mul3A_528 = arith.muli %add3A_525, %mul3A_527 : i32
    %add3A_529 = arith.addi %mul3A_4, %shift_right_logical3A_519 : i32
    %mul3A_530 = arith.constant 2048 : i32
    %mul3A_531 = arith.muli %add3A_525, %mul3A_530 : i32
    %add3A_532 = arith.addi %mul3A_4, %shift_right_logical3A_519 : i32
    %mul3A_533 = arith.constant 2048 : i32
    %mul3A_534 = arith.muli %add3A_525, %mul3A_533 : i32
    %add3A_535 = arith.addi %mul3A_4, %shift_right_logical3A_519 : i32
    %mul3A_536 = arith.constant 2048 : i32
    %mul3A_537 = arith.muli %add3A_525, %mul3A_536 : i32
    %dma_start3A_538 = arith.constant 0 : i32
    %dma_start3A_539 = arith.constant 0 : i32
    %dma_start3A_540 = tpu.memref_slice %arg17[%dma_start3A_539] : memref<8192xf32, #tpu.memory_space<vmem>> -> memref<2048xf32, #tpu.memory_space<vmem>>
    %dma_start3A_541 = tpu.memref_slice %arg5[%add3A_526, %dma_start3A_538, %mul3A_528] : memref<200x4x32768xf32, #tpu.memory_space<hbm>> -> memref<1x1x2048xf32, #tpu.memory_space<hbm>>
    %dma_start3A_542 = tpu.memref_squeeze %dma_start3A_541 : memref<1x1x2048xf32, #tpu.memory_space<hbm>> -> memref<2048xf32, #tpu.memory_space<hbm>>
    %dma_start3A_543 = tpu.memref_slice %arg5[%add3A_526, %dma_start3A_538, %mul3A_528] : memref<200x4x32768xf32, #tpu.memory_space<hbm>> -> memref<1x1x2048xf32, #tpu.memory_space<hbm>>
    %dma_start3A_544 = tpu.memref_squeeze %dma_start3A_543 : memref<1x1x2048xf32, #tpu.memory_space<hbm>> -> memref<2048xf32, #tpu.memory_space<hbm>>
    %dma_start3A_545 = arith.constant 0 : i32
    %dma_start3A_546 = tpu.memref_slice %arg17[%dma_start3A_545] : memref<8192xf32, #tpu.memory_space<vmem>> -> memref<2048xf32, #tpu.memory_space<vmem>>
    tpu.enqueue_dma source(%dma_start3A_546 : memref<2048xf32, #tpu.memory_space<vmem>>) target(%dma_start3A_544 : memref<2048xf32, #tpu.memory_space<hbm>>) target_semaphore(%arg39 : memref<!tpu.dma_semaphore, #tpu.memory_space<semaphore_mem>>)
    %dma_start3A_547 = arith.constant 1 : i32
    %dma_start3A_548 = arith.constant 2048 : i32
    %dma_start3A_549 = tpu.memref_slice %arg17[%dma_start3A_548] : memref<8192xf32, #tpu.memory_space<vmem>> -> memref<2048xf32, #tpu.memory_space<vmem>>
    %dma_start3A_550 = tpu.memref_slice %arg5[%add3A_529, %dma_start3A_547, %mul3A_531] : memref<200x4x32768xf32, #tpu.memory_space<hbm>> -> memref<1x1x2048xf32, #tpu.memory_space<hbm>>
    %dma_start3A_551 = tpu.memref_squeeze %dma_start3A_550 : memref<1x1x2048xf32, #tpu.memory_space<hbm>> -> memref<2048xf32, #tpu.memory_space<hbm>>
    %dma_start3A_552 = tpu.memref_slice %arg5[%add3A_529, %dma_start3A_547, %mul3A_531] : memref<200x4x32768xf32, #tpu.memory_space<hbm>> -> memref<1x1x2048xf32, #tpu.memory_space<hbm>>
    %dma_start3A_553 = tpu.memref_squeeze %dma_start3A_552 : memref<1x1x2048xf32, #tpu.memory_space<hbm>> -> memref<2048xf32, #tpu.memory_space<hbm>>
    %dma_start3A_554 = arith.constant 2048 : i32
    %dma_start3A_555 = tpu.memref_slice %arg17[%dma_start3A_554] : memref<8192xf32, #tpu.memory_space<vmem>> -> memref<2048xf32, #tpu.memory_space<vmem>>
    tpu.enqueue_dma source(%dma_start3A_555 : memref<2048xf32, #tpu.memory_space<vmem>>) target(%dma_start3A_553 : memref<2048xf32, #tpu.memory_space<hbm>>) target_semaphore(%arg40 : memref<!tpu.dma_semaphore, #tpu.memory_space<semaphore_mem>>)
    %dma_start3A_556 = arith.constant 2 : i32
    %dma_start3A_557 = arith.constant 4096 : i32
    %dma_start3A_558 = tpu.memref_slice %arg17[%dma_start3A_557] : memref<8192xf32, #tpu.memory_space<vmem>> -> memref<2048xf32, #tpu.memory_space<vmem>>
    %dma_start3A_559 = tpu.memref_slice %arg5[%add3A_532, %dma_start3A_556, %mul3A_534] : memref<200x4x32768xf32, #tpu.memory_space<hbm>> -> memref<1x1x2048xf32, #tpu.memory_space<hbm>>
    %dma_start3A_560 = tpu.memref_squeeze %dma_start3A_559 : memref<1x1x2048xf32, #tpu.memory_space<hbm>> -> memref<2048xf32, #tpu.memory_space<hbm>>
    %dma_start3A_561 = tpu.memref_slice %arg5[%add3A_532, %dma_start3A_556, %mul3A_534] : memref<200x4x32768xf32, #tpu.memory_space<hbm>> -> memref<1x1x2048xf32, #tpu.memory_space<hbm>>
    %dma_start3A_562 = tpu.memref_squeeze %dma_start3A_561 : memref<1x1x2048xf32, #tpu.memory_space<hbm>> -> memref<2048xf32, #tpu.memory_space<hbm>>
    %dma_start3A_563 = arith.constant 4096 : i32
    %dma_start3A_564 = tpu.memref_slice %arg17[%dma_start3A_563] : memref<8192xf32, #tpu.memory_space<vmem>> -> memref<2048xf32, #tpu.memory_space<vmem>>
    tpu.enqueue_dma source(%dma_start3A_564 : memref<2048xf32, #tpu.memory_space<vmem>>) target(%dma_start3A_562 : memref<2048xf32, #tpu.memory_space<hbm>>) target_semaphore(%arg41 : memref<!tpu.dma_semaphore, #tpu.memory_space<semaphore_mem>>)
    %dma_start3A_565 = arith.constant 3 : i32
    %dma_start3A_566 = arith.constant 6144 : i32
    %dma_start3A_567 = tpu.memref_slice %arg17[%dma_start3A_566] : memref<8192xf32, #tpu.memory_space<vmem>> -> memref<2048xf32, #tpu.memory_space<vmem>>
    %dma_start3A_568 = tpu.memref_slice %arg5[%add3A_535, %dma_start3A_565, %mul3A_537] : memref<200x4x32768xf32, #tpu.memory_space<hbm>> -> memref<1x1x2048xf32, #tpu.memory_space<hbm>>
    %dma_start3A_569 = tpu.memref_squeeze %dma_start3A_568 : memref<1x1x2048xf32, #tpu.memory_space<hbm>> -> memref<2048xf32, #tpu.memory_space<hbm>>
    %dma_start3A_570 = tpu.memref_slice %arg5[%add3A_535, %dma_start3A_565, %mul3A_537] : memref<200x4x32768xf32, #tpu.memory_space<hbm>> -> memref<1x1x2048xf32, #tpu.memory_space<hbm>>
    %dma_start3A_571 = tpu.memref_squeeze %dma_start3A_570 : memref<1x1x2048xf32, #tpu.memory_space<hbm>> -> memref<2048xf32, #tpu.memory_space<hbm>>
    %dma_start3A_572 = arith.constant 6144 : i32
    %dma_start3A_573 = tpu.memref_slice %arg17[%dma_start3A_572] : memref<8192xf32, #tpu.memory_space<vmem>> -> memref<2048xf32, #tpu.memory_space<vmem>>
    tpu.enqueue_dma source(%dma_start3A_573 : memref<2048xf32, #tpu.memory_space<vmem>>) target(%dma_start3A_571 : memref<2048xf32, #tpu.memory_space<hbm>>) target_semaphore(%arg42 : memref<!tpu.dma_semaphore, #tpu.memory_space<semaphore_mem>>)
    %scan3A = arith.constant 0 : i32
    %scan3A_574 = arith.constant 1 : i32
    %scan3A_575 = arith.constant 18 : i32
    %scan3A_576 = arith.addi %scan3A_574, %scan3A_575 : i32
    %scan3A_577 = arith.constant 1 : i32
    scf.for %scan3A_1574 = %scan3A_574 to %scan3A_576 step %scan3A_577  : i32 {
      %mul3A_1575 = arith.constant 5 : i32
      %mul3A_1576 = arith.muli %scan3A_1574, %mul3A_1575 : i32
      %add3A_1577 = arith.constant 0 : i32
      %add3A_1578 = arith.addi %mul3A_1576, %add3A_1577 : i32
      %shift_right_logical3A_1579 = arith.constant 2 : i32
      %shift_right_logical3A_1580 = arith.shrui %add3A_1578, %shift_right_logical3A_1579 : i32
      %and3A_1581 = arith.constant 3 : i32
      %and3A_1582 = arith.andi %add3A_1578, %and3A_1581 : i32
      %mul3A_1583 = arith.constant 256 : i32
      %mul3A_1584 = arith.muli %and3A_1582, %mul3A_1583 : i32
      %dma_wait3A_1585 = tpu.memref_slice %arg6[%shift_right_logical3A_1580, %mul3A_1584] : memref<25x1024xi32, #tpu.memory_space<vmem>> -> memref<1x256xi32, #tpu.memory_space<vmem>>
      %dma_wait3A_1586 = tpu.memref_squeeze %dma_wait3A_1585 : memref<1x256xi32, #tpu.memory_space<vmem>> -> memref<256xi32, #tpu.memory_space<vmem>>
      %dma_wait3A_1587 = arith.constant 0 : i32
      %dma_wait3A_1588 = arith.constant 0 : i32
      %dma_wait3A_1589 = tpu.memref_slice %arg3[%dma_wait3A_1587, %dma_wait3A_1588] : memref<1000000x32xf32, #tpu.memory_space<hbm>> -> memref<1000000x32xf32, #tpu.memory_space<hbm>>
      tpu.wait_indirect_dma semaphore(%arg18 : memref<!tpu.dma_semaphore, #tpu.memory_space<semaphore_mem>>) src(%dma_wait3A_1589 : memref<1000000x32xf32, #tpu.memory_space<hbm>>) dst(%arg8 : memref<256x32xf32, #tpu.memory_space<vmem>>)
      %sub3A = arith.constant 5 : i32
      %sub3A_1590 = arith.subi %add3A_1578, %sub3A : i32
      %shift_right_logical3A_1591 = arith.constant 2 : i32
      %shift_right_logical3A_1592 = arith.shrui %sub3A_1590, %shift_right_logical3A_1591 : i32
      %and3A_1593 = arith.constant 3 : i32
      %and3A_1594 = arith.andi %sub3A_1590, %and3A_1593 : i32
      %mul3A_1595 = arith.constant 4 : i32
      %mul3A_1596 = arith.muli %and3A_2, %mul3A_1595 : i32
      %add3A_1597 = arith.addi %mul3A_1596, %and3A_1594 : i32
      %add3A_1598 = arith.addi %mul3A_4, %shift_right_logical3A_1592 : i32
      %mul3A_1599 = arith.constant 2048 : i32
      %mul3A_1600 = arith.muli %add3A_1597, %mul3A_1599 : i32
      %add3A_1601 = arith.addi %mul3A_4, %shift_right_logical3A_1592 : i32
      %mul3A_1602 = arith.constant 2048 : i32
      %mul3A_1603 = arith.muli %add3A_1597, %mul3A_1602 : i32
      %add3A_1604 = arith.addi %mul3A_4, %shift_right_logical3A_1592 : i32
      %mul3A_1605 = arith.constant 2048 : i32
      %mul3A_1606 = arith.muli %add3A_1597, %mul3A_1605 : i32
      %add3A_1607 = arith.addi %mul3A_4, %shift_right_logical3A_1592 : i32
      %mul3A_1608 = arith.constant 2048 : i32
      %mul3A_1609 = arith.muli %add3A_1597, %mul3A_1608 : i32
      %dma_wait3A_1610 = arith.constant 0 : i32
      %dma_wait3A_1611 = arith.constant 0 : i32
      %dma_wait3A_1612 = tpu.memref_slice %arg13[%dma_wait3A_1611] : memref<8192xf32, #tpu.memory_space<vmem>> -> memref<2048xf32, #tpu.memory_space<vmem>>
      %dma_wait3A_1613 = tpu.memref_slice %arg5[%add3A_1598, %dma_wait3A_1610, %mul3A_1600] : memref<200x4x32768xf32, #tpu.memory_space<hbm>> -> memref<1x1x2048xf32, #tpu.memory_space<hbm>>
      %dma_wait3A_1614 = tpu.memref_squeeze %dma_wait3A_1613 : memref<1x1x2048xf32, #tpu.memory_space<hbm>> -> memref<2048xf32, #tpu.memory_space<hbm>>
      %dma_wait3A_1615 = tpu.memref_slice %arg5[%add3A_1598, %dma_wait3A_1610, %mul3A_1600] : memref<200x4x32768xf32, #tpu.memory_space<hbm>> -> memref<1x1x2048xf32, #tpu.memory_space<hbm>>
      %dma_wait3A_1616 = tpu.memref_squeeze %dma_wait3A_1615 : memref<1x1x2048xf32, #tpu.memory_space<hbm>> -> memref<2048xf32, #tpu.memory_space<hbm>>
      %dma_wait3A_1617 = arith.constant 0 : i32
      %dma_wait3A_1618 = tpu.memref_slice %arg13[%dma_wait3A_1617] : memref<8192xf32, #tpu.memory_space<vmem>> -> memref<2048xf32, #tpu.memory_space<vmem>>
      tpu.wait_dma2 semaphore(%arg23 : memref<!tpu.dma_semaphore, #tpu.memory_space<semaphore_mem>>) src(%dma_wait3A_1618 : memref<2048xf32, #tpu.memory_space<vmem>>) dst(%dma_wait3A_1616 : memref<2048xf32, #tpu.memory_space<hbm>>)
      %dma_wait3A_1619 = arith.constant 1 : i32
      %dma_wait3A_1620 = arith.constant 2048 : i32
      %dma_wait3A_1621 = tpu.memref_slice %arg13[%dma_wait3A_1620] : memref<8192xf32, #tpu.memory_space<vmem>> -> memref<2048xf32, #tpu.memory_space<vmem>>
      %dma_wait3A_1622 = tpu.memref_slice %arg5[%add3A_1601, %dma_wait3A_1619, %mul3A_1603] : memref<200x4x32768xf32, #tpu.memory_space<hbm>> -> memref<1x1x2048xf32, #tpu.memory_space<hbm>>
      %dma_wait3A_1623 = tpu.memref_squeeze %dma_wait3A_1622 : memref<1x1x2048xf32, #tpu.memory_space<hbm>> -> memref<2048xf32, #tpu.memory_space<hbm>>
      %dma_wait3A_1624 = tpu.memref_slice %arg5[%add3A_1601, %dma_wait3A_1619, %mul3A_1603] : memref<200x4x32768xf32, #tpu.memory_space<hbm>> -> memref<1x1x2048xf32, #tpu.memory_space<hbm>>
      %dma_wait3A_1625 = tpu.memref_squeeze %dma_wait3A_1624 : memref<1x1x2048xf32, #tpu.memory_space<hbm>> -> memref<2048xf32, #tpu.memory_space<hbm>>
      %dma_wait3A_1626 = arith.constant 2048 : i32
      %dma_wait3A_1627 = tpu.memref_slice %arg13[%dma_wait3A_1626] : memref<8192xf32, #tpu.memory_space<vmem>> -> memref<2048xf32, #tpu.memory_space<vmem>>
      tpu.wait_dma2 semaphore(%arg24 : memref<!tpu.dma_semaphore, #tpu.memory_space<semaphore_mem>>) src(%dma_wait3A_1627 : memref<2048xf32, #tpu.memory_space<vmem>>) dst(%dma_wait3A_1625 : memref<2048xf32, #tpu.memory_space<hbm>>)
      %dma_wait3A_1628 = arith.constant 2 : i32
      %dma_wait3A_1629 = arith.constant 4096 : i32
      %dma_wait3A_1630 = tpu.memref_slice %arg13[%dma_wait3A_1629] : memref<8192xf32, #tpu.memory_space<vmem>> -> memref<2048xf32, #tpu.memory_space<vmem>>
      %dma_wait3A_1631 = tpu.memref_slice %arg5[%add3A_1604, %dma_wait3A_1628, %mul3A_1606] : memref<200x4x32768xf32, #tpu.memory_space<hbm>> -> memref<1x1x2048xf32, #tpu.memory_space<hbm>>
      %dma_wait3A_1632 = tpu.memref_squeeze %dma_wait3A_1631 : memref<1x1x2048xf32, #tpu.memory_space<hbm>> -> memref<2048xf32, #tpu.memory_space<hbm>>
      %dma_wait3A_1633 = tpu.memref_slice %arg5[%add3A_1604, %dma_wait3A_1628, %mul3A_1606] : memref<200x4x32768xf32, #tpu.memory_space<hbm>> -> memref<1x1x2048xf32, #tpu.memory_space<hbm>>
      %dma_wait3A_1634 = tpu.memref_squeeze %dma_wait3A_1633 : memref<1x1x2048xf32, #tpu.memory_space<hbm>> -> memref<2048xf32, #tpu.memory_space<hbm>>
      %dma_wait3A_1635 = arith.constant 4096 : i32
      %dma_wait3A_1636 = tpu.memref_slice %arg13[%dma_wait3A_1635] : memref<8192xf32, #tpu.memory_space<vmem>> -> memref<2048xf32, #tpu.memory_space<vmem>>
      tpu.wait_dma2 semaphore(%arg25 : memref<!tpu.dma_semaphore, #tpu.memory_space<semaphore_mem>>) src(%dma_wait3A_1636 : memref<2048xf32, #tpu.memory_space<vmem>>) dst(%dma_wait3A_1634 : memref<2048xf32, #tpu.memory_space<hbm>>)
      %dma_wait3A_1637 = arith.constant 3 : i32
      %dma_wait3A_1638 = arith.constant 6144 : i32
      %dma_wait3A_1639 = tpu.memref_slice %arg13[%dma_wait3A_1638] : memref<8192xf32, #tpu.memory_space<vmem>> -> memref<2048xf32, #tpu.memory_space<vmem>>
      %dma_wait3A_1640 = tpu.memref_slice %arg5[%add3A_1607, %dma_wait3A_1637, %mul3A_1609] : memref<200x4x32768xf32, #tpu.memory_space<hbm>> -> memref<1x1x2048xf32, #tpu.memory_space<hbm>>
      %dma_wait3A_1641 = tpu.memref_squeeze %dma_wait3A_1640 : memref<1x1x2048xf32, #tpu.memory_space<hbm>> -> memref<2048xf32, #tpu.memory_space<hbm>>
      %dma_wait3A_1642 = tpu.memref_slice %arg5[%add3A_1607, %dma_wait3A_1637, %mul3A_1609] : memref<200x4x32768xf32, #tpu.memory_space<hbm>> -> memref<1x1x2048xf32, #tpu.memory_space<hbm>>
      %dma_wait3A_1643 = tpu.memref_squeeze %dma_wait3A_1642 : memref<1x1x2048xf32, #tpu.memory_space<hbm>> -> memref<2048xf32, #tpu.memory_space<hbm>>
      %dma_wait3A_1644 = arith.constant 6144 : i32
      %dma_wait3A_1645 = tpu.memref_slice %arg13[%dma_wait3A_1644] : memref<8192xf32, #tpu.memory_space<vmem>> -> memref<2048xf32, #tpu.memory_space<vmem>>
      tpu.wait_dma2 semaphore(%arg26 : memref<!tpu.dma_semaphore, #tpu.memory_space<semaphore_mem>>) src(%dma_wait3A_1645 : memref<2048xf32, #tpu.memory_space<vmem>>) dst(%dma_wait3A_1643 : memref<2048xf32, #tpu.memory_space<hbm>>)
      %shift_right_logical3A_1646 = arith.constant 2 : i32
      %shift_right_logical3A_1647 = arith.shrui %add3A_1578, %shift_right_logical3A_1646 : i32
      %and3A_1648 = arith.constant 3 : i32
      %and3A_1649 = arith.andi %add3A_1578, %and3A_1648 : i32
      %get3A_1650 = arith.index_cast %shift_right_logical3A_1647 : i32 to index
      %get3A_1651 = arith.constant 0 : index
      %get3A_1652 = tpu.vector_load %arg7[%get3A_1650, %get3A_1651] {strides = array<i32>} : memref<25x32xf32, #tpu.memory_space<vmem>>, vector<16xf32>,
      %get3A_1653 = arith.index_cast %shift_right_logical3A_1647 : i32 to index
      %get3A_1654 = arith.constant 16 : index
      %get3A_1655 = tpu.vector_load %arg7[%get3A_1653, %get3A_1654] {strides = array<i32>} : memref<25x32xf32, #tpu.memory_space<vmem>>, vector<16xf32>,
      %parallel_loop3A_1656 = arith.constant 0 : i32
      %parallel_loop3A_1657 = arith.constant 256 : i32
      %parallel_loop3A_1658 = arith.constant 1 : i32
      scf.for %parallel_loop3A_2339 = %parallel_loop3A_1656 to %parallel_loop3A_1657 step %parallel_loop3A_1658  : i32 {
        %parallel_loop3A_2340 = arith.constant 7 : i32
        %parallel_loop3A_2341 = arith.shrui %parallel_loop3A_2339, %parallel_loop3A_2340 : i32
        %parallel_loop3A_2342 = arith.constant 1024 : i32
        %parallel_loop3A_2343 = arith.muli %parallel_loop3A_2341, %parallel_loop3A_2342 : i32
        %parallel_loop3A_2344 = arith.constant 127 : i32
        %parallel_loop3A_2345 = arith.andi %parallel_loop3A_2339, %parallel_loop3A_2344 : i32
        %parallel_loop3A_2346 = arith.addi %parallel_loop3A_2343, %parallel_loop3A_2345 : i32
        %parallel_loop3A_2347 = arith.index_cast %parallel_loop3A_2339 : i32 to index
        %parallel_loop3A_2348 = arith.constant 0 : index
        %parallel_loop3A_2349 = tpu.vector_load %arg8[%parallel_loop3A_2347, %parallel_loop3A_2348] {strides = array<i32>} : memref<256x32xf32, #tpu.memory_space<vmem>>, vector<16xf32>,
        %parallel_loop3A_2350 = arith.index_cast %parallel_loop3A_2339 : i32 to index
        %parallel_loop3A_2351 = arith.constant 16 : index
        %parallel_loop3A_2352 = tpu.vector_load %arg8[%parallel_loop3A_2350, %parallel_loop3A_2351] {strides = array<i32>} : memref<256x32xf32, #tpu.memory_space<vmem>>, vector<16xf32>,
        %parallel_loop3A_2353 = vector.broadcast %parallel_loop3A_2346 : i32 to vector<16xi32>
        %parallel_loop3A_2354 = arith.addi %add3A_17, %parallel_loop3A_2353 : vector<16xi32>
        %parallel_loop3A_2355 = arith.addf %parallel_loop3A_2349, %get3A_1652 : vector<16xf32>
        tpu.vector_store_idx %arg13[%parallel_loop3A_2354], %parallel_loop3A_2355 : memref<8192xf32, #tpu.memory_space<vmem>>[vector<16xi32>], vector<16xf32>,
        %parallel_loop3A_2356 = vector.broadcast %parallel_loop3A_2346 : i32 to vector<16xi32>
        %parallel_loop3A_2357 = arith.addi %add3A_20, %parallel_loop3A_2356 : vector<16xi32>
        %parallel_loop3A_2358 = arith.addf %parallel_loop3A_2352, %get3A_1655 : vector<16xf32>
        tpu.vector_store_idx %arg13[%parallel_loop3A_2357], %parallel_loop3A_2358 : memref<8192xf32, #tpu.memory_space<vmem>>[vector<16xi32>], vector<16xf32>,
      } {sc.loop_unroll_factor = 8 : i64, sc.parallel_access}
      %add3A_1659 = arith.constant 5 : i32
      %add3A_1660 = arith.addi %add3A_1578, %add3A_1659 : i32
      %shift_right_logical3A_1661 = arith.constant 2 : i32
      %shift_right_logical3A_1662 = arith.shrui %add3A_1660, %shift_right_logical3A_1661 : i32
      %and3A_1663 = arith.constant 3 : i32
      %and3A_1664 = arith.andi %add3A_1660, %and3A_1663 : i32
      %mul3A_1665 = arith.constant 256 : i32
      %mul3A_1666 = arith.muli %and3A_1664, %mul3A_1665 : i32
      %dma_start3A_1667 = tpu.memref_slice %arg6[%shift_right_logical3A_1662, %mul3A_1666] : memref<25x1024xi32, #tpu.memory_space<vmem>> -> memref<1x256xi32, #tpu.memory_space<vmem>>
      %dma_start3A_1668 = tpu.memref_squeeze %dma_start3A_1667 : memref<1x256xi32, #tpu.memory_space<vmem>> -> memref<256xi32, #tpu.memory_space<vmem>>
      %dma_start3A_1669 = arith.constant 0 : i32
      %dma_start3A_1670 = arith.constant 0 : i32
      %dma_start3A_1671 = tpu.memref_slice %arg3[%dma_start3A_1669, %dma_start3A_1670] : memref<1000000x32xf32, #tpu.memory_space<hbm>> -> memref<1000000x32xf32, #tpu.memory_space<hbm>>
      tpu.enqueue_indirect_dma source(%dma_start3A_1671 : memref<1000000x32xf32, #tpu.memory_space<hbm>>) target(%arg8 : memref<256x32xf32, #tpu.memory_space<vmem>>) offsets(%dma_start3A_1668 : memref<256xi32, #tpu.memory_space<vmem>>) semaphore(%arg18 : memref<!tpu.dma_semaphore, #tpu.memory_space<semaphore_mem>>)
      %shift_right_logical3A_1672 = arith.constant 2 : i32
      %shift_right_logical3A_1673 = arith.shrui %add3A_1578, %shift_right_logical3A_1672 : i32
      %and3A_1674 = arith.constant 3 : i32
      %and3A_1675 = arith.andi %add3A_1578, %and3A_1674 : i32
      %mul3A_1676 = arith.constant 4 : i32
      %mul3A_1677 = arith.muli %and3A_2, %mul3A_1676 : i32
      %add3A_1678 = arith.addi %mul3A_1677, %and3A_1675 : i32
      %add3A_1679 = arith.addi %mul3A_4, %shift_right_logical3A_1673 : i32
      %mul3A_1680 = arith.constant 2048 : i32
      %mul3A_1681 = arith.muli %add3A_1678, %mul3A_1680 : i32
      %add3A_1682 = arith.addi %mul3A_4, %shift_right_logical3A_1673 : i32
      %mul3A_1683 = arith.constant 2048 : i32
      %mul3A_1684 = arith.muli %add3A_1678, %mul3A_1683 : i32
      %add3A_1685 = arith.addi %mul3A_4, %shift_right_logical3A_1673 : i32
      %mul3A_1686 = arith.constant 2048 : i32
      %mul3A_1687 = arith.muli %add3A_1678, %mul3A_1686 : i32
      %add3A_1688 = arith.addi %mul3A_4, %shift_right_logical3A_1673 : i32
      %mul3A_1689 = arith.constant 2048 : i32
      %mul3A_1690 = arith.muli %add3A_1678, %mul3A_1689 : i32
      %dma_start3A_1691 = arith.constant 0 : i32
      %dma_start3A_1692 = arith.constant 0 : i32
      %dma_start3A_1693 = tpu.memref_slice %arg13[%dma_start3A_1692] : memref<8192xf32, #tpu.memory_space<vmem>> -> memref<2048xf32, #tpu.memory_space<vmem>>
      %dma_start3A_1694 = tpu.memref_slice %arg5[%add3A_1679, %dma_start3A_1691, %mul3A_1681] : memref<200x4x32768xf32, #tpu.memory_space<hbm>> -> memref<1x1x2048xf32, #tpu.memory_space<hbm>>
      %dma_start3A_1695 = tpu.memref_squeeze %dma_start3A_1694 : memref<1x1x2048xf32, #tpu.memory_space<hbm>> -> memref<2048xf32, #tpu.memory_space<hbm>>
      %dma_start3A_1696 = tpu.memref_slice %arg5[%add3A_1679, %dma_start3A_1691, %mul3A_1681] : memref<200x4x32768xf32, #tpu.memory_space<hbm>> -> memref<1x1x2048xf32, #tpu.memory_space<hbm>>
      %dma_start3A_1697 = tpu.memref_squeeze %dma_start3A_1696 : memref<1x1x2048xf32, #tpu.memory_space<hbm>> -> memref<2048xf32, #tpu.memory_space<hbm>>
      %dma_start3A_1698 = arith.constant 0 : i32
      %dma_start3A_1699 = tpu.memref_slice %arg13[%dma_start3A_1698] : memref<8192xf32, #tpu.memory_space<vmem>> -> memref<2048xf32, #tpu.memory_space<vmem>>
      tpu.enqueue_dma source(%dma_start3A_1699 : memref<2048xf32, #tpu.memory_space<vmem>>) target(%dma_start3A_1697 : memref<2048xf32, #tpu.memory_space<hbm>>) target_semaphore(%arg23 : memref<!tpu.dma_semaphore, #tpu.memory_space<semaphore_mem>>)
      %dma_start3A_1700 = arith.constant 1 : i32
      %dma_start3A_1701 = arith.constant 2048 : i32
      %dma_start3A_1702 = tpu.memref_slice %arg13[%dma_start3A_1701] : memref<8192xf32, #tpu.memory_space<vmem>> -> memref<2048xf32, #tpu.memory_space<vmem>>
      %dma_start3A_1703 = tpu.memref_slice %arg5[%add3A_1682, %dma_start3A_1700, %mul3A_1684] : memref<200x4x32768xf32, #tpu.memory_space<hbm>> -> memref<1x1x2048xf32, #tpu.memory_space<hbm>>
      %dma_start3A_1704 = tpu.memref_squeeze %dma_start3A_1703 : memref<1x1x2048xf32, #tpu.memory_space<hbm>> -> memref<2048xf32, #tpu.memory_space<hbm>>
      %dma_start3A_1705 = tpu.memref_slice %arg5[%add3A_1682, %dma_start3A_1700, %mul3A_1684] : memref<200x4x32768xf32, #tpu.memory_space<hbm>> -> memref<1x1x2048xf32, #tpu.memory_space<hbm>>
      %dma_start3A_1706 = tpu.memref_squeeze %dma_start3A_1705 : memref<1x1x2048xf32, #tpu.memory_space<hbm>> -> memref<2048xf32, #tpu.memory_space<hbm>>
      %dma_start3A_1707 = arith.constant 2048 : i32
      %dma_start3A_1708 = tpu.memref_slice %arg13[%dma_start3A_1707] : memref<8192xf32, #tpu.memory_space<vmem>> -> memref<2048xf32, #tpu.memory_space<vmem>>
      tpu.enqueue_dma source(%dma_start3A_1708 : memref<2048xf32, #tpu.memory_space<vmem>>) target(%dma_start3A_1706 : memref<2048xf32, #tpu.memory_space<hbm>>) target_semaphore(%arg24 : memref<!tpu.dma_semaphore, #tpu.memory_space<semaphore_mem>>)
      %dma_start3A_1709 = arith.constant 2 : i32
      %dma_start3A_1710 = arith.constant 4096 : i32
      %dma_start3A_1711 = tpu.memref_slice %arg13[%dma_start3A_1710] : memref<8192xf32, #tpu.memory_space<vmem>> -> memref<2048xf32, #tpu.memory_space<vmem>>
      %dma_start3A_1712 = tpu.memref_slice %arg5[%add3A_1685, %dma_start3A_1709, %mul3A_1687] : memref<200x4x32768xf32, #tpu.memory_space<hbm>> -> memref<1x1x2048xf32, #tpu.memory_space<hbm>>
      %dma_start3A_1713 = tpu.memref_squeeze %dma_start3A_1712 : memref<1x1x2048xf32, #tpu.memory_space<hbm>> -> memref<2048xf32, #tpu.memory_space<hbm>>
      %dma_start3A_1714 = tpu.memref_slice %arg5[%add3A_1685, %dma_start3A_1709, %mul3A_1687] : memref<200x4x32768xf32, #tpu.memory_space<hbm>> -> memref<1x1x2048xf32, #tpu.memory_space<hbm>>
      %dma_start3A_1715 = tpu.memref_squeeze %dma_start3A_1714 : memref<1x1x2048xf32, #tpu.memory_space<hbm>> -> memref<2048xf32, #tpu.memory_space<hbm>>
      %dma_start3A_1716 = arith.constant 4096 : i32
      %dma_start3A_1717 = tpu.memref_slice %arg13[%dma_start3A_1716] : memref<8192xf32, #tpu.memory_space<vmem>> -> memref<2048xf32, #tpu.memory_space<vmem>>
      tpu.enqueue_dma source(%dma_start3A_1717 : memref<2048xf32, #tpu.memory_space<vmem>>) target(%dma_start3A_1715 : memref<2048xf32, #tpu.memory_space<hbm>>) target_semaphore(%arg25 : memref<!tpu.dma_semaphore, #tpu.memory_space<semaphore_mem>>)
      %dma_start3A_1718 = arith.constant 3 : i32
      %dma_start3A_1719 = arith.constant 6144 : i32
      %dma_start3A_1720 = tpu.memref_slice %arg13[%dma_start3A_1719] : memref<8192xf32, #tpu.memory_space<vmem>> -> memref<2048xf32, #tpu.memory_space<vmem>>
      %dma_start3A_1721 = tpu.memref_slice %arg5[%add3A_1688, %dma_start3A_1718, %mul3A_1690] : memref<200x4x32768xf32, #tpu.memory_space<hbm>> -> memref<1x1x2048xf32, #tpu.memory_space<hbm>>
      %dma_start3A_1722 = tpu.memref_squeeze %dma_start3A_1721 : memref<1x1x2048xf32, #tpu.memory_space<hbm>> -> memref<2048xf32, #tpu.memory_space<hbm>>
      %dma_start3A_1723 = tpu.memref_slice %arg5[%add3A_1688, %dma_start3A_1718, %mul3A_1690] : memref<200x4x32768xf32, #tpu.memory_space<hbm>> -> memref<1x1x2048xf32, #tpu.memory_space<hbm>>
      %dma_start3A_1724 = tpu.memref_squeeze %dma_start3A_1723 : memref<1x1x2048xf32, #tpu.memory_space<hbm>> -> memref<2048xf32, #tpu.memory_space<hbm>>
      %dma_start3A_1725 = arith.constant 6144 : i32
      %dma_start3A_1726 = tpu.memref_slice %arg13[%dma_start3A_1725] : memref<8192xf32, #tpu.memory_space<vmem>> -> memref<2048xf32, #tpu.memory_space<vmem>>
      tpu.enqueue_dma source(%dma_start3A_1726 : memref<2048xf32, #tpu.memory_space<vmem>>) target(%dma_start3A_1724 : memref<2048xf32, #tpu.memory_space<hbm>>) target_semaphore(%arg26 : memref<!tpu.dma_semaphore, #tpu.memory_space<semaphore_mem>>)
      %mul3A_1727 = arith.constant 5 : i32
      %mul3A_1728 = arith.muli %scan3A_1574, %mul3A_1727 : i32
      %add3A_1729 = arith.constant 1 : i32
      %add3A_1730 = arith.addi %mul3A_1728, %add3A_1729 : i32
      %shift_right_logical3A_1731 = arith.constant 2 : i32
      %shift_right_logical3A_1732 = arith.shrui %add3A_1730, %shift_right_logical3A_1731 : i32
      %and3A_1733 = arith.constant 3 : i32
      %and3A_1734 = arith.andi %add3A_1730, %and3A_1733 : i32
      %mul3A_1735 = arith.constant 256 : i32
      %mul3A_1736 = arith.muli %and3A_1734, %mul3A_1735 : i32
      %dma_wait3A_1737 = tpu.memref_slice %arg6[%shift_right_logical3A_1732, %mul3A_1736] : memref<25x1024xi32, #tpu.memory_space<vmem>> -> memref<1x256xi32, #tpu.memory_space<vmem>>
      %dma_wait3A_1738 = tpu.memref_squeeze %dma_wait3A_1737 : memref<1x256xi32, #tpu.memory_space<vmem>> -> memref<256xi32, #tpu.memory_space<vmem>>
      %dma_wait3A_1739 = arith.constant 0 : i32
      %dma_wait3A_1740 = arith.constant 0 : i32
      %dma_wait3A_1741 = tpu.memref_slice %arg3[%dma_wait3A_1739, %dma_wait3A_1740] : memref<1000000x32xf32, #tpu.memory_space<hbm>> -> memref<1000000x32xf32, #tpu.memory_space<hbm>>
      tpu.wait_indirect_dma semaphore(%arg19 : memref<!tpu.dma_semaphore, #tpu.memory_space<semaphore_mem>>) src(%dma_wait3A_1741 : memref<1000000x32xf32, #tpu.memory_space<hbm>>) dst(%arg9 : memref<256x32xf32, #tpu.memory_space<vmem>>)
      %sub3A_1742 = arith.constant 5 : i32
      %sub3A_1743 = arith.subi %add3A_1730, %sub3A_1742 : i32
      %shift_right_logical3A_1744 = arith.constant 2 : i32
      %shift_right_logical3A_1745 = arith.shrui %sub3A_1743, %shift_right_logical3A_1744 : i32
      %and3A_1746 = arith.constant 3 : i32
      %and3A_1747 = arith.andi %sub3A_1743, %and3A_1746 : i32
      %mul3A_1748 = arith.constant 4 : i32
      %mul3A_1749 = arith.muli %and3A_2, %mul3A_1748 : i32
      %add3A_1750 = arith.addi %mul3A_1749, %and3A_1747 : i32
      %add3A_1751 = arith.addi %mul3A_4, %shift_right_logical3A_1745 : i32
      %mul3A_1752 = arith.constant 2048 : i32
      %mul3A_1753 = arith.muli %add3A_1750, %mul3A_1752 : i32
      %add3A_1754 = arith.addi %mul3A_4, %shift_right_logical3A_1745 : i32
      %mul3A_1755 = arith.constant 2048 : i32
      %mul3A_1756 = arith.muli %add3A_1750, %mul3A_1755 : i32
      %add3A_1757 = arith.addi %mul3A_4, %shift_right_logical3A_1745 : i32
      %mul3A_1758 = arith.constant 2048 : i32
      %mul3A_1759 = arith.muli %add3A_1750, %mul3A_1758 : i32
      %add3A_1760 = arith.addi %mul3A_4, %shift_right_logical3A_1745 : i32
      %mul3A_1761 = arith.constant 2048 : i32
      %mul3A_1762 = arith.muli %add3A_1750, %mul3A_1761 : i32
      %dma_wait3A_1763 = arith.constant 0 : i32
      %dma_wait3A_1764 = arith.constant 0 : i32
      %dma_wait3A_1765 = tpu.memref_slice %arg14[%dma_wait3A_1764] : memref<8192xf32, #tpu.memory_space<vmem>> -> memref<2048xf32, #tpu.memory_space<vmem>>
      %dma_wait3A_1766 = tpu.memref_slice %arg5[%add3A_1751, %dma_wait3A_1763, %mul3A_1753] : memref<200x4x32768xf32, #tpu.memory_space<hbm>> -> memref<1x1x2048xf32, #tpu.memory_space<hbm>>
      %dma_wait3A_1767 = tpu.memref_squeeze %dma_wait3A_1766 : memref<1x1x2048xf32, #tpu.memory_space<hbm>> -> memref<2048xf32, #tpu.memory_space<hbm>>
      %dma_wait3A_1768 = tpu.memref_slice %arg5[%add3A_1751, %dma_wait3A_1763, %mul3A_1753] : memref<200x4x32768xf32, #tpu.memory_space<hbm>> -> memref<1x1x2048xf32, #tpu.memory_space<hbm>>
      %dma_wait3A_1769 = tpu.memref_squeeze %dma_wait3A_1768 : memref<1x1x2048xf32, #tpu.memory_space<hbm>> -> memref<2048xf32, #tpu.memory_space<hbm>>
      %dma_wait3A_1770 = arith.constant 0 : i32
      %dma_wait3A_1771 = tpu.memref_slice %arg14[%dma_wait3A_1770] : memref<8192xf32, #tpu.memory_space<vmem>> -> memref<2048xf32, #tpu.memory_space<vmem>>
      tpu.wait_dma2 semaphore(%arg27 : memref<!tpu.dma_semaphore, #tpu.memory_space<semaphore_mem>>) src(%dma_wait3A_1771 : memref<2048xf32, #tpu.memory_space<vmem>>) dst(%dma_wait3A_1769 : memref<2048xf32, #tpu.memory_space<hbm>>)
      %dma_wait3A_1772 = arith.constant 1 : i32
      %dma_wait3A_1773 = arith.constant 2048 : i32
      %dma_wait3A_1774 = tpu.memref_slice %arg14[%dma_wait3A_1773] : memref<8192xf32, #tpu.memory_space<vmem>> -> memref<2048xf32, #tpu.memory_space<vmem>>
      %dma_wait3A_1775 = tpu.memref_slice %arg5[%add3A_1754, %dma_wait3A_1772, %mul3A_1756] : memref<200x4x32768xf32, #tpu.memory_space<hbm>> -> memref<1x1x2048xf32, #tpu.memory_space<hbm>>
      %dma_wait3A_1776 = tpu.memref_squeeze %dma_wait3A_1775 : memref<1x1x2048xf32, #tpu.memory_space<hbm>> -> memref<2048xf32, #tpu.memory_space<hbm>>
      %dma_wait3A_1777 = tpu.memref_slice %arg5[%add3A_1754, %dma_wait3A_1772, %mul3A_1756] : memref<200x4x32768xf32, #tpu.memory_space<hbm>> -> memref<1x1x2048xf32, #tpu.memory_space<hbm>>
      %dma_wait3A_1778 = tpu.memref_squeeze %dma_wait3A_1777 : memref<1x1x2048xf32, #tpu.memory_space<hbm>> -> memref<2048xf32, #tpu.memory_space<hbm>>
      %dma_wait3A_1779 = arith.constant 2048 : i32
      %dma_wait3A_1780 = tpu.memref_slice %arg14[%dma_wait3A_1779] : memref<8192xf32, #tpu.memory_space<vmem>> -> memref<2048xf32, #tpu.memory_space<vmem>>
      tpu.wait_dma2 semaphore(%arg28 : memref<!tpu.dma_semaphore, #tpu.memory_space<semaphore_mem>>) src(%dma_wait3A_1780 : memref<2048xf32, #tpu.memory_space<vmem>>) dst(%dma_wait3A_1778 : memref<2048xf32, #tpu.memory_space<hbm>>)
      %dma_wait3A_1781 = arith.constant 2 : i32
      %dma_wait3A_1782 = arith.constant 4096 : i32
      %dma_wait3A_1783 = tpu.memref_slice %arg14[%dma_wait3A_1782] : memref<8192xf32, #tpu.memory_space<vmem>> -> memref<2048xf32, #tpu.memory_space<vmem>>
      %dma_wait3A_1784 = tpu.memref_slice %arg5[%add3A_1757, %dma_wait3A_1781, %mul3A_1759] : memref<200x4x32768xf32, #tpu.memory_space<hbm>> -> memref<1x1x2048xf32, #tpu.memory_space<hbm>>
      %dma_wait3A_1785 = tpu.memref_squeeze %dma_wait3A_1784 : memref<1x1x2048xf32, #tpu.memory_space<hbm>> -> memref<2048xf32, #tpu.memory_space<hbm>>
      %dma_wait3A_1786 = tpu.memref_slice %arg5[%add3A_1757, %dma_wait3A_1781, %mul3A_1759] : memref<200x4x32768xf32, #tpu.memory_space<hbm>> -> memref<1x1x2048xf32, #tpu.memory_space<hbm>>
      %dma_wait3A_1787 = tpu.memref_squeeze %dma_wait3A_1786 : memref<1x1x2048xf32, #tpu.memory_space<hbm>> -> memref<2048xf32, #tpu.memory_space<hbm>>
      %dma_wait3A_1788 = arith.constant 4096 : i32
      %dma_wait3A_1789 = tpu.memref_slice %arg14[%dma_wait3A_1788] : memref<8192xf32, #tpu.memory_space<vmem>> -> memref<2048xf32, #tpu.memory_space<vmem>>
      tpu.wait_dma2 semaphore(%arg29 : memref<!tpu.dma_semaphore, #tpu.memory_space<semaphore_mem>>) src(%dma_wait3A_1789 : memref<2048xf32, #tpu.memory_space<vmem>>) dst(%dma_wait3A_1787 : memref<2048xf32, #tpu.memory_space<hbm>>)
      %dma_wait3A_1790 = arith.constant 3 : i32
      %dma_wait3A_1791 = arith.constant 6144 : i32
      %dma_wait3A_1792 = tpu.memref_slice %arg14[%dma_wait3A_1791] : memref<8192xf32, #tpu.memory_space<vmem>> -> memref<2048xf32, #tpu.memory_space<vmem>>
      %dma_wait3A_1793 = tpu.memref_slice %arg5[%add3A_1760, %dma_wait3A_1790, %mul3A_1762] : memref<200x4x32768xf32, #tpu.memory_space<hbm>> -> memref<1x1x2048xf32, #tpu.memory_space<hbm>>
      %dma_wait3A_1794 = tpu.memref_squeeze %dma_wait3A_1793 : memref<1x1x2048xf32, #tpu.memory_space<hbm>> -> memref<2048xf32, #tpu.memory_space<hbm>>
      %dma_wait3A_1795 = tpu.memref_slice %arg5[%add3A_1760, %dma_wait3A_1790, %mul3A_1762] : memref<200x4x32768xf32, #tpu.memory_space<hbm>> -> memref<1x1x2048xf32, #tpu.memory_space<hbm>>
      %dma_wait3A_1796 = tpu.memref_squeeze %dma_wait3A_1795 : memref<1x1x2048xf32, #tpu.memory_space<hbm>> -> memref<2048xf32, #tpu.memory_space<hbm>>
      %dma_wait3A_1797 = arith.constant 6144 : i32
      %dma_wait3A_1798 = tpu.memref_slice %arg14[%dma_wait3A_1797] : memref<8192xf32, #tpu.memory_space<vmem>> -> memref<2048xf32, #tpu.memory_space<vmem>>
      tpu.wait_dma2 semaphore(%arg30 : memref<!tpu.dma_semaphore, #tpu.memory_space<semaphore_mem>>) src(%dma_wait3A_1798 : memref<2048xf32, #tpu.memory_space<vmem>>) dst(%dma_wait3A_1796 : memref<2048xf32, #tpu.memory_space<hbm>>)
      %shift_right_logical3A_1799 = arith.constant 2 : i32
      %shift_right_logical3A_1800 = arith.shrui %add3A_1730, %shift_right_logical3A_1799 : i32
      %and3A_1801 = arith.constant 3 : i32
      %and3A_1802 = arith.andi %add3A_1730, %and3A_1801 : i32
      %get3A_1803 = arith.index_cast %shift_right_logical3A_1800 : i32 to index
      %get3A_1804 = arith.constant 0 : index
      %get3A_1805 = tpu.vector_load %arg7[%get3A_1803, %get3A_1804] {strides = array<i32>} : memref<25x32xf32, #tpu.memory_space<vmem>>, vector<16xf32>,
      %get3A_1806 = arith.index_cast %shift_right_logical3A_1800 : i32 to index
      %get3A_1807 = arith.constant 16 : index
      %get3A_1808 = tpu.vector_load %arg7[%get3A_1806, %get3A_1807] {strides = array<i32>} : memref<25x32xf32, #tpu.memory_space<vmem>>, vector<16xf32>,
      %parallel_loop3A_1809 = arith.constant 0 : i32
      %parallel_loop3A_1810 = arith.constant 256 : i32
      %parallel_loop3A_1811 = arith.constant 1 : i32
      scf.for %parallel_loop3A_2339 = %parallel_loop3A_1809 to %parallel_loop3A_1810 step %parallel_loop3A_1811  : i32 {
        %parallel_loop3A_2340 = arith.constant 7 : i32
        %parallel_loop3A_2341 = arith.shrui %parallel_loop3A_2339, %parallel_loop3A_2340 : i32
        %parallel_loop3A_2342 = arith.constant 1024 : i32
        %parallel_loop3A_2343 = arith.muli %parallel_loop3A_2341, %parallel_loop3A_2342 : i32
        %parallel_loop3A_2344 = arith.constant 127 : i32
        %parallel_loop3A_2345 = arith.andi %parallel_loop3A_2339, %parallel_loop3A_2344 : i32
        %parallel_loop3A_2346 = arith.addi %parallel_loop3A_2343, %parallel_loop3A_2345 : i32
        %parallel_loop3A_2347 = arith.index_cast %parallel_loop3A_2339 : i32 to index
        %parallel_loop3A_2348 = arith.constant 0 : index
        %parallel_loop3A_2349 = tpu.vector_load %arg9[%parallel_loop3A_2347, %parallel_loop3A_2348] {strides = array<i32>} : memref<256x32xf32, #tpu.memory_space<vmem>>, vector<16xf32>,
        %parallel_loop3A_2350 = arith.index_cast %parallel_loop3A_2339 : i32 to index
        %parallel_loop3A_2351 = arith.constant 16 : index
        %parallel_loop3A_2352 = tpu.vector_load %arg9[%parallel_loop3A_2350, %parallel_loop3A_2351] {strides = array<i32>} : memref<256x32xf32, #tpu.memory_space<vmem>>, vector<16xf32>,
        %parallel_loop3A_2353 = vector.broadcast %parallel_loop3A_2346 : i32 to vector<16xi32>
        %parallel_loop3A_2354 = arith.addi %add3A_17, %parallel_loop3A_2353 : vector<16xi32>
        %parallel_loop3A_2355 = arith.addf %parallel_loop3A_2349, %get3A_1805 : vector<16xf32>
        tpu.vector_store_idx %arg14[%parallel_loop3A_2354], %parallel_loop3A_2355 : memref<8192xf32, #tpu.memory_space<vmem>>[vector<16xi32>], vector<16xf32>,
        %parallel_loop3A_2356 = vector.broadcast %parallel_loop3A_2346 : i32 to vector<16xi32>
        %parallel_loop3A_2357 = arith.addi %add3A_20, %parallel_loop3A_2356 : vector<16xi32>
        %parallel_loop3A_2358 = arith.addf %parallel_loop3A_2352, %get3A_1808 : vector<16xf32>
        tpu.vector_store_idx %arg14[%parallel_loop3A_2357], %parallel_loop3A_2358 : memref<8192xf32, #tpu.memory_space<vmem>>[vector<16xi32>], vector<16xf32>,
      } {sc.loop_unroll_factor = 8 : i64, sc.parallel_access}
      %add3A_1812 = arith.constant 5 : i32
      %add3A_1813 = arith.addi %add3A_1730, %add3A_1812 : i32
      %shift_right_logical3A_1814 = arith.constant 2 : i32
      %shift_right_logical3A_1815 = arith.shrui %add3A_1813, %shift_right_logical3A_1814 : i32
      %and3A_1816 = arith.constant 3 : i32
      %and3A_1817 = arith.andi %add3A_1813, %and3A_1816 : i32
      %mul3A_1818 = arith.constant 256 : i32
      %mul3A_1819 = arith.muli %and3A_1817, %mul3A_1818 : i32
      %dma_start3A_1820 = tpu.memref_slice %arg6[%shift_right_logical3A_1815, %mul3A_1819] : memref<25x1024xi32, #tpu.memory_space<vmem>> -> memref<1x256xi32, #tpu.memory_space<vmem>>
      %dma_start3A_1821 = tpu.memref_squeeze %dma_start3A_1820 : memref<1x256xi32, #tpu.memory_space<vmem>> -> memref<256xi32, #tpu.memory_space<vmem>>
      %dma_start3A_1822 = arith.constant 0 : i32
      %dma_start3A_1823 = arith.constant 0 : i32
      %dma_start3A_1824 = tpu.memref_slice %arg3[%dma_start3A_1822, %dma_start3A_1823] : memref<1000000x32xf32, #tpu.memory_space<hbm>> -> memref<1000000x32xf32, #tpu.memory_space<hbm>>
      tpu.enqueue_indirect_dma source(%dma_start3A_1824 : memref<1000000x32xf32, #tpu.memory_space<hbm>>) target(%arg9 : memref<256x32xf32, #tpu.memory_space<vmem>>) offsets(%dma_start3A_1821 : memref<256xi32, #tpu.memory_space<vmem>>) semaphore(%arg19 : memref<!tpu.dma_semaphore, #tpu.memory_space<semaphore_mem>>)
      %shift_right_logical3A_1825 = arith.constant 2 : i32
      %shift_right_logical3A_1826 = arith.shrui %add3A_1730, %shift_right_logical3A_1825 : i32
      %and3A_1827 = arith.constant 3 : i32
      %and3A_1828 = arith.andi %add3A_1730, %and3A_1827 : i32
      %mul3A_1829 = arith.constant 4 : i32
      %mul3A_1830 = arith.muli %and3A_2, %mul3A_1829 : i32
      %add3A_1831 = arith.addi %mul3A_1830, %and3A_1828 : i32
      %add3A_1832 = arith.addi %mul3A_4, %shift_right_logical3A_1826 : i32
      %mul3A_1833 = arith.constant 2048 : i32
      %mul3A_1834 = arith.muli %add3A_1831, %mul3A_1833 : i32
      %add3A_1835 = arith.addi %mul3A_4, %shift_right_logical3A_1826 : i32
      %mul3A_1836 = arith.constant 2048 : i32
      %mul3A_1837 = arith.muli %add3A_1831, %mul3A_1836 : i32
      %add3A_1838 = arith.addi %mul3A_4, %shift_right_logical3A_1826 : i32
      %mul3A_1839 = arith.constant 2048 : i32
      %mul3A_1840 = arith.muli %add3A_1831, %mul3A_1839 : i32
      %add3A_1841 = arith.addi %mul3A_4, %shift_right_logical3A_1826 : i32
      %mul3A_1842 = arith.constant 2048 : i32
      %mul3A_1843 = arith.muli %add3A_1831, %mul3A_1842 : i32
      %dma_start3A_1844 = arith.constant 0 : i32
      %dma_start3A_1845 = arith.constant 0 : i32
      %dma_start3A_1846 = tpu.memref_slice %arg14[%dma_start3A_1845] : memref<8192xf32, #tpu.memory_space<vmem>> -> memref<2048xf32, #tpu.memory_space<vmem>>
      %dma_start3A_1847 = tpu.memref_slice %arg5[%add3A_1832, %dma_start3A_1844, %mul3A_1834] : memref<200x4x32768xf32, #tpu.memory_space<hbm>> -> memref<1x1x2048xf32, #tpu.memory_space<hbm>>
      %dma_start3A_1848 = tpu.memref_squeeze %dma_start3A_1847 : memref<1x1x2048xf32, #tpu.memory_space<hbm>> -> memref<2048xf32, #tpu.memory_space<hbm>>
      %dma_start3A_1849 = tpu.memref_slice %arg5[%add3A_1832, %dma_start3A_1844, %mul3A_1834] : memref<200x4x32768xf32, #tpu.memory_space<hbm>> -> memref<1x1x2048xf32, #tpu.memory_space<hbm>>
      %dma_start3A_1850 = tpu.memref_squeeze %dma_start3A_1849 : memref<1x1x2048xf32, #tpu.memory_space<hbm>> -> memref<2048xf32, #tpu.memory_space<hbm>>
      %dma_start3A_1851 = arith.constant 0 : i32
      %dma_start3A_1852 = tpu.memref_slice %arg14[%dma_start3A_1851] : memref<8192xf32, #tpu.memory_space<vmem>> -> memref<2048xf32, #tpu.memory_space<vmem>>
      tpu.enqueue_dma source(%dma_start3A_1852 : memref<2048xf32, #tpu.memory_space<vmem>>) target(%dma_start3A_1850 : memref<2048xf32, #tpu.memory_space<hbm>>) target_semaphore(%arg27 : memref<!tpu.dma_semaphore, #tpu.memory_space<semaphore_mem>>)
      %dma_start3A_1853 = arith.constant 1 : i32
      %dma_start3A_1854 = arith.constant 2048 : i32
      %dma_start3A_1855 = tpu.memref_slice %arg14[%dma_start3A_1854] : memref<8192xf32, #tpu.memory_space<vmem>> -> memref<2048xf32, #tpu.memory_space<vmem>>
      %dma_start3A_1856 = tpu.memref_slice %arg5[%add3A_1835, %dma_start3A_1853, %mul3A_1837] : memref<200x4x32768xf32, #tpu.memory_space<hbm>> -> memref<1x1x2048xf32, #tpu.memory_space<hbm>>
      %dma_start3A_1857 = tpu.memref_squeeze %dma_start3A_1856 : memref<1x1x2048xf32, #tpu.memory_space<hbm>> -> memref<2048xf32, #tpu.memory_space<hbm>>
      %dma_start3A_1858 = tpu.memref_slice %arg5[%add3A_1835, %dma_start3A_1853, %mul3A_1837] : memref<200x4x32768xf32, #tpu.memory_space<hbm>> -> memref<1x1x2048xf32, #tpu.memory_space<hbm>>
      %dma_start3A_1859 = tpu.memref_squeeze %dma_start3A_1858 : memref<1x1x2048xf32, #tpu.memory_space<hbm>> -> memref<2048xf32, #tpu.memory_space<hbm>>
      %dma_start3A_1860 = arith.constant 2048 : i32
      %dma_start3A_1861 = tpu.memref_slice %arg14[%dma_start3A_1860] : memref<8192xf32, #tpu.memory_space<vmem>> -> memref<2048xf32, #tpu.memory_space<vmem>>
      tpu.enqueue_dma source(%dma_start3A_1861 : memref<2048xf32, #tpu.memory_space<vmem>>) target(%dma_start3A_1859 : memref<2048xf32, #tpu.memory_space<hbm>>) target_semaphore(%arg28 : memref<!tpu.dma_semaphore, #tpu.memory_space<semaphore_mem>>)
      %dma_start3A_1862 = arith.constant 2 : i32
      %dma_start3A_1863 = arith.constant 4096 : i32
      %dma_start3A_1864 = tpu.memref_slice %arg14[%dma_start3A_1863] : memref<8192xf32, #tpu.memory_space<vmem>> -> memref<2048xf32, #tpu.memory_space<vmem>>
      %dma_start3A_1865 = tpu.memref_slice %arg5[%add3A_1838, %dma_start3A_1862, %mul3A_1840] : memref<200x4x32768xf32, #tpu.memory_space<hbm>> -> memref<1x1x2048xf32, #tpu.memory_space<hbm>>
      %dma_start3A_1866 = tpu.memref_squeeze %dma_start3A_1865 : memref<1x1x2048xf32, #tpu.memory_space<hbm>> -> memref<2048xf32, #tpu.memory_space<hbm>>
      %dma_start3A_1867 = tpu.memref_slice %arg5[%add3A_1838, %dma_start3A_1862, %mul3A_1840] : memref<200x4x32768xf32, #tpu.memory_space<hbm>> -> memref<1x1x2048xf32, #tpu.memory_space<hbm>>
      %dma_start3A_1868 = tpu.memref_squeeze %dma_start3A_1867 : memref<1x1x2048xf32, #tpu.memory_space<hbm>> -> memref<2048xf32, #tpu.memory_space<hbm>>
      %dma_start3A_1869 = arith.constant 4096 : i32
      %dma_start3A_1870 = tpu.memref_slice %arg14[%dma_start3A_1869] : memref<8192xf32, #tpu.memory_space<vmem>> -> memref<2048xf32, #tpu.memory_space<vmem>>
      tpu.enqueue_dma source(%dma_start3A_1870 : memref<2048xf32, #tpu.memory_space<vmem>>) target(%dma_start3A_1868 : memref<2048xf32, #tpu.memory_space<hbm>>) target_semaphore(%arg29 : memref<!tpu.dma_semaphore, #tpu.memory_space<semaphore_mem>>)
      %dma_start3A_1871 = arith.constant 3 : i32
      %dma_start3A_1872 = arith.constant 6144 : i32
      %dma_start3A_1873 = tpu.memref_slice %arg14[%dma_start3A_1872] : memref<8192xf32, #tpu.memory_space<vmem>> -> memref<2048xf32, #tpu.memory_space<vmem>>
      %dma_start3A_1874 = tpu.memref_slice %arg5[%add3A_1841, %dma_start3A_1871, %mul3A_1843] : memref<200x4x32768xf32, #tpu.memory_space<hbm>> -> memref<1x1x2048xf32, #tpu.memory_space<hbm>>
      %dma_start3A_1875 = tpu.memref_squeeze %dma_start3A_1874 : memref<1x1x2048xf32, #tpu.memory_space<hbm>> -> memref<2048xf32, #tpu.memory_space<hbm>>
      %dma_start3A_1876 = tpu.memref_slice %arg5[%add3A_1841, %dma_start3A_1871, %mul3A_1843] : memref<200x4x32768xf32, #tpu.memory_space<hbm>> -> memref<1x1x2048xf32, #tpu.memory_space<hbm>>
      %dma_start3A_1877 = tpu.memref_squeeze %dma_start3A_1876 : memref<1x1x2048xf32, #tpu.memory_space<hbm>> -> memref<2048xf32, #tpu.memory_space<hbm>>
      %dma_start3A_1878 = arith.constant 6144 : i32
      %dma_start3A_1879 = tpu.memref_slice %arg14[%dma_start3A_1878] : memref<8192xf32, #tpu.memory_space<vmem>> -> memref<2048xf32, #tpu.memory_space<vmem>>
      tpu.enqueue_dma source(%dma_start3A_1879 : memref<2048xf32, #tpu.memory_space<vmem>>) target(%dma_start3A_1877 : memref<2048xf32, #tpu.memory_space<hbm>>) target_semaphore(%arg30 : memref<!tpu.dma_semaphore, #tpu.memory_space<semaphore_mem>>)
      %mul3A_1880 = arith.constant 5 : i32
      %mul3A_1881 = arith.muli %scan3A_1574, %mul3A_1880 : i32
      %add3A_1882 = arith.constant 2 : i32
      %add3A_1883 = arith.addi %mul3A_1881, %add3A_1882 : i32
      %shift_right_logical3A_1884 = arith.constant 2 : i32
      %shift_right_logical3A_1885 = arith.shrui %add3A_1883, %shift_right_logical3A_1884 : i32
      %and3A_1886 = arith.constant 3 : i32
      %and3A_1887 = arith.andi %add3A_1883, %and3A_1886 : i32
      %mul3A_1888 = arith.constant 256 : i32
      %mul3A_1889 = arith.muli %and3A_1887, %mul3A_1888 : i32
      %dma_wait3A_1890 = tpu.memref_slice %arg6[%shift_right_logical3A_1885, %mul3A_1889] : memref<25x1024xi32, #tpu.memory_space<vmem>> -> memref<1x256xi32, #tpu.memory_space<vmem>>
      %dma_wait3A_1891 = tpu.memref_squeeze %dma_wait3A_1890 : memref<1x256xi32, #tpu.memory_space<vmem>> -> memref<256xi32, #tpu.memory_space<vmem>>
      %dma_wait3A_1892 = arith.constant 0 : i32
      %dma_wait3A_1893 = arith.constant 0 : i32
      %dma_wait3A_1894 = tpu.memref_slice %arg3[%dma_wait3A_1892, %dma_wait3A_1893] : memref<1000000x32xf32, #tpu.memory_space<hbm>> -> memref<1000000x32xf32, #tpu.memory_space<hbm>>
      tpu.wait_indirect_dma semaphore(%arg20 : memref<!tpu.dma_semaphore, #tpu.memory_space<semaphore_mem>>) src(%dma_wait3A_1894 : memref<1000000x32xf32, #tpu.memory_space<hbm>>) dst(%arg10 : memref<256x32xf32, #tpu.memory_space<vmem>>)
      %sub3A_1895 = arith.constant 5 : i32
      %sub3A_1896 = arith.subi %add3A_1883, %sub3A_1895 : i32
      %shift_right_logical3A_1897 = arith.constant 2 : i32
      %shift_right_logical3A_1898 = arith.shrui %sub3A_1896, %shift_right_logical3A_1897 : i32
      %and3A_1899 = arith.constant 3 : i32
      %and3A_1900 = arith.andi %sub3A_1896, %and3A_1899 : i32
      %mul3A_1901 = arith.constant 4 : i32
      %mul3A_1902 = arith.muli %and3A_2, %mul3A_1901 : i32
      %add3A_1903 = arith.addi %mul3A_1902, %and3A_1900 : i32
      %add3A_1904 = arith.addi %mul3A_4, %shift_right_logical3A_1898 : i32
      %mul3A_1905 = arith.constant 2048 : i32
      %mul3A_1906 = arith.muli %add3A_1903, %mul3A_1905 : i32
      %add3A_1907 = arith.addi %mul3A_4, %shift_right_logical3A_1898 : i32
      %mul3A_1908 = arith.constant 2048 : i32
      %mul3A_1909 = arith.muli %add3A_1903, %mul3A_1908 : i32
      %add3A_1910 = arith.addi %mul3A_4, %shift_right_logical3A_1898 : i32
      %mul3A_1911 = arith.constant 2048 : i32
      %mul3A_1912 = arith.muli %add3A_1903, %mul3A_1911 : i32
      %add3A_1913 = arith.addi %mul3A_4, %shift_right_logical3A_1898 : i32
      %mul3A_1914 = arith.constant 2048 : i32
      %mul3A_1915 = arith.muli %add3A_1903, %mul3A_1914 : i32
      %dma_wait3A_1916 = arith.constant 0 : i32
      %dma_wait3A_1917 = arith.constant 0 : i32
      %dma_wait3A_1918 = tpu.memref_slice %arg15[%dma_wait3A_1917] : memref<8192xf32, #tpu.memory_space<vmem>> -> memref<2048xf32, #tpu.memory_space<vmem>>
      %dma_wait3A_1919 = tpu.memref_slice %arg5[%add3A_1904, %dma_wait3A_1916, %mul3A_1906] : memref<200x4x32768xf32, #tpu.memory_space<hbm>> -> memref<1x1x2048xf32, #tpu.memory_space<hbm>>
      %dma_wait3A_1920 = tpu.memref_squeeze %dma_wait3A_1919 : memref<1x1x2048xf32, #tpu.memory_space<hbm>> -> memref<2048xf32, #tpu.memory_space<hbm>>
      %dma_wait3A_1921 = tpu.memref_slice %arg5[%add3A_1904, %dma_wait3A_1916, %mul3A_1906] : memref<200x4x32768xf32, #tpu.memory_space<hbm>> -> memref<1x1x2048xf32, #tpu.memory_space<hbm>>
      %dma_wait3A_1922 = tpu.memref_squeeze %dma_wait3A_1921 : memref<1x1x2048xf32, #tpu.memory_space<hbm>> -> memref<2048xf32, #tpu.memory_space<hbm>>
      %dma_wait3A_1923 = arith.constant 0 : i32
      %dma_wait3A_1924 = tpu.memref_slice %arg15[%dma_wait3A_1923] : memref<8192xf32, #tpu.memory_space<vmem>> -> memref<2048xf32, #tpu.memory_space<vmem>>
      tpu.wait_dma2 semaphore(%arg31 : memref<!tpu.dma_semaphore, #tpu.memory_space<semaphore_mem>>) src(%dma_wait3A_1924 : memref<2048xf32, #tpu.memory_space<vmem>>) dst(%dma_wait3A_1922 : memref<2048xf32, #tpu.memory_space<hbm>>)
      %dma_wait3A_1925 = arith.constant 1 : i32
      %dma_wait3A_1926 = arith.constant 2048 : i32
      %dma_wait3A_1927 = tpu.memref_slice %arg15[%dma_wait3A_1926] : memref<8192xf32, #tpu.memory_space<vmem>> -> memref<2048xf32, #tpu.memory_space<vmem>>
      %dma_wait3A_1928 = tpu.memref_slice %arg5[%add3A_1907, %dma_wait3A_1925, %mul3A_1909] : memref<200x4x32768xf32, #tpu.memory_space<hbm>> -> memref<1x1x2048xf32, #tpu.memory_space<hbm>>
      %dma_wait3A_1929 = tpu.memref_squeeze %dma_wait3A_1928 : memref<1x1x2048xf32, #tpu.memory_space<hbm>> -> memref<2048xf32, #tpu.memory_space<hbm>>
      %dma_wait3A_1930 = tpu.memref_slice %arg5[%add3A_1907, %dma_wait3A_1925, %mul3A_1909] : memref<200x4x32768xf32, #tpu.memory_space<hbm>> -> memref<1x1x2048xf32, #tpu.memory_space<hbm>>
      %dma_wait3A_1931 = tpu.memref_squeeze %dma_wait3A_1930 : memref<1x1x2048xf32, #tpu.memory_space<hbm>> -> memref<2048xf32, #tpu.memory_space<hbm>>
      %dma_wait3A_1932 = arith.constant 2048 : i32
      %dma_wait3A_1933 = tpu.memref_slice %arg15[%dma_wait3A_1932] : memref<8192xf32, #tpu.memory_space<vmem>> -> memref<2048xf32, #tpu.memory_space<vmem>>
      tpu.wait_dma2 semaphore(%arg32 : memref<!tpu.dma_semaphore, #tpu.memory_space<semaphore_mem>>) src(%dma_wait3A_1933 : memref<2048xf32, #tpu.memory_space<vmem>>) dst(%dma_wait3A_1931 : memref<2048xf32, #tpu.memory_space<hbm>>)
      %dma_wait3A_1934 = arith.constant 2 : i32
      %dma_wait3A_1935 = arith.constant 4096 : i32
      %dma_wait3A_1936 = tpu.memref_slice %arg15[%dma_wait3A_1935] : memref<8192xf32, #tpu.memory_space<vmem>> -> memref<2048xf32, #tpu.memory_space<vmem>>
      %dma_wait3A_1937 = tpu.memref_slice %arg5[%add3A_1910, %dma_wait3A_1934, %mul3A_1912] : memref<200x4x32768xf32, #tpu.memory_space<hbm>> -> memref<1x1x2048xf32, #tpu.memory_space<hbm>>
      %dma_wait3A_1938 = tpu.memref_squeeze %dma_wait3A_1937 : memref<1x1x2048xf32, #tpu.memory_space<hbm>> -> memref<2048xf32, #tpu.memory_space<hbm>>
      %dma_wait3A_1939 = tpu.memref_slice %arg5[%add3A_1910, %dma_wait3A_1934, %mul3A_1912] : memref<200x4x32768xf32, #tpu.memory_space<hbm>> -> memref<1x1x2048xf32, #tpu.memory_space<hbm>>
      %dma_wait3A_1940 = tpu.memref_squeeze %dma_wait3A_1939 : memref<1x1x2048xf32, #tpu.memory_space<hbm>> -> memref<2048xf32, #tpu.memory_space<hbm>>
      %dma_wait3A_1941 = arith.constant 4096 : i32
      %dma_wait3A_1942 = tpu.memref_slice %arg15[%dma_wait3A_1941] : memref<8192xf32, #tpu.memory_space<vmem>> -> memref<2048xf32, #tpu.memory_space<vmem>>
      tpu.wait_dma2 semaphore(%arg33 : memref<!tpu.dma_semaphore, #tpu.memory_space<semaphore_mem>>) src(%dma_wait3A_1942 : memref<2048xf32, #tpu.memory_space<vmem>>) dst(%dma_wait3A_1940 : memref<2048xf32, #tpu.memory_space<hbm>>)
      %dma_wait3A_1943 = arith.constant 3 : i32
      %dma_wait3A_1944 = arith.constant 6144 : i32
      %dma_wait3A_1945 = tpu.memref_slice %arg15[%dma_wait3A_1944] : memref<8192xf32, #tpu.memory_space<vmem>> -> memref<2048xf32, #tpu.memory_space<vmem>>
      %dma_wait3A_1946 = tpu.memref_slice %arg5[%add3A_1913, %dma_wait3A_1943, %mul3A_1915] : memref<200x4x32768xf32, #tpu.memory_space<hbm>> -> memref<1x1x2048xf32, #tpu.memory_space<hbm>>
      %dma_wait3A_1947 = tpu.memref_squeeze %dma_wait3A_1946 : memref<1x1x2048xf32, #tpu.memory_space<hbm>> -> memref<2048xf32, #tpu.memory_space<hbm>>
      %dma_wait3A_1948 = tpu.memref_slice %arg5[%add3A_1913, %dma_wait3A_1943, %mul3A_1915] : memref<200x4x32768xf32, #tpu.memory_space<hbm>> -> memref<1x1x2048xf32, #tpu.memory_space<hbm>>
      %dma_wait3A_1949 = tpu.memref_squeeze %dma_wait3A_1948 : memref<1x1x2048xf32, #tpu.memory_space<hbm>> -> memref<2048xf32, #tpu.memory_space<hbm>>
      %dma_wait3A_1950 = arith.constant 6144 : i32
      %dma_wait3A_1951 = tpu.memref_slice %arg15[%dma_wait3A_1950] : memref<8192xf32, #tpu.memory_space<vmem>> -> memref<2048xf32, #tpu.memory_space<vmem>>
      tpu.wait_dma2 semaphore(%arg34 : memref<!tpu.dma_semaphore, #tpu.memory_space<semaphore_mem>>) src(%dma_wait3A_1951 : memref<2048xf32, #tpu.memory_space<vmem>>) dst(%dma_wait3A_1949 : memref<2048xf32, #tpu.memory_space<hbm>>)
      %shift_right_logical3A_1952 = arith.constant 2 : i32
      %shift_right_logical3A_1953 = arith.shrui %add3A_1883, %shift_right_logical3A_1952 : i32
      %and3A_1954 = arith.constant 3 : i32
      %and3A_1955 = arith.andi %add3A_1883, %and3A_1954 : i32
      %get3A_1956 = arith.index_cast %shift_right_logical3A_1953 : i32 to index
      %get3A_1957 = arith.constant 0 : index
      %get3A_1958 = tpu.vector_load %arg7[%get3A_1956, %get3A_1957] {strides = array<i32>} : memref<25x32xf32, #tpu.memory_space<vmem>>, vector<16xf32>,
      %get3A_1959 = arith.index_cast %shift_right_logical3A_1953 : i32 to index
      %get3A_1960 = arith.constant 16 : index
      %get3A_1961 = tpu.vector_load %arg7[%get3A_1959, %get3A_1960] {strides = array<i32>} : memref<25x32xf32, #tpu.memory_space<vmem>>, vector<16xf32>,
      %parallel_loop3A_1962 = arith.constant 0 : i32
      %parallel_loop3A_1963 = arith.constant 256 : i32
      %parallel_loop3A_1964 = arith.constant 1 : i32
      scf.for %parallel_loop3A_2339 = %parallel_loop3A_1962 to %parallel_loop3A_1963 step %parallel_loop3A_1964  : i32 {
        %parallel_loop3A_2340 = arith.constant 7 : i32
        %parallel_loop3A_2341 = arith.shrui %parallel_loop3A_2339, %parallel_loop3A_2340 : i32
        %parallel_loop3A_2342 = arith.constant 1024 : i32
        %parallel_loop3A_2343 = arith.muli %parallel_loop3A_2341, %parallel_loop3A_2342 : i32
        %parallel_loop3A_2344 = arith.constant 127 : i32
        %parallel_loop3A_2345 = arith.andi %parallel_loop3A_2339, %parallel_loop3A_2344 : i32
        %parallel_loop3A_2346 = arith.addi %parallel_loop3A_2343, %parallel_loop3A_2345 : i32
        %parallel_loop3A_2347 = arith.index_cast %parallel_loop3A_2339 : i32 to index
        %parallel_loop3A_2348 = arith.constant 0 : index
        %parallel_loop3A_2349 = tpu.vector_load %arg10[%parallel_loop3A_2347, %parallel_loop3A_2348] {strides = array<i32>} : memref<256x32xf32, #tpu.memory_space<vmem>>, vector<16xf32>,
        %parallel_loop3A_2350 = arith.index_cast %parallel_loop3A_2339 : i32 to index
        %parallel_loop3A_2351 = arith.constant 16 : index
        %parallel_loop3A_2352 = tpu.vector_load %arg10[%parallel_loop3A_2350, %parallel_loop3A_2351] {strides = array<i32>} : memref<256x32xf32, #tpu.memory_space<vmem>>, vector<16xf32>,
        %parallel_loop3A_2353 = vector.broadcast %parallel_loop3A_2346 : i32 to vector<16xi32>
        %parallel_loop3A_2354 = arith.addi %add3A_17, %parallel_loop3A_2353 : vector<16xi32>
        %parallel_loop3A_2355 = arith.addf %parallel_loop3A_2349, %get3A_1958 : vector<16xf32>
        tpu.vector_store_idx %arg15[%parallel_loop3A_2354], %parallel_loop3A_2355 : memref<8192xf32, #tpu.memory_space<vmem>>[vector<16xi32>], vector<16xf32>,
        %parallel_loop3A_2356 = vector.broadcast %parallel_loop3A_2346 : i32 to vector<16xi32>
        %parallel_loop3A_2357 = arith.addi %add3A_20, %parallel_loop3A_2356 : vector<16xi32>
        %parallel_loop3A_2358 = arith.addf %parallel_loop3A_2352, %get3A_1961 : vector<16xf32>
        tpu.vector_store_idx %arg15[%parallel_loop3A_2357], %parallel_loop3A_2358 : memref<8192xf32, #tpu.memory_space<vmem>>[vector<16xi32>], vector<16xf32>,
      } {sc.loop_unroll_factor = 8 : i64, sc.parallel_access}
      %add3A_1965 = arith.constant 5 : i32
      %add3A_1966 = arith.addi %add3A_1883, %add3A_1965 : i32
      %shift_right_logical3A_1967 = arith.constant 2 : i32
      %shift_right_logical3A_1968 = arith.shrui %add3A_1966, %shift_right_logical3A_1967 : i32
      %and3A_1969 = arith.constant 3 : i32
      %and3A_1970 = arith.andi %add3A_1966, %and3A_1969 : i32
      %mul3A_1971 = arith.constant 256 : i32
      %mul3A_1972 = arith.muli %and3A_1970, %mul3A_1971 : i32
      %dma_start3A_1973 = tpu.memref_slice %arg6[%shift_right_logical3A_1968, %mul3A_1972] : memref<25x1024xi32, #tpu.memory_space<vmem>> -> memref<1x256xi32, #tpu.memory_space<vmem>>
      %dma_start3A_1974 = tpu.memref_squeeze %dma_start3A_1973 : memref<1x256xi32, #tpu.memory_space<vmem>> -> memref<256xi32, #tpu.memory_space<vmem>>
      %dma_start3A_1975 = arith.constant 0 : i32
      %dma_start3A_1976 = arith.constant 0 : i32
      %dma_start3A_1977 = tpu.memref_slice %arg3[%dma_start3A_1975, %dma_start3A_1976] : memref<1000000x32xf32, #tpu.memory_space<hbm>> -> memref<1000000x32xf32, #tpu.memory_space<hbm>>
      tpu.enqueue_indirect_dma source(%dma_start3A_1977 : memref<1000000x32xf32, #tpu.memory_space<hbm>>) target(%arg10 : memref<256x32xf32, #tpu.memory_space<vmem>>) offsets(%dma_start3A_1974 : memref<256xi32, #tpu.memory_space<vmem>>) semaphore(%arg20 : memref<!tpu.dma_semaphore, #tpu.memory_space<semaphore_mem>>)
      %shift_right_logical3A_1978 = arith.constant 2 : i32
      %shift_right_logical3A_1979 = arith.shrui %add3A_1883, %shift_right_logical3A_1978 : i32
      %and3A_1980 = arith.constant 3 : i32
      %and3A_1981 = arith.andi %add3A_1883, %and3A_1980 : i32
      %mul3A_1982 = arith.constant 4 : i32
      %mul3A_1983 = arith.muli %and3A_2, %mul3A_1982 : i32
      %add3A_1984 = arith.addi %mul3A_1983, %and3A_1981 : i32
      %add3A_1985 = arith.addi %mul3A_4, %shift_right_logical3A_1979 : i32
      %mul3A_1986 = arith.constant 2048 : i32
      %mul3A_1987 = arith.muli %add3A_1984, %mul3A_1986 : i32
      %add3A_1988 = arith.addi %mul3A_4, %shift_right_logical3A_1979 : i32
      %mul3A_1989 = arith.constant 2048 : i32
      %mul3A_1990 = arith.muli %add3A_1984, %mul3A_1989 : i32
      %add3A_1991 = arith.addi %mul3A_4, %shift_right_logical3A_1979 : i32
      %mul3A_1992 = arith.constant 2048 : i32
      %mul3A_1993 = arith.muli %add3A_1984, %mul3A_1992 : i32
      %add3A_1994 = arith.addi %mul3A_4, %shift_right_logical3A_1979 : i32
      %mul3A_1995 = arith.constant 2048 : i32
      %mul3A_1996 = arith.muli %add3A_1984, %mul3A_1995 : i32
      %dma_start3A_1997 = arith.constant 0 : i32
      %dma_start3A_1998 = arith.constant 0 : i32
      %dma_start3A_1999 = tpu.memref_slice %arg15[%dma_start3A_1998] : memref<8192xf32, #tpu.memory_space<vmem>> -> memref<2048xf32, #tpu.memory_space<vmem>>
      %dma_start3A_2000 = tpu.memref_slice %arg5[%add3A_1985, %dma_start3A_1997, %mul3A_1987] : memref<200x4x32768xf32, #tpu.memory_space<hbm>> -> memref<1x1x2048xf32, #tpu.memory_space<hbm>>
      %dma_start3A_2001 = tpu.memref_squeeze %dma_start3A_2000 : memref<1x1x2048xf32, #tpu.memory_space<hbm>> -> memref<2048xf32, #tpu.memory_space<hbm>>
      %dma_start3A_2002 = tpu.memref_slice %arg5[%add3A_1985, %dma_start3A_1997, %mul3A_1987] : memref<200x4x32768xf32, #tpu.memory_space<hbm>> -> memref<1x1x2048xf32, #tpu.memory_space<hbm>>
      %dma_start3A_2003 = tpu.memref_squeeze %dma_start3A_2002 : memref<1x1x2048xf32, #tpu.memory_space<hbm>> -> memref<2048xf32, #tpu.memory_space<hbm>>
      %dma_start3A_2004 = arith.constant 0 : i32
      %dma_start3A_2005 = tpu.memref_slice %arg15[%dma_start3A_2004] : memref<8192xf32, #tpu.memory_space<vmem>> -> memref<2048xf32, #tpu.memory_space<vmem>>
      tpu.enqueue_dma source(%dma_start3A_2005 : memref<2048xf32, #tpu.memory_space<vmem>>) target(%dma_start3A_2003 : memref<2048xf32, #tpu.memory_space<hbm>>) target_semaphore(%arg31 : memref<!tpu.dma_semaphore, #tpu.memory_space<semaphore_mem>>)
      %dma_start3A_2006 = arith.constant 1 : i32
      %dma_start3A_2007 = arith.constant 2048 : i32
      %dma_start3A_2008 = tpu.memref_slice %arg15[%dma_start3A_2007] : memref<8192xf32, #tpu.memory_space<vmem>> -> memref<2048xf32, #tpu.memory_space<vmem>>
      %dma_start3A_2009 = tpu.memref_slice %arg5[%add3A_1988, %dma_start3A_2006, %mul3A_1990] : memref<200x4x32768xf32, #tpu.memory_space<hbm>> -> memref<1x1x2048xf32, #tpu.memory_space<hbm>>
      %dma_start3A_2010 = tpu.memref_squeeze %dma_start3A_2009 : memref<1x1x2048xf32, #tpu.memory_space<hbm>> -> memref<2048xf32, #tpu.memory_space<hbm>>
      %dma_start3A_2011 = tpu.memref_slice %arg5[%add3A_1988, %dma_start3A_2006, %mul3A_1990] : memref<200x4x32768xf32, #tpu.memory_space<hbm>> -> memref<1x1x2048xf32, #tpu.memory_space<hbm>>
      %dma_start3A_2012 = tpu.memref_squeeze %dma_start3A_2011 : memref<1x1x2048xf32, #tpu.memory_space<hbm>> -> memref<2048xf32, #tpu.memory_space<hbm>>
      %dma_start3A_2013 = arith.constant 2048 : i32
      %dma_start3A_2014 = tpu.memref_slice %arg15[%dma_start3A_2013] : memref<8192xf32, #tpu.memory_space<vmem>> -> memref<2048xf32, #tpu.memory_space<vmem>>
      tpu.enqueue_dma source(%dma_start3A_2014 : memref<2048xf32, #tpu.memory_space<vmem>>) target(%dma_start3A_2012 : memref<2048xf32, #tpu.memory_space<hbm>>) target_semaphore(%arg32 : memref<!tpu.dma_semaphore, #tpu.memory_space<semaphore_mem>>)
      %dma_start3A_2015 = arith.constant 2 : i32
      %dma_start3A_2016 = arith.constant 4096 : i32
      %dma_start3A_2017 = tpu.memref_slice %arg15[%dma_start3A_2016] : memref<8192xf32, #tpu.memory_space<vmem>> -> memref<2048xf32, #tpu.memory_space<vmem>>
      %dma_start3A_2018 = tpu.memref_slice %arg5[%add3A_1991, %dma_start3A_2015, %mul3A_1993] : memref<200x4x32768xf32, #tpu.memory_space<hbm>> -> memref<1x1x2048xf32, #tpu.memory_space<hbm>>
      %dma_start3A_2019 = tpu.memref_squeeze %dma_start3A_2018 : memref<1x1x2048xf32, #tpu.memory_space<hbm>> -> memref<2048xf32, #tpu.memory_space<hbm>>
      %dma_start3A_2020 = tpu.memref_slice %arg5[%add3A_1991, %dma_start3A_2015, %mul3A_1993] : memref<200x4x32768xf32, #tpu.memory_space<hbm>> -> memref<1x1x2048xf32, #tpu.memory_space<hbm>>
      %dma_start3A_2021 = tpu.memref_squeeze %dma_start3A_2020 : memref<1x1x2048xf32, #tpu.memory_space<hbm>> -> memref<2048xf32, #tpu.memory_space<hbm>>
      %dma_start3A_2022 = arith.constant 4096 : i32
      %dma_start3A_2023 = tpu.memref_slice %arg15[%dma_start3A_2022] : memref<8192xf32, #tpu.memory_space<vmem>> -> memref<2048xf32, #tpu.memory_space<vmem>>
      tpu.enqueue_dma source(%dma_start3A_2023 : memref<2048xf32, #tpu.memory_space<vmem>>) target(%dma_start3A_2021 : memref<2048xf32, #tpu.memory_space<hbm>>) target_semaphore(%arg33 : memref<!tpu.dma_semaphore, #tpu.memory_space<semaphore_mem>>)
      %dma_start3A_2024 = arith.constant 3 : i32
      %dma_start3A_2025 = arith.constant 6144 : i32
      %dma_start3A_2026 = tpu.memref_slice %arg15[%dma_start3A_2025] : memref<8192xf32, #tpu.memory_space<vmem>> -> memref<2048xf32, #tpu.memory_space<vmem>>
      %dma_start3A_2027 = tpu.memref_slice %arg5[%add3A_1994, %dma_start3A_2024, %mul3A_1996] : memref<200x4x32768xf32, #tpu.memory_space<hbm>> -> memref<1x1x2048xf32, #tpu.memory_space<hbm>>
      %dma_start3A_2028 = tpu.memref_squeeze %dma_start3A_2027 : memref<1x1x2048xf32, #tpu.memory_space<hbm>> -> memref<2048xf32, #tpu.memory_space<hbm>>
      %dma_start3A_2029 = tpu.memref_slice %arg5[%add3A_1994, %dma_start3A_2024, %mul3A_1996] : memref<200x4x32768xf32, #tpu.memory_space<hbm>> -> memref<1x1x2048xf32, #tpu.memory_space<hbm>>
      %dma_start3A_2030 = tpu.memref_squeeze %dma_start3A_2029 : memref<1x1x2048xf32, #tpu.memory_space<hbm>> -> memref<2048xf32, #tpu.memory_space<hbm>>
      %dma_start3A_2031 = arith.constant 6144 : i32
      %dma_start3A_2032 = tpu.memref_slice %arg15[%dma_start3A_2031] : memref<8192xf32, #tpu.memory_space<vmem>> -> memref<2048xf32, #tpu.memory_space<vmem>>
      tpu.enqueue_dma source(%dma_start3A_2032 : memref<2048xf32, #tpu.memory_space<vmem>>) target(%dma_start3A_2030 : memref<2048xf32, #tpu.memory_space<hbm>>) target_semaphore(%arg34 : memref<!tpu.dma_semaphore, #tpu.memory_space<semaphore_mem>>)
      %mul3A_2033 = arith.constant 5 : i32
      %mul3A_2034 = arith.muli %scan3A_1574, %mul3A_2033 : i32
      %add3A_2035 = arith.constant 3 : i32
      %add3A_2036 = arith.addi %mul3A_2034, %add3A_2035 : i32
      %shift_right_logical3A_2037 = arith.constant 2 : i32
      %shift_right_logical3A_2038 = arith.shrui %add3A_2036, %shift_right_logical3A_2037 : i32
      %and3A_2039 = arith.constant 3 : i32
      %and3A_2040 = arith.andi %add3A_2036, %and3A_2039 : i32
      %mul3A_2041 = arith.constant 256 : i32
      %mul3A_2042 = arith.muli %and3A_2040, %mul3A_2041 : i32
      %dma_wait3A_2043 = tpu.memref_slice %arg6[%shift_right_logical3A_2038, %mul3A_2042] : memref<25x1024xi32, #tpu.memory_space<vmem>> -> memref<1x256xi32, #tpu.memory_space<vmem>>
      %dma_wait3A_2044 = tpu.memref_squeeze %dma_wait3A_2043 : memref<1x256xi32, #tpu.memory_space<vmem>> -> memref<256xi32, #tpu.memory_space<vmem>>
      %dma_wait3A_2045 = arith.constant 0 : i32
      %dma_wait3A_2046 = arith.constant 0 : i32
      %dma_wait3A_2047 = tpu.memref_slice %arg3[%dma_wait3A_2045, %dma_wait3A_2046] : memref<1000000x32xf32, #tpu.memory_space<hbm>> -> memref<1000000x32xf32, #tpu.memory_space<hbm>>
      tpu.wait_indirect_dma semaphore(%arg21 : memref<!tpu.dma_semaphore, #tpu.memory_space<semaphore_mem>>) src(%dma_wait3A_2047 : memref<1000000x32xf32, #tpu.memory_space<hbm>>) dst(%arg11 : memref<256x32xf32, #tpu.memory_space<vmem>>)
      %sub3A_2048 = arith.constant 5 : i32
      %sub3A_2049 = arith.subi %add3A_2036, %sub3A_2048 : i32
      %shift_right_logical3A_2050 = arith.constant 2 : i32
      %shift_right_logical3A_2051 = arith.shrui %sub3A_2049, %shift_right_logical3A_2050 : i32
      %and3A_2052 = arith.constant 3 : i32
      %and3A_2053 = arith.andi %sub3A_2049, %and3A_2052 : i32
      %mul3A_2054 = arith.constant 4 : i32
      %mul3A_2055 = arith.muli %and3A_2, %mul3A_2054 : i32
      %add3A_2056 = arith.addi %mul3A_2055, %and3A_2053 : i32
      %add3A_2057 = arith.addi %mul3A_4, %shift_right_logical3A_2051 : i32
      %mul3A_2058 = arith.constant 2048 : i32
      %mul3A_2059 = arith.muli %add3A_2056, %mul3A_2058 : i32
      %add3A_2060 = arith.addi %mul3A_4, %shift_right_logical3A_2051 : i32
      %mul3A_2061 = arith.constant 2048 : i32
      %mul3A_2062 = arith.muli %add3A_2056, %mul3A_2061 : i32
      %add3A_2063 = arith.addi %mul3A_4, %shift_right_logical3A_2051 : i32
      %mul3A_2064 = arith.constant 2048 : i32
      %mul3A_2065 = arith.muli %add3A_2056, %mul3A_2064 : i32
      %add3A_2066 = arith.addi %mul3A_4, %shift_right_logical3A_2051 : i32
      %mul3A_2067 = arith.constant 2048 : i32
      %mul3A_2068 = arith.muli %add3A_2056, %mul3A_2067 : i32
      %dma_wait3A_2069 = arith.constant 0 : i32
      %dma_wait3A_2070 = arith.constant 0 : i32
      %dma_wait3A_2071 = tpu.memref_slice %arg16[%dma_wait3A_2070] : memref<8192xf32, #tpu.memory_space<vmem>> -> memref<2048xf32, #tpu.memory_space<vmem>>
      %dma_wait3A_2072 = tpu.memref_slice %arg5[%add3A_2057, %dma_wait3A_2069, %mul3A_2059] : memref<200x4x32768xf32, #tpu.memory_space<hbm>> -> memref<1x1x2048xf32, #tpu.memory_space<hbm>>
      %dma_wait3A_2073 = tpu.memref_squeeze %dma_wait3A_2072 : memref<1x1x2048xf32, #tpu.memory_space<hbm>> -> memref<2048xf32, #tpu.memory_space<hbm>>
      %dma_wait3A_2074 = tpu.memref_slice %arg5[%add3A_2057, %dma_wait3A_2069, %mul3A_2059] : memref<200x4x32768xf32, #tpu.memory_space<hbm>> -> memref<1x1x2048xf32, #tpu.memory_space<hbm>>
      %dma_wait3A_2075 = tpu.memref_squeeze %dma_wait3A_2074 : memref<1x1x2048xf32, #tpu.memory_space<hbm>> -> memref<2048xf32, #tpu.memory_space<hbm>>
      %dma_wait3A_2076 = arith.constant 0 : i32
      %dma_wait3A_2077 = tpu.memref_slice %arg16[%dma_wait3A_2076] : memref<8192xf32, #tpu.memory_space<vmem>> -> memref<2048xf32, #tpu.memory_space<vmem>>
      tpu.wait_dma2 semaphore(%arg35 : memref<!tpu.dma_semaphore, #tpu.memory_space<semaphore_mem>>) src(%dma_wait3A_2077 : memref<2048xf32, #tpu.memory_space<vmem>>) dst(%dma_wait3A_2075 : memref<2048xf32, #tpu.memory_space<hbm>>)
      %dma_wait3A_2078 = arith.constant 1 : i32
      %dma_wait3A_2079 = arith.constant 2048 : i32
      %dma_wait3A_2080 = tpu.memref_slice %arg16[%dma_wait3A_2079] : memref<8192xf32, #tpu.memory_space<vmem>> -> memref<2048xf32, #tpu.memory_space<vmem>>
      %dma_wait3A_2081 = tpu.memref_slice %arg5[%add3A_2060, %dma_wait3A_2078, %mul3A_2062] : memref<200x4x32768xf32, #tpu.memory_space<hbm>> -> memref<1x1x2048xf32, #tpu.memory_space<hbm>>
      %dma_wait3A_2082 = tpu.memref_squeeze %dma_wait3A_2081 : memref<1x1x2048xf32, #tpu.memory_space<hbm>> -> memref<2048xf32, #tpu.memory_space<hbm>>
      %dma_wait3A_2083 = tpu.memref_slice %arg5[%add3A_2060, %dma_wait3A_2078, %mul3A_2062] : memref<200x4x32768xf32, #tpu.memory_space<hbm>> -> memref<1x1x2048xf32, #tpu.memory_space<hbm>>
      %dma_wait3A_2084 = tpu.memref_squeeze %dma_wait3A_2083 : memref<1x1x2048xf32, #tpu.memory_space<hbm>> -> memref<2048xf32, #tpu.memory_space<hbm>>
      %dma_wait3A_2085 = arith.constant 2048 : i32
      %dma_wait3A_2086 = tpu.memref_slice %arg16[%dma_wait3A_2085] : memref<8192xf32, #tpu.memory_space<vmem>> -> memref<2048xf32, #tpu.memory_space<vmem>>
      tpu.wait_dma2 semaphore(%arg36 : memref<!tpu.dma_semaphore, #tpu.memory_space<semaphore_mem>>) src(%dma_wait3A_2086 : memref<2048xf32, #tpu.memory_space<vmem>>) dst(%dma_wait3A_2084 : memref<2048xf32, #tpu.memory_space<hbm>>)
      %dma_wait3A_2087 = arith.constant 2 : i32
      %dma_wait3A_2088 = arith.constant 4096 : i32
      %dma_wait3A_2089 = tpu.memref_slice %arg16[%dma_wait3A_2088] : memref<8192xf32, #tpu.memory_space<vmem>> -> memref<2048xf32, #tpu.memory_space<vmem>>
      %dma_wait3A_2090 = tpu.memref_slice %arg5[%add3A_2063, %dma_wait3A_2087, %mul3A_2065] : memref<200x4x32768xf32, #tpu.memory_space<hbm>> -> memref<1x1x2048xf32, #tpu.memory_space<hbm>>
      %dma_wait3A_2091 = tpu.memref_squeeze %dma_wait3A_2090 : memref<1x1x2048xf32, #tpu.memory_space<hbm>> -> memref<2048xf32, #tpu.memory_space<hbm>>
      %dma_wait3A_2092 = tpu.memref_slice %arg5[%add3A_2063, %dma_wait3A_2087, %mul3A_2065] : memref<200x4x32768xf32, #tpu.memory_space<hbm>> -> memref<1x1x2048xf32, #tpu.memory_space<hbm>>
      %dma_wait3A_2093 = tpu.memref_squeeze %dma_wait3A_2092 : memref<1x1x2048xf32, #tpu.memory_space<hbm>> -> memref<2048xf32, #tpu.memory_space<hbm>>
      %dma_wait3A_2094 = arith.constant 4096 : i32
      %dma_wait3A_2095 = tpu.memref_slice %arg16[%dma_wait3A_2094] : memref<8192xf32, #tpu.memory_space<vmem>> -> memref<2048xf32, #tpu.memory_space<vmem>>
      tpu.wait_dma2 semaphore(%arg37 : memref<!tpu.dma_semaphore, #tpu.memory_space<semaphore_mem>>) src(%dma_wait3A_2095 : memref<2048xf32, #tpu.memory_space<vmem>>) dst(%dma_wait3A_2093 : memref<2048xf32, #tpu.memory_space<hbm>>)
      %dma_wait3A_2096 = arith.constant 3 : i32
      %dma_wait3A_2097 = arith.constant 6144 : i32
      %dma_wait3A_2098 = tpu.memref_slice %arg16[%dma_wait3A_2097] : memref<8192xf32, #tpu.memory_space<vmem>> -> memref<2048xf32, #tpu.memory_space<vmem>>
      %dma_wait3A_2099 = tpu.memref_slice %arg5[%add3A_2066, %dma_wait3A_2096, %mul3A_2068] : memref<200x4x32768xf32, #tpu.memory_space<hbm>> -> memref<1x1x2048xf32, #tpu.memory_space<hbm>>
      %dma_wait3A_2100 = tpu.memref_squeeze %dma_wait3A_2099 : memref<1x1x2048xf32, #tpu.memory_space<hbm>> -> memref<2048xf32, #tpu.memory_space<hbm>>
      %dma_wait3A_2101 = tpu.memref_slice %arg5[%add3A_2066, %dma_wait3A_2096, %mul3A_2068] : memref<200x4x32768xf32, #tpu.memory_space<hbm>> -> memref<1x1x2048xf32, #tpu.memory_space<hbm>>
      %dma_wait3A_2102 = tpu.memref_squeeze %dma_wait3A_2101 : memref<1x1x2048xf32, #tpu.memory_space<hbm>> -> memref<2048xf32, #tpu.memory_space<hbm>>
      %dma_wait3A_2103 = arith.constant 6144 : i32
      %dma_wait3A_2104 = tpu.memref_slice %arg16[%dma_wait3A_2103] : memref<8192xf32, #tpu.memory_space<vmem>> -> memref<2048xf32, #tpu.memory_space<vmem>>
      tpu.wait_dma2 semaphore(%arg38 : memref<!tpu.dma_semaphore, #tpu.memory_space<semaphore_mem>>) src(%dma_wait3A_2104 : memref<2048xf32, #tpu.memory_space<vmem>>) dst(%dma_wait3A_2102 : memref<2048xf32, #tpu.memory_space<hbm>>)
      %shift_right_logical3A_2105 = arith.constant 2 : i32
      %shift_right_logical3A_2106 = arith.shrui %add3A_2036, %shift_right_logical3A_2105 : i32
      %and3A_2107 = arith.constant 3 : i32
      %and3A_2108 = arith.andi %add3A_2036, %and3A_2107 : i32
      %get3A_2109 = arith.index_cast %shift_right_logical3A_2106 : i32 to index
      %get3A_2110 = arith.constant 0 : index
      %get3A_2111 = tpu.vector_load %arg7[%get3A_2109, %get3A_2110] {strides = array<i32>} : memref<25x32xf32, #tpu.memory_space<vmem>>, vector<16xf32>,
      %get3A_2112 = arith.index_cast %shift_right_logical3A_2106 : i32 to index
      %get3A_2113 = arith.constant 16 : index
      %get3A_2114 = tpu.vector_load %arg7[%get3A_2112, %get3A_2113] {strides = array<i32>} : memref<25x32xf32, #tpu.memory_space<vmem>>, vector<16xf32>,
      %parallel_loop3A_2115 = arith.constant 0 : i32
      %parallel_loop3A_2116 = arith.constant 256 : i32
      %parallel_loop3A_2117 = arith.constant 1 : i32
      scf.for %parallel_loop3A_2339 = %parallel_loop3A_2115 to %parallel_loop3A_2116 step %parallel_loop3A_2117  : i32 {
        %parallel_loop3A_2340 = arith.constant 7 : i32
        %parallel_loop3A_2341 = arith.shrui %parallel_loop3A_2339, %parallel_loop3A_2340 : i32
        %parallel_loop3A_2342 = arith.constant 1024 : i32
        %parallel_loop3A_2343 = arith.muli %parallel_loop3A_2341, %parallel_loop3A_2342 : i32
        %parallel_loop3A_2344 = arith.constant 127 : i32
        %parallel_loop3A_2345 = arith.andi %parallel_loop3A_2339, %parallel_loop3A_2344 : i32
        %parallel_loop3A_2346 = arith.addi %parallel_loop3A_2343, %parallel_loop3A_2345 : i32
        %parallel_loop3A_2347 = arith.index_cast %parallel_loop3A_2339 : i32 to index
        %parallel_loop3A_2348 = arith.constant 0 : index
        %parallel_loop3A_2349 = tpu.vector_load %arg11[%parallel_loop3A_2347, %parallel_loop3A_2348] {strides = array<i32>} : memref<256x32xf32, #tpu.memory_space<vmem>>, vector<16xf32>,
        %parallel_loop3A_2350 = arith.index_cast %parallel_loop3A_2339 : i32 to index
        %parallel_loop3A_2351 = arith.constant 16 : index
        %parallel_loop3A_2352 = tpu.vector_load %arg11[%parallel_loop3A_2350, %parallel_loop3A_2351] {strides = array<i32>} : memref<256x32xf32, #tpu.memory_space<vmem>>, vector<16xf32>,
        %parallel_loop3A_2353 = vector.broadcast %parallel_loop3A_2346 : i32 to vector<16xi32>
        %parallel_loop3A_2354 = arith.addi %add3A_17, %parallel_loop3A_2353 : vector<16xi32>
        %parallel_loop3A_2355 = arith.addf %parallel_loop3A_2349, %get3A_2111 : vector<16xf32>
        tpu.vector_store_idx %arg16[%parallel_loop3A_2354], %parallel_loop3A_2355 : memref<8192xf32, #tpu.memory_space<vmem>>[vector<16xi32>], vector<16xf32>,
        %parallel_loop3A_2356 = vector.broadcast %parallel_loop3A_2346 : i32 to vector<16xi32>
        %parallel_loop3A_2357 = arith.addi %add3A_20, %parallel_loop3A_2356 : vector<16xi32>
        %parallel_loop3A_2358 = arith.addf %parallel_loop3A_2352, %get3A_2114 : vector<16xf32>
        tpu.vector_store_idx %arg16[%parallel_loop3A_2357], %parallel_loop3A_2358 : memref<8192xf32, #tpu.memory_space<vmem>>[vector<16xi32>], vector<16xf32>,
      } {sc.loop_unroll_factor = 8 : i64, sc.parallel_access}
      %add3A_2118 = arith.constant 5 : i32
      %add3A_2119 = arith.addi %add3A_2036, %add3A_2118 : i32
      %shift_right_logical3A_2120 = arith.constant 2 : i32
      %shift_right_logical3A_2121 = arith.shrui %add3A_2119, %shift_right_logical3A_2120 : i32
      %and3A_2122 = arith.constant 3 : i32
      %and3A_2123 = arith.andi %add3A_2119, %and3A_2122 : i32
      %mul3A_2124 = arith.constant 256 : i32
      %mul3A_2125 = arith.muli %and3A_2123, %mul3A_2124 : i32
      %dma_start3A_2126 = tpu.memref_slice %arg6[%shift_right_logical3A_2121, %mul3A_2125] : memref<25x1024xi32, #tpu.memory_space<vmem>> -> memref<1x256xi32, #tpu.memory_space<vmem>>
      %dma_start3A_2127 = tpu.memref_squeeze %dma_start3A_2126 : memref<1x256xi32, #tpu.memory_space<vmem>> -> memref<256xi32, #tpu.memory_space<vmem>>
      %dma_start3A_2128 = arith.constant 0 : i32
      %dma_start3A_2129 = arith.constant 0 : i32
      %dma_start3A_2130 = tpu.memref_slice %arg3[%dma_start3A_2128, %dma_start3A_2129] : memref<1000000x32xf32, #tpu.memory_space<hbm>> -> memref<1000000x32xf32, #tpu.memory_space<hbm>>
      tpu.enqueue_indirect_dma source(%dma_start3A_2130 : memref<1000000x32xf32, #tpu.memory_space<hbm>>) target(%arg11 : memref<256x32xf32, #tpu.memory_space<vmem>>) offsets(%dma_start3A_2127 : memref<256xi32, #tpu.memory_space<vmem>>) semaphore(%arg21 : memref<!tpu.dma_semaphore, #tpu.memory_space<semaphore_mem>>)
      %shift_right_logical3A_2131 = arith.constant 2 : i32
      %shift_right_logical3A_2132 = arith.shrui %add3A_2036, %shift_right_logical3A_2131 : i32
      %and3A_2133 = arith.constant 3 : i32
      %and3A_2134 = arith.andi %add3A_2036, %and3A_2133 : i32
      %mul3A_2135 = arith.constant 4 : i32
      %mul3A_2136 = arith.muli %and3A_2, %mul3A_2135 : i32
      %add3A_2137 = arith.addi %mul3A_2136, %and3A_2134 : i32
      %add3A_2138 = arith.addi %mul3A_4, %shift_right_logical3A_2132 : i32
      %mul3A_2139 = arith.constant 2048 : i32
      %mul3A_2140 = arith.muli %add3A_2137, %mul3A_2139 : i32
      %add3A_2141 = arith.addi %mul3A_4, %shift_right_logical3A_2132 : i32
      %mul3A_2142 = arith.constant 2048 : i32
      %mul3A_2143 = arith.muli %add3A_2137, %mul3A_2142 : i32
      %add3A_2144 = arith.addi %mul3A_4, %shift_right_logical3A_2132 : i32
      %mul3A_2145 = arith.constant 2048 : i32
      %mul3A_2146 = arith.muli %add3A_2137, %mul3A_2145 : i32
      %add3A_2147 = arith.addi %mul3A_4, %shift_right_logical3A_2132 : i32
      %mul3A_2148 = arith.constant 2048 : i32
      %mul3A_2149 = arith.muli %add3A_2137, %mul3A_2148 : i32
      %dma_start3A_2150 = arith.constant 0 : i32
      %dma_start3A_2151 = arith.constant 0 : i32
      %dma_start3A_2152 = tpu.memref_slice %arg16[%dma_start3A_2151] : memref<8192xf32, #tpu.memory_space<vmem>> -> memref<2048xf32, #tpu.memory_space<vmem>>
      %dma_start3A_2153 = tpu.memref_slice %arg5[%add3A_2138, %dma_start3A_2150, %mul3A_2140] : memref<200x4x32768xf32, #tpu.memory_space<hbm>> -> memref<1x1x2048xf32, #tpu.memory_space<hbm>>
      %dma_start3A_2154 = tpu.memref_squeeze %dma_start3A_2153 : memref<1x1x2048xf32, #tpu.memory_space<hbm>> -> memref<2048xf32, #tpu.memory_space<hbm>>
      %dma_start3A_2155 = tpu.memref_slice %arg5[%add3A_2138, %dma_start3A_2150, %mul3A_2140] : memref<200x4x32768xf32, #tpu.memory_space<hbm>> -> memref<1x1x2048xf32, #tpu.memory_space<hbm>>
      %dma_start3A_2156 = tpu.memref_squeeze %dma_start3A_2155 : memref<1x1x2048xf32, #tpu.memory_space<hbm>> -> memref<2048xf32, #tpu.memory_space<hbm>>
      %dma_start3A_2157 = arith.constant 0 : i32
      %dma_start3A_2158 = tpu.memref_slice %arg16[%dma_start3A_2157] : memref<8192xf32, #tpu.memory_space<vmem>> -> memref<2048xf32, #tpu.memory_space<vmem>>
      tpu.enqueue_dma source(%dma_start3A_2158 : memref<2048xf32, #tpu.memory_space<vmem>>) target(%dma_start3A_2156 : memref<2048xf32, #tpu.memory_space<hbm>>) target_semaphore(%arg35 : memref<!tpu.dma_semaphore, #tpu.memory_space<semaphore_mem>>)
      %dma_start3A_2159 = arith.constant 1 : i32
      %dma_start3A_2160 = arith.constant 2048 : i32
      %dma_start3A_2161 = tpu.memref_slice %arg16[%dma_start3A_2160] : memref<8192xf32, #tpu.memory_space<vmem>> -> memref<2048xf32, #tpu.memory_space<vmem>>
      %dma_start3A_2162 = tpu.memref_slice %arg5[%add3A_2141, %dma_start3A_2159, %mul3A_2143] : memref<200x4x32768xf32, #tpu.memory_space<hbm>> -> memref<1x1x2048xf32, #tpu.memory_space<hbm>>
      %dma_start3A_2163 = tpu.memref_squeeze %dma_start3A_2162 : memref<1x1x2048xf32, #tpu.memory_space<hbm>> -> memref<2048xf32, #tpu.memory_space<hbm>>
      %dma_start3A_2164 = tpu.memref_slice %arg5[%add3A_2141, %dma_start3A_2159, %mul3A_2143] : memref<200x4x32768xf32, #tpu.memory_space<hbm>> -> memref<1x1x2048xf32, #tpu.memory_space<hbm>>
      %dma_start3A_2165 = tpu.memref_squeeze %dma_start3A_2164 : memref<1x1x2048xf32, #tpu.memory_space<hbm>> -> memref<2048xf32, #tpu.memory_space<hbm>>
      %dma_start3A_2166 = arith.constant 2048 : i32
      %dma_start3A_2167 = tpu.memref_slice %arg16[%dma_start3A_2166] : memref<8192xf32, #tpu.memory_space<vmem>> -> memref<2048xf32, #tpu.memory_space<vmem>>
      tpu.enqueue_dma source(%dma_start3A_2167 : memref<2048xf32, #tpu.memory_space<vmem>>) target(%dma_start3A_2165 : memref<2048xf32, #tpu.memory_space<hbm>>) target_semaphore(%arg36 : memref<!tpu.dma_semaphore, #tpu.memory_space<semaphore_mem>>)
      %dma_start3A_2168 = arith.constant 2 : i32
      %dma_start3A_2169 = arith.constant 4096 : i32
      %dma_start3A_2170 = tpu.memref_slice %arg16[%dma_start3A_2169] : memref<8192xf32, #tpu.memory_space<vmem>> -> memref<2048xf32, #tpu.memory_space<vmem>>
      %dma_start3A_2171 = tpu.memref_slice %arg5[%add3A_2144, %dma_start3A_2168, %mul3A_2146] : memref<200x4x32768xf32, #tpu.memory_space<hbm>> -> memref<1x1x2048xf32, #tpu.memory_space<hbm>>
      %dma_start3A_2172 = tpu.memref_squeeze %dma_start3A_2171 : memref<1x1x2048xf32, #tpu.memory_space<hbm>> -> memref<2048xf32, #tpu.memory_space<hbm>>
      %dma_start3A_2173 = tpu.memref_slice %arg5[%add3A_2144, %dma_start3A_2168, %mul3A_2146] : memref<200x4x32768xf32, #tpu.memory_space<hbm>> -> memref<1x1x2048xf32, #tpu.memory_space<hbm>>
      %dma_start3A_2174 = tpu.memref_squeeze %dma_start3A_2173 : memref<1x1x2048xf32, #tpu.memory_space<hbm>> -> memref<2048xf32, #tpu.memory_space<hbm>>
      %dma_start3A_2175 = arith.constant 4096 : i32
      %dma_start3A_2176 = tpu.memref_slice %arg16[%dma_start3A_2175] : memref<8192xf32, #tpu.memory_space<vmem>> -> memref<2048xf32, #tpu.memory_space<vmem>>
      tpu.enqueue_dma source(%dma_start3A_2176 : memref<2048xf32, #tpu.memory_space<vmem>>) target(%dma_start3A_2174 : memref<2048xf32, #tpu.memory_space<hbm>>) target_semaphore(%arg37 : memref<!tpu.dma_semaphore, #tpu.memory_space<semaphore_mem>>)
      %dma_start3A_2177 = arith.constant 3 : i32
      %dma_start3A_2178 = arith.constant 6144 : i32
      %dma_start3A_2179 = tpu.memref_slice %arg16[%dma_start3A_2178] : memref<8192xf32, #tpu.memory_space<vmem>> -> memref<2048xf32, #tpu.memory_space<vmem>>
      %dma_start3A_2180 = tpu.memref_slice %arg5[%add3A_2147, %dma_start3A_2177, %mul3A_2149] : memref<200x4x32768xf32, #tpu.memory_space<hbm>> -> memref<1x1x2048xf32, #tpu.memory_space<hbm>>
      %dma_start3A_2181 = tpu.memref_squeeze %dma_start3A_2180 : memref<1x1x2048xf32, #tpu.memory_space<hbm>> -> memref<2048xf32, #tpu.memory_space<hbm>>
      %dma_start3A_2182 = tpu.memref_slice %arg5[%add3A_2147, %dma_start3A_2177, %mul3A_2149] : memref<200x4x32768xf32, #tpu.memory_space<hbm>> -> memref<1x1x2048xf32, #tpu.memory_space<hbm>>
      %dma_start3A_2183 = tpu.memref_squeeze %dma_start3A_2182 : memref<1x1x2048xf32, #tpu.memory_space<hbm>> -> memref<2048xf32, #tpu.memory_space<hbm>>
      %dma_start3A_2184 = arith.constant 6144 : i32
      %dma_start3A_2185 = tpu.memref_slice %arg16[%dma_start3A_2184] : memref<8192xf32, #tpu.memory_space<vmem>> -> memref<2048xf32, #tpu.memory_space<vmem>>
      tpu.enqueue_dma source(%dma_start3A_2185 : memref<2048xf32, #tpu.memory_space<vmem>>) target(%dma_start3A_2183 : memref<2048xf32, #tpu.memory_space<hbm>>) target_semaphore(%arg38 : memref<!tpu.dma_semaphore, #tpu.memory_space<semaphore_mem>>)
      %mul3A_2186 = arith.constant 5 : i32
      %mul3A_2187 = arith.muli %scan3A_1574, %mul3A_2186 : i32
      %add3A_2188 = arith.constant 4 : i32
      %add3A_2189 = arith.addi %mul3A_2187, %add3A_2188 : i32
      %shift_right_logical3A_2190 = arith.constant 2 : i32
      %shift_right_logical3A_2191 = arith.shrui %add3A_2189, %shift_right_logical3A_2190 : i32
      %and3A_2192 = arith.constant 3 : i32
      %and3A_2193 = arith.andi %add3A_2189, %and3A_2192 : i32
      %mul3A_2194 = arith.constant 256 : i32
      %mul3A_2195 = arith.muli %and3A_2193, %mul3A_2194 : i32
      %dma_wait3A_2196 = tpu.memref_slice %arg6[%shift_right_logical3A_2191, %mul3A_2195] : memref<25x1024xi32, #tpu.memory_space<vmem>> -> memref<1x256xi32, #tpu.memory_space<vmem>>
      %dma_wait3A_2197 = tpu.memref_squeeze %dma_wait3A_2196 : memref<1x256xi32, #tpu.memory_space<vmem>> -> memref<256xi32, #tpu.memory_space<vmem>>
      %dma_wait3A_2198 = arith.constant 0 : i32
      %dma_wait3A_2199 = arith.constant 0 : i32
      %dma_wait3A_2200 = tpu.memref_slice %arg3[%dma_wait3A_2198, %dma_wait3A_2199] : memref<1000000x32xf32, #tpu.memory_space<hbm>> -> memref<1000000x32xf32, #tpu.memory_space<hbm>>
      tpu.wait_indirect_dma semaphore(%arg22 : memref<!tpu.dma_semaphore, #tpu.memory_space<semaphore_mem>>) src(%dma_wait3A_2200 : memref<1000000x32xf32, #tpu.memory_space<hbm>>) dst(%arg12 : memref<256x32xf32, #tpu.memory_space<vmem>>)
      %sub3A_2201 = arith.constant 5 : i32
      %sub3A_2202 = arith.subi %add3A_2189, %sub3A_2201 : i32
      %shift_right_logical3A_2203 = arith.constant 2 : i32
      %shift_right_logical3A_2204 = arith.shrui %sub3A_2202, %shift_right_logical3A_2203 : i32
      %and3A_2205 = arith.constant 3 : i32
      %and3A_2206 = arith.andi %sub3A_2202, %and3A_2205 : i32
      %mul3A_2207 = arith.constant 4 : i32
      %mul3A_2208 = arith.muli %and3A_2, %mul3A_2207 : i32
      %add3A_2209 = arith.addi %mul3A_2208, %and3A_2206 : i32
      %add3A_2210 = arith.addi %mul3A_4, %shift_right_logical3A_2204 : i32
      %mul3A_2211 = arith.constant 2048 : i32
      %mul3A_2212 = arith.muli %add3A_2209, %mul3A_2211 : i32
      %add3A_2213 = arith.addi %mul3A_4, %shift_right_logical3A_2204 : i32
      %mul3A_2214 = arith.constant 2048 : i32
      %mul3A_2215 = arith.muli %add3A_2209, %mul3A_2214 : i32
      %add3A_2216 = arith.addi %mul3A_4, %shift_right_logical3A_2204 : i32
      %mul3A_2217 = arith.constant 2048 : i32
      %mul3A_2218 = arith.muli %add3A_2209, %mul3A_2217 : i32
      %add3A_2219 = arith.addi %mul3A_4, %shift_right_logical3A_2204 : i32
      %mul3A_2220 = arith.constant 2048 : i32
      %mul3A_2221 = arith.muli %add3A_2209, %mul3A_2220 : i32
      %dma_wait3A_2222 = arith.constant 0 : i32
      %dma_wait3A_2223 = arith.constant 0 : i32
      %dma_wait3A_2224 = tpu.memref_slice %arg17[%dma_wait3A_2223] : memref<8192xf32, #tpu.memory_space<vmem>> -> memref<2048xf32, #tpu.memory_space<vmem>>
      %dma_wait3A_2225 = tpu.memref_slice %arg5[%add3A_2210, %dma_wait3A_2222, %mul3A_2212] : memref<200x4x32768xf32, #tpu.memory_space<hbm>> -> memref<1x1x2048xf32, #tpu.memory_space<hbm>>
      %dma_wait3A_2226 = tpu.memref_squeeze %dma_wait3A_2225 : memref<1x1x2048xf32, #tpu.memory_space<hbm>> -> memref<2048xf32, #tpu.memory_space<hbm>>
      %dma_wait3A_2227 = tpu.memref_slice %arg5[%add3A_2210, %dma_wait3A_2222, %mul3A_2212] : memref<200x4x32768xf32, #tpu.memory_space<hbm>> -> memref<1x1x2048xf32, #tpu.memory_space<hbm>>
      %dma_wait3A_2228 = tpu.memref_squeeze %dma_wait3A_2227 : memref<1x1x2048xf32, #tpu.memory_space<hbm>> -> memref<2048xf32, #tpu.memory_space<hbm>>
      %dma_wait3A_2229 = arith.constant 0 : i32
      %dma_wait3A_2230 = tpu.memref_slice %arg17[%dma_wait3A_2229] : memref<8192xf32, #tpu.memory_space<vmem>> -> memref<2048xf32, #tpu.memory_space<vmem>>
      tpu.wait_dma2 semaphore(%arg39 : memref<!tpu.dma_semaphore, #tpu.memory_space<semaphore_mem>>) src(%dma_wait3A_2230 : memref<2048xf32, #tpu.memory_space<vmem>>) dst(%dma_wait3A_2228 : memref<2048xf32, #tpu.memory_space<hbm>>)
      %dma_wait3A_2231 = arith.constant 1 : i32
      %dma_wait3A_2232 = arith.constant 2048 : i32
      %dma_wait3A_2233 = tpu.memref_slice %arg17[%dma_wait3A_2232] : memref<8192xf32, #tpu.memory_space<vmem>> -> memref<2048xf32, #tpu.memory_space<vmem>>
      %dma_wait3A_2234 = tpu.memref_slice %arg5[%add3A_2213, %dma_wait3A_2231, %mul3A_2215] : memref<200x4x32768xf32, #tpu.memory_space<hbm>> -> memref<1x1x2048xf32, #tpu.memory_space<hbm>>
      %dma_wait3A_2235 = tpu.memref_squeeze %dma_wait3A_2234 : memref<1x1x2048xf32, #tpu.memory_space<hbm>> -> memref<2048xf32, #tpu.memory_space<hbm>>
      %dma_wait3A_2236 = tpu.memref_slice %arg5[%add3A_2213, %dma_wait3A_2231, %mul3A_2215] : memref<200x4x32768xf32, #tpu.memory_space<hbm>> -> memref<1x1x2048xf32, #tpu.memory_space<hbm>>
      %dma_wait3A_2237 = tpu.memref_squeeze %dma_wait3A_2236 : memref<1x1x2048xf32, #tpu.memory_space<hbm>> -> memref<2048xf32, #tpu.memory_space<hbm>>
      %dma_wait3A_2238 = arith.constant 2048 : i32
      %dma_wait3A_2239 = tpu.memref_slice %arg17[%dma_wait3A_2238] : memref<8192xf32, #tpu.memory_space<vmem>> -> memref<2048xf32, #tpu.memory_space<vmem>>
      tpu.wait_dma2 semaphore(%arg40 : memref<!tpu.dma_semaphore, #tpu.memory_space<semaphore_mem>>) src(%dma_wait3A_2239 : memref<2048xf32, #tpu.memory_space<vmem>>) dst(%dma_wait3A_2237 : memref<2048xf32, #tpu.memory_space<hbm>>)
      %dma_wait3A_2240 = arith.constant 2 : i32
      %dma_wait3A_2241 = arith.constant 4096 : i32
      %dma_wait3A_2242 = tpu.memref_slice %arg17[%dma_wait3A_2241] : memref<8192xf32, #tpu.memory_space<vmem>> -> memref<2048xf32, #tpu.memory_space<vmem>>
      %dma_wait3A_2243 = tpu.memref_slice %arg5[%add3A_2216, %dma_wait3A_2240, %mul3A_2218] : memref<200x4x32768xf32, #tpu.memory_space<hbm>> -> memref<1x1x2048xf32, #tpu.memory_space<hbm>>
      %dma_wait3A_2244 = tpu.memref_squeeze %dma_wait3A_2243 : memref<1x1x2048xf32, #tpu.memory_space<hbm>> -> memref<2048xf32, #tpu.memory_space<hbm>>
      %dma_wait3A_2245 = tpu.memref_slice %arg5[%add3A_2216, %dma_wait3A_2240, %mul3A_2218] : memref<200x4x32768xf32, #tpu.memory_space<hbm>> -> memref<1x1x2048xf32, #tpu.memory_space<hbm>>
      %dma_wait3A_2246 = tpu.memref_squeeze %dma_wait3A_2245 : memref<1x1x2048xf32, #tpu.memory_space<hbm>> -> memref<2048xf32, #tpu.memory_space<hbm>>
      %dma_wait3A_2247 = arith.constant 4096 : i32
      %dma_wait3A_2248 = tpu.memref_slice %arg17[%dma_wait3A_2247] : memref<8192xf32, #tpu.memory_space<vmem>> -> memref<2048xf32, #tpu.memory_space<vmem>>
      tpu.wait_dma2 semaphore(%arg41 : memref<!tpu.dma_semaphore, #tpu.memory_space<semaphore_mem>>) src(%dma_wait3A_2248 : memref<2048xf32, #tpu.memory_space<vmem>>) dst(%dma_wait3A_2246 : memref<2048xf32, #tpu.memory_space<hbm>>)
      %dma_wait3A_2249 = arith.constant 3 : i32
      %dma_wait3A_2250 = arith.constant 6144 : i32
      %dma_wait3A_2251 = tpu.memref_slice %arg17[%dma_wait3A_2250] : memref<8192xf32, #tpu.memory_space<vmem>> -> memref<2048xf32, #tpu.memory_space<vmem>>
      %dma_wait3A_2252 = tpu.memref_slice %arg5[%add3A_2219, %dma_wait3A_2249, %mul3A_2221] : memref<200x4x32768xf32, #tpu.memory_space<hbm>> -> memref<1x1x2048xf32, #tpu.memory_space<hbm>>
      %dma_wait3A_2253 = tpu.memref_squeeze %dma_wait3A_2252 : memref<1x1x2048xf32, #tpu.memory_space<hbm>> -> memref<2048xf32, #tpu.memory_space<hbm>>
      %dma_wait3A_2254 = tpu.memref_slice %arg5[%add3A_2219, %dma_wait3A_2249, %mul3A_2221] : memref<200x4x32768xf32, #tpu.memory_space<hbm>> -> memref<1x1x2048xf32, #tpu.memory_space<hbm>>
      %dma_wait3A_2255 = tpu.memref_squeeze %dma_wait3A_2254 : memref<1x1x2048xf32, #tpu.memory_space<hbm>> -> memref<2048xf32, #tpu.memory_space<hbm>>
      %dma_wait3A_2256 = arith.constant 6144 : i32
      %dma_wait3A_2257 = tpu.memref_slice %arg17[%dma_wait3A_2256] : memref<8192xf32, #tpu.memory_space<vmem>> -> memref<2048xf32, #tpu.memory_space<vmem>>
      tpu.wait_dma2 semaphore(%arg42 : memref<!tpu.dma_semaphore, #tpu.memory_space<semaphore_mem>>) src(%dma_wait3A_2257 : memref<2048xf32, #tpu.memory_space<vmem>>) dst(%dma_wait3A_2255 : memref<2048xf32, #tpu.memory_space<hbm>>)
      %shift_right_logical3A_2258 = arith.constant 2 : i32
      %shift_right_logical3A_2259 = arith.shrui %add3A_2189, %shift_right_logical3A_2258 : i32
      %and3A_2260 = arith.constant 3 : i32
      %and3A_2261 = arith.andi %add3A_2189, %and3A_2260 : i32
      %get3A_2262 = arith.index_cast %shift_right_logical3A_2259 : i32 to index
      %get3A_2263 = arith.constant 0 : index
      %get3A_2264 = tpu.vector_load %arg7[%get3A_2262, %get3A_2263] {strides = array<i32>} : memref<25x32xf32, #tpu.memory_space<vmem>>, vector<16xf32>,
      %get3A_2265 = arith.index_cast %shift_right_logical3A_2259 : i32 to index
      %get3A_2266 = arith.constant 16 : index
      %get3A_2267 = tpu.vector_load %arg7[%get3A_2265, %get3A_2266] {strides = array<i32>} : memref<25x32xf32, #tpu.memory_space<vmem>>, vector<16xf32>,
      %parallel_loop3A_2268 = arith.constant 0 : i32
      %parallel_loop3A_2269 = arith.constant 256 : i32
      %parallel_loop3A_2270 = arith.constant 1 : i32
      scf.for %parallel_loop3A_2339 = %parallel_loop3A_2268 to %parallel_loop3A_2269 step %parallel_loop3A_2270  : i32 {
        %parallel_loop3A_2340 = arith.constant 7 : i32
        %parallel_loop3A_2341 = arith.shrui %parallel_loop3A_2339, %parallel_loop3A_2340 : i32
        %parallel_loop3A_2342 = arith.constant 1024 : i32
        %parallel_loop3A_2343 = arith.muli %parallel_loop3A_2341, %parallel_loop3A_2342 : i32
        %parallel_loop3A_2344 = arith.constant 127 : i32
        %parallel_loop3A_2345 = arith.andi %parallel_loop3A_2339, %parallel_loop3A_2344 : i32
        %parallel_loop3A_2346 = arith.addi %parallel_loop3A_2343, %parallel_loop3A_2345 : i32
        %parallel_loop3A_2347 = arith.index_cast %parallel_loop3A_2339 : i32 to index
        %parallel_loop3A_2348 = arith.constant 0 : index
        %parallel_loop3A_2349 = tpu.vector_load %arg12[%parallel_loop3A_2347, %parallel_loop3A_2348] {strides = array<i32>} : memref<256x32xf32, #tpu.memory_space<vmem>>, vector<16xf32>,
        %parallel_loop3A_2350 = arith.index_cast %parallel_loop3A_2339 : i32 to index
        %parallel_loop3A_2351 = arith.constant 16 : index
        %parallel_loop3A_2352 = tpu.vector_load %arg12[%parallel_loop3A_2350, %parallel_loop3A_2351] {strides = array<i32>} : memref<256x32xf32, #tpu.memory_space<vmem>>, vector<16xf32>,
        %parallel_loop3A_2353 = vector.broadcast %parallel_loop3A_2346 : i32 to vector<16xi32>
        %parallel_loop3A_2354 = arith.addi %add3A_17, %parallel_loop3A_2353 : vector<16xi32>
        %parallel_loop3A_2355 = arith.addf %parallel_loop3A_2349, %get3A_2264 : vector<16xf32>
        tpu.vector_store_idx %arg17[%parallel_loop3A_2354], %parallel_loop3A_2355 : memref<8192xf32, #tpu.memory_space<vmem>>[vector<16xi32>], vector<16xf32>,
        %parallel_loop3A_2356 = vector.broadcast %parallel_loop3A_2346 : i32 to vector<16xi32>
        %parallel_loop3A_2357 = arith.addi %add3A_20, %parallel_loop3A_2356 : vector<16xi32>
        %parallel_loop3A_2358 = arith.addf %parallel_loop3A_2352, %get3A_2267 : vector<16xf32>
        tpu.vector_store_idx %arg17[%parallel_loop3A_2357], %parallel_loop3A_2358 : memref<8192xf32, #tpu.memory_space<vmem>>[vector<16xi32>], vector<16xf32>,
      } {sc.loop_unroll_factor = 8 : i64, sc.parallel_access}
      %add3A_2271 = arith.constant 5 : i32
      %add3A_2272 = arith.addi %add3A_2189, %add3A_2271 : i32
      %shift_right_logical3A_2273 = arith.constant 2 : i32
      %shift_right_logical3A_2274 = arith.shrui %add3A_2272, %shift_right_logical3A_2273 : i32
      %and3A_2275 = arith.constant 3 : i32
      %and3A_2276 = arith.andi %add3A_2272, %and3A_2275 : i32
      %mul3A_2277 = arith.constant 256 : i32
      %mul3A_2278 = arith.muli %and3A_2276, %mul3A_2277 : i32
      %dma_start3A_2279 = tpu.memref_slice %arg6[%shift_right_logical3A_2274, %mul3A_2278] : memref<25x1024xi32, #tpu.memory_space<vmem>> -> memref<1x256xi32, #tpu.memory_space<vmem>>
      %dma_start3A_2280 = tpu.memref_squeeze %dma_start3A_2279 : memref<1x256xi32, #tpu.memory_space<vmem>> -> memref<256xi32, #tpu.memory_space<vmem>>
      %dma_start3A_2281 = arith.constant 0 : i32
      %dma_start3A_2282 = arith.constant 0 : i32
      %dma_start3A_2283 = tpu.memref_slice %arg3[%dma_start3A_2281, %dma_start3A_2282] : memref<1000000x32xf32, #tpu.memory_space<hbm>> -> memref<1000000x32xf32, #tpu.memory_space<hbm>>
      tpu.enqueue_indirect_dma source(%dma_start3A_2283 : memref<1000000x32xf32, #tpu.memory_space<hbm>>) target(%arg12 : memref<256x32xf32, #tpu.memory_space<vmem>>) offsets(%dma_start3A_2280 : memref<256xi32, #tpu.memory_space<vmem>>) semaphore(%arg22 : memref<!tpu.dma_semaphore, #tpu.memory_space<semaphore_mem>>)
      %shift_right_logical3A_2284 = arith.constant 2 : i32
      %shift_right_logical3A_2285 = arith.shrui %add3A_2189, %shift_right_logical3A_2284 : i32
      %and3A_2286 = arith.constant 3 : i32
      %and3A_2287 = arith.andi %add3A_2189, %and3A_2286 : i32
      %mul3A_2288 = arith.constant 4 : i32
      %mul3A_2289 = arith.muli %and3A_2, %mul3A_2288 : i32
      %add3A_2290 = arith.addi %mul3A_2289, %and3A_2287 : i32
      %add3A_2291 = arith.addi %mul3A_4, %shift_right_logical3A_2285 : i32
      %mul3A_2292 = arith.constant 2048 : i32
      %mul3A_2293 = arith.muli %add3A_2290, %mul3A_2292 : i32
      %add3A_2294 = arith.addi %mul3A_4, %shift_right_logical3A_2285 : i32
      %mul3A_2295 = arith.constant 2048 : i32
      %mul3A_2296 = arith.muli %add3A_2290, %mul3A_2295 : i32
      %add3A_2297 = arith.addi %mul3A_4, %shift_right_logical3A_2285 : i32
      %mul3A_2298 = arith.constant 2048 : i32
      %mul3A_2299 = arith.muli %add3A_2290, %mul3A_2298 : i32
      %add3A_2300 = arith.addi %mul3A_4, %shift_right_logical3A_2285 : i32
      %mul3A_2301 = arith.constant 2048 : i32
      %mul3A_2302 = arith.muli %add3A_2290, %mul3A_2301 : i32
      %dma_start3A_2303 = arith.constant 0 : i32
      %dma_start3A_2304 = arith.constant 0 : i32
      %dma_start3A_2305 = tpu.memref_slice %arg17[%dma_start3A_2304] : memref<8192xf32, #tpu.memory_space<vmem>> -> memref<2048xf32, #tpu.memory_space<vmem>>
      %dma_start3A_2306 = tpu.memref_slice %arg5[%add3A_2291, %dma_start3A_2303, %mul3A_2293] : memref<200x4x32768xf32, #tpu.memory_space<hbm>> -> memref<1x1x2048xf32, #tpu.memory_space<hbm>>
      %dma_start3A_2307 = tpu.memref_squeeze %dma_start3A_2306 : memref<1x1x2048xf32, #tpu.memory_space<hbm>> -> memref<2048xf32, #tpu.memory_space<hbm>>
      %dma_start3A_2308 = tpu.memref_slice %arg5[%add3A_2291, %dma_start3A_2303, %mul3A_2293] : memref<200x4x32768xf32, #tpu.memory_space<hbm>> -> memref<1x1x2048xf32, #tpu.memory_space<hbm>>
      %dma_start3A_2309 = tpu.memref_squeeze %dma_start3A_2308 : memref<1x1x2048xf32, #tpu.memory_space<hbm>> -> memref<2048xf32, #tpu.memory_space<hbm>>
      %dma_start3A_2310 = arith.constant 0 : i32
      %dma_start3A_2311 = tpu.memref_slice %arg17[%dma_start3A_2310] : memref<8192xf32, #tpu.memory_space<vmem>> -> memref<2048xf32, #tpu.memory_space<vmem>>
      tpu.enqueue_dma source(%dma_start3A_2311 : memref<2048xf32, #tpu.memory_space<vmem>>) target(%dma_start3A_2309 : memref<2048xf32, #tpu.memory_space<hbm>>) target_semaphore(%arg39 : memref<!tpu.dma_semaphore, #tpu.memory_space<semaphore_mem>>)
      %dma_start3A_2312 = arith.constant 1 : i32
      %dma_start3A_2313 = arith.constant 2048 : i32
      %dma_start3A_2314 = tpu.memref_slice %arg17[%dma_start3A_2313] : memref<8192xf32, #tpu.memory_space<vmem>> -> memref<2048xf32, #tpu.memory_space<vmem>>
      %dma_start3A_2315 = tpu.memref_slice %arg5[%add3A_2294, %dma_start3A_2312, %mul3A_2296] : memref<200x4x32768xf32, #tpu.memory_space<hbm>> -> memref<1x1x2048xf32, #tpu.memory_space<hbm>>
      %dma_start3A_2316 = tpu.memref_squeeze %dma_start3A_2315 : memref<1x1x2048xf32, #tpu.memory_space<hbm>> -> memref<2048xf32, #tpu.memory_space<hbm>>
      %dma_start3A_2317 = tpu.memref_slice %arg5[%add3A_2294, %dma_start3A_2312, %mul3A_2296] : memref<200x4x32768xf32, #tpu.memory_space<hbm>> -> memref<1x1x2048xf32, #tpu.memory_space<hbm>>
      %dma_start3A_2318 = tpu.memref_squeeze %dma_start3A_2317 : memref<1x1x2048xf32, #tpu.memory_space<hbm>> -> memref<2048xf32, #tpu.memory_space<hbm>>
      %dma_start3A_2319 = arith.constant 2048 : i32
      %dma_start3A_2320 = tpu.memref_slice %arg17[%dma_start3A_2319] : memref<8192xf32, #tpu.memory_space<vmem>> -> memref<2048xf32, #tpu.memory_space<vmem>>
      tpu.enqueue_dma source(%dma_start3A_2320 : memref<2048xf32, #tpu.memory_space<vmem>>) target(%dma_start3A_2318 : memref<2048xf32, #tpu.memory_space<hbm>>) target_semaphore(%arg40 : memref<!tpu.dma_semaphore, #tpu.memory_space<semaphore_mem>>)
      %dma_start3A_2321 = arith.constant 2 : i32
      %dma_start3A_2322 = arith.constant 4096 : i32
      %dma_start3A_2323 = tpu.memref_slice %arg17[%dma_start3A_2322] : memref<8192xf32, #tpu.memory_space<vmem>> -> memref<2048xf32, #tpu.memory_space<vmem>>
      %dma_start3A_2324 = tpu.memref_slice %arg5[%add3A_2297, %dma_start3A_2321, %mul3A_2299] : memref<200x4x32768xf32, #tpu.memory_space<hbm>> -> memref<1x1x2048xf32, #tpu.memory_space<hbm>>
      %dma_start3A_2325 = tpu.memref_squeeze %dma_start3A_2324 : memref<1x1x2048xf32, #tpu.memory_space<hbm>> -> memref<2048xf32, #tpu.memory_space<hbm>>
      %dma_start3A_2326 = tpu.memref_slice %arg5[%add3A_2297, %dma_start3A_2321, %mul3A_2299] : memref<200x4x32768xf32, #tpu.memory_space<hbm>> -> memref<1x1x2048xf32, #tpu.memory_space<hbm>>
      %dma_start3A_2327 = tpu.memref_squeeze %dma_start3A_2326 : memref<1x1x2048xf32, #tpu.memory_space<hbm>> -> memref<2048xf32, #tpu.memory_space<hbm>>
      %dma_start3A_2328 = arith.constant 4096 : i32
      %dma_start3A_2329 = tpu.memref_slice %arg17[%dma_start3A_2328] : memref<8192xf32, #tpu.memory_space<vmem>> -> memref<2048xf32, #tpu.memory_space<vmem>>
      tpu.enqueue_dma source(%dma_start3A_2329 : memref<2048xf32, #tpu.memory_space<vmem>>) target(%dma_start3A_2327 : memref<2048xf32, #tpu.memory_space<hbm>>) target_semaphore(%arg41 : memref<!tpu.dma_semaphore, #tpu.memory_space<semaphore_mem>>)
      %dma_start3A_2330 = arith.constant 3 : i32
      %dma_start3A_2331 = arith.constant 6144 : i32
      %dma_start3A_2332 = tpu.memref_slice %arg17[%dma_start3A_2331] : memref<8192xf32, #tpu.memory_space<vmem>> -> memref<2048xf32, #tpu.memory_space<vmem>>
      %dma_start3A_2333 = tpu.memref_slice %arg5[%add3A_2300, %dma_start3A_2330, %mul3A_2302] : memref<200x4x32768xf32, #tpu.memory_space<hbm>> -> memref<1x1x2048xf32, #tpu.memory_space<hbm>>
      %dma_start3A_2334 = tpu.memref_squeeze %dma_start3A_2333 : memref<1x1x2048xf32, #tpu.memory_space<hbm>> -> memref<2048xf32, #tpu.memory_space<hbm>>
      %dma_start3A_2335 = tpu.memref_slice %arg5[%add3A_2300, %dma_start3A_2330, %mul3A_2302] : memref<200x4x32768xf32, #tpu.memory_space<hbm>> -> memref<1x1x2048xf32, #tpu.memory_space<hbm>>
      %dma_start3A_2336 = tpu.memref_squeeze %dma_start3A_2335 : memref<1x1x2048xf32, #tpu.memory_space<hbm>> -> memref<2048xf32, #tpu.memory_space<hbm>>
      %dma_start3A_2337 = arith.constant 6144 : i32
      %dma_start3A_2338 = tpu.memref_slice %arg17[%dma_start3A_2337] : memref<8192xf32, #tpu.memory_space<vmem>> -> memref<2048xf32, #tpu.memory_space<vmem>>
      tpu.enqueue_dma source(%dma_start3A_2338 : memref<2048xf32, #tpu.memory_space<vmem>>) target(%dma_start3A_2336 : memref<2048xf32, #tpu.memory_space<hbm>>) target_semaphore(%arg42 : memref<!tpu.dma_semaphore, #tpu.memory_space<semaphore_mem>>)
    }
    %scan3A_578 = arith.constant 18 : i32
    %shift_right_logical3A_579 = arith.constant 95 : i32
    %shift_right_logical3A_580 = arith.constant 2 : i32
    %shift_right_logical3A_581 = arith.shrui %shift_right_logical3A_579, %shift_right_logical3A_580 : i32
    %and3A_582 = arith.constant 95 : i32
    %and3A_583 = arith.constant 3 : i32
    %and3A_584 = arith.andi %and3A_582, %and3A_583 : i32
    %mul3A_585 = arith.constant 256 : i32
    %mul3A_586 = arith.muli %and3A_584, %mul3A_585 : i32
    %dma_wait3A_587 = tpu.memref_slice %arg6[%shift_right_logical3A_581, %mul3A_586] : memref<25x1024xi32, #tpu.memory_space<vmem>> -> memref<1x256xi32, #tpu.memory_space<vmem>>
    %dma_wait3A_588 = tpu.memref_squeeze %dma_wait3A_587 : memref<1x256xi32, #tpu.memory_space<vmem>> -> memref<256xi32, #tpu.memory_space<vmem>>
    %dma_wait3A_589 = arith.constant 0 : i32
    %dma_wait3A_590 = arith.constant 0 : i32
    %dma_wait3A_591 = tpu.memref_slice %arg3[%dma_wait3A_589, %dma_wait3A_590] : memref<1000000x32xf32, #tpu.memory_space<hbm>> -> memref<1000000x32xf32, #tpu.memory_space<hbm>>
    tpu.wait_indirect_dma semaphore(%arg18 : memref<!tpu.dma_semaphore, #tpu.memory_space<semaphore_mem>>) src(%dma_wait3A_591 : memref<1000000x32xf32, #tpu.memory_space<hbm>>) dst(%arg8 : memref<256x32xf32, #tpu.memory_space<vmem>>)
    %shift_right_logical3A_592 = arith.constant 90 : i32
    %shift_right_logical3A_593 = arith.constant 2 : i32
    %shift_right_logical3A_594 = arith.shrui %shift_right_logical3A_592, %shift_right_logical3A_593 : i32
    %and3A_595 = arith.constant 90 : i32
    %and3A_596 = arith.constant 3 : i32
    %and3A_597 = arith.andi %and3A_595, %and3A_596 : i32
    %mul3A_598 = arith.constant 4 : i32
    %mul3A_599 = arith.muli %and3A_2, %mul3A_598 : i32
    %add3A_600 = arith.addi %mul3A_599, %and3A_597 : i32
    %add3A_601 = arith.addi %mul3A_4, %shift_right_logical3A_594 : i32
    %mul3A_602 = arith.constant 2048 : i32
    %mul3A_603 = arith.muli %add3A_600, %mul3A_602 : i32
    %add3A_604 = arith.addi %mul3A_4, %shift_right_logical3A_594 : i32
    %mul3A_605 = arith.constant 2048 : i32
    %mul3A_606 = arith.muli %add3A_600, %mul3A_605 : i32
    %add3A_607 = arith.addi %mul3A_4, %shift_right_logical3A_594 : i32
    %mul3A_608 = arith.constant 2048 : i32
    %mul3A_609 = arith.muli %add3A_600, %mul3A_608 : i32
    %add3A_610 = arith.addi %mul3A_4, %shift_right_logical3A_594 : i32
    %mul3A_611 = arith.constant 2048 : i32
    %mul3A_612 = arith.muli %add3A_600, %mul3A_611 : i32
    %dma_wait3A_613 = arith.constant 0 : i32
    %dma_wait3A_614 = arith.constant 0 : i32
    %dma_wait3A_615 = tpu.memref_slice %arg13[%dma_wait3A_614] : memref<8192xf32, #tpu.memory_space<vmem>> -> memref<2048xf32, #tpu.memory_space<vmem>>
    %dma_wait3A_616 = tpu.memref_slice %arg5[%add3A_601, %dma_wait3A_613, %mul3A_603] : memref<200x4x32768xf32, #tpu.memory_space<hbm>> -> memref<1x1x2048xf32, #tpu.memory_space<hbm>>
    %dma_wait3A_617 = tpu.memref_squeeze %dma_wait3A_616 : memref<1x1x2048xf32, #tpu.memory_space<hbm>> -> memref<2048xf32, #tpu.memory_space<hbm>>
    %dma_wait3A_618 = tpu.memref_slice %arg5[%add3A_601, %dma_wait3A_613, %mul3A_603] : memref<200x4x32768xf32, #tpu.memory_space<hbm>> -> memref<1x1x2048xf32, #tpu.memory_space<hbm>>
    %dma_wait3A_619 = tpu.memref_squeeze %dma_wait3A_618 : memref<1x1x2048xf32, #tpu.memory_space<hbm>> -> memref<2048xf32, #tpu.memory_space<hbm>>
    %dma_wait3A_620 = arith.constant 0 : i32
    %dma_wait3A_621 = tpu.memref_slice %arg13[%dma_wait3A_620] : memref<8192xf32, #tpu.memory_space<vmem>> -> memref<2048xf32, #tpu.memory_space<vmem>>
    tpu.wait_dma2 semaphore(%arg23 : memref<!tpu.dma_semaphore, #tpu.memory_space<semaphore_mem>>) src(%dma_wait3A_621 : memref<2048xf32, #tpu.memory_space<vmem>>) dst(%dma_wait3A_619 : memref<2048xf32, #tpu.memory_space<hbm>>)
    %dma_wait3A_622 = arith.constant 1 : i32
    %dma_wait3A_623 = arith.constant 2048 : i32
    %dma_wait3A_624 = tpu.memref_slice %arg13[%dma_wait3A_623] : memref<8192xf32, #tpu.memory_space<vmem>> -> memref<2048xf32, #tpu.memory_space<vmem>>
    %dma_wait3A_625 = tpu.memref_slice %arg5[%add3A_604, %dma_wait3A_622, %mul3A_606] : memref<200x4x32768xf32, #tpu.memory_space<hbm>> -> memref<1x1x2048xf32, #tpu.memory_space<hbm>>
    %dma_wait3A_626 = tpu.memref_squeeze %dma_wait3A_625 : memref<1x1x2048xf32, #tpu.memory_space<hbm>> -> memref<2048xf32, #tpu.memory_space<hbm>>
    %dma_wait3A_627 = tpu.memref_slice %arg5[%add3A_604, %dma_wait3A_622, %mul3A_606] : memref<200x4x32768xf32, #tpu.memory_space<hbm>> -> memref<1x1x2048xf32, #tpu.memory_space<hbm>>
    %dma_wait3A_628 = tpu.memref_squeeze %dma_wait3A_627 : memref<1x1x2048xf32, #tpu.memory_space<hbm>> -> memref<2048xf32, #tpu.memory_space<hbm>>
    %dma_wait3A_629 = arith.constant 2048 : i32
    %dma_wait3A_630 = tpu.memref_slice %arg13[%dma_wait3A_629] : memref<8192xf32, #tpu.memory_space<vmem>> -> memref<2048xf32, #tpu.memory_space<vmem>>
    tpu.wait_dma2 semaphore(%arg24 : memref<!tpu.dma_semaphore, #tpu.memory_space<semaphore_mem>>) src(%dma_wait3A_630 : memref<2048xf32, #tpu.memory_space<vmem>>) dst(%dma_wait3A_628 : memref<2048xf32, #tpu.memory_space<hbm>>)
    %dma_wait3A_631 = arith.constant 2 : i32
    %dma_wait3A_632 = arith.constant 4096 : i32
    %dma_wait3A_633 = tpu.memref_slice %arg13[%dma_wait3A_632] : memref<8192xf32, #tpu.memory_space<vmem>> -> memref<2048xf32, #tpu.memory_space<vmem>>
    %dma_wait3A_634 = tpu.memref_slice %arg5[%add3A_607, %dma_wait3A_631, %mul3A_609] : memref<200x4x32768xf32, #tpu.memory_space<hbm>> -> memref<1x1x2048xf32, #tpu.memory_space<hbm>>
    %dma_wait3A_635 = tpu.memref_squeeze %dma_wait3A_634 : memref<1x1x2048xf32, #tpu.memory_space<hbm>> -> memref<2048xf32, #tpu.memory_space<hbm>>
    %dma_wait3A_636 = tpu.memref_slice %arg5[%add3A_607, %dma_wait3A_631, %mul3A_609] : memref<200x4x32768xf32, #tpu.memory_space<hbm>> -> memref<1x1x2048xf32, #tpu.memory_space<hbm>>
    %dma_wait3A_637 = tpu.memref_squeeze %dma_wait3A_636 : memref<1x1x2048xf32, #tpu.memory_space<hbm>> -> memref<2048xf32, #tpu.memory_space<hbm>>
    %dma_wait3A_638 = arith.constant 4096 : i32
    %dma_wait3A_639 = tpu.memref_slice %arg13[%dma_wait3A_638] : memref<8192xf32, #tpu.memory_space<vmem>> -> memref<2048xf32, #tpu.memory_space<vmem>>
    tpu.wait_dma2 semaphore(%arg25 : memref<!tpu.dma_semaphore, #tpu.memory_space<semaphore_mem>>) src(%dma_wait3A_639 : memref<2048xf32, #tpu.memory_space<vmem>>) dst(%dma_wait3A_637 : memref<2048xf32, #tpu.memory_space<hbm>>)
    %dma_wait3A_640 = arith.constant 3 : i32
    %dma_wait3A_641 = arith.constant 6144 : i32
    %dma_wait3A_642 = tpu.memref_slice %arg13[%dma_wait3A_641] : memref<8192xf32, #tpu.memory_space<vmem>> -> memref<2048xf32, #tpu.memory_space<vmem>>
    %dma_wait3A_643 = tpu.memref_slice %arg5[%add3A_610, %dma_wait3A_640, %mul3A_612] : memref<200x4x32768xf32, #tpu.memory_space<hbm>> -> memref<1x1x2048xf32, #tpu.memory_space<hbm>>
    %dma_wait3A_644 = tpu.memref_squeeze %dma_wait3A_643 : memref<1x1x2048xf32, #tpu.memory_space<hbm>> -> memref<2048xf32, #tpu.memory_space<hbm>>
    %dma_wait3A_645 = tpu.memref_slice %arg5[%add3A_610, %dma_wait3A_640, %mul3A_612] : memref<200x4x32768xf32, #tpu.memory_space<hbm>> -> memref<1x1x2048xf32, #tpu.memory_space<hbm>>
    %dma_wait3A_646 = tpu.memref_squeeze %dma_wait3A_645 : memref<1x1x2048xf32, #tpu.memory_space<hbm>> -> memref<2048xf32, #tpu.memory_space<hbm>>
    %dma_wait3A_647 = arith.constant 6144 : i32
    %dma_wait3A_648 = tpu.memref_slice %arg13[%dma_wait3A_647] : memref<8192xf32, #tpu.memory_space<vmem>> -> memref<2048xf32, #tpu.memory_space<vmem>>
    tpu.wait_dma2 semaphore(%arg26 : memref<!tpu.dma_semaphore, #tpu.memory_space<semaphore_mem>>) src(%dma_wait3A_648 : memref<2048xf32, #tpu.memory_space<vmem>>) dst(%dma_wait3A_646 : memref<2048xf32, #tpu.memory_space<hbm>>)
    %shift_right_logical3A_649 = arith.constant 95 : i32
    %shift_right_logical3A_650 = arith.constant 2 : i32
    %shift_right_logical3A_651 = arith.shrui %shift_right_logical3A_649, %shift_right_logical3A_650 : i32
    %and3A_652 = arith.constant 95 : i32
    %and3A_653 = arith.constant 3 : i32
    %and3A_654 = arith.andi %and3A_652, %and3A_653 : i32
    %get3A_655 = arith.index_cast %shift_right_logical3A_651 : i32 to index
    %get3A_656 = arith.constant 0 : index
    %get3A_657 = tpu.vector_load %arg7[%get3A_655, %get3A_656] {strides = array<i32>} : memref<25x32xf32, #tpu.memory_space<vmem>>, vector<16xf32>,
    %get3A_658 = arith.index_cast %shift_right_logical3A_651 : i32 to index
    %get3A_659 = arith.constant 16 : index
    %get3A_660 = tpu.vector_load %arg7[%get3A_658, %get3A_659] {strides = array<i32>} : memref<25x32xf32, #tpu.memory_space<vmem>>, vector<16xf32>,
    %parallel_loop3A_661 = arith.constant 0 : i32
    %parallel_loop3A_662 = arith.constant 256 : i32
    %parallel_loop3A_663 = arith.constant 1 : i32
    scf.for %parallel_loop3A_1574 = %parallel_loop3A_661 to %parallel_loop3A_662 step %parallel_loop3A_663  : i32 {
      %parallel_loop3A_1575 = arith.constant 7 : i32
      %parallel_loop3A_1576 = arith.shrui %parallel_loop3A_1574, %parallel_loop3A_1575 : i32
      %parallel_loop3A_1577 = arith.constant 1024 : i32
      %parallel_loop3A_1578 = arith.muli %parallel_loop3A_1576, %parallel_loop3A_1577 : i32
      %parallel_loop3A_1579 = arith.constant 127 : i32
      %parallel_loop3A_1580 = arith.andi %parallel_loop3A_1574, %parallel_loop3A_1579 : i32
      %parallel_loop3A_1581 = arith.addi %parallel_loop3A_1578, %parallel_loop3A_1580 : i32
      %parallel_loop3A_1582 = arith.index_cast %parallel_loop3A_1574 : i32 to index
      %parallel_loop3A_1583 = arith.constant 0 : index
      %parallel_loop3A_1584 = tpu.vector_load %arg8[%parallel_loop3A_1582, %parallel_loop3A_1583] {strides = array<i32>} : memref<256x32xf32, #tpu.memory_space<vmem>>, vector<16xf32>,
      %parallel_loop3A_1585 = arith.index_cast %parallel_loop3A_1574 : i32 to index
      %parallel_loop3A_1586 = arith.constant 16 : index
      %parallel_loop3A_1587 = tpu.vector_load %arg8[%parallel_loop3A_1585, %parallel_loop3A_1586] {strides = array<i32>} : memref<256x32xf32, #tpu.memory_space<vmem>>, vector<16xf32>,
      %parallel_loop3A_1588 = vector.broadcast %parallel_loop3A_1581 : i32 to vector<16xi32>
      %parallel_loop3A_1589 = arith.addi %add3A_17, %parallel_loop3A_1588 : vector<16xi32>
      %parallel_loop3A_1590 = arith.addf %parallel_loop3A_1584, %get3A_657 : vector<16xf32>
      tpu.vector_store_idx %arg13[%parallel_loop3A_1589], %parallel_loop3A_1590 : memref<8192xf32, #tpu.memory_space<vmem>>[vector<16xi32>], vector<16xf32>,
      %parallel_loop3A_1591 = vector.broadcast %parallel_loop3A_1581 : i32 to vector<16xi32>
      %parallel_loop3A_1592 = arith.addi %add3A_20, %parallel_loop3A_1591 : vector<16xi32>
      %parallel_loop3A_1593 = arith.addf %parallel_loop3A_1587, %get3A_660 : vector<16xf32>
      tpu.vector_store_idx %arg13[%parallel_loop3A_1592], %parallel_loop3A_1593 : memref<8192xf32, #tpu.memory_space<vmem>>[vector<16xi32>], vector<16xf32>,
    } {sc.loop_unroll_factor = 8 : i64, sc.parallel_access}
    %shift_right_logical3A_664 = arith.constant 95 : i32
    %shift_right_logical3A_665 = arith.constant 2 : i32
    %shift_right_logical3A_666 = arith.shrui %shift_right_logical3A_664, %shift_right_logical3A_665 : i32
    %and3A_667 = arith.constant 95 : i32
    %and3A_668 = arith.constant 3 : i32
    %and3A_669 = arith.andi %and3A_667, %and3A_668 : i32
    %mul3A_670 = arith.constant 4 : i32
    %mul3A_671 = arith.muli %and3A_2, %mul3A_670 : i32
    %add3A_672 = arith.addi %mul3A_671, %and3A_669 : i32
    %add3A_673 = arith.addi %mul3A_4, %shift_right_logical3A_666 : i32
    %mul3A_674 = arith.constant 2048 : i32
    %mul3A_675 = arith.muli %add3A_672, %mul3A_674 : i32
    %add3A_676 = arith.addi %mul3A_4, %shift_right_logical3A_666 : i32
    %mul3A_677 = arith.constant 2048 : i32
    %mul3A_678 = arith.muli %add3A_672, %mul3A_677 : i32
    %add3A_679 = arith.addi %mul3A_4, %shift_right_logical3A_666 : i32
    %mul3A_680 = arith.constant 2048 : i32
    %mul3A_681 = arith.muli %add3A_672, %mul3A_680 : i32
    %add3A_682 = arith.addi %mul3A_4, %shift_right_logical3A_666 : i32
    %mul3A_683 = arith.constant 2048 : i32
    %mul3A_684 = arith.muli %add3A_672, %mul3A_683 : i32
    %dma_start3A_685 = arith.constant 0 : i32
    %dma_start3A_686 = arith.constant 0 : i32
    %dma_start3A_687 = tpu.memref_slice %arg13[%dma_start3A_686] : memref<8192xf32, #tpu.memory_space<vmem>> -> memref<2048xf32, #tpu.memory_space<vmem>>
    %dma_start3A_688 = tpu.memref_slice %arg5[%add3A_673, %dma_start3A_685, %mul3A_675] : memref<200x4x32768xf32, #tpu.memory_space<hbm>> -> memref<1x1x2048xf32, #tpu.memory_space<hbm>>
    %dma_start3A_689 = tpu.memref_squeeze %dma_start3A_688 : memref<1x1x2048xf32, #tpu.memory_space<hbm>> -> memref<2048xf32, #tpu.memory_space<hbm>>
    %dma_start3A_690 = tpu.memref_slice %arg5[%add3A_673, %dma_start3A_685, %mul3A_675] : memref<200x4x32768xf32, #tpu.memory_space<hbm>> -> memref<1x1x2048xf32, #tpu.memory_space<hbm>>
    %dma_start3A_691 = tpu.memref_squeeze %dma_start3A_690 : memref<1x1x2048xf32, #tpu.memory_space<hbm>> -> memref<2048xf32, #tpu.memory_space<hbm>>
    %dma_start3A_692 = arith.constant 0 : i32
    %dma_start3A_693 = tpu.memref_slice %arg13[%dma_start3A_692] : memref<8192xf32, #tpu.memory_space<vmem>> -> memref<2048xf32, #tpu.memory_space<vmem>>
    tpu.enqueue_dma source(%dma_start3A_693 : memref<2048xf32, #tpu.memory_space<vmem>>) target(%dma_start3A_691 : memref<2048xf32, #tpu.memory_space<hbm>>) target_semaphore(%arg23 : memref<!tpu.dma_semaphore, #tpu.memory_space<semaphore_mem>>)
    %dma_start3A_694 = arith.constant 1 : i32
    %dma_start3A_695 = arith.constant 2048 : i32
    %dma_start3A_696 = tpu.memref_slice %arg13[%dma_start3A_695] : memref<8192xf32, #tpu.memory_space<vmem>> -> memref<2048xf32, #tpu.memory_space<vmem>>
    %dma_start3A_697 = tpu.memref_slice %arg5[%add3A_676, %dma_start3A_694, %mul3A_678] : memref<200x4x32768xf32, #tpu.memory_space<hbm>> -> memref<1x1x2048xf32, #tpu.memory_space<hbm>>
    %dma_start3A_698 = tpu.memref_squeeze %dma_start3A_697 : memref<1x1x2048xf32, #tpu.memory_space<hbm>> -> memref<2048xf32, #tpu.memory_space<hbm>>
    %dma_start3A_699 = tpu.memref_slice %arg5[%add3A_676, %dma_start3A_694, %mul3A_678] : memref<200x4x32768xf32, #tpu.memory_space<hbm>> -> memref<1x1x2048xf32, #tpu.memory_space<hbm>>
    %dma_start3A_700 = tpu.memref_squeeze %dma_start3A_699 : memref<1x1x2048xf32, #tpu.memory_space<hbm>> -> memref<2048xf32, #tpu.memory_space<hbm>>
    %dma_start3A_701 = arith.constant 2048 : i32
    %dma_start3A_702 = tpu.memref_slice %arg13[%dma_start3A_701] : memref<8192xf32, #tpu.memory_space<vmem>> -> memref<2048xf32, #tpu.memory_space<vmem>>
    tpu.enqueue_dma source(%dma_start3A_702 : memref<2048xf32, #tpu.memory_space<vmem>>) target(%dma_start3A_700 : memref<2048xf32, #tpu.memory_space<hbm>>) target_semaphore(%arg24 : memref<!tpu.dma_semaphore, #tpu.memory_space<semaphore_mem>>)
    %dma_start3A_703 = arith.constant 2 : i32
    %dma_start3A_704 = arith.constant 4096 : i32
    %dma_start3A_705 = tpu.memref_slice %arg13[%dma_start3A_704] : memref<8192xf32, #tpu.memory_space<vmem>> -> memref<2048xf32, #tpu.memory_space<vmem>>
    %dma_start3A_706 = tpu.memref_slice %arg5[%add3A_679, %dma_start3A_703, %mul3A_681] : memref<200x4x32768xf32, #tpu.memory_space<hbm>> -> memref<1x1x2048xf32, #tpu.memory_space<hbm>>
    %dma_start3A_707 = tpu.memref_squeeze %dma_start3A_706 : memref<1x1x2048xf32, #tpu.memory_space<hbm>> -> memref<2048xf32, #tpu.memory_space<hbm>>
    %dma_start3A_708 = tpu.memref_slice %arg5[%add3A_679, %dma_start3A_703, %mul3A_681] : memref<200x4x32768xf32, #tpu.memory_space<hbm>> -> memref<1x1x2048xf32, #tpu.memory_space<hbm>>
    %dma_start3A_709 = tpu.memref_squeeze %dma_start3A_708 : memref<1x1x2048xf32, #tpu.memory_space<hbm>> -> memref<2048xf32, #tpu.memory_space<hbm>>
    %dma_start3A_710 = arith.constant 4096 : i32
    %dma_start3A_711 = tpu.memref_slice %arg13[%dma_start3A_710] : memref<8192xf32, #tpu.memory_space<vmem>> -> memref<2048xf32, #tpu.memory_space<vmem>>
    tpu.enqueue_dma source(%dma_start3A_711 : memref<2048xf32, #tpu.memory_space<vmem>>) target(%dma_start3A_709 : memref<2048xf32, #tpu.memory_space<hbm>>) target_semaphore(%arg25 : memref<!tpu.dma_semaphore, #tpu.memory_space<semaphore_mem>>)
    %dma_start3A_712 = arith.constant 3 : i32
    %dma_start3A_713 = arith.constant 6144 : i32
    %dma_start3A_714 = tpu.memref_slice %arg13[%dma_start3A_713] : memref<8192xf32, #tpu.memory_space<vmem>> -> memref<2048xf32, #tpu.memory_space<vmem>>
    %dma_start3A_715 = tpu.memref_slice %arg5[%add3A_682, %dma_start3A_712, %mul3A_684] : memref<200x4x32768xf32, #tpu.memory_space<hbm>> -> memref<1x1x2048xf32, #tpu.memory_space<hbm>>
    %dma_start3A_716 = tpu.memref_squeeze %dma_start3A_715 : memref<1x1x2048xf32, #tpu.memory_space<hbm>> -> memref<2048xf32, #tpu.memory_space<hbm>>
    %dma_start3A_717 = tpu.memref_slice %arg5[%add3A_682, %dma_start3A_712, %mul3A_684] : memref<200x4x32768xf32, #tpu.memory_space<hbm>> -> memref<1x1x2048xf32, #tpu.memory_space<hbm>>
    %dma_start3A_718 = tpu.memref_squeeze %dma_start3A_717 : memref<1x1x2048xf32, #tpu.memory_space<hbm>> -> memref<2048xf32, #tpu.memory_space<hbm>>
    %dma_start3A_719 = arith.constant 6144 : i32
    %dma_start3A_720 = tpu.memref_slice %arg13[%dma_start3A_719] : memref<8192xf32, #tpu.memory_space<vmem>> -> memref<2048xf32, #tpu.memory_space<vmem>>
    tpu.enqueue_dma source(%dma_start3A_720 : memref<2048xf32, #tpu.memory_space<vmem>>) target(%dma_start3A_718 : memref<2048xf32, #tpu.memory_space<hbm>>) target_semaphore(%arg26 : memref<!tpu.dma_semaphore, #tpu.memory_space<semaphore_mem>>)
    %shift_right_logical3A_721 = arith.constant 96 : i32
    %shift_right_logical3A_722 = arith.constant 2 : i32
    %shift_right_logical3A_723 = arith.shrui %shift_right_logical3A_721, %shift_right_logical3A_722 : i32
    %and3A_724 = arith.constant 96 : i32
    %and3A_725 = arith.constant 3 : i32
    %and3A_726 = arith.andi %and3A_724, %and3A_725 : i32
    %mul3A_727 = arith.constant 256 : i32
    %mul3A_728 = arith.muli %and3A_726, %mul3A_727 : i32
    %dma_wait3A_729 = tpu.memref_slice %arg6[%shift_right_logical3A_723, %mul3A_728] : memref<25x1024xi32, #tpu.memory_space<vmem>> -> memref<1x256xi32, #tpu.memory_space<vmem>>
    %dma_wait3A_730 = tpu.memref_squeeze %dma_wait3A_729 : memref<1x256xi32, #tpu.memory_space<vmem>> -> memref<256xi32, #tpu.memory_space<vmem>>
    %dma_wait3A_731 = arith.constant 0 : i32
    %dma_wait3A_732 = arith.constant 0 : i32
    %dma_wait3A_733 = tpu.memref_slice %arg3[%dma_wait3A_731, %dma_wait3A_732] : memref<1000000x32xf32, #tpu.memory_space<hbm>> -> memref<1000000x32xf32, #tpu.memory_space<hbm>>
    tpu.wait_indirect_dma semaphore(%arg19 : memref<!tpu.dma_semaphore, #tpu.memory_space<semaphore_mem>>) src(%dma_wait3A_733 : memref<1000000x32xf32, #tpu.memory_space<hbm>>) dst(%arg9 : memref<256x32xf32, #tpu.memory_space<vmem>>)
    %shift_right_logical3A_734 = arith.constant 91 : i32
    %shift_right_logical3A_735 = arith.constant 2 : i32
    %shift_right_logical3A_736 = arith.shrui %shift_right_logical3A_734, %shift_right_logical3A_735 : i32
    %and3A_737 = arith.constant 91 : i32
    %and3A_738 = arith.constant 3 : i32
    %and3A_739 = arith.andi %and3A_737, %and3A_738 : i32
    %mul3A_740 = arith.constant 4 : i32
    %mul3A_741 = arith.muli %and3A_2, %mul3A_740 : i32
    %add3A_742 = arith.addi %mul3A_741, %and3A_739 : i32
    %add3A_743 = arith.addi %mul3A_4, %shift_right_logical3A_736 : i32
    %mul3A_744 = arith.constant 2048 : i32
    %mul3A_745 = arith.muli %add3A_742, %mul3A_744 : i32
    %add3A_746 = arith.addi %mul3A_4, %shift_right_logical3A_736 : i32
    %mul3A_747 = arith.constant 2048 : i32
    %mul3A_748 = arith.muli %add3A_742, %mul3A_747 : i32
    %add3A_749 = arith.addi %mul3A_4, %shift_right_logical3A_736 : i32
    %mul3A_750 = arith.constant 2048 : i32
    %mul3A_751 = arith.muli %add3A_742, %mul3A_750 : i32
    %add3A_752 = arith.addi %mul3A_4, %shift_right_logical3A_736 : i32
    %mul3A_753 = arith.constant 2048 : i32
    %mul3A_754 = arith.muli %add3A_742, %mul3A_753 : i32
    %dma_wait3A_755 = arith.constant 0 : i32
    %dma_wait3A_756 = arith.constant 0 : i32
    %dma_wait3A_757 = tpu.memref_slice %arg14[%dma_wait3A_756] : memref<8192xf32, #tpu.memory_space<vmem>> -> memref<2048xf32, #tpu.memory_space<vmem>>
    %dma_wait3A_758 = tpu.memref_slice %arg5[%add3A_743, %dma_wait3A_755, %mul3A_745] : memref<200x4x32768xf32, #tpu.memory_space<hbm>> -> memref<1x1x2048xf32, #tpu.memory_space<hbm>>
    %dma_wait3A_759 = tpu.memref_squeeze %dma_wait3A_758 : memref<1x1x2048xf32, #tpu.memory_space<hbm>> -> memref<2048xf32, #tpu.memory_space<hbm>>
    %dma_wait3A_760 = tpu.memref_slice %arg5[%add3A_743, %dma_wait3A_755, %mul3A_745] : memref<200x4x32768xf32, #tpu.memory_space<hbm>> -> memref<1x1x2048xf32, #tpu.memory_space<hbm>>
    %dma_wait3A_761 = tpu.memref_squeeze %dma_wait3A_760 : memref<1x1x2048xf32, #tpu.memory_space<hbm>> -> memref<2048xf32, #tpu.memory_space<hbm>>
    %dma_wait3A_762 = arith.constant 0 : i32
    %dma_wait3A_763 = tpu.memref_slice %arg14[%dma_wait3A_762] : memref<8192xf32, #tpu.memory_space<vmem>> -> memref<2048xf32, #tpu.memory_space<vmem>>
    tpu.wait_dma2 semaphore(%arg27 : memref<!tpu.dma_semaphore, #tpu.memory_space<semaphore_mem>>) src(%dma_wait3A_763 : memref<2048xf32, #tpu.memory_space<vmem>>) dst(%dma_wait3A_761 : memref<2048xf32, #tpu.memory_space<hbm>>)
    %dma_wait3A_764 = arith.constant 1 : i32
    %dma_wait3A_765 = arith.constant 2048 : i32
    %dma_wait3A_766 = tpu.memref_slice %arg14[%dma_wait3A_765] : memref<8192xf32, #tpu.memory_space<vmem>> -> memref<2048xf32, #tpu.memory_space<vmem>>
    %dma_wait3A_767 = tpu.memref_slice %arg5[%add3A_746, %dma_wait3A_764, %mul3A_748] : memref<200x4x32768xf32, #tpu.memory_space<hbm>> -> memref<1x1x2048xf32, #tpu.memory_space<hbm>>
    %dma_wait3A_768 = tpu.memref_squeeze %dma_wait3A_767 : memref<1x1x2048xf32, #tpu.memory_space<hbm>> -> memref<2048xf32, #tpu.memory_space<hbm>>
    %dma_wait3A_769 = tpu.memref_slice %arg5[%add3A_746, %dma_wait3A_764, %mul3A_748] : memref<200x4x32768xf32, #tpu.memory_space<hbm>> -> memref<1x1x2048xf32, #tpu.memory_space<hbm>>
    %dma_wait3A_770 = tpu.memref_squeeze %dma_wait3A_769 : memref<1x1x2048xf32, #tpu.memory_space<hbm>> -> memref<2048xf32, #tpu.memory_space<hbm>>
    %dma_wait3A_771 = arith.constant 2048 : i32
    %dma_wait3A_772 = tpu.memref_slice %arg14[%dma_wait3A_771] : memref<8192xf32, #tpu.memory_space<vmem>> -> memref<2048xf32, #tpu.memory_space<vmem>>
    tpu.wait_dma2 semaphore(%arg28 : memref<!tpu.dma_semaphore, #tpu.memory_space<semaphore_mem>>) src(%dma_wait3A_772 : memref<2048xf32, #tpu.memory_space<vmem>>) dst(%dma_wait3A_770 : memref<2048xf32, #tpu.memory_space<hbm>>)
    %dma_wait3A_773 = arith.constant 2 : i32
    %dma_wait3A_774 = arith.constant 4096 : i32
    %dma_wait3A_775 = tpu.memref_slice %arg14[%dma_wait3A_774] : memref<8192xf32, #tpu.memory_space<vmem>> -> memref<2048xf32, #tpu.memory_space<vmem>>
    %dma_wait3A_776 = tpu.memref_slice %arg5[%add3A_749, %dma_wait3A_773, %mul3A_751] : memref<200x4x32768xf32, #tpu.memory_space<hbm>> -> memref<1x1x2048xf32, #tpu.memory_space<hbm>>
    %dma_wait3A_777 = tpu.memref_squeeze %dma_wait3A_776 : memref<1x1x2048xf32, #tpu.memory_space<hbm>> -> memref<2048xf32, #tpu.memory_space<hbm>>
    %dma_wait3A_778 = tpu.memref_slice %arg5[%add3A_749, %dma_wait3A_773, %mul3A_751] : memref<200x4x32768xf32, #tpu.memory_space<hbm>> -> memref<1x1x2048xf32, #tpu.memory_space<hbm>>
    %dma_wait3A_779 = tpu.memref_squeeze %dma_wait3A_778 : memref<1x1x2048xf32, #tpu.memory_space<hbm>> -> memref<2048xf32, #tpu.memory_space<hbm>>
    %dma_wait3A_780 = arith.constant 4096 : i32
    %dma_wait3A_781 = tpu.memref_slice %arg14[%dma_wait3A_780] : memref<8192xf32, #tpu.memory_space<vmem>> -> memref<2048xf32, #tpu.memory_space<vmem>>
    tpu.wait_dma2 semaphore(%arg29 : memref<!tpu.dma_semaphore, #tpu.memory_space<semaphore_mem>>) src(%dma_wait3A_781 : memref<2048xf32, #tpu.memory_space<vmem>>) dst(%dma_wait3A_779 : memref<2048xf32, #tpu.memory_space<hbm>>)
    %dma_wait3A_782 = arith.constant 3 : i32
    %dma_wait3A_783 = arith.constant 6144 : i32
    %dma_wait3A_784 = tpu.memref_slice %arg14[%dma_wait3A_783] : memref<8192xf32, #tpu.memory_space<vmem>> -> memref<2048xf32, #tpu.memory_space<vmem>>
    %dma_wait3A_785 = tpu.memref_slice %arg5[%add3A_752, %dma_wait3A_782, %mul3A_754] : memref<200x4x32768xf32, #tpu.memory_space<hbm>> -> memref<1x1x2048xf32, #tpu.memory_space<hbm>>
    %dma_wait3A_786 = tpu.memref_squeeze %dma_wait3A_785 : memref<1x1x2048xf32, #tpu.memory_space<hbm>> -> memref<2048xf32, #tpu.memory_space<hbm>>
    %dma_wait3A_787 = tpu.memref_slice %arg5[%add3A_752, %dma_wait3A_782, %mul3A_754] : memref<200x4x32768xf32, #tpu.memory_space<hbm>> -> memref<1x1x2048xf32, #tpu.memory_space<hbm>>
    %dma_wait3A_788 = tpu.memref_squeeze %dma_wait3A_787 : memref<1x1x2048xf32, #tpu.memory_space<hbm>> -> memref<2048xf32, #tpu.memory_space<hbm>>
    %dma_wait3A_789 = arith.constant 6144 : i32
    %dma_wait3A_790 = tpu.memref_slice %arg14[%dma_wait3A_789] : memref<8192xf32, #tpu.memory_space<vmem>> -> memref<2048xf32, #tpu.memory_space<vmem>>
    tpu.wait_dma2 semaphore(%arg30 : memref<!tpu.dma_semaphore, #tpu.memory_space<semaphore_mem>>) src(%dma_wait3A_790 : memref<2048xf32, #tpu.memory_space<vmem>>) dst(%dma_wait3A_788 : memref<2048xf32, #tpu.memory_space<hbm>>)
    %shift_right_logical3A_791 = arith.constant 96 : i32
    %shift_right_logical3A_792 = arith.constant 2 : i32
    %shift_right_logical3A_793 = arith.shrui %shift_right_logical3A_791, %shift_right_logical3A_792 : i32
    %and3A_794 = arith.constant 96 : i32
    %and3A_795 = arith.constant 3 : i32
    %and3A_796 = arith.andi %and3A_794, %and3A_795 : i32
    %get3A_797 = arith.index_cast %shift_right_logical3A_793 : i32 to index
    %get3A_798 = arith.constant 0 : index
    %get3A_799 = tpu.vector_load %arg7[%get3A_797, %get3A_798] {strides = array<i32>} : memref<25x32xf32, #tpu.memory_space<vmem>>, vector<16xf32>,
    %get3A_800 = arith.index_cast %shift_right_logical3A_793 : i32 to index
    %get3A_801 = arith.constant 16 : index
    %get3A_802 = tpu.vector_load %arg7[%get3A_800, %get3A_801] {strides = array<i32>} : memref<25x32xf32, #tpu.memory_space<vmem>>, vector<16xf32>,
    %parallel_loop3A_803 = arith.constant 0 : i32
    %parallel_loop3A_804 = arith.constant 256 : i32
    %parallel_loop3A_805 = arith.constant 1 : i32
    scf.for %parallel_loop3A_1574 = %parallel_loop3A_803 to %parallel_loop3A_804 step %parallel_loop3A_805  : i32 {
      %parallel_loop3A_1575 = arith.constant 7 : i32
      %parallel_loop3A_1576 = arith.shrui %parallel_loop3A_1574, %parallel_loop3A_1575 : i32
      %parallel_loop3A_1577 = arith.constant 1024 : i32
      %parallel_loop3A_1578 = arith.muli %parallel_loop3A_1576, %parallel_loop3A_1577 : i32
      %parallel_loop3A_1579 = arith.constant 127 : i32
      %parallel_loop3A_1580 = arith.andi %parallel_loop3A_1574, %parallel_loop3A_1579 : i32
      %parallel_loop3A_1581 = arith.addi %parallel_loop3A_1578, %parallel_loop3A_1580 : i32
      %parallel_loop3A_1582 = arith.index_cast %parallel_loop3A_1574 : i32 to index
      %parallel_loop3A_1583 = arith.constant 0 : index
      %parallel_loop3A_1584 = tpu.vector_load %arg9[%parallel_loop3A_1582, %parallel_loop3A_1583] {strides = array<i32>} : memref<256x32xf32, #tpu.memory_space<vmem>>, vector<16xf32>,
      %parallel_loop3A_1585 = arith.index_cast %parallel_loop3A_1574 : i32 to index
      %parallel_loop3A_1586 = arith.constant 16 : index
      %parallel_loop3A_1587 = tpu.vector_load %arg9[%parallel_loop3A_1585, %parallel_loop3A_1586] {strides = array<i32>} : memref<256x32xf32, #tpu.memory_space<vmem>>, vector<16xf32>,
      %parallel_loop3A_1588 = vector.broadcast %parallel_loop3A_1581 : i32 to vector<16xi32>
      %parallel_loop3A_1589 = arith.addi %add3A_17, %parallel_loop3A_1588 : vector<16xi32>
      %parallel_loop3A_1590 = arith.addf %parallel_loop3A_1584, %get3A_799 : vector<16xf32>
      tpu.vector_store_idx %arg14[%parallel_loop3A_1589], %parallel_loop3A_1590 : memref<8192xf32, #tpu.memory_space<vmem>>[vector<16xi32>], vector<16xf32>,
      %parallel_loop3A_1591 = vector.broadcast %parallel_loop3A_1581 : i32 to vector<16xi32>
      %parallel_loop3A_1592 = arith.addi %add3A_20, %parallel_loop3A_1591 : vector<16xi32>
      %parallel_loop3A_1593 = arith.addf %parallel_loop3A_1587, %get3A_802 : vector<16xf32>
      tpu.vector_store_idx %arg14[%parallel_loop3A_1592], %parallel_loop3A_1593 : memref<8192xf32, #tpu.memory_space<vmem>>[vector<16xi32>], vector<16xf32>,
    } {sc.loop_unroll_factor = 8 : i64, sc.parallel_access}
    %shift_right_logical3A_806 = arith.constant 96 : i32
    %shift_right_logical3A_807 = arith.constant 2 : i32
    %shift_right_logical3A_808 = arith.shrui %shift_right_logical3A_806, %shift_right_logical3A_807 : i32
    %and3A_809 = arith.constant 96 : i32
    %and3A_810 = arith.constant 3 : i32
    %and3A_811 = arith.andi %and3A_809, %and3A_810 : i32
    %mul3A_812 = arith.constant 4 : i32
    %mul3A_813 = arith.muli %and3A_2, %mul3A_812 : i32
    %add3A_814 = arith.addi %mul3A_813, %and3A_811 : i32
    %add3A_815 = arith.addi %mul3A_4, %shift_right_logical3A_808 : i32
    %mul3A_816 = arith.constant 2048 : i32
    %mul3A_817 = arith.muli %add3A_814, %mul3A_816 : i32
    %add3A_818 = arith.addi %mul3A_4, %shift_right_logical3A_808 : i32
    %mul3A_819 = arith.constant 2048 : i32
    %mul3A_820 = arith.muli %add3A_814, %mul3A_819 : i32
    %add3A_821 = arith.addi %mul3A_4, %shift_right_logical3A_808 : i32
    %mul3A_822 = arith.constant 2048 : i32
    %mul3A_823 = arith.muli %add3A_814, %mul3A_822 : i32
    %add3A_824 = arith.addi %mul3A_4, %shift_right_logical3A_808 : i32
    %mul3A_825 = arith.constant 2048 : i32
    %mul3A_826 = arith.muli %add3A_814, %mul3A_825 : i32
    %dma_start3A_827 = arith.constant 0 : i32
    %dma_start3A_828 = arith.constant 0 : i32
    %dma_start3A_829 = tpu.memref_slice %arg14[%dma_start3A_828] : memref<8192xf32, #tpu.memory_space<vmem>> -> memref<2048xf32, #tpu.memory_space<vmem>>
    %dma_start3A_830 = tpu.memref_slice %arg5[%add3A_815, %dma_start3A_827, %mul3A_817] : memref<200x4x32768xf32, #tpu.memory_space<hbm>> -> memref<1x1x2048xf32, #tpu.memory_space<hbm>>
    %dma_start3A_831 = tpu.memref_squeeze %dma_start3A_830 : memref<1x1x2048xf32, #tpu.memory_space<hbm>> -> memref<2048xf32, #tpu.memory_space<hbm>>
    %dma_start3A_832 = tpu.memref_slice %arg5[%add3A_815, %dma_start3A_827, %mul3A_817] : memref<200x4x32768xf32, #tpu.memory_space<hbm>> -> memref<1x1x2048xf32, #tpu.memory_space<hbm>>
    %dma_start3A_833 = tpu.memref_squeeze %dma_start3A_832 : memref<1x1x2048xf32, #tpu.memory_space<hbm>> -> memref<2048xf32, #tpu.memory_space<hbm>>
    %dma_start3A_834 = arith.constant 0 : i32
    %dma_start3A_835 = tpu.memref_slice %arg14[%dma_start3A_834] : memref<8192xf32, #tpu.memory_space<vmem>> -> memref<2048xf32, #tpu.memory_space<vmem>>
    tpu.enqueue_dma source(%dma_start3A_835 : memref<2048xf32, #tpu.memory_space<vmem>>) target(%dma_start3A_833 : memref<2048xf32, #tpu.memory_space<hbm>>) target_semaphore(%arg27 : memref<!tpu.dma_semaphore, #tpu.memory_space<semaphore_mem>>)
    %dma_start3A_836 = arith.constant 1 : i32
    %dma_start3A_837 = arith.constant 2048 : i32
    %dma_start3A_838 = tpu.memref_slice %arg14[%dma_start3A_837] : memref<8192xf32, #tpu.memory_space<vmem>> -> memref<2048xf32, #tpu.memory_space<vmem>>
    %dma_start3A_839 = tpu.memref_slice %arg5[%add3A_818, %dma_start3A_836, %mul3A_820] : memref<200x4x32768xf32, #tpu.memory_space<hbm>> -> memref<1x1x2048xf32, #tpu.memory_space<hbm>>
    %dma_start3A_840 = tpu.memref_squeeze %dma_start3A_839 : memref<1x1x2048xf32, #tpu.memory_space<hbm>> -> memref<2048xf32, #tpu.memory_space<hbm>>
    %dma_start3A_841 = tpu.memref_slice %arg5[%add3A_818, %dma_start3A_836, %mul3A_820] : memref<200x4x32768xf32, #tpu.memory_space<hbm>> -> memref<1x1x2048xf32, #tpu.memory_space<hbm>>
    %dma_start3A_842 = tpu.memref_squeeze %dma_start3A_841 : memref<1x1x2048xf32, #tpu.memory_space<hbm>> -> memref<2048xf32, #tpu.memory_space<hbm>>
    %dma_start3A_843 = arith.constant 2048 : i32
    %dma_start3A_844 = tpu.memref_slice %arg14[%dma_start3A_843] : memref<8192xf32, #tpu.memory_space<vmem>> -> memref<2048xf32, #tpu.memory_space<vmem>>
    tpu.enqueue_dma source(%dma_start3A_844 : memref<2048xf32, #tpu.memory_space<vmem>>) target(%dma_start3A_842 : memref<2048xf32, #tpu.memory_space<hbm>>) target_semaphore(%arg28 : memref<!tpu.dma_semaphore, #tpu.memory_space<semaphore_mem>>)
    %dma_start3A_845 = arith.constant 2 : i32
    %dma_start3A_846 = arith.constant 4096 : i32
    %dma_start3A_847 = tpu.memref_slice %arg14[%dma_start3A_846] : memref<8192xf32, #tpu.memory_space<vmem>> -> memref<2048xf32, #tpu.memory_space<vmem>>
    %dma_start3A_848 = tpu.memref_slice %arg5[%add3A_821, %dma_start3A_845, %mul3A_823] : memref<200x4x32768xf32, #tpu.memory_space<hbm>> -> memref<1x1x2048xf32, #tpu.memory_space<hbm>>
    %dma_start3A_849 = tpu.memref_squeeze %dma_start3A_848 : memref<1x1x2048xf32, #tpu.memory_space<hbm>> -> memref<2048xf32, #tpu.memory_space<hbm>>
    %dma_start3A_850 = tpu.memref_slice %arg5[%add3A_821, %dma_start3A_845, %mul3A_823] : memref<200x4x32768xf32, #tpu.memory_space<hbm>> -> memref<1x1x2048xf32, #tpu.memory_space<hbm>>
    %dma_start3A_851 = tpu.memref_squeeze %dma_start3A_850 : memref<1x1x2048xf32, #tpu.memory_space<hbm>> -> memref<2048xf32, #tpu.memory_space<hbm>>
    %dma_start3A_852 = arith.constant 4096 : i32
    %dma_start3A_853 = tpu.memref_slice %arg14[%dma_start3A_852] : memref<8192xf32, #tpu.memory_space<vmem>> -> memref<2048xf32, #tpu.memory_space<vmem>>
    tpu.enqueue_dma source(%dma_start3A_853 : memref<2048xf32, #tpu.memory_space<vmem>>) target(%dma_start3A_851 : memref<2048xf32, #tpu.memory_space<hbm>>) target_semaphore(%arg29 : memref<!tpu.dma_semaphore, #tpu.memory_space<semaphore_mem>>)
    %dma_start3A_854 = arith.constant 3 : i32
    %dma_start3A_855 = arith.constant 6144 : i32
    %dma_start3A_856 = tpu.memref_slice %arg14[%dma_start3A_855] : memref<8192xf32, #tpu.memory_space<vmem>> -> memref<2048xf32, #tpu.memory_space<vmem>>
    %dma_start3A_857 = tpu.memref_slice %arg5[%add3A_824, %dma_start3A_854, %mul3A_826] : memref<200x4x32768xf32, #tpu.memory_space<hbm>> -> memref<1x1x2048xf32, #tpu.memory_space<hbm>>
    %dma_start3A_858 = tpu.memref_squeeze %dma_start3A_857 : memref<1x1x2048xf32, #tpu.memory_space<hbm>> -> memref<2048xf32, #tpu.memory_space<hbm>>
    %dma_start3A_859 = tpu.memref_slice %arg5[%add3A_824, %dma_start3A_854, %mul3A_826] : memref<200x4x32768xf32, #tpu.memory_space<hbm>> -> memref<1x1x2048xf32, #tpu.memory_space<hbm>>
    %dma_start3A_860 = tpu.memref_squeeze %dma_start3A_859 : memref<1x1x2048xf32, #tpu.memory_space<hbm>> -> memref<2048xf32, #tpu.memory_space<hbm>>
    %dma_start3A_861 = arith.constant 6144 : i32
    %dma_start3A_862 = tpu.memref_slice %arg14[%dma_start3A_861] : memref<8192xf32, #tpu.memory_space<vmem>> -> memref<2048xf32, #tpu.memory_space<vmem>>
    tpu.enqueue_dma source(%dma_start3A_862 : memref<2048xf32, #tpu.memory_space<vmem>>) target(%dma_start3A_860 : memref<2048xf32, #tpu.memory_space<hbm>>) target_semaphore(%arg30 : memref<!tpu.dma_semaphore, #tpu.memory_space<semaphore_mem>>)
    %shift_right_logical3A_863 = arith.constant 97 : i32
    %shift_right_logical3A_864 = arith.constant 2 : i32
    %shift_right_logical3A_865 = arith.shrui %shift_right_logical3A_863, %shift_right_logical3A_864 : i32
    %and3A_866 = arith.constant 97 : i32
    %and3A_867 = arith.constant 3 : i32
    %and3A_868 = arith.andi %and3A_866, %and3A_867 : i32
    %mul3A_869 = arith.constant 256 : i32
    %mul3A_870 = arith.muli %and3A_868, %mul3A_869 : i32
    %dma_wait3A_871 = tpu.memref_slice %arg6[%shift_right_logical3A_865, %mul3A_870] : memref<25x1024xi32, #tpu.memory_space<vmem>> -> memref<1x256xi32, #tpu.memory_space<vmem>>
    %dma_wait3A_872 = tpu.memref_squeeze %dma_wait3A_871 : memref<1x256xi32, #tpu.memory_space<vmem>> -> memref<256xi32, #tpu.memory_space<vmem>>
    %dma_wait3A_873 = arith.constant 0 : i32
    %dma_wait3A_874 = arith.constant 0 : i32
    %dma_wait3A_875 = tpu.memref_slice %arg3[%dma_wait3A_873, %dma_wait3A_874] : memref<1000000x32xf32, #tpu.memory_space<hbm>> -> memref<1000000x32xf32, #tpu.memory_space<hbm>>
    tpu.wait_indirect_dma semaphore(%arg20 : memref<!tpu.dma_semaphore, #tpu.memory_space<semaphore_mem>>) src(%dma_wait3A_875 : memref<1000000x32xf32, #tpu.memory_space<hbm>>) dst(%arg10 : memref<256x32xf32, #tpu.memory_space<vmem>>)
    %shift_right_logical3A_876 = arith.constant 92 : i32
    %shift_right_logical3A_877 = arith.constant 2 : i32
    %shift_right_logical3A_878 = arith.shrui %shift_right_logical3A_876, %shift_right_logical3A_877 : i32
    %and3A_879 = arith.constant 92 : i32
    %and3A_880 = arith.constant 3 : i32
    %and3A_881 = arith.andi %and3A_879, %and3A_880 : i32
    %mul3A_882 = arith.constant 4 : i32
    %mul3A_883 = arith.muli %and3A_2, %mul3A_882 : i32
    %add3A_884 = arith.addi %mul3A_883, %and3A_881 : i32
    %add3A_885 = arith.addi %mul3A_4, %shift_right_logical3A_878 : i32
    %mul3A_886 = arith.constant 2048 : i32
    %mul3A_887 = arith.muli %add3A_884, %mul3A_886 : i32
    %add3A_888 = arith.addi %mul3A_4, %shift_right_logical3A_878 : i32
    %mul3A_889 = arith.constant 2048 : i32
    %mul3A_890 = arith.muli %add3A_884, %mul3A_889 : i32
    %add3A_891 = arith.addi %mul3A_4, %shift_right_logical3A_878 : i32
    %mul3A_892 = arith.constant 2048 : i32
    %mul3A_893 = arith.muli %add3A_884, %mul3A_892 : i32
    %add3A_894 = arith.addi %mul3A_4, %shift_right_logical3A_878 : i32
    %mul3A_895 = arith.constant 2048 : i32
    %mul3A_896 = arith.muli %add3A_884, %mul3A_895 : i32
    %dma_wait3A_897 = arith.constant 0 : i32
    %dma_wait3A_898 = arith.constant 0 : i32
    %dma_wait3A_899 = tpu.memref_slice %arg15[%dma_wait3A_898] : memref<8192xf32, #tpu.memory_space<vmem>> -> memref<2048xf32, #tpu.memory_space<vmem>>
    %dma_wait3A_900 = tpu.memref_slice %arg5[%add3A_885, %dma_wait3A_897, %mul3A_887] : memref<200x4x32768xf32, #tpu.memory_space<hbm>> -> memref<1x1x2048xf32, #tpu.memory_space<hbm>>
    %dma_wait3A_901 = tpu.memref_squeeze %dma_wait3A_900 : memref<1x1x2048xf32, #tpu.memory_space<hbm>> -> memref<2048xf32, #tpu.memory_space<hbm>>
    %dma_wait3A_902 = tpu.memref_slice %arg5[%add3A_885, %dma_wait3A_897, %mul3A_887] : memref<200x4x32768xf32, #tpu.memory_space<hbm>> -> memref<1x1x2048xf32, #tpu.memory_space<hbm>>
    %dma_wait3A_903 = tpu.memref_squeeze %dma_wait3A_902 : memref<1x1x2048xf32, #tpu.memory_space<hbm>> -> memref<2048xf32, #tpu.memory_space<hbm>>
    %dma_wait3A_904 = arith.constant 0 : i32
    %dma_wait3A_905 = tpu.memref_slice %arg15[%dma_wait3A_904] : memref<8192xf32, #tpu.memory_space<vmem>> -> memref<2048xf32, #tpu.memory_space<vmem>>
    tpu.wait_dma2 semaphore(%arg31 : memref<!tpu.dma_semaphore, #tpu.memory_space<semaphore_mem>>) src(%dma_wait3A_905 : memref<2048xf32, #tpu.memory_space<vmem>>) dst(%dma_wait3A_903 : memref<2048xf32, #tpu.memory_space<hbm>>)
    %dma_wait3A_906 = arith.constant 1 : i32
    %dma_wait3A_907 = arith.constant 2048 : i32
    %dma_wait3A_908 = tpu.memref_slice %arg15[%dma_wait3A_907] : memref<8192xf32, #tpu.memory_space<vmem>> -> memref<2048xf32, #tpu.memory_space<vmem>>
    %dma_wait3A_909 = tpu.memref_slice %arg5[%add3A_888, %dma_wait3A_906, %mul3A_890] : memref<200x4x32768xf32, #tpu.memory_space<hbm>> -> memref<1x1x2048xf32, #tpu.memory_space<hbm>>
    %dma_wait3A_910 = tpu.memref_squeeze %dma_wait3A_909 : memref<1x1x2048xf32, #tpu.memory_space<hbm>> -> memref<2048xf32, #tpu.memory_space<hbm>>
    %dma_wait3A_911 = tpu.memref_slice %arg5[%add3A_888, %dma_wait3A_906, %mul3A_890] : memref<200x4x32768xf32, #tpu.memory_space<hbm>> -> memref<1x1x2048xf32, #tpu.memory_space<hbm>>
    %dma_wait3A_912 = tpu.memref_squeeze %dma_wait3A_911 : memref<1x1x2048xf32, #tpu.memory_space<hbm>> -> memref<2048xf32, #tpu.memory_space<hbm>>
    %dma_wait3A_913 = arith.constant 2048 : i32
    %dma_wait3A_914 = tpu.memref_slice %arg15[%dma_wait3A_913] : memref<8192xf32, #tpu.memory_space<vmem>> -> memref<2048xf32, #tpu.memory_space<vmem>>
    tpu.wait_dma2 semaphore(%arg32 : memref<!tpu.dma_semaphore, #tpu.memory_space<semaphore_mem>>) src(%dma_wait3A_914 : memref<2048xf32, #tpu.memory_space<vmem>>) dst(%dma_wait3A_912 : memref<2048xf32, #tpu.memory_space<hbm>>)
    %dma_wait3A_915 = arith.constant 2 : i32
    %dma_wait3A_916 = arith.constant 4096 : i32
    %dma_wait3A_917 = tpu.memref_slice %arg15[%dma_wait3A_916] : memref<8192xf32, #tpu.memory_space<vmem>> -> memref<2048xf32, #tpu.memory_space<vmem>>
    %dma_wait3A_918 = tpu.memref_slice %arg5[%add3A_891, %dma_wait3A_915, %mul3A_893] : memref<200x4x32768xf32, #tpu.memory_space<hbm>> -> memref<1x1x2048xf32, #tpu.memory_space<hbm>>
    %dma_wait3A_919 = tpu.memref_squeeze %dma_wait3A_918 : memref<1x1x2048xf32, #tpu.memory_space<hbm>> -> memref<2048xf32, #tpu.memory_space<hbm>>
    %dma_wait3A_920 = tpu.memref_slice %arg5[%add3A_891, %dma_wait3A_915, %mul3A_893] : memref<200x4x32768xf32, #tpu.memory_space<hbm>> -> memref<1x1x2048xf32, #tpu.memory_space<hbm>>
    %dma_wait3A_921 = tpu.memref_squeeze %dma_wait3A_920 : memref<1x1x2048xf32, #tpu.memory_space<hbm>> -> memref<2048xf32, #tpu.memory_space<hbm>>
    %dma_wait3A_922 = arith.constant 4096 : i32
    %dma_wait3A_923 = tpu.memref_slice %arg15[%dma_wait3A_922] : memref<8192xf32, #tpu.memory_space<vmem>> -> memref<2048xf32, #tpu.memory_space<vmem>>
    tpu.wait_dma2 semaphore(%arg33 : memref<!tpu.dma_semaphore, #tpu.memory_space<semaphore_mem>>) src(%dma_wait3A_923 : memref<2048xf32, #tpu.memory_space<vmem>>) dst(%dma_wait3A_921 : memref<2048xf32, #tpu.memory_space<hbm>>)
    %dma_wait3A_924 = arith.constant 3 : i32
    %dma_wait3A_925 = arith.constant 6144 : i32
    %dma_wait3A_926 = tpu.memref_slice %arg15[%dma_wait3A_925] : memref<8192xf32, #tpu.memory_space<vmem>> -> memref<2048xf32, #tpu.memory_space<vmem>>
    %dma_wait3A_927 = tpu.memref_slice %arg5[%add3A_894, %dma_wait3A_924, %mul3A_896] : memref<200x4x32768xf32, #tpu.memory_space<hbm>> -> memref<1x1x2048xf32, #tpu.memory_space<hbm>>
    %dma_wait3A_928 = tpu.memref_squeeze %dma_wait3A_927 : memref<1x1x2048xf32, #tpu.memory_space<hbm>> -> memref<2048xf32, #tpu.memory_space<hbm>>
    %dma_wait3A_929 = tpu.memref_slice %arg5[%add3A_894, %dma_wait3A_924, %mul3A_896] : memref<200x4x32768xf32, #tpu.memory_space<hbm>> -> memref<1x1x2048xf32, #tpu.memory_space<hbm>>
    %dma_wait3A_930 = tpu.memref_squeeze %dma_wait3A_929 : memref<1x1x2048xf32, #tpu.memory_space<hbm>> -> memref<2048xf32, #tpu.memory_space<hbm>>
    %dma_wait3A_931 = arith.constant 6144 : i32
    %dma_wait3A_932 = tpu.memref_slice %arg15[%dma_wait3A_931] : memref<8192xf32, #tpu.memory_space<vmem>> -> memref<2048xf32, #tpu.memory_space<vmem>>
    tpu.wait_dma2 semaphore(%arg34 : memref<!tpu.dma_semaphore, #tpu.memory_space<semaphore_mem>>) src(%dma_wait3A_932 : memref<2048xf32, #tpu.memory_space<vmem>>) dst(%dma_wait3A_930 : memref<2048xf32, #tpu.memory_space<hbm>>)
    %shift_right_logical3A_933 = arith.constant 97 : i32
    %shift_right_logical3A_934 = arith.constant 2 : i32
    %shift_right_logical3A_935 = arith.shrui %shift_right_logical3A_933, %shift_right_logical3A_934 : i32
    %and3A_936 = arith.constant 97 : i32
    %and3A_937 = arith.constant 3 : i32
    %and3A_938 = arith.andi %and3A_936, %and3A_937 : i32
    %get3A_939 = arith.index_cast %shift_right_logical3A_935 : i32 to index
    %get3A_940 = arith.constant 0 : index
    %get3A_941 = tpu.vector_load %arg7[%get3A_939, %get3A_940] {strides = array<i32>} : memref<25x32xf32, #tpu.memory_space<vmem>>, vector<16xf32>,
    %get3A_942 = arith.index_cast %shift_right_logical3A_935 : i32 to index
    %get3A_943 = arith.constant 16 : index
    %get3A_944 = tpu.vector_load %arg7[%get3A_942, %get3A_943] {strides = array<i32>} : memref<25x32xf32, #tpu.memory_space<vmem>>, vector<16xf32>,
    %parallel_loop3A_945 = arith.constant 0 : i32
    %parallel_loop3A_946 = arith.constant 256 : i32
    %parallel_loop3A_947 = arith.constant 1 : i32
    scf.for %parallel_loop3A_1574 = %parallel_loop3A_945 to %parallel_loop3A_946 step %parallel_loop3A_947  : i32 {
      %parallel_loop3A_1575 = arith.constant 7 : i32
      %parallel_loop3A_1576 = arith.shrui %parallel_loop3A_1574, %parallel_loop3A_1575 : i32
      %parallel_loop3A_1577 = arith.constant 1024 : i32
      %parallel_loop3A_1578 = arith.muli %parallel_loop3A_1576, %parallel_loop3A_1577 : i32
      %parallel_loop3A_1579 = arith.constant 127 : i32
      %parallel_loop3A_1580 = arith.andi %parallel_loop3A_1574, %parallel_loop3A_1579 : i32
      %parallel_loop3A_1581 = arith.addi %parallel_loop3A_1578, %parallel_loop3A_1580 : i32
      %parallel_loop3A_1582 = arith.index_cast %parallel_loop3A_1574 : i32 to index
      %parallel_loop3A_1583 = arith.constant 0 : index
      %parallel_loop3A_1584 = tpu.vector_load %arg10[%parallel_loop3A_1582, %parallel_loop3A_1583] {strides = array<i32>} : memref<256x32xf32, #tpu.memory_space<vmem>>, vector<16xf32>,
      %parallel_loop3A_1585 = arith.index_cast %parallel_loop3A_1574 : i32 to index
      %parallel_loop3A_1586 = arith.constant 16 : index
      %parallel_loop3A_1587 = tpu.vector_load %arg10[%parallel_loop3A_1585, %parallel_loop3A_1586] {strides = array<i32>} : memref<256x32xf32, #tpu.memory_space<vmem>>, vector<16xf32>,
      %parallel_loop3A_1588 = vector.broadcast %parallel_loop3A_1581 : i32 to vector<16xi32>
      %parallel_loop3A_1589 = arith.addi %add3A_17, %parallel_loop3A_1588 : vector<16xi32>
      %parallel_loop3A_1590 = arith.addf %parallel_loop3A_1584, %get3A_941 : vector<16xf32>
      tpu.vector_store_idx %arg15[%parallel_loop3A_1589], %parallel_loop3A_1590 : memref<8192xf32, #tpu.memory_space<vmem>>[vector<16xi32>], vector<16xf32>,
      %parallel_loop3A_1591 = vector.broadcast %parallel_loop3A_1581 : i32 to vector<16xi32>
      %parallel_loop3A_1592 = arith.addi %add3A_20, %parallel_loop3A_1591 : vector<16xi32>
      %parallel_loop3A_1593 = arith.addf %parallel_loop3A_1587, %get3A_944 : vector<16xf32>
      tpu.vector_store_idx %arg15[%parallel_loop3A_1592], %parallel_loop3A_1593 : memref<8192xf32, #tpu.memory_space<vmem>>[vector<16xi32>], vector<16xf32>,
    } {sc.loop_unroll_factor = 8 : i64, sc.parallel_access}
    %shift_right_logical3A_948 = arith.constant 97 : i32
    %shift_right_logical3A_949 = arith.constant 2 : i32
    %shift_right_logical3A_950 = arith.shrui %shift_right_logical3A_948, %shift_right_logical3A_949 : i32
    %and3A_951 = arith.constant 97 : i32
    %and3A_952 = arith.constant 3 : i32
    %and3A_953 = arith.andi %and3A_951, %and3A_952 : i32
    %mul3A_954 = arith.constant 4 : i32
    %mul3A_955 = arith.muli %and3A_2, %mul3A_954 : i32
    %add3A_956 = arith.addi %mul3A_955, %and3A_953 : i32
    %add3A_957 = arith.addi %mul3A_4, %shift_right_logical3A_950 : i32
    %mul3A_958 = arith.constant 2048 : i32
    %mul3A_959 = arith.muli %add3A_956, %mul3A_958 : i32
    %add3A_960 = arith.addi %mul3A_4, %shift_right_logical3A_950 : i32
    %mul3A_961 = arith.constant 2048 : i32
    %mul3A_962 = arith.muli %add3A_956, %mul3A_961 : i32
    %add3A_963 = arith.addi %mul3A_4, %shift_right_logical3A_950 : i32
    %mul3A_964 = arith.constant 2048 : i32
    %mul3A_965 = arith.muli %add3A_956, %mul3A_964 : i32
    %add3A_966 = arith.addi %mul3A_4, %shift_right_logical3A_950 : i32
    %mul3A_967 = arith.constant 2048 : i32
    %mul3A_968 = arith.muli %add3A_956, %mul3A_967 : i32
    %dma_start3A_969 = arith.constant 0 : i32
    %dma_start3A_970 = arith.constant 0 : i32
    %dma_start3A_971 = tpu.memref_slice %arg15[%dma_start3A_970] : memref<8192xf32, #tpu.memory_space<vmem>> -> memref<2048xf32, #tpu.memory_space<vmem>>
    %dma_start3A_972 = tpu.memref_slice %arg5[%add3A_957, %dma_start3A_969, %mul3A_959] : memref<200x4x32768xf32, #tpu.memory_space<hbm>> -> memref<1x1x2048xf32, #tpu.memory_space<hbm>>
    %dma_start3A_973 = tpu.memref_squeeze %dma_start3A_972 : memref<1x1x2048xf32, #tpu.memory_space<hbm>> -> memref<2048xf32, #tpu.memory_space<hbm>>
    %dma_start3A_974 = tpu.memref_slice %arg5[%add3A_957, %dma_start3A_969, %mul3A_959] : memref<200x4x32768xf32, #tpu.memory_space<hbm>> -> memref<1x1x2048xf32, #tpu.memory_space<hbm>>
    %dma_start3A_975 = tpu.memref_squeeze %dma_start3A_974 : memref<1x1x2048xf32, #tpu.memory_space<hbm>> -> memref<2048xf32, #tpu.memory_space<hbm>>
    %dma_start3A_976 = arith.constant 0 : i32
    %dma_start3A_977 = tpu.memref_slice %arg15[%dma_start3A_976] : memref<8192xf32, #tpu.memory_space<vmem>> -> memref<2048xf32, #tpu.memory_space<vmem>>
    tpu.enqueue_dma source(%dma_start3A_977 : memref<2048xf32, #tpu.memory_space<vmem>>) target(%dma_start3A_975 : memref<2048xf32, #tpu.memory_space<hbm>>) target_semaphore(%arg31 : memref<!tpu.dma_semaphore, #tpu.memory_space<semaphore_mem>>)
    %dma_start3A_978 = arith.constant 1 : i32
    %dma_start3A_979 = arith.constant 2048 : i32
    %dma_start3A_980 = tpu.memref_slice %arg15[%dma_start3A_979] : memref<8192xf32, #tpu.memory_space<vmem>> -> memref<2048xf32, #tpu.memory_space<vmem>>
    %dma_start3A_981 = tpu.memref_slice %arg5[%add3A_960, %dma_start3A_978, %mul3A_962] : memref<200x4x32768xf32, #tpu.memory_space<hbm>> -> memref<1x1x2048xf32, #tpu.memory_space<hbm>>
    %dma_start3A_982 = tpu.memref_squeeze %dma_start3A_981 : memref<1x1x2048xf32, #tpu.memory_space<hbm>> -> memref<2048xf32, #tpu.memory_space<hbm>>
    %dma_start3A_983 = tpu.memref_slice %arg5[%add3A_960, %dma_start3A_978, %mul3A_962] : memref<200x4x32768xf32, #tpu.memory_space<hbm>> -> memref<1x1x2048xf32, #tpu.memory_space<hbm>>
    %dma_start3A_984 = tpu.memref_squeeze %dma_start3A_983 : memref<1x1x2048xf32, #tpu.memory_space<hbm>> -> memref<2048xf32, #tpu.memory_space<hbm>>
    %dma_start3A_985 = arith.constant 2048 : i32
    %dma_start3A_986 = tpu.memref_slice %arg15[%dma_start3A_985] : memref<8192xf32, #tpu.memory_space<vmem>> -> memref<2048xf32, #tpu.memory_space<vmem>>
    tpu.enqueue_dma source(%dma_start3A_986 : memref<2048xf32, #tpu.memory_space<vmem>>) target(%dma_start3A_984 : memref<2048xf32, #tpu.memory_space<hbm>>) target_semaphore(%arg32 : memref<!tpu.dma_semaphore, #tpu.memory_space<semaphore_mem>>)
    %dma_start3A_987 = arith.constant 2 : i32
    %dma_start3A_988 = arith.constant 4096 : i32
    %dma_start3A_989 = tpu.memref_slice %arg15[%dma_start3A_988] : memref<8192xf32, #tpu.memory_space<vmem>> -> memref<2048xf32, #tpu.memory_space<vmem>>
    %dma_start3A_990 = tpu.memref_slice %arg5[%add3A_963, %dma_start3A_987, %mul3A_965] : memref<200x4x32768xf32, #tpu.memory_space<hbm>> -> memref<1x1x2048xf32, #tpu.memory_space<hbm>>
    %dma_start3A_991 = tpu.memref_squeeze %dma_start3A_990 : memref<1x1x2048xf32, #tpu.memory_space<hbm>> -> memref<2048xf32, #tpu.memory_space<hbm>>
    %dma_start3A_992 = tpu.memref_slice %arg5[%add3A_963, %dma_start3A_987, %mul3A_965] : memref<200x4x32768xf32, #tpu.memory_space<hbm>> -> memref<1x1x2048xf32, #tpu.memory_space<hbm>>
    %dma_start3A_993 = tpu.memref_squeeze %dma_start3A_992 : memref<1x1x2048xf32, #tpu.memory_space<hbm>> -> memref<2048xf32, #tpu.memory_space<hbm>>
    %dma_start3A_994 = arith.constant 4096 : i32
    %dma_start3A_995 = tpu.memref_slice %arg15[%dma_start3A_994] : memref<8192xf32, #tpu.memory_space<vmem>> -> memref<2048xf32, #tpu.memory_space<vmem>>
    tpu.enqueue_dma source(%dma_start3A_995 : memref<2048xf32, #tpu.memory_space<vmem>>) target(%dma_start3A_993 : memref<2048xf32, #tpu.memory_space<hbm>>) target_semaphore(%arg33 : memref<!tpu.dma_semaphore, #tpu.memory_space<semaphore_mem>>)
    %dma_start3A_996 = arith.constant 3 : i32
    %dma_start3A_997 = arith.constant 6144 : i32
    %dma_start3A_998 = tpu.memref_slice %arg15[%dma_start3A_997] : memref<8192xf32, #tpu.memory_space<vmem>> -> memref<2048xf32, #tpu.memory_space<vmem>>
    %dma_start3A_999 = tpu.memref_slice %arg5[%add3A_966, %dma_start3A_996, %mul3A_968] : memref<200x4x32768xf32, #tpu.memory_space<hbm>> -> memref<1x1x2048xf32, #tpu.memory_space<hbm>>
    %dma_start3A_1000 = tpu.memref_squeeze %dma_start3A_999 : memref<1x1x2048xf32, #tpu.memory_space<hbm>> -> memref<2048xf32, #tpu.memory_space<hbm>>
    %dma_start3A_1001 = tpu.memref_slice %arg5[%add3A_966, %dma_start3A_996, %mul3A_968] : memref<200x4x32768xf32, #tpu.memory_space<hbm>> -> memref<1x1x2048xf32, #tpu.memory_space<hbm>>
    %dma_start3A_1002 = tpu.memref_squeeze %dma_start3A_1001 : memref<1x1x2048xf32, #tpu.memory_space<hbm>> -> memref<2048xf32, #tpu.memory_space<hbm>>
    %dma_start3A_1003 = arith.constant 6144 : i32
    %dma_start3A_1004 = tpu.memref_slice %arg15[%dma_start3A_1003] : memref<8192xf32, #tpu.memory_space<vmem>> -> memref<2048xf32, #tpu.memory_space<vmem>>
    tpu.enqueue_dma source(%dma_start3A_1004 : memref<2048xf32, #tpu.memory_space<vmem>>) target(%dma_start3A_1002 : memref<2048xf32, #tpu.memory_space<hbm>>) target_semaphore(%arg34 : memref<!tpu.dma_semaphore, #tpu.memory_space<semaphore_mem>>)
    %shift_right_logical3A_1005 = arith.constant 98 : i32
    %shift_right_logical3A_1006 = arith.constant 2 : i32
    %shift_right_logical3A_1007 = arith.shrui %shift_right_logical3A_1005, %shift_right_logical3A_1006 : i32
    %and3A_1008 = arith.constant 98 : i32
    %and3A_1009 = arith.constant 3 : i32
    %and3A_1010 = arith.andi %and3A_1008, %and3A_1009 : i32
    %mul3A_1011 = arith.constant 256 : i32
    %mul3A_1012 = arith.muli %and3A_1010, %mul3A_1011 : i32
    %dma_wait3A_1013 = tpu.memref_slice %arg6[%shift_right_logical3A_1007, %mul3A_1012] : memref<25x1024xi32, #tpu.memory_space<vmem>> -> memref<1x256xi32, #tpu.memory_space<vmem>>
    %dma_wait3A_1014 = tpu.memref_squeeze %dma_wait3A_1013 : memref<1x256xi32, #tpu.memory_space<vmem>> -> memref<256xi32, #tpu.memory_space<vmem>>
    %dma_wait3A_1015 = arith.constant 0 : i32
    %dma_wait3A_1016 = arith.constant 0 : i32
    %dma_wait3A_1017 = tpu.memref_slice %arg3[%dma_wait3A_1015, %dma_wait3A_1016] : memref<1000000x32xf32, #tpu.memory_space<hbm>> -> memref<1000000x32xf32, #tpu.memory_space<hbm>>
    tpu.wait_indirect_dma semaphore(%arg21 : memref<!tpu.dma_semaphore, #tpu.memory_space<semaphore_mem>>) src(%dma_wait3A_1017 : memref<1000000x32xf32, #tpu.memory_space<hbm>>) dst(%arg11 : memref<256x32xf32, #tpu.memory_space<vmem>>)
    %shift_right_logical3A_1018 = arith.constant 93 : i32
    %shift_right_logical3A_1019 = arith.constant 2 : i32
    %shift_right_logical3A_1020 = arith.shrui %shift_right_logical3A_1018, %shift_right_logical3A_1019 : i32
    %and3A_1021 = arith.constant 93 : i32
    %and3A_1022 = arith.constant 3 : i32
    %and3A_1023 = arith.andi %and3A_1021, %and3A_1022 : i32
    %mul3A_1024 = arith.constant 4 : i32
    %mul3A_1025 = arith.muli %and3A_2, %mul3A_1024 : i32
    %add3A_1026 = arith.addi %mul3A_1025, %and3A_1023 : i32
    %add3A_1027 = arith.addi %mul3A_4, %shift_right_logical3A_1020 : i32
    %mul3A_1028 = arith.constant 2048 : i32
    %mul3A_1029 = arith.muli %add3A_1026, %mul3A_1028 : i32
    %add3A_1030 = arith.addi %mul3A_4, %shift_right_logical3A_1020 : i32
    %mul3A_1031 = arith.constant 2048 : i32
    %mul3A_1032 = arith.muli %add3A_1026, %mul3A_1031 : i32
    %add3A_1033 = arith.addi %mul3A_4, %shift_right_logical3A_1020 : i32
    %mul3A_1034 = arith.constant 2048 : i32
    %mul3A_1035 = arith.muli %add3A_1026, %mul3A_1034 : i32
    %add3A_1036 = arith.addi %mul3A_4, %shift_right_logical3A_1020 : i32
    %mul3A_1037 = arith.constant 2048 : i32
    %mul3A_1038 = arith.muli %add3A_1026, %mul3A_1037 : i32
    %dma_wait3A_1039 = arith.constant 0 : i32
    %dma_wait3A_1040 = arith.constant 0 : i32
    %dma_wait3A_1041 = tpu.memref_slice %arg16[%dma_wait3A_1040] : memref<8192xf32, #tpu.memory_space<vmem>> -> memref<2048xf32, #tpu.memory_space<vmem>>
    %dma_wait3A_1042 = tpu.memref_slice %arg5[%add3A_1027, %dma_wait3A_1039, %mul3A_1029] : memref<200x4x32768xf32, #tpu.memory_space<hbm>> -> memref<1x1x2048xf32, #tpu.memory_space<hbm>>
    %dma_wait3A_1043 = tpu.memref_squeeze %dma_wait3A_1042 : memref<1x1x2048xf32, #tpu.memory_space<hbm>> -> memref<2048xf32, #tpu.memory_space<hbm>>
    %dma_wait3A_1044 = tpu.memref_slice %arg5[%add3A_1027, %dma_wait3A_1039, %mul3A_1029] : memref<200x4x32768xf32, #tpu.memory_space<hbm>> -> memref<1x1x2048xf32, #tpu.memory_space<hbm>>
    %dma_wait3A_1045 = tpu.memref_squeeze %dma_wait3A_1044 : memref<1x1x2048xf32, #tpu.memory_space<hbm>> -> memref<2048xf32, #tpu.memory_space<hbm>>
    %dma_wait3A_1046 = arith.constant 0 : i32
    %dma_wait3A_1047 = tpu.memref_slice %arg16[%dma_wait3A_1046] : memref<8192xf32, #tpu.memory_space<vmem>> -> memref<2048xf32, #tpu.memory_space<vmem>>
    tpu.wait_dma2 semaphore(%arg35 : memref<!tpu.dma_semaphore, #tpu.memory_space<semaphore_mem>>) src(%dma_wait3A_1047 : memref<2048xf32, #tpu.memory_space<vmem>>) dst(%dma_wait3A_1045 : memref<2048xf32, #tpu.memory_space<hbm>>)
    %dma_wait3A_1048 = arith.constant 1 : i32
    %dma_wait3A_1049 = arith.constant 2048 : i32
    %dma_wait3A_1050 = tpu.memref_slice %arg16[%dma_wait3A_1049] : memref<8192xf32, #tpu.memory_space<vmem>> -> memref<2048xf32, #tpu.memory_space<vmem>>
    %dma_wait3A_1051 = tpu.memref_slice %arg5[%add3A_1030, %dma_wait3A_1048, %mul3A_1032] : memref<200x4x32768xf32, #tpu.memory_space<hbm>> -> memref<1x1x2048xf32, #tpu.memory_space<hbm>>
    %dma_wait3A_1052 = tpu.memref_squeeze %dma_wait3A_1051 : memref<1x1x2048xf32, #tpu.memory_space<hbm>> -> memref<2048xf32, #tpu.memory_space<hbm>>
    %dma_wait3A_1053 = tpu.memref_slice %arg5[%add3A_1030, %dma_wait3A_1048, %mul3A_1032] : memref<200x4x32768xf32, #tpu.memory_space<hbm>> -> memref<1x1x2048xf32, #tpu.memory_space<hbm>>
    %dma_wait3A_1054 = tpu.memref_squeeze %dma_wait3A_1053 : memref<1x1x2048xf32, #tpu.memory_space<hbm>> -> memref<2048xf32, #tpu.memory_space<hbm>>
    %dma_wait3A_1055 = arith.constant 2048 : i32
    %dma_wait3A_1056 = tpu.memref_slice %arg16[%dma_wait3A_1055] : memref<8192xf32, #tpu.memory_space<vmem>> -> memref<2048xf32, #tpu.memory_space<vmem>>
    tpu.wait_dma2 semaphore(%arg36 : memref<!tpu.dma_semaphore, #tpu.memory_space<semaphore_mem>>) src(%dma_wait3A_1056 : memref<2048xf32, #tpu.memory_space<vmem>>) dst(%dma_wait3A_1054 : memref<2048xf32, #tpu.memory_space<hbm>>)
    %dma_wait3A_1057 = arith.constant 2 : i32
    %dma_wait3A_1058 = arith.constant 4096 : i32
    %dma_wait3A_1059 = tpu.memref_slice %arg16[%dma_wait3A_1058] : memref<8192xf32, #tpu.memory_space<vmem>> -> memref<2048xf32, #tpu.memory_space<vmem>>
    %dma_wait3A_1060 = tpu.memref_slice %arg5[%add3A_1033, %dma_wait3A_1057, %mul3A_1035] : memref<200x4x32768xf32, #tpu.memory_space<hbm>> -> memref<1x1x2048xf32, #tpu.memory_space<hbm>>
    %dma_wait3A_1061 = tpu.memref_squeeze %dma_wait3A_1060 : memref<1x1x2048xf32, #tpu.memory_space<hbm>> -> memref<2048xf32, #tpu.memory_space<hbm>>
    %dma_wait3A_1062 = tpu.memref_slice %arg5[%add3A_1033, %dma_wait3A_1057, %mul3A_1035] : memref<200x4x32768xf32, #tpu.memory_space<hbm>> -> memref<1x1x2048xf32, #tpu.memory_space<hbm>>
    %dma_wait3A_1063 = tpu.memref_squeeze %dma_wait3A_1062 : memref<1x1x2048xf32, #tpu.memory_space<hbm>> -> memref<2048xf32, #tpu.memory_space<hbm>>
    %dma_wait3A_1064 = arith.constant 4096 : i32
    %dma_wait3A_1065 = tpu.memref_slice %arg16[%dma_wait3A_1064] : memref<8192xf32, #tpu.memory_space<vmem>> -> memref<2048xf32, #tpu.memory_space<vmem>>
    tpu.wait_dma2 semaphore(%arg37 : memref<!tpu.dma_semaphore, #tpu.memory_space<semaphore_mem>>) src(%dma_wait3A_1065 : memref<2048xf32, #tpu.memory_space<vmem>>) dst(%dma_wait3A_1063 : memref<2048xf32, #tpu.memory_space<hbm>>)
    %dma_wait3A_1066 = arith.constant 3 : i32
    %dma_wait3A_1067 = arith.constant 6144 : i32
    %dma_wait3A_1068 = tpu.memref_slice %arg16[%dma_wait3A_1067] : memref<8192xf32, #tpu.memory_space<vmem>> -> memref<2048xf32, #tpu.memory_space<vmem>>
    %dma_wait3A_1069 = tpu.memref_slice %arg5[%add3A_1036, %dma_wait3A_1066, %mul3A_1038] : memref<200x4x32768xf32, #tpu.memory_space<hbm>> -> memref<1x1x2048xf32, #tpu.memory_space<hbm>>
    %dma_wait3A_1070 = tpu.memref_squeeze %dma_wait3A_1069 : memref<1x1x2048xf32, #tpu.memory_space<hbm>> -> memref<2048xf32, #tpu.memory_space<hbm>>
    %dma_wait3A_1071 = tpu.memref_slice %arg5[%add3A_1036, %dma_wait3A_1066, %mul3A_1038] : memref<200x4x32768xf32, #tpu.memory_space<hbm>> -> memref<1x1x2048xf32, #tpu.memory_space<hbm>>
    %dma_wait3A_1072 = tpu.memref_squeeze %dma_wait3A_1071 : memref<1x1x2048xf32, #tpu.memory_space<hbm>> -> memref<2048xf32, #tpu.memory_space<hbm>>
    %dma_wait3A_1073 = arith.constant 6144 : i32
    %dma_wait3A_1074 = tpu.memref_slice %arg16[%dma_wait3A_1073] : memref<8192xf32, #tpu.memory_space<vmem>> -> memref<2048xf32, #tpu.memory_space<vmem>>
    tpu.wait_dma2 semaphore(%arg38 : memref<!tpu.dma_semaphore, #tpu.memory_space<semaphore_mem>>) src(%dma_wait3A_1074 : memref<2048xf32, #tpu.memory_space<vmem>>) dst(%dma_wait3A_1072 : memref<2048xf32, #tpu.memory_space<hbm>>)
    %shift_right_logical3A_1075 = arith.constant 98 : i32
    %shift_right_logical3A_1076 = arith.constant 2 : i32
    %shift_right_logical3A_1077 = arith.shrui %shift_right_logical3A_1075, %shift_right_logical3A_1076 : i32
    %and3A_1078 = arith.constant 98 : i32
    %and3A_1079 = arith.constant 3 : i32
    %and3A_1080 = arith.andi %and3A_1078, %and3A_1079 : i32
    %get3A_1081 = arith.index_cast %shift_right_logical3A_1077 : i32 to index
    %get3A_1082 = arith.constant 0 : index
    %get3A_1083 = tpu.vector_load %arg7[%get3A_1081, %get3A_1082] {strides = array<i32>} : memref<25x32xf32, #tpu.memory_space<vmem>>, vector<16xf32>,
    %get3A_1084 = arith.index_cast %shift_right_logical3A_1077 : i32 to index
    %get3A_1085 = arith.constant 16 : index
    %get3A_1086 = tpu.vector_load %arg7[%get3A_1084, %get3A_1085] {strides = array<i32>} : memref<25x32xf32, #tpu.memory_space<vmem>>, vector<16xf32>,
    %parallel_loop3A_1087 = arith.constant 0 : i32
    %parallel_loop3A_1088 = arith.constant 256 : i32
    %parallel_loop3A_1089 = arith.constant 1 : i32
    scf.for %parallel_loop3A_1574 = %parallel_loop3A_1087 to %parallel_loop3A_1088 step %parallel_loop3A_1089  : i32 {
      %parallel_loop3A_1575 = arith.constant 7 : i32
      %parallel_loop3A_1576 = arith.shrui %parallel_loop3A_1574, %parallel_loop3A_1575 : i32
      %parallel_loop3A_1577 = arith.constant 1024 : i32
      %parallel_loop3A_1578 = arith.muli %parallel_loop3A_1576, %parallel_loop3A_1577 : i32
      %parallel_loop3A_1579 = arith.constant 127 : i32
      %parallel_loop3A_1580 = arith.andi %parallel_loop3A_1574, %parallel_loop3A_1579 : i32
      %parallel_loop3A_1581 = arith.addi %parallel_loop3A_1578, %parallel_loop3A_1580 : i32
      %parallel_loop3A_1582 = arith.index_cast %parallel_loop3A_1574 : i32 to index
      %parallel_loop3A_1583 = arith.constant 0 : index
      %parallel_loop3A_1584 = tpu.vector_load %arg11[%parallel_loop3A_1582, %parallel_loop3A_1583] {strides = array<i32>} : memref<256x32xf32, #tpu.memory_space<vmem>>, vector<16xf32>,
      %parallel_loop3A_1585 = arith.index_cast %parallel_loop3A_1574 : i32 to index
      %parallel_loop3A_1586 = arith.constant 16 : index
      %parallel_loop3A_1587 = tpu.vector_load %arg11[%parallel_loop3A_1585, %parallel_loop3A_1586] {strides = array<i32>} : memref<256x32xf32, #tpu.memory_space<vmem>>, vector<16xf32>,
      %parallel_loop3A_1588 = vector.broadcast %parallel_loop3A_1581 : i32 to vector<16xi32>
      %parallel_loop3A_1589 = arith.addi %add3A_17, %parallel_loop3A_1588 : vector<16xi32>
      %parallel_loop3A_1590 = arith.addf %parallel_loop3A_1584, %get3A_1083 : vector<16xf32>
      tpu.vector_store_idx %arg16[%parallel_loop3A_1589], %parallel_loop3A_1590 : memref<8192xf32, #tpu.memory_space<vmem>>[vector<16xi32>], vector<16xf32>,
      %parallel_loop3A_1591 = vector.broadcast %parallel_loop3A_1581 : i32 to vector<16xi32>
      %parallel_loop3A_1592 = arith.addi %add3A_20, %parallel_loop3A_1591 : vector<16xi32>
      %parallel_loop3A_1593 = arith.addf %parallel_loop3A_1587, %get3A_1086 : vector<16xf32>
      tpu.vector_store_idx %arg16[%parallel_loop3A_1592], %parallel_loop3A_1593 : memref<8192xf32, #tpu.memory_space<vmem>>[vector<16xi32>], vector<16xf32>,
    } {sc.loop_unroll_factor = 8 : i64, sc.parallel_access}
    %shift_right_logical3A_1090 = arith.constant 98 : i32
    %shift_right_logical3A_1091 = arith.constant 2 : i32
    %shift_right_logical3A_1092 = arith.shrui %shift_right_logical3A_1090, %shift_right_logical3A_1091 : i32
    %and3A_1093 = arith.constant 98 : i32
    %and3A_1094 = arith.constant 3 : i32
    %and3A_1095 = arith.andi %and3A_1093, %and3A_1094 : i32
    %mul3A_1096 = arith.constant 4 : i32
    %mul3A_1097 = arith.muli %and3A_2, %mul3A_1096 : i32
    %add3A_1098 = arith.addi %mul3A_1097, %and3A_1095 : i32
    %add3A_1099 = arith.addi %mul3A_4, %shift_right_logical3A_1092 : i32
    %mul3A_1100 = arith.constant 2048 : i32
    %mul3A_1101 = arith.muli %add3A_1098, %mul3A_1100 : i32
    %add3A_1102 = arith.addi %mul3A_4, %shift_right_logical3A_1092 : i32
    %mul3A_1103 = arith.constant 2048 : i32
    %mul3A_1104 = arith.muli %add3A_1098, %mul3A_1103 : i32
    %add3A_1105 = arith.addi %mul3A_4, %shift_right_logical3A_1092 : i32
    %mul3A_1106 = arith.constant 2048 : i32
    %mul3A_1107 = arith.muli %add3A_1098, %mul3A_1106 : i32
    %add3A_1108 = arith.addi %mul3A_4, %shift_right_logical3A_1092 : i32
    %mul3A_1109 = arith.constant 2048 : i32
    %mul3A_1110 = arith.muli %add3A_1098, %mul3A_1109 : i32
    %dma_start3A_1111 = arith.constant 0 : i32
    %dma_start3A_1112 = arith.constant 0 : i32
    %dma_start3A_1113 = tpu.memref_slice %arg16[%dma_start3A_1112] : memref<8192xf32, #tpu.memory_space<vmem>> -> memref<2048xf32, #tpu.memory_space<vmem>>
    %dma_start3A_1114 = tpu.memref_slice %arg5[%add3A_1099, %dma_start3A_1111, %mul3A_1101] : memref<200x4x32768xf32, #tpu.memory_space<hbm>> -> memref<1x1x2048xf32, #tpu.memory_space<hbm>>
    %dma_start3A_1115 = tpu.memref_squeeze %dma_start3A_1114 : memref<1x1x2048xf32, #tpu.memory_space<hbm>> -> memref<2048xf32, #tpu.memory_space<hbm>>
    %dma_start3A_1116 = tpu.memref_slice %arg5[%add3A_1099, %dma_start3A_1111, %mul3A_1101] : memref<200x4x32768xf32, #tpu.memory_space<hbm>> -> memref<1x1x2048xf32, #tpu.memory_space<hbm>>
    %dma_start3A_1117 = tpu.memref_squeeze %dma_start3A_1116 : memref<1x1x2048xf32, #tpu.memory_space<hbm>> -> memref<2048xf32, #tpu.memory_space<hbm>>
    %dma_start3A_1118 = arith.constant 0 : i32
    %dma_start3A_1119 = tpu.memref_slice %arg16[%dma_start3A_1118] : memref<8192xf32, #tpu.memory_space<vmem>> -> memref<2048xf32, #tpu.memory_space<vmem>>
    tpu.enqueue_dma source(%dma_start3A_1119 : memref<2048xf32, #tpu.memory_space<vmem>>) target(%dma_start3A_1117 : memref<2048xf32, #tpu.memory_space<hbm>>) target_semaphore(%arg35 : memref<!tpu.dma_semaphore, #tpu.memory_space<semaphore_mem>>)
    %dma_start3A_1120 = arith.constant 1 : i32
    %dma_start3A_1121 = arith.constant 2048 : i32
    %dma_start3A_1122 = tpu.memref_slice %arg16[%dma_start3A_1121] : memref<8192xf32, #tpu.memory_space<vmem>> -> memref<2048xf32, #tpu.memory_space<vmem>>
    %dma_start3A_1123 = tpu.memref_slice %arg5[%add3A_1102, %dma_start3A_1120, %mul3A_1104] : memref<200x4x32768xf32, #tpu.memory_space<hbm>> -> memref<1x1x2048xf32, #tpu.memory_space<hbm>>
    %dma_start3A_1124 = tpu.memref_squeeze %dma_start3A_1123 : memref<1x1x2048xf32, #tpu.memory_space<hbm>> -> memref<2048xf32, #tpu.memory_space<hbm>>
    %dma_start3A_1125 = tpu.memref_slice %arg5[%add3A_1102, %dma_start3A_1120, %mul3A_1104] : memref<200x4x32768xf32, #tpu.memory_space<hbm>> -> memref<1x1x2048xf32, #tpu.memory_space<hbm>>
    %dma_start3A_1126 = tpu.memref_squeeze %dma_start3A_1125 : memref<1x1x2048xf32, #tpu.memory_space<hbm>> -> memref<2048xf32, #tpu.memory_space<hbm>>
    %dma_start3A_1127 = arith.constant 2048 : i32
    %dma_start3A_1128 = tpu.memref_slice %arg16[%dma_start3A_1127] : memref<8192xf32, #tpu.memory_space<vmem>> -> memref<2048xf32, #tpu.memory_space<vmem>>
    tpu.enqueue_dma source(%dma_start3A_1128 : memref<2048xf32, #tpu.memory_space<vmem>>) target(%dma_start3A_1126 : memref<2048xf32, #tpu.memory_space<hbm>>) target_semaphore(%arg36 : memref<!tpu.dma_semaphore, #tpu.memory_space<semaphore_mem>>)
    %dma_start3A_1129 = arith.constant 2 : i32
    %dma_start3A_1130 = arith.constant 4096 : i32
    %dma_start3A_1131 = tpu.memref_slice %arg16[%dma_start3A_1130] : memref<8192xf32, #tpu.memory_space<vmem>> -> memref<2048xf32, #tpu.memory_space<vmem>>
    %dma_start3A_1132 = tpu.memref_slice %arg5[%add3A_1105, %dma_start3A_1129, %mul3A_1107] : memref<200x4x32768xf32, #tpu.memory_space<hbm>> -> memref<1x1x2048xf32, #tpu.memory_space<hbm>>
    %dma_start3A_1133 = tpu.memref_squeeze %dma_start3A_1132 : memref<1x1x2048xf32, #tpu.memory_space<hbm>> -> memref<2048xf32, #tpu.memory_space<hbm>>
    %dma_start3A_1134 = tpu.memref_slice %arg5[%add3A_1105, %dma_start3A_1129, %mul3A_1107] : memref<200x4x32768xf32, #tpu.memory_space<hbm>> -> memref<1x1x2048xf32, #tpu.memory_space<hbm>>
    %dma_start3A_1135 = tpu.memref_squeeze %dma_start3A_1134 : memref<1x1x2048xf32, #tpu.memory_space<hbm>> -> memref<2048xf32, #tpu.memory_space<hbm>>
    %dma_start3A_1136 = arith.constant 4096 : i32
    %dma_start3A_1137 = tpu.memref_slice %arg16[%dma_start3A_1136] : memref<8192xf32, #tpu.memory_space<vmem>> -> memref<2048xf32, #tpu.memory_space<vmem>>
    tpu.enqueue_dma source(%dma_start3A_1137 : memref<2048xf32, #tpu.memory_space<vmem>>) target(%dma_start3A_1135 : memref<2048xf32, #tpu.memory_space<hbm>>) target_semaphore(%arg37 : memref<!tpu.dma_semaphore, #tpu.memory_space<semaphore_mem>>)
    %dma_start3A_1138 = arith.constant 3 : i32
    %dma_start3A_1139 = arith.constant 6144 : i32
    %dma_start3A_1140 = tpu.memref_slice %arg16[%dma_start3A_1139] : memref<8192xf32, #tpu.memory_space<vmem>> -> memref<2048xf32, #tpu.memory_space<vmem>>
    %dma_start3A_1141 = tpu.memref_slice %arg5[%add3A_1108, %dma_start3A_1138, %mul3A_1110] : memref<200x4x32768xf32, #tpu.memory_space<hbm>> -> memref<1x1x2048xf32, #tpu.memory_space<hbm>>
    %dma_start3A_1142 = tpu.memref_squeeze %dma_start3A_1141 : memref<1x1x2048xf32, #tpu.memory_space<hbm>> -> memref<2048xf32, #tpu.memory_space<hbm>>
    %dma_start3A_1143 = tpu.memref_slice %arg5[%add3A_1108, %dma_start3A_1138, %mul3A_1110] : memref<200x4x32768xf32, #tpu.memory_space<hbm>> -> memref<1x1x2048xf32, #tpu.memory_space<hbm>>
    %dma_start3A_1144 = tpu.memref_squeeze %dma_start3A_1143 : memref<1x1x2048xf32, #tpu.memory_space<hbm>> -> memref<2048xf32, #tpu.memory_space<hbm>>
    %dma_start3A_1145 = arith.constant 6144 : i32
    %dma_start3A_1146 = tpu.memref_slice %arg16[%dma_start3A_1145] : memref<8192xf32, #tpu.memory_space<vmem>> -> memref<2048xf32, #tpu.memory_space<vmem>>
    tpu.enqueue_dma source(%dma_start3A_1146 : memref<2048xf32, #tpu.memory_space<vmem>>) target(%dma_start3A_1144 : memref<2048xf32, #tpu.memory_space<hbm>>) target_semaphore(%arg38 : memref<!tpu.dma_semaphore, #tpu.memory_space<semaphore_mem>>)
    %shift_right_logical3A_1147 = arith.constant 99 : i32
    %shift_right_logical3A_1148 = arith.constant 2 : i32
    %shift_right_logical3A_1149 = arith.shrui %shift_right_logical3A_1147, %shift_right_logical3A_1148 : i32
    %and3A_1150 = arith.constant 99 : i32
    %and3A_1151 = arith.constant 3 : i32
    %and3A_1152 = arith.andi %and3A_1150, %and3A_1151 : i32
    %mul3A_1153 = arith.constant 256 : i32
    %mul3A_1154 = arith.muli %and3A_1152, %mul3A_1153 : i32
    %dma_wait3A_1155 = tpu.memref_slice %arg6[%shift_right_logical3A_1149, %mul3A_1154] : memref<25x1024xi32, #tpu.memory_space<vmem>> -> memref<1x256xi32, #tpu.memory_space<vmem>>
    %dma_wait3A_1156 = tpu.memref_squeeze %dma_wait3A_1155 : memref<1x256xi32, #tpu.memory_space<vmem>> -> memref<256xi32, #tpu.memory_space<vmem>>
    %dma_wait3A_1157 = arith.constant 0 : i32
    %dma_wait3A_1158 = arith.constant 0 : i32
    %dma_wait3A_1159 = tpu.memref_slice %arg3[%dma_wait3A_1157, %dma_wait3A_1158] : memref<1000000x32xf32, #tpu.memory_space<hbm>> -> memref<1000000x32xf32, #tpu.memory_space<hbm>>
    tpu.wait_indirect_dma semaphore(%arg22 : memref<!tpu.dma_semaphore, #tpu.memory_space<semaphore_mem>>) src(%dma_wait3A_1159 : memref<1000000x32xf32, #tpu.memory_space<hbm>>) dst(%arg12 : memref<256x32xf32, #tpu.memory_space<vmem>>)
    %shift_right_logical3A_1160 = arith.constant 94 : i32
    %shift_right_logical3A_1161 = arith.constant 2 : i32
    %shift_right_logical3A_1162 = arith.shrui %shift_right_logical3A_1160, %shift_right_logical3A_1161 : i32
    %and3A_1163 = arith.constant 94 : i32
    %and3A_1164 = arith.constant 3 : i32
    %and3A_1165 = arith.andi %and3A_1163, %and3A_1164 : i32
    %mul3A_1166 = arith.constant 4 : i32
    %mul3A_1167 = arith.muli %and3A_2, %mul3A_1166 : i32
    %add3A_1168 = arith.addi %mul3A_1167, %and3A_1165 : i32
    %add3A_1169 = arith.addi %mul3A_4, %shift_right_logical3A_1162 : i32
    %mul3A_1170 = arith.constant 2048 : i32
    %mul3A_1171 = arith.muli %add3A_1168, %mul3A_1170 : i32
    %add3A_1172 = arith.addi %mul3A_4, %shift_right_logical3A_1162 : i32
    %mul3A_1173 = arith.constant 2048 : i32
    %mul3A_1174 = arith.muli %add3A_1168, %mul3A_1173 : i32
    %add3A_1175 = arith.addi %mul3A_4, %shift_right_logical3A_1162 : i32
    %mul3A_1176 = arith.constant 2048 : i32
    %mul3A_1177 = arith.muli %add3A_1168, %mul3A_1176 : i32
    %add3A_1178 = arith.addi %mul3A_4, %shift_right_logical3A_1162 : i32
    %mul3A_1179 = arith.constant 2048 : i32
    %mul3A_1180 = arith.muli %add3A_1168, %mul3A_1179 : i32
    %dma_wait3A_1181 = arith.constant 0 : i32
    %dma_wait3A_1182 = arith.constant 0 : i32
    %dma_wait3A_1183 = tpu.memref_slice %arg17[%dma_wait3A_1182] : memref<8192xf32, #tpu.memory_space<vmem>> -> memref<2048xf32, #tpu.memory_space<vmem>>
    %dma_wait3A_1184 = tpu.memref_slice %arg5[%add3A_1169, %dma_wait3A_1181, %mul3A_1171] : memref<200x4x32768xf32, #tpu.memory_space<hbm>> -> memref<1x1x2048xf32, #tpu.memory_space<hbm>>
    %dma_wait3A_1185 = tpu.memref_squeeze %dma_wait3A_1184 : memref<1x1x2048xf32, #tpu.memory_space<hbm>> -> memref<2048xf32, #tpu.memory_space<hbm>>
    %dma_wait3A_1186 = tpu.memref_slice %arg5[%add3A_1169, %dma_wait3A_1181, %mul3A_1171] : memref<200x4x32768xf32, #tpu.memory_space<hbm>> -> memref<1x1x2048xf32, #tpu.memory_space<hbm>>
    %dma_wait3A_1187 = tpu.memref_squeeze %dma_wait3A_1186 : memref<1x1x2048xf32, #tpu.memory_space<hbm>> -> memref<2048xf32, #tpu.memory_space<hbm>>
    %dma_wait3A_1188 = arith.constant 0 : i32
    %dma_wait3A_1189 = tpu.memref_slice %arg17[%dma_wait3A_1188] : memref<8192xf32, #tpu.memory_space<vmem>> -> memref<2048xf32, #tpu.memory_space<vmem>>
    tpu.wait_dma2 semaphore(%arg39 : memref<!tpu.dma_semaphore, #tpu.memory_space<semaphore_mem>>) src(%dma_wait3A_1189 : memref<2048xf32, #tpu.memory_space<vmem>>) dst(%dma_wait3A_1187 : memref<2048xf32, #tpu.memory_space<hbm>>)
    %dma_wait3A_1190 = arith.constant 1 : i32
    %dma_wait3A_1191 = arith.constant 2048 : i32
    %dma_wait3A_1192 = tpu.memref_slice %arg17[%dma_wait3A_1191] : memref<8192xf32, #tpu.memory_space<vmem>> -> memref<2048xf32, #tpu.memory_space<vmem>>
    %dma_wait3A_1193 = tpu.memref_slice %arg5[%add3A_1172, %dma_wait3A_1190, %mul3A_1174] : memref<200x4x32768xf32, #tpu.memory_space<hbm>> -> memref<1x1x2048xf32, #tpu.memory_space<hbm>>
    %dma_wait3A_1194 = tpu.memref_squeeze %dma_wait3A_1193 : memref<1x1x2048xf32, #tpu.memory_space<hbm>> -> memref<2048xf32, #tpu.memory_space<hbm>>
    %dma_wait3A_1195 = tpu.memref_slice %arg5[%add3A_1172, %dma_wait3A_1190, %mul3A_1174] : memref<200x4x32768xf32, #tpu.memory_space<hbm>> -> memref<1x1x2048xf32, #tpu.memory_space<hbm>>
    %dma_wait3A_1196 = tpu.memref_squeeze %dma_wait3A_1195 : memref<1x1x2048xf32, #tpu.memory_space<hbm>> -> memref<2048xf32, #tpu.memory_space<hbm>>
    %dma_wait3A_1197 = arith.constant 2048 : i32
    %dma_wait3A_1198 = tpu.memref_slice %arg17[%dma_wait3A_1197] : memref<8192xf32, #tpu.memory_space<vmem>> -> memref<2048xf32, #tpu.memory_space<vmem>>
    tpu.wait_dma2 semaphore(%arg40 : memref<!tpu.dma_semaphore, #tpu.memory_space<semaphore_mem>>) src(%dma_wait3A_1198 : memref<2048xf32, #tpu.memory_space<vmem>>) dst(%dma_wait3A_1196 : memref<2048xf32, #tpu.memory_space<hbm>>)
    %dma_wait3A_1199 = arith.constant 2 : i32
    %dma_wait3A_1200 = arith.constant 4096 : i32
    %dma_wait3A_1201 = tpu.memref_slice %arg17[%dma_wait3A_1200] : memref<8192xf32, #tpu.memory_space<vmem>> -> memref<2048xf32, #tpu.memory_space<vmem>>
    %dma_wait3A_1202 = tpu.memref_slice %arg5[%add3A_1175, %dma_wait3A_1199, %mul3A_1177] : memref<200x4x32768xf32, #tpu.memory_space<hbm>> -> memref<1x1x2048xf32, #tpu.memory_space<hbm>>
    %dma_wait3A_1203 = tpu.memref_squeeze %dma_wait3A_1202 : memref<1x1x2048xf32, #tpu.memory_space<hbm>> -> memref<2048xf32, #tpu.memory_space<hbm>>
    %dma_wait3A_1204 = tpu.memref_slice %arg5[%add3A_1175, %dma_wait3A_1199, %mul3A_1177] : memref<200x4x32768xf32, #tpu.memory_space<hbm>> -> memref<1x1x2048xf32, #tpu.memory_space<hbm>>
    %dma_wait3A_1205 = tpu.memref_squeeze %dma_wait3A_1204 : memref<1x1x2048xf32, #tpu.memory_space<hbm>> -> memref<2048xf32, #tpu.memory_space<hbm>>
    %dma_wait3A_1206 = arith.constant 4096 : i32
    %dma_wait3A_1207 = tpu.memref_slice %arg17[%dma_wait3A_1206] : memref<8192xf32, #tpu.memory_space<vmem>> -> memref<2048xf32, #tpu.memory_space<vmem>>
    tpu.wait_dma2 semaphore(%arg41 : memref<!tpu.dma_semaphore, #tpu.memory_space<semaphore_mem>>) src(%dma_wait3A_1207 : memref<2048xf32, #tpu.memory_space<vmem>>) dst(%dma_wait3A_1205 : memref<2048xf32, #tpu.memory_space<hbm>>)
    %dma_wait3A_1208 = arith.constant 3 : i32
    %dma_wait3A_1209 = arith.constant 6144 : i32
    %dma_wait3A_1210 = tpu.memref_slice %arg17[%dma_wait3A_1209] : memref<8192xf32, #tpu.memory_space<vmem>> -> memref<2048xf32, #tpu.memory_space<vmem>>
    %dma_wait3A_1211 = tpu.memref_slice %arg5[%add3A_1178, %dma_wait3A_1208, %mul3A_1180] : memref<200x4x32768xf32, #tpu.memory_space<hbm>> -> memref<1x1x2048xf32, #tpu.memory_space<hbm>>
    %dma_wait3A_1212 = tpu.memref_squeeze %dma_wait3A_1211 : memref<1x1x2048xf32, #tpu.memory_space<hbm>> -> memref<2048xf32, #tpu.memory_space<hbm>>
    %dma_wait3A_1213 = tpu.memref_slice %arg5[%add3A_1178, %dma_wait3A_1208, %mul3A_1180] : memref<200x4x32768xf32, #tpu.memory_space<hbm>> -> memref<1x1x2048xf32, #tpu.memory_space<hbm>>
    %dma_wait3A_1214 = tpu.memref_squeeze %dma_wait3A_1213 : memref<1x1x2048xf32, #tpu.memory_space<hbm>> -> memref<2048xf32, #tpu.memory_space<hbm>>
    %dma_wait3A_1215 = arith.constant 6144 : i32
    %dma_wait3A_1216 = tpu.memref_slice %arg17[%dma_wait3A_1215] : memref<8192xf32, #tpu.memory_space<vmem>> -> memref<2048xf32, #tpu.memory_space<vmem>>
    tpu.wait_dma2 semaphore(%arg42 : memref<!tpu.dma_semaphore, #tpu.memory_space<semaphore_mem>>) src(%dma_wait3A_1216 : memref<2048xf32, #tpu.memory_space<vmem>>) dst(%dma_wait3A_1214 : memref<2048xf32, #tpu.memory_space<hbm>>)
    %shift_right_logical3A_1217 = arith.constant 99 : i32
    %shift_right_logical3A_1218 = arith.constant 2 : i32
    %shift_right_logical3A_1219 = arith.shrui %shift_right_logical3A_1217, %shift_right_logical3A_1218 : i32
    %and3A_1220 = arith.constant 99 : i32
    %and3A_1221 = arith.constant 3 : i32
    %and3A_1222 = arith.andi %and3A_1220, %and3A_1221 : i32
    %get3A_1223 = arith.index_cast %shift_right_logical3A_1219 : i32 to index
    %get3A_1224 = arith.constant 0 : index
    %get3A_1225 = tpu.vector_load %arg7[%get3A_1223, %get3A_1224] {strides = array<i32>} : memref<25x32xf32, #tpu.memory_space<vmem>>, vector<16xf32>,
    %get3A_1226 = arith.index_cast %shift_right_logical3A_1219 : i32 to index
    %get3A_1227 = arith.constant 16 : index
    %get3A_1228 = tpu.vector_load %arg7[%get3A_1226, %get3A_1227] {strides = array<i32>} : memref<25x32xf32, #tpu.memory_space<vmem>>, vector<16xf32>,
    %parallel_loop3A_1229 = arith.constant 0 : i32
    %parallel_loop3A_1230 = arith.constant 256 : i32
    %parallel_loop3A_1231 = arith.constant 1 : i32
    scf.for %parallel_loop3A_1574 = %parallel_loop3A_1229 to %parallel_loop3A_1230 step %parallel_loop3A_1231  : i32 {
      %parallel_loop3A_1575 = arith.constant 7 : i32
      %parallel_loop3A_1576 = arith.shrui %parallel_loop3A_1574, %parallel_loop3A_1575 : i32
      %parallel_loop3A_1577 = arith.constant 1024 : i32
      %parallel_loop3A_1578 = arith.muli %parallel_loop3A_1576, %parallel_loop3A_1577 : i32
      %parallel_loop3A_1579 = arith.constant 127 : i32
      %parallel_loop3A_1580 = arith.andi %parallel_loop3A_1574, %parallel_loop3A_1579 : i32
      %parallel_loop3A_1581 = arith.addi %parallel_loop3A_1578, %parallel_loop3A_1580 : i32
      %parallel_loop3A_1582 = arith.index_cast %parallel_loop3A_1574 : i32 to index
      %parallel_loop3A_1583 = arith.constant 0 : index
      %parallel_loop3A_1584 = tpu.vector_load %arg12[%parallel_loop3A_1582, %parallel_loop3A_1583] {strides = array<i32>} : memref<256x32xf32, #tpu.memory_space<vmem>>, vector<16xf32>,
      %parallel_loop3A_1585 = arith.index_cast %parallel_loop3A_1574 : i32 to index
      %parallel_loop3A_1586 = arith.constant 16 : index
      %parallel_loop3A_1587 = tpu.vector_load %arg12[%parallel_loop3A_1585, %parallel_loop3A_1586] {strides = array<i32>} : memref<256x32xf32, #tpu.memory_space<vmem>>, vector<16xf32>,
      %parallel_loop3A_1588 = vector.broadcast %parallel_loop3A_1581 : i32 to vector<16xi32>
      %parallel_loop3A_1589 = arith.addi %add3A_17, %parallel_loop3A_1588 : vector<16xi32>
      %parallel_loop3A_1590 = arith.addf %parallel_loop3A_1584, %get3A_1225 : vector<16xf32>
      tpu.vector_store_idx %arg17[%parallel_loop3A_1589], %parallel_loop3A_1590 : memref<8192xf32, #tpu.memory_space<vmem>>[vector<16xi32>], vector<16xf32>,
      %parallel_loop3A_1591 = vector.broadcast %parallel_loop3A_1581 : i32 to vector<16xi32>
      %parallel_loop3A_1592 = arith.addi %add3A_20, %parallel_loop3A_1591 : vector<16xi32>
      %parallel_loop3A_1593 = arith.addf %parallel_loop3A_1587, %get3A_1228 : vector<16xf32>
      tpu.vector_store_idx %arg17[%parallel_loop3A_1592], %parallel_loop3A_1593 : memref<8192xf32, #tpu.memory_space<vmem>>[vector<16xi32>], vector<16xf32>,
    } {sc.loop_unroll_factor = 8 : i64, sc.parallel_access}
    %shift_right_logical3A_1232 = arith.constant 99 : i32
    %shift_right_logical3A_1233 = arith.constant 2 : i32
    %shift_right_logical3A_1234 = arith.shrui %shift_right_logical3A_1232, %shift_right_logical3A_1233 : i32
    %and3A_1235 = arith.constant 99 : i32
    %and3A_1236 = arith.constant 3 : i32
    %and3A_1237 = arith.andi %and3A_1235, %and3A_1236 : i32
    %mul3A_1238 = arith.constant 4 : i32
    %mul3A_1239 = arith.muli %and3A_2, %mul3A_1238 : i32
    %add3A_1240 = arith.addi %mul3A_1239, %and3A_1237 : i32
    %add3A_1241 = arith.addi %mul3A_4, %shift_right_logical3A_1234 : i32
    %mul3A_1242 = arith.constant 2048 : i32
    %mul3A_1243 = arith.muli %add3A_1240, %mul3A_1242 : i32
    %add3A_1244 = arith.addi %mul3A_4, %shift_right_logical3A_1234 : i32
    %mul3A_1245 = arith.constant 2048 : i32
    %mul3A_1246 = arith.muli %add3A_1240, %mul3A_1245 : i32
    %add3A_1247 = arith.addi %mul3A_4, %shift_right_logical3A_1234 : i32
    %mul3A_1248 = arith.constant 2048 : i32
    %mul3A_1249 = arith.muli %add3A_1240, %mul3A_1248 : i32
    %add3A_1250 = arith.addi %mul3A_4, %shift_right_logical3A_1234 : i32
    %mul3A_1251 = arith.constant 2048 : i32
    %mul3A_1252 = arith.muli %add3A_1240, %mul3A_1251 : i32
    %dma_start3A_1253 = arith.constant 0 : i32
    %dma_start3A_1254 = arith.constant 0 : i32
    %dma_start3A_1255 = tpu.memref_slice %arg17[%dma_start3A_1254] : memref<8192xf32, #tpu.memory_space<vmem>> -> memref<2048xf32, #tpu.memory_space<vmem>>
    %dma_start3A_1256 = tpu.memref_slice %arg5[%add3A_1241, %dma_start3A_1253, %mul3A_1243] : memref<200x4x32768xf32, #tpu.memory_space<hbm>> -> memref<1x1x2048xf32, #tpu.memory_space<hbm>>
    %dma_start3A_1257 = tpu.memref_squeeze %dma_start3A_1256 : memref<1x1x2048xf32, #tpu.memory_space<hbm>> -> memref<2048xf32, #tpu.memory_space<hbm>>
    %dma_start3A_1258 = tpu.memref_slice %arg5[%add3A_1241, %dma_start3A_1253, %mul3A_1243] : memref<200x4x32768xf32, #tpu.memory_space<hbm>> -> memref<1x1x2048xf32, #tpu.memory_space<hbm>>
    %dma_start3A_1259 = tpu.memref_squeeze %dma_start3A_1258 : memref<1x1x2048xf32, #tpu.memory_space<hbm>> -> memref<2048xf32, #tpu.memory_space<hbm>>
    %dma_start3A_1260 = arith.constant 0 : i32
    %dma_start3A_1261 = tpu.memref_slice %arg17[%dma_start3A_1260] : memref<8192xf32, #tpu.memory_space<vmem>> -> memref<2048xf32, #tpu.memory_space<vmem>>
    tpu.enqueue_dma source(%dma_start3A_1261 : memref<2048xf32, #tpu.memory_space<vmem>>) target(%dma_start3A_1259 : memref<2048xf32, #tpu.memory_space<hbm>>) target_semaphore(%arg39 : memref<!tpu.dma_semaphore, #tpu.memory_space<semaphore_mem>>)
    %dma_start3A_1262 = arith.constant 1 : i32
    %dma_start3A_1263 = arith.constant 2048 : i32
    %dma_start3A_1264 = tpu.memref_slice %arg17[%dma_start3A_1263] : memref<8192xf32, #tpu.memory_space<vmem>> -> memref<2048xf32, #tpu.memory_space<vmem>>
    %dma_start3A_1265 = tpu.memref_slice %arg5[%add3A_1244, %dma_start3A_1262, %mul3A_1246] : memref<200x4x32768xf32, #tpu.memory_space<hbm>> -> memref<1x1x2048xf32, #tpu.memory_space<hbm>>
    %dma_start3A_1266 = tpu.memref_squeeze %dma_start3A_1265 : memref<1x1x2048xf32, #tpu.memory_space<hbm>> -> memref<2048xf32, #tpu.memory_space<hbm>>
    %dma_start3A_1267 = tpu.memref_slice %arg5[%add3A_1244, %dma_start3A_1262, %mul3A_1246] : memref<200x4x32768xf32, #tpu.memory_space<hbm>> -> memref<1x1x2048xf32, #tpu.memory_space<hbm>>
    %dma_start3A_1268 = tpu.memref_squeeze %dma_start3A_1267 : memref<1x1x2048xf32, #tpu.memory_space<hbm>> -> memref<2048xf32, #tpu.memory_space<hbm>>
    %dma_start3A_1269 = arith.constant 2048 : i32
    %dma_start3A_1270 = tpu.memref_slice %arg17[%dma_start3A_1269] : memref<8192xf32, #tpu.memory_space<vmem>> -> memref<2048xf32, #tpu.memory_space<vmem>>
    tpu.enqueue_dma source(%dma_start3A_1270 : memref<2048xf32, #tpu.memory_space<vmem>>) target(%dma_start3A_1268 : memref<2048xf32, #tpu.memory_space<hbm>>) target_semaphore(%arg40 : memref<!tpu.dma_semaphore, #tpu.memory_space<semaphore_mem>>)
    %dma_start3A_1271 = arith.constant 2 : i32
    %dma_start3A_1272 = arith.constant 4096 : i32
    %dma_start3A_1273 = tpu.memref_slice %arg17[%dma_start3A_1272] : memref<8192xf32, #tpu.memory_space<vmem>> -> memref<2048xf32, #tpu.memory_space<vmem>>
    %dma_start3A_1274 = tpu.memref_slice %arg5[%add3A_1247, %dma_start3A_1271, %mul3A_1249] : memref<200x4x32768xf32, #tpu.memory_space<hbm>> -> memref<1x1x2048xf32, #tpu.memory_space<hbm>>
    %dma_start3A_1275 = tpu.memref_squeeze %dma_start3A_1274 : memref<1x1x2048xf32, #tpu.memory_space<hbm>> -> memref<2048xf32, #tpu.memory_space<hbm>>
    %dma_start3A_1276 = tpu.memref_slice %arg5[%add3A_1247, %dma_start3A_1271, %mul3A_1249] : memref<200x4x32768xf32, #tpu.memory_space<hbm>> -> memref<1x1x2048xf32, #tpu.memory_space<hbm>>
    %dma_start3A_1277 = tpu.memref_squeeze %dma_start3A_1276 : memref<1x1x2048xf32, #tpu.memory_space<hbm>> -> memref<2048xf32, #tpu.memory_space<hbm>>
    %dma_start3A_1278 = arith.constant 4096 : i32
    %dma_start3A_1279 = tpu.memref_slice %arg17[%dma_start3A_1278] : memref<8192xf32, #tpu.memory_space<vmem>> -> memref<2048xf32, #tpu.memory_space<vmem>>
    tpu.enqueue_dma source(%dma_start3A_1279 : memref<2048xf32, #tpu.memory_space<vmem>>) target(%dma_start3A_1277 : memref<2048xf32, #tpu.memory_space<hbm>>) target_semaphore(%arg41 : memref<!tpu.dma_semaphore, #tpu.memory_space<semaphore_mem>>)
    %dma_start3A_1280 = arith.constant 3 : i32
    %dma_start3A_1281 = arith.constant 6144 : i32
    %dma_start3A_1282 = tpu.memref_slice %arg17[%dma_start3A_1281] : memref<8192xf32, #tpu.memory_space<vmem>> -> memref<2048xf32, #tpu.memory_space<vmem>>
    %dma_start3A_1283 = tpu.memref_slice %arg5[%add3A_1250, %dma_start3A_1280, %mul3A_1252] : memref<200x4x32768xf32, #tpu.memory_space<hbm>> -> memref<1x1x2048xf32, #tpu.memory_space<hbm>>
    %dma_start3A_1284 = tpu.memref_squeeze %dma_start3A_1283 : memref<1x1x2048xf32, #tpu.memory_space<hbm>> -> memref<2048xf32, #tpu.memory_space<hbm>>
    %dma_start3A_1285 = tpu.memref_slice %arg5[%add3A_1250, %dma_start3A_1280, %mul3A_1252] : memref<200x4x32768xf32, #tpu.memory_space<hbm>> -> memref<1x1x2048xf32, #tpu.memory_space<hbm>>
    %dma_start3A_1286 = tpu.memref_squeeze %dma_start3A_1285 : memref<1x1x2048xf32, #tpu.memory_space<hbm>> -> memref<2048xf32, #tpu.memory_space<hbm>>
    %dma_start3A_1287 = arith.constant 6144 : i32
    %dma_start3A_1288 = tpu.memref_slice %arg17[%dma_start3A_1287] : memref<8192xf32, #tpu.memory_space<vmem>> -> memref<2048xf32, #tpu.memory_space<vmem>>
    tpu.enqueue_dma source(%dma_start3A_1288 : memref<2048xf32, #tpu.memory_space<vmem>>) target(%dma_start3A_1286 : memref<2048xf32, #tpu.memory_space<hbm>>) target_semaphore(%arg42 : memref<!tpu.dma_semaphore, #tpu.memory_space<semaphore_mem>>)
    %shift_right_logical3A_1289 = arith.constant 95 : i32
    %shift_right_logical3A_1290 = arith.constant 2 : i32
    %shift_right_logical3A_1291 = arith.shrui %shift_right_logical3A_1289, %shift_right_logical3A_1290 : i32
    %and3A_1292 = arith.constant 95 : i32
    %and3A_1293 = arith.constant 3 : i32
    %and3A_1294 = arith.andi %and3A_1292, %and3A_1293 : i32
    %mul3A_1295 = arith.constant 4 : i32
    %mul3A_1296 = arith.muli %and3A_2, %mul3A_1295 : i32
    %add3A_1297 = arith.addi %mul3A_1296, %and3A_1294 : i32
    %add3A_1298 = arith.addi %mul3A_4, %shift_right_logical3A_1291 : i32
    %mul3A_1299 = arith.constant 2048 : i32
    %mul3A_1300 = arith.muli %add3A_1297, %mul3A_1299 : i32
    %add3A_1301 = arith.addi %mul3A_4, %shift_right_logical3A_1291 : i32
    %mul3A_1302 = arith.constant 2048 : i32
    %mul3A_1303 = arith.muli %add3A_1297, %mul3A_1302 : i32
    %add3A_1304 = arith.addi %mul3A_4, %shift_right_logical3A_1291 : i32
    %mul3A_1305 = arith.constant 2048 : i32
    %mul3A_1306 = arith.muli %add3A_1297, %mul3A_1305 : i32
    %add3A_1307 = arith.addi %mul3A_4, %shift_right_logical3A_1291 : i32
    %mul3A_1308 = arith.constant 2048 : i32
    %mul3A_1309 = arith.muli %add3A_1297, %mul3A_1308 : i32
    %dma_wait3A_1310 = arith.constant 0 : i32
    %dma_wait3A_1311 = arith.constant 0 : i32
    %dma_wait3A_1312 = tpu.memref_slice %arg13[%dma_wait3A_1311] : memref<8192xf32, #tpu.memory_space<vmem>> -> memref<2048xf32, #tpu.memory_space<vmem>>
    %dma_wait3A_1313 = tpu.memref_slice %arg5[%add3A_1298, %dma_wait3A_1310, %mul3A_1300] : memref<200x4x32768xf32, #tpu.memory_space<hbm>> -> memref<1x1x2048xf32, #tpu.memory_space<hbm>>
    %dma_wait3A_1314 = tpu.memref_squeeze %dma_wait3A_1313 : memref<1x1x2048xf32, #tpu.memory_space<hbm>> -> memref<2048xf32, #tpu.memory_space<hbm>>
    %dma_wait3A_1315 = tpu.memref_slice %arg5[%add3A_1298, %dma_wait3A_1310, %mul3A_1300] : memref<200x4x32768xf32, #tpu.memory_space<hbm>> -> memref<1x1x2048xf32, #tpu.memory_space<hbm>>
    %dma_wait3A_1316 = tpu.memref_squeeze %dma_wait3A_1315 : memref<1x1x2048xf32, #tpu.memory_space<hbm>> -> memref<2048xf32, #tpu.memory_space<hbm>>
    %dma_wait3A_1317 = arith.constant 0 : i32
    %dma_wait3A_1318 = tpu.memref_slice %arg13[%dma_wait3A_1317] : memref<8192xf32, #tpu.memory_space<vmem>> -> memref<2048xf32, #tpu.memory_space<vmem>>
    tpu.wait_dma2 semaphore(%arg23 : memref<!tpu.dma_semaphore, #tpu.memory_space<semaphore_mem>>) src(%dma_wait3A_1318 : memref<2048xf32, #tpu.memory_space<vmem>>) dst(%dma_wait3A_1316 : memref<2048xf32, #tpu.memory_space<hbm>>)
    %dma_wait3A_1319 = arith.constant 1 : i32
    %dma_wait3A_1320 = arith.constant 2048 : i32
    %dma_wait3A_1321 = tpu.memref_slice %arg13[%dma_wait3A_1320] : memref<8192xf32, #tpu.memory_space<vmem>> -> memref<2048xf32, #tpu.memory_space<vmem>>
    %dma_wait3A_1322 = tpu.memref_slice %arg5[%add3A_1301, %dma_wait3A_1319, %mul3A_1303] : memref<200x4x32768xf32, #tpu.memory_space<hbm>> -> memref<1x1x2048xf32, #tpu.memory_space<hbm>>
    %dma_wait3A_1323 = tpu.memref_squeeze %dma_wait3A_1322 : memref<1x1x2048xf32, #tpu.memory_space<hbm>> -> memref<2048xf32, #tpu.memory_space<hbm>>
    %dma_wait3A_1324 = tpu.memref_slice %arg5[%add3A_1301, %dma_wait3A_1319, %mul3A_1303] : memref<200x4x32768xf32, #tpu.memory_space<hbm>> -> memref<1x1x2048xf32, #tpu.memory_space<hbm>>
    %dma_wait3A_1325 = tpu.memref_squeeze %dma_wait3A_1324 : memref<1x1x2048xf32, #tpu.memory_space<hbm>> -> memref<2048xf32, #tpu.memory_space<hbm>>
    %dma_wait3A_1326 = arith.constant 2048 : i32
    %dma_wait3A_1327 = tpu.memref_slice %arg13[%dma_wait3A_1326] : memref<8192xf32, #tpu.memory_space<vmem>> -> memref<2048xf32, #tpu.memory_space<vmem>>
    tpu.wait_dma2 semaphore(%arg24 : memref<!tpu.dma_semaphore, #tpu.memory_space<semaphore_mem>>) src(%dma_wait3A_1327 : memref<2048xf32, #tpu.memory_space<vmem>>) dst(%dma_wait3A_1325 : memref<2048xf32, #tpu.memory_space<hbm>>)
    %dma_wait3A_1328 = arith.constant 2 : i32
    %dma_wait3A_1329 = arith.constant 4096 : i32
    %dma_wait3A_1330 = tpu.memref_slice %arg13[%dma_wait3A_1329] : memref<8192xf32, #tpu.memory_space<vmem>> -> memref<2048xf32, #tpu.memory_space<vmem>>
    %dma_wait3A_1331 = tpu.memref_slice %arg5[%add3A_1304, %dma_wait3A_1328, %mul3A_1306] : memref<200x4x32768xf32, #tpu.memory_space<hbm>> -> memref<1x1x2048xf32, #tpu.memory_space<hbm>>
    %dma_wait3A_1332 = tpu.memref_squeeze %dma_wait3A_1331 : memref<1x1x2048xf32, #tpu.memory_space<hbm>> -> memref<2048xf32, #tpu.memory_space<hbm>>
    %dma_wait3A_1333 = tpu.memref_slice %arg5[%add3A_1304, %dma_wait3A_1328, %mul3A_1306] : memref<200x4x32768xf32, #tpu.memory_space<hbm>> -> memref<1x1x2048xf32, #tpu.memory_space<hbm>>
    %dma_wait3A_1334 = tpu.memref_squeeze %dma_wait3A_1333 : memref<1x1x2048xf32, #tpu.memory_space<hbm>> -> memref<2048xf32, #tpu.memory_space<hbm>>
    %dma_wait3A_1335 = arith.constant 4096 : i32
    %dma_wait3A_1336 = tpu.memref_slice %arg13[%dma_wait3A_1335] : memref<8192xf32, #tpu.memory_space<vmem>> -> memref<2048xf32, #tpu.memory_space<vmem>>
    tpu.wait_dma2 semaphore(%arg25 : memref<!tpu.dma_semaphore, #tpu.memory_space<semaphore_mem>>) src(%dma_wait3A_1336 : memref<2048xf32, #tpu.memory_space<vmem>>) dst(%dma_wait3A_1334 : memref<2048xf32, #tpu.memory_space<hbm>>)
    %dma_wait3A_1337 = arith.constant 3 : i32
    %dma_wait3A_1338 = arith.constant 6144 : i32
    %dma_wait3A_1339 = tpu.memref_slice %arg13[%dma_wait3A_1338] : memref<8192xf32, #tpu.memory_space<vmem>> -> memref<2048xf32, #tpu.memory_space<vmem>>
    %dma_wait3A_1340 = tpu.memref_slice %arg5[%add3A_1307, %dma_wait3A_1337, %mul3A_1309] : memref<200x4x32768xf32, #tpu.memory_space<hbm>> -> memref<1x1x2048xf32, #tpu.memory_space<hbm>>
    %dma_wait3A_1341 = tpu.memref_squeeze %dma_wait3A_1340 : memref<1x1x2048xf32, #tpu.memory_space<hbm>> -> memref<2048xf32, #tpu.memory_space<hbm>>
    %dma_wait3A_1342 = tpu.memref_slice %arg5[%add3A_1307, %dma_wait3A_1337, %mul3A_1309] : memref<200x4x32768xf32, #tpu.memory_space<hbm>> -> memref<1x1x2048xf32, #tpu.memory_space<hbm>>
    %dma_wait3A_1343 = tpu.memref_squeeze %dma_wait3A_1342 : memref<1x1x2048xf32, #tpu.memory_space<hbm>> -> memref<2048xf32, #tpu.memory_space<hbm>>
    %dma_wait3A_1344 = arith.constant 6144 : i32
    %dma_wait3A_1345 = tpu.memref_slice %arg13[%dma_wait3A_1344] : memref<8192xf32, #tpu.memory_space<vmem>> -> memref<2048xf32, #tpu.memory_space<vmem>>
    tpu.wait_dma2 semaphore(%arg26 : memref<!tpu.dma_semaphore, #tpu.memory_space<semaphore_mem>>) src(%dma_wait3A_1345 : memref<2048xf32, #tpu.memory_space<vmem>>) dst(%dma_wait3A_1343 : memref<2048xf32, #tpu.memory_space<hbm>>)
    %shift_right_logical3A_1346 = arith.constant 96 : i32
    %shift_right_logical3A_1347 = arith.constant 2 : i32
    %shift_right_logical3A_1348 = arith.shrui %shift_right_logical3A_1346, %shift_right_logical3A_1347 : i32
    %and3A_1349 = arith.constant 96 : i32
    %and3A_1350 = arith.constant 3 : i32
    %and3A_1351 = arith.andi %and3A_1349, %and3A_1350 : i32
    %mul3A_1352 = arith.constant 4 : i32
    %mul3A_1353 = arith.muli %and3A_2, %mul3A_1352 : i32
    %add3A_1354 = arith.addi %mul3A_1353, %and3A_1351 : i32
    %add3A_1355 = arith.addi %mul3A_4, %shift_right_logical3A_1348 : i32
    %mul3A_1356 = arith.constant 2048 : i32
    %mul3A_1357 = arith.muli %add3A_1354, %mul3A_1356 : i32
    %add3A_1358 = arith.addi %mul3A_4, %shift_right_logical3A_1348 : i32
    %mul3A_1359 = arith.constant 2048 : i32
    %mul3A_1360 = arith.muli %add3A_1354, %mul3A_1359 : i32
    %add3A_1361 = arith.addi %mul3A_4, %shift_right_logical3A_1348 : i32
    %mul3A_1362 = arith.constant 2048 : i32
    %mul3A_1363 = arith.muli %add3A_1354, %mul3A_1362 : i32
    %add3A_1364 = arith.addi %mul3A_4, %shift_right_logical3A_1348 : i32
    %mul3A_1365 = arith.constant 2048 : i32
    %mul3A_1366 = arith.muli %add3A_1354, %mul3A_1365 : i32
    %dma_wait3A_1367 = arith.constant 0 : i32
    %dma_wait3A_1368 = arith.constant 0 : i32
    %dma_wait3A_1369 = tpu.memref_slice %arg14[%dma_wait3A_1368] : memref<8192xf32, #tpu.memory_space<vmem>> -> memref<2048xf32, #tpu.memory_space<vmem>>
    %dma_wait3A_1370 = tpu.memref_slice %arg5[%add3A_1355, %dma_wait3A_1367, %mul3A_1357] : memref<200x4x32768xf32, #tpu.memory_space<hbm>> -> memref<1x1x2048xf32, #tpu.memory_space<hbm>>
    %dma_wait3A_1371 = tpu.memref_squeeze %dma_wait3A_1370 : memref<1x1x2048xf32, #tpu.memory_space<hbm>> -> memref<2048xf32, #tpu.memory_space<hbm>>
    %dma_wait3A_1372 = tpu.memref_slice %arg5[%add3A_1355, %dma_wait3A_1367, %mul3A_1357] : memref<200x4x32768xf32, #tpu.memory_space<hbm>> -> memref<1x1x2048xf32, #tpu.memory_space<hbm>>
    %dma_wait3A_1373 = tpu.memref_squeeze %dma_wait3A_1372 : memref<1x1x2048xf32, #tpu.memory_space<hbm>> -> memref<2048xf32, #tpu.memory_space<hbm>>
    %dma_wait3A_1374 = arith.constant 0 : i32
    %dma_wait3A_1375 = tpu.memref_slice %arg14[%dma_wait3A_1374] : memref<8192xf32, #tpu.memory_space<vmem>> -> memref<2048xf32, #tpu.memory_space<vmem>>
    tpu.wait_dma2 semaphore(%arg27 : memref<!tpu.dma_semaphore, #tpu.memory_space<semaphore_mem>>) src(%dma_wait3A_1375 : memref<2048xf32, #tpu.memory_space<vmem>>) dst(%dma_wait3A_1373 : memref<2048xf32, #tpu.memory_space<hbm>>)
    %dma_wait3A_1376 = arith.constant 1 : i32
    %dma_wait3A_1377 = arith.constant 2048 : i32
    %dma_wait3A_1378 = tpu.memref_slice %arg14[%dma_wait3A_1377] : memref<8192xf32, #tpu.memory_space<vmem>> -> memref<2048xf32, #tpu.memory_space<vmem>>
    %dma_wait3A_1379 = tpu.memref_slice %arg5[%add3A_1358, %dma_wait3A_1376, %mul3A_1360] : memref<200x4x32768xf32, #tpu.memory_space<hbm>> -> memref<1x1x2048xf32, #tpu.memory_space<hbm>>
    %dma_wait3A_1380 = tpu.memref_squeeze %dma_wait3A_1379 : memref<1x1x2048xf32, #tpu.memory_space<hbm>> -> memref<2048xf32, #tpu.memory_space<hbm>>
    %dma_wait3A_1381 = tpu.memref_slice %arg5[%add3A_1358, %dma_wait3A_1376, %mul3A_1360] : memref<200x4x32768xf32, #tpu.memory_space<hbm>> -> memref<1x1x2048xf32, #tpu.memory_space<hbm>>
    %dma_wait3A_1382 = tpu.memref_squeeze %dma_wait3A_1381 : memref<1x1x2048xf32, #tpu.memory_space<hbm>> -> memref<2048xf32, #tpu.memory_space<hbm>>
    %dma_wait3A_1383 = arith.constant 2048 : i32
    %dma_wait3A_1384 = tpu.memref_slice %arg14[%dma_wait3A_1383] : memref<8192xf32, #tpu.memory_space<vmem>> -> memref<2048xf32, #tpu.memory_space<vmem>>
    tpu.wait_dma2 semaphore(%arg28 : memref<!tpu.dma_semaphore, #tpu.memory_space<semaphore_mem>>) src(%dma_wait3A_1384 : memref<2048xf32, #tpu.memory_space<vmem>>) dst(%dma_wait3A_1382 : memref<2048xf32, #tpu.memory_space<hbm>>)
    %dma_wait3A_1385 = arith.constant 2 : i32
    %dma_wait3A_1386 = arith.constant 4096 : i32
    %dma_wait3A_1387 = tpu.memref_slice %arg14[%dma_wait3A_1386] : memref<8192xf32, #tpu.memory_space<vmem>> -> memref<2048xf32, #tpu.memory_space<vmem>>
    %dma_wait3A_1388 = tpu.memref_slice %arg5[%add3A_1361, %dma_wait3A_1385, %mul3A_1363] : memref<200x4x32768xf32, #tpu.memory_space<hbm>> -> memref<1x1x2048xf32, #tpu.memory_space<hbm>>
    %dma_wait3A_1389 = tpu.memref_squeeze %dma_wait3A_1388 : memref<1x1x2048xf32, #tpu.memory_space<hbm>> -> memref<2048xf32, #tpu.memory_space<hbm>>
    %dma_wait3A_1390 = tpu.memref_slice %arg5[%add3A_1361, %dma_wait3A_1385, %mul3A_1363] : memref<200x4x32768xf32, #tpu.memory_space<hbm>> -> memref<1x1x2048xf32, #tpu.memory_space<hbm>>
    %dma_wait3A_1391 = tpu.memref_squeeze %dma_wait3A_1390 : memref<1x1x2048xf32, #tpu.memory_space<hbm>> -> memref<2048xf32, #tpu.memory_space<hbm>>
    %dma_wait3A_1392 = arith.constant 4096 : i32
    %dma_wait3A_1393 = tpu.memref_slice %arg14[%dma_wait3A_1392] : memref<8192xf32, #tpu.memory_space<vmem>> -> memref<2048xf32, #tpu.memory_space<vmem>>
    tpu.wait_dma2 semaphore(%arg29 : memref<!tpu.dma_semaphore, #tpu.memory_space<semaphore_mem>>) src(%dma_wait3A_1393 : memref<2048xf32, #tpu.memory_space<vmem>>) dst(%dma_wait3A_1391 : memref<2048xf32, #tpu.memory_space<hbm>>)
    %dma_wait3A_1394 = arith.constant 3 : i32
    %dma_wait3A_1395 = arith.constant 6144 : i32
    %dma_wait3A_1396 = tpu.memref_slice %arg14[%dma_wait3A_1395] : memref<8192xf32, #tpu.memory_space<vmem>> -> memref<2048xf32, #tpu.memory_space<vmem>>
    %dma_wait3A_1397 = tpu.memref_slice %arg5[%add3A_1364, %dma_wait3A_1394, %mul3A_1366] : memref<200x4x32768xf32, #tpu.memory_space<hbm>> -> memref<1x1x2048xf32, #tpu.memory_space<hbm>>
    %dma_wait3A_1398 = tpu.memref_squeeze %dma_wait3A_1397 : memref<1x1x2048xf32, #tpu.memory_space<hbm>> -> memref<2048xf32, #tpu.memory_space<hbm>>
    %dma_wait3A_1399 = tpu.memref_slice %arg5[%add3A_1364, %dma_wait3A_1394, %mul3A_1366] : memref<200x4x32768xf32, #tpu.memory_space<hbm>> -> memref<1x1x2048xf32, #tpu.memory_space<hbm>>
    %dma_wait3A_1400 = tpu.memref_squeeze %dma_wait3A_1399 : memref<1x1x2048xf32, #tpu.memory_space<hbm>> -> memref<2048xf32, #tpu.memory_space<hbm>>
    %dma_wait3A_1401 = arith.constant 6144 : i32
    %dma_wait3A_1402 = tpu.memref_slice %arg14[%dma_wait3A_1401] : memref<8192xf32, #tpu.memory_space<vmem>> -> memref<2048xf32, #tpu.memory_space<vmem>>
    tpu.wait_dma2 semaphore(%arg30 : memref<!tpu.dma_semaphore, #tpu.memory_space<semaphore_mem>>) src(%dma_wait3A_1402 : memref<2048xf32, #tpu.memory_space<vmem>>) dst(%dma_wait3A_1400 : memref<2048xf32, #tpu.memory_space<hbm>>)
    %shift_right_logical3A_1403 = arith.constant 97 : i32
    %shift_right_logical3A_1404 = arith.constant 2 : i32
    %shift_right_logical3A_1405 = arith.shrui %shift_right_logical3A_1403, %shift_right_logical3A_1404 : i32
    %and3A_1406 = arith.constant 97 : i32
    %and3A_1407 = arith.constant 3 : i32
    %and3A_1408 = arith.andi %and3A_1406, %and3A_1407 : i32
    %mul3A_1409 = arith.constant 4 : i32
    %mul3A_1410 = arith.muli %and3A_2, %mul3A_1409 : i32
    %add3A_1411 = arith.addi %mul3A_1410, %and3A_1408 : i32
    %add3A_1412 = arith.addi %mul3A_4, %shift_right_logical3A_1405 : i32
    %mul3A_1413 = arith.constant 2048 : i32
    %mul3A_1414 = arith.muli %add3A_1411, %mul3A_1413 : i32
    %add3A_1415 = arith.addi %mul3A_4, %shift_right_logical3A_1405 : i32
    %mul3A_1416 = arith.constant 2048 : i32
    %mul3A_1417 = arith.muli %add3A_1411, %mul3A_1416 : i32
    %add3A_1418 = arith.addi %mul3A_4, %shift_right_logical3A_1405 : i32
    %mul3A_1419 = arith.constant 2048 : i32
    %mul3A_1420 = arith.muli %add3A_1411, %mul3A_1419 : i32
    %add3A_1421 = arith.addi %mul3A_4, %shift_right_logical3A_1405 : i32
    %mul3A_1422 = arith.constant 2048 : i32
    %mul3A_1423 = arith.muli %add3A_1411, %mul3A_1422 : i32
    %dma_wait3A_1424 = arith.constant 0 : i32
    %dma_wait3A_1425 = arith.constant 0 : i32
    %dma_wait3A_1426 = tpu.memref_slice %arg15[%dma_wait3A_1425] : memref<8192xf32, #tpu.memory_space<vmem>> -> memref<2048xf32, #tpu.memory_space<vmem>>
    %dma_wait3A_1427 = tpu.memref_slice %arg5[%add3A_1412, %dma_wait3A_1424, %mul3A_1414] : memref<200x4x32768xf32, #tpu.memory_space<hbm>> -> memref<1x1x2048xf32, #tpu.memory_space<hbm>>
    %dma_wait3A_1428 = tpu.memref_squeeze %dma_wait3A_1427 : memref<1x1x2048xf32, #tpu.memory_space<hbm>> -> memref<2048xf32, #tpu.memory_space<hbm>>
    %dma_wait3A_1429 = tpu.memref_slice %arg5[%add3A_1412, %dma_wait3A_1424, %mul3A_1414] : memref<200x4x32768xf32, #tpu.memory_space<hbm>> -> memref<1x1x2048xf32, #tpu.memory_space<hbm>>
    %dma_wait3A_1430 = tpu.memref_squeeze %dma_wait3A_1429 : memref<1x1x2048xf32, #tpu.memory_space<hbm>> -> memref<2048xf32, #tpu.memory_space<hbm>>
    %dma_wait3A_1431 = arith.constant 0 : i32
    %dma_wait3A_1432 = tpu.memref_slice %arg15[%dma_wait3A_1431] : memref<8192xf32, #tpu.memory_space<vmem>> -> memref<2048xf32, #tpu.memory_space<vmem>>
    tpu.wait_dma2 semaphore(%arg31 : memref<!tpu.dma_semaphore, #tpu.memory_space<semaphore_mem>>) src(%dma_wait3A_1432 : memref<2048xf32, #tpu.memory_space<vmem>>) dst(%dma_wait3A_1430 : memref<2048xf32, #tpu.memory_space<hbm>>)
    %dma_wait3A_1433 = arith.constant 1 : i32
    %dma_wait3A_1434 = arith.constant 2048 : i32
    %dma_wait3A_1435 = tpu.memref_slice %arg15[%dma_wait3A_1434] : memref<8192xf32, #tpu.memory_space<vmem>> -> memref<2048xf32, #tpu.memory_space<vmem>>
    %dma_wait3A_1436 = tpu.memref_slice %arg5[%add3A_1415, %dma_wait3A_1433, %mul3A_1417] : memref<200x4x32768xf32, #tpu.memory_space<hbm>> -> memref<1x1x2048xf32, #tpu.memory_space<hbm>>
    %dma_wait3A_1437 = tpu.memref_squeeze %dma_wait3A_1436 : memref<1x1x2048xf32, #tpu.memory_space<hbm>> -> memref<2048xf32, #tpu.memory_space<hbm>>
    %dma_wait3A_1438 = tpu.memref_slice %arg5[%add3A_1415, %dma_wait3A_1433, %mul3A_1417] : memref<200x4x32768xf32, #tpu.memory_space<hbm>> -> memref<1x1x2048xf32, #tpu.memory_space<hbm>>
    %dma_wait3A_1439 = tpu.memref_squeeze %dma_wait3A_1438 : memref<1x1x2048xf32, #tpu.memory_space<hbm>> -> memref<2048xf32, #tpu.memory_space<hbm>>
    %dma_wait3A_1440 = arith.constant 2048 : i32
    %dma_wait3A_1441 = tpu.memref_slice %arg15[%dma_wait3A_1440] : memref<8192xf32, #tpu.memory_space<vmem>> -> memref<2048xf32, #tpu.memory_space<vmem>>
    tpu.wait_dma2 semaphore(%arg32 : memref<!tpu.dma_semaphore, #tpu.memory_space<semaphore_mem>>) src(%dma_wait3A_1441 : memref<2048xf32, #tpu.memory_space<vmem>>) dst(%dma_wait3A_1439 : memref<2048xf32, #tpu.memory_space<hbm>>)
    %dma_wait3A_1442 = arith.constant 2 : i32
    %dma_wait3A_1443 = arith.constant 4096 : i32
    %dma_wait3A_1444 = tpu.memref_slice %arg15[%dma_wait3A_1443] : memref<8192xf32, #tpu.memory_space<vmem>> -> memref<2048xf32, #tpu.memory_space<vmem>>
    %dma_wait3A_1445 = tpu.memref_slice %arg5[%add3A_1418, %dma_wait3A_1442, %mul3A_1420] : memref<200x4x32768xf32, #tpu.memory_space<hbm>> -> memref<1x1x2048xf32, #tpu.memory_space<hbm>>
    %dma_wait3A_1446 = tpu.memref_squeeze %dma_wait3A_1445 : memref<1x1x2048xf32, #tpu.memory_space<hbm>> -> memref<2048xf32, #tpu.memory_space<hbm>>
    %dma_wait3A_1447 = tpu.memref_slice %arg5[%add3A_1418, %dma_wait3A_1442, %mul3A_1420] : memref<200x4x32768xf32, #tpu.memory_space<hbm>> -> memref<1x1x2048xf32, #tpu.memory_space<hbm>>
    %dma_wait3A_1448 = tpu.memref_squeeze %dma_wait3A_1447 : memref<1x1x2048xf32, #tpu.memory_space<hbm>> -> memref<2048xf32, #tpu.memory_space<hbm>>
    %dma_wait3A_1449 = arith.constant 4096 : i32
    %dma_wait3A_1450 = tpu.memref_slice %arg15[%dma_wait3A_1449] : memref<8192xf32, #tpu.memory_space<vmem>> -> memref<2048xf32, #tpu.memory_space<vmem>>
    tpu.wait_dma2 semaphore(%arg33 : memref<!tpu.dma_semaphore, #tpu.memory_space<semaphore_mem>>) src(%dma_wait3A_1450 : memref<2048xf32, #tpu.memory_space<vmem>>) dst(%dma_wait3A_1448 : memref<2048xf32, #tpu.memory_space<hbm>>)
    %dma_wait3A_1451 = arith.constant 3 : i32
    %dma_wait3A_1452 = arith.constant 6144 : i32
    %dma_wait3A_1453 = tpu.memref_slice %arg15[%dma_wait3A_1452] : memref<8192xf32, #tpu.memory_space<vmem>> -> memref<2048xf32, #tpu.memory_space<vmem>>
    %dma_wait3A_1454 = tpu.memref_slice %arg5[%add3A_1421, %dma_wait3A_1451, %mul3A_1423] : memref<200x4x32768xf32, #tpu.memory_space<hbm>> -> memref<1x1x2048xf32, #tpu.memory_space<hbm>>
    %dma_wait3A_1455 = tpu.memref_squeeze %dma_wait3A_1454 : memref<1x1x2048xf32, #tpu.memory_space<hbm>> -> memref<2048xf32, #tpu.memory_space<hbm>>
    %dma_wait3A_1456 = tpu.memref_slice %arg5[%add3A_1421, %dma_wait3A_1451, %mul3A_1423] : memref<200x4x32768xf32, #tpu.memory_space<hbm>> -> memref<1x1x2048xf32, #tpu.memory_space<hbm>>
    %dma_wait3A_1457 = tpu.memref_squeeze %dma_wait3A_1456 : memref<1x1x2048xf32, #tpu.memory_space<hbm>> -> memref<2048xf32, #tpu.memory_space<hbm>>
    %dma_wait3A_1458 = arith.constant 6144 : i32
    %dma_wait3A_1459 = tpu.memref_slice %arg15[%dma_wait3A_1458] : memref<8192xf32, #tpu.memory_space<vmem>> -> memref<2048xf32, #tpu.memory_space<vmem>>
    tpu.wait_dma2 semaphore(%arg34 : memref<!tpu.dma_semaphore, #tpu.memory_space<semaphore_mem>>) src(%dma_wait3A_1459 : memref<2048xf32, #tpu.memory_space<vmem>>) dst(%dma_wait3A_1457 : memref<2048xf32, #tpu.memory_space<hbm>>)
    %shift_right_logical3A_1460 = arith.constant 98 : i32
    %shift_right_logical3A_1461 = arith.constant 2 : i32
    %shift_right_logical3A_1462 = arith.shrui %shift_right_logical3A_1460, %shift_right_logical3A_1461 : i32
    %and3A_1463 = arith.constant 98 : i32
    %and3A_1464 = arith.constant 3 : i32
    %and3A_1465 = arith.andi %and3A_1463, %and3A_1464 : i32
    %mul3A_1466 = arith.constant 4 : i32
    %mul3A_1467 = arith.muli %and3A_2, %mul3A_1466 : i32
    %add3A_1468 = arith.addi %mul3A_1467, %and3A_1465 : i32
    %add3A_1469 = arith.addi %mul3A_4, %shift_right_logical3A_1462 : i32
    %mul3A_1470 = arith.constant 2048 : i32
    %mul3A_1471 = arith.muli %add3A_1468, %mul3A_1470 : i32
    %add3A_1472 = arith.addi %mul3A_4, %shift_right_logical3A_1462 : i32
    %mul3A_1473 = arith.constant 2048 : i32
    %mul3A_1474 = arith.muli %add3A_1468, %mul3A_1473 : i32
    %add3A_1475 = arith.addi %mul3A_4, %shift_right_logical3A_1462 : i32
    %mul3A_1476 = arith.constant 2048 : i32
    %mul3A_1477 = arith.muli %add3A_1468, %mul3A_1476 : i32
    %add3A_1478 = arith.addi %mul3A_4, %shift_right_logical3A_1462 : i32
    %mul3A_1479 = arith.constant 2048 : i32
    %mul3A_1480 = arith.muli %add3A_1468, %mul3A_1479 : i32
    %dma_wait3A_1481 = arith.constant 0 : i32
    %dma_wait3A_1482 = arith.constant 0 : i32
    %dma_wait3A_1483 = tpu.memref_slice %arg16[%dma_wait3A_1482] : memref<8192xf32, #tpu.memory_space<vmem>> -> memref<2048xf32, #tpu.memory_space<vmem>>
    %dma_wait3A_1484 = tpu.memref_slice %arg5[%add3A_1469, %dma_wait3A_1481, %mul3A_1471] : memref<200x4x32768xf32, #tpu.memory_space<hbm>> -> memref<1x1x2048xf32, #tpu.memory_space<hbm>>
    %dma_wait3A_1485 = tpu.memref_squeeze %dma_wait3A_1484 : memref<1x1x2048xf32, #tpu.memory_space<hbm>> -> memref<2048xf32, #tpu.memory_space<hbm>>
    %dma_wait3A_1486 = tpu.memref_slice %arg5[%add3A_1469, %dma_wait3A_1481, %mul3A_1471] : memref<200x4x32768xf32, #tpu.memory_space<hbm>> -> memref<1x1x2048xf32, #tpu.memory_space<hbm>>
    %dma_wait3A_1487 = tpu.memref_squeeze %dma_wait3A_1486 : memref<1x1x2048xf32, #tpu.memory_space<hbm>> -> memref<2048xf32, #tpu.memory_space<hbm>>
    %dma_wait3A_1488 = arith.constant 0 : i32
    %dma_wait3A_1489 = tpu.memref_slice %arg16[%dma_wait3A_1488] : memref<8192xf32, #tpu.memory_space<vmem>> -> memref<2048xf32, #tpu.memory_space<vmem>>
    tpu.wait_dma2 semaphore(%arg35 : memref<!tpu.dma_semaphore, #tpu.memory_space<semaphore_mem>>) src(%dma_wait3A_1489 : memref<2048xf32, #tpu.memory_space<vmem>>) dst(%dma_wait3A_1487 : memref<2048xf32, #tpu.memory_space<hbm>>)
    %dma_wait3A_1490 = arith.constant 1 : i32
    %dma_wait3A_1491 = arith.constant 2048 : i32
    %dma_wait3A_1492 = tpu.memref_slice %arg16[%dma_wait3A_1491] : memref<8192xf32, #tpu.memory_space<vmem>> -> memref<2048xf32, #tpu.memory_space<vmem>>
    %dma_wait3A_1493 = tpu.memref_slice %arg5[%add3A_1472, %dma_wait3A_1490, %mul3A_1474] : memref<200x4x32768xf32, #tpu.memory_space<hbm>> -> memref<1x1x2048xf32, #tpu.memory_space<hbm>>
    %dma_wait3A_1494 = tpu.memref_squeeze %dma_wait3A_1493 : memref<1x1x2048xf32, #tpu.memory_space<hbm>> -> memref<2048xf32, #tpu.memory_space<hbm>>
    %dma_wait3A_1495 = tpu.memref_slice %arg5[%add3A_1472, %dma_wait3A_1490, %mul3A_1474] : memref<200x4x32768xf32, #tpu.memory_space<hbm>> -> memref<1x1x2048xf32, #tpu.memory_space<hbm>>
    %dma_wait3A_1496 = tpu.memref_squeeze %dma_wait3A_1495 : memref<1x1x2048xf32, #tpu.memory_space<hbm>> -> memref<2048xf32, #tpu.memory_space<hbm>>
    %dma_wait3A_1497 = arith.constant 2048 : i32
    %dma_wait3A_1498 = tpu.memref_slice %arg16[%dma_wait3A_1497] : memref<8192xf32, #tpu.memory_space<vmem>> -> memref<2048xf32, #tpu.memory_space<vmem>>
    tpu.wait_dma2 semaphore(%arg36 : memref<!tpu.dma_semaphore, #tpu.memory_space<semaphore_mem>>) src(%dma_wait3A_1498 : memref<2048xf32, #tpu.memory_space<vmem>>) dst(%dma_wait3A_1496 : memref<2048xf32, #tpu.memory_space<hbm>>)
    %dma_wait3A_1499 = arith.constant 2 : i32
    %dma_wait3A_1500 = arith.constant 4096 : i32
    %dma_wait3A_1501 = tpu.memref_slice %arg16[%dma_wait3A_1500] : memref<8192xf32, #tpu.memory_space<vmem>> -> memref<2048xf32, #tpu.memory_space<vmem>>
    %dma_wait3A_1502 = tpu.memref_slice %arg5[%add3A_1475, %dma_wait3A_1499, %mul3A_1477] : memref<200x4x32768xf32, #tpu.memory_space<hbm>> -> memref<1x1x2048xf32, #tpu.memory_space<hbm>>
    %dma_wait3A_1503 = tpu.memref_squeeze %dma_wait3A_1502 : memref<1x1x2048xf32, #tpu.memory_space<hbm>> -> memref<2048xf32, #tpu.memory_space<hbm>>
    %dma_wait3A_1504 = tpu.memref_slice %arg5[%add3A_1475, %dma_wait3A_1499, %mul3A_1477] : memref<200x4x32768xf32, #tpu.memory_space<hbm>> -> memref<1x1x2048xf32, #tpu.memory_space<hbm>>
    %dma_wait3A_1505 = tpu.memref_squeeze %dma_wait3A_1504 : memref<1x1x2048xf32, #tpu.memory_space<hbm>> -> memref<2048xf32, #tpu.memory_space<hbm>>
    %dma_wait3A_1506 = arith.constant 4096 : i32
    %dma_wait3A_1507 = tpu.memref_slice %arg16[%dma_wait3A_1506] : memref<8192xf32, #tpu.memory_space<vmem>> -> memref<2048xf32, #tpu.memory_space<vmem>>
    tpu.wait_dma2 semaphore(%arg37 : memref<!tpu.dma_semaphore, #tpu.memory_space<semaphore_mem>>) src(%dma_wait3A_1507 : memref<2048xf32, #tpu.memory_space<vmem>>) dst(%dma_wait3A_1505 : memref<2048xf32, #tpu.memory_space<hbm>>)
    %dma_wait3A_1508 = arith.constant 3 : i32
    %dma_wait3A_1509 = arith.constant 6144 : i32
    %dma_wait3A_1510 = tpu.memref_slice %arg16[%dma_wait3A_1509] : memref<8192xf32, #tpu.memory_space<vmem>> -> memref<2048xf32, #tpu.memory_space<vmem>>
    %dma_wait3A_1511 = tpu.memref_slice %arg5[%add3A_1478, %dma_wait3A_1508, %mul3A_1480] : memref<200x4x32768xf32, #tpu.memory_space<hbm>> -> memref<1x1x2048xf32, #tpu.memory_space<hbm>>
    %dma_wait3A_1512 = tpu.memref_squeeze %dma_wait3A_1511 : memref<1x1x2048xf32, #tpu.memory_space<hbm>> -> memref<2048xf32, #tpu.memory_space<hbm>>
    %dma_wait3A_1513 = tpu.memref_slice %arg5[%add3A_1478, %dma_wait3A_1508, %mul3A_1480] : memref<200x4x32768xf32, #tpu.memory_space<hbm>> -> memref<1x1x2048xf32, #tpu.memory_space<hbm>>
    %dma_wait3A_1514 = tpu.memref_squeeze %dma_wait3A_1513 : memref<1x1x2048xf32, #tpu.memory_space<hbm>> -> memref<2048xf32, #tpu.memory_space<hbm>>
    %dma_wait3A_1515 = arith.constant 6144 : i32
    %dma_wait3A_1516 = tpu.memref_slice %arg16[%dma_wait3A_1515] : memref<8192xf32, #tpu.memory_space<vmem>> -> memref<2048xf32, #tpu.memory_space<vmem>>
    tpu.wait_dma2 semaphore(%arg38 : memref<!tpu.dma_semaphore, #tpu.memory_space<semaphore_mem>>) src(%dma_wait3A_1516 : memref<2048xf32, #tpu.memory_space<vmem>>) dst(%dma_wait3A_1514 : memref<2048xf32, #tpu.memory_space<hbm>>)
    %shift_right_logical3A_1517 = arith.constant 99 : i32
    %shift_right_logical3A_1518 = arith.constant 2 : i32
    %shift_right_logical3A_1519 = arith.shrui %shift_right_logical3A_1517, %shift_right_logical3A_1518 : i32
    %and3A_1520 = arith.constant 99 : i32
    %and3A_1521 = arith.constant 3 : i32
    %and3A_1522 = arith.andi %and3A_1520, %and3A_1521 : i32
    %mul3A_1523 = arith.constant 4 : i32
    %mul3A_1524 = arith.muli %and3A_2, %mul3A_1523 : i32
    %add3A_1525 = arith.addi %mul3A_1524, %and3A_1522 : i32
    %add3A_1526 = arith.addi %mul3A_4, %shift_right_logical3A_1519 : i32
    %mul3A_1527 = arith.constant 2048 : i32
    %mul3A_1528 = arith.muli %add3A_1525, %mul3A_1527 : i32
    %add3A_1529 = arith.addi %mul3A_4, %shift_right_logical3A_1519 : i32
    %mul3A_1530 = arith.constant 2048 : i32
    %mul3A_1531 = arith.muli %add3A_1525, %mul3A_1530 : i32
    %add3A_1532 = arith.addi %mul3A_4, %shift_right_logical3A_1519 : i32
    %mul3A_1533 = arith.constant 2048 : i32
    %mul3A_1534 = arith.muli %add3A_1525, %mul3A_1533 : i32
    %add3A_1535 = arith.addi %mul3A_4, %shift_right_logical3A_1519 : i32
    %mul3A_1536 = arith.constant 2048 : i32
    %mul3A_1537 = arith.muli %add3A_1525, %mul3A_1536 : i32
    %dma_wait3A_1538 = arith.constant 0 : i32
    %dma_wait3A_1539 = arith.constant 0 : i32
    %dma_wait3A_1540 = tpu.memref_slice %arg17[%dma_wait3A_1539] : memref<8192xf32, #tpu.memory_space<vmem>> -> memref<2048xf32, #tpu.memory_space<vmem>>
    %dma_wait3A_1541 = tpu.memref_slice %arg5[%add3A_1526, %dma_wait3A_1538, %mul3A_1528] : memref<200x4x32768xf32, #tpu.memory_space<hbm>> -> memref<1x1x2048xf32, #tpu.memory_space<hbm>>
    %dma_wait3A_1542 = tpu.memref_squeeze %dma_wait3A_1541 : memref<1x1x2048xf32, #tpu.memory_space<hbm>> -> memref<2048xf32, #tpu.memory_space<hbm>>
    %dma_wait3A_1543 = tpu.memref_slice %arg5[%add3A_1526, %dma_wait3A_1538, %mul3A_1528] : memref<200x4x32768xf32, #tpu.memory_space<hbm>> -> memref<1x1x2048xf32, #tpu.memory_space<hbm>>
    %dma_wait3A_1544 = tpu.memref_squeeze %dma_wait3A_1543 : memref<1x1x2048xf32, #tpu.memory_space<hbm>> -> memref<2048xf32, #tpu.memory_space<hbm>>
    %dma_wait3A_1545 = arith.constant 0 : i32
    %dma_wait3A_1546 = tpu.memref_slice %arg17[%dma_wait3A_1545] : memref<8192xf32, #tpu.memory_space<vmem>> -> memref<2048xf32, #tpu.memory_space<vmem>>
    tpu.wait_dma2 semaphore(%arg39 : memref<!tpu.dma_semaphore, #tpu.memory_space<semaphore_mem>>) src(%dma_wait3A_1546 : memref<2048xf32, #tpu.memory_space<vmem>>) dst(%dma_wait3A_1544 : memref<2048xf32, #tpu.memory_space<hbm>>)
    %dma_wait3A_1547 = arith.constant 1 : i32
    %dma_wait3A_1548 = arith.constant 2048 : i32
    %dma_wait3A_1549 = tpu.memref_slice %arg17[%dma_wait3A_1548] : memref<8192xf32, #tpu.memory_space<vmem>> -> memref<2048xf32, #tpu.memory_space<vmem>>
    %dma_wait3A_1550 = tpu.memref_slice %arg5[%add3A_1529, %dma_wait3A_1547, %mul3A_1531] : memref<200x4x32768xf32, #tpu.memory_space<hbm>> -> memref<1x1x2048xf32, #tpu.memory_space<hbm>>
    %dma_wait3A_1551 = tpu.memref_squeeze %dma_wait3A_1550 : memref<1x1x2048xf32, #tpu.memory_space<hbm>> -> memref<2048xf32, #tpu.memory_space<hbm>>
    %dma_wait3A_1552 = tpu.memref_slice %arg5[%add3A_1529, %dma_wait3A_1547, %mul3A_1531] : memref<200x4x32768xf32, #tpu.memory_space<hbm>> -> memref<1x1x2048xf32, #tpu.memory_space<hbm>>
    %dma_wait3A_1553 = tpu.memref_squeeze %dma_wait3A_1552 : memref<1x1x2048xf32, #tpu.memory_space<hbm>> -> memref<2048xf32, #tpu.memory_space<hbm>>
    %dma_wait3A_1554 = arith.constant 2048 : i32
    %dma_wait3A_1555 = tpu.memref_slice %arg17[%dma_wait3A_1554] : memref<8192xf32, #tpu.memory_space<vmem>> -> memref<2048xf32, #tpu.memory_space<vmem>>
    tpu.wait_dma2 semaphore(%arg40 : memref<!tpu.dma_semaphore, #tpu.memory_space<semaphore_mem>>) src(%dma_wait3A_1555 : memref<2048xf32, #tpu.memory_space<vmem>>) dst(%dma_wait3A_1553 : memref<2048xf32, #tpu.memory_space<hbm>>)
    %dma_wait3A_1556 = arith.constant 2 : i32
    %dma_wait3A_1557 = arith.constant 4096 : i32
    %dma_wait3A_1558 = tpu.memref_slice %arg17[%dma_wait3A_1557] : memref<8192xf32, #tpu.memory_space<vmem>> -> memref<2048xf32, #tpu.memory_space<vmem>>
    %dma_wait3A_1559 = tpu.memref_slice %arg5[%add3A_1532, %dma_wait3A_1556, %mul3A_1534] : memref<200x4x32768xf32, #tpu.memory_space<hbm>> -> memref<1x1x2048xf32, #tpu.memory_space<hbm>>
    %dma_wait3A_1560 = tpu.memref_squeeze %dma_wait3A_1559 : memref<1x1x2048xf32, #tpu.memory_space<hbm>> -> memref<2048xf32, #tpu.memory_space<hbm>>
    %dma_wait3A_1561 = tpu.memref_slice %arg5[%add3A_1532, %dma_wait3A_1556, %mul3A_1534] : memref<200x4x32768xf32, #tpu.memory_space<hbm>> -> memref<1x1x2048xf32, #tpu.memory_space<hbm>>
    %dma_wait3A_1562 = tpu.memref_squeeze %dma_wait3A_1561 : memref<1x1x2048xf32, #tpu.memory_space<hbm>> -> memref<2048xf32, #tpu.memory_space<hbm>>
    %dma_wait3A_1563 = arith.constant 4096 : i32
    %dma_wait3A_1564 = tpu.memref_slice %arg17[%dma_wait3A_1563] : memref<8192xf32, #tpu.memory_space<vmem>> -> memref<2048xf32, #tpu.memory_space<vmem>>
    tpu.wait_dma2 semaphore(%arg41 : memref<!tpu.dma_semaphore, #tpu.memory_space<semaphore_mem>>) src(%dma_wait3A_1564 : memref<2048xf32, #tpu.memory_space<vmem>>) dst(%dma_wait3A_1562 : memref<2048xf32, #tpu.memory_space<hbm>>)
    %dma_wait3A_1565 = arith.constant 3 : i32
    %dma_wait3A_1566 = arith.constant 6144 : i32
    %dma_wait3A_1567 = tpu.memref_slice %arg17[%dma_wait3A_1566] : memref<8192xf32, #tpu.memory_space<vmem>> -> memref<2048xf32, #tpu.memory_space<vmem>>
    %dma_wait3A_1568 = tpu.memref_slice %arg5[%add3A_1535, %dma_wait3A_1565, %mul3A_1537] : memref<200x4x32768xf32, #tpu.memory_space<hbm>> -> memref<1x1x2048xf32, #tpu.memory_space<hbm>>
    %dma_wait3A_1569 = tpu.memref_squeeze %dma_wait3A_1568 : memref<1x1x2048xf32, #tpu.memory_space<hbm>> -> memref<2048xf32, #tpu.memory_space<hbm>>
    %dma_wait3A_1570 = tpu.memref_slice %arg5[%add3A_1535, %dma_wait3A_1565, %mul3A_1537] : memref<200x4x32768xf32, #tpu.memory_space<hbm>> -> memref<1x1x2048xf32, #tpu.memory_space<hbm>>
    %dma_wait3A_1571 = tpu.memref_squeeze %dma_wait3A_1570 : memref<1x1x2048xf32, #tpu.memory_space<hbm>> -> memref<2048xf32, #tpu.memory_space<hbm>>
    %dma_wait3A_1572 = arith.constant 6144 : i32
    %dma_wait3A_1573 = tpu.memref_slice %arg17[%dma_wait3A_1572] : memref<8192xf32, #tpu.memory_space<vmem>> -> memref<2048xf32, #tpu.memory_space<vmem>>
    tpu.wait_dma2 semaphore(%arg42 : memref<!tpu.dma_semaphore, #tpu.memory_space<semaphore_mem>>) src(%dma_wait3A_1573 : memref<2048xf32, #tpu.memory_space<vmem>>) dst(%dma_wait3A_1571 : memref<2048xf32, #tpu.memory_space<hbm>>)
    return
  }
}

</mosaic_0001>

<sc_bundles>
// kernel: _sc_embed.3.cloned.1.call-start
scs
__scs_entry_jumppad:
0x0: {  	(pc) =	sbr.rel $0x88, $3  }
0x1: {  	(tag) =	ssettag $0x0;
	lr =	simm.s32 $0x1  }
0x2: {  	[smem:$0x3F9E] =	sst lr;
	_ =	strace $0xD0000000  }
0x3: {  	_ = 	snop  }
0x4: {  	_ = 	snop  }
0x5: {  	_ = 	snop  }
0x6: {  	_ = 	snop  }
0x7: {  	_ = 	snop  }
__scs_overlays_trampoline_lowered:
0x8: {  	[smem:$0x3FAD] =	sst s0  }
0x9: {  	[smem:$0x3FAE] =	sst s1  }
0xa: {  	[smem:$0x3FAF] =	sst s2  }
0xb: {  	[smem:$0x3FB0] =	sst s3  }
0xc: {  	[smem:$0x3FB1] =	sst s4  }
0xd: {  	[smem:$0x3FB2] =	sst s5  }
0xe: {  	[smem:$0x3FB3] =	sst s6  }
0xf: {  	[smem:$0x3FB4] =	sst s7  }
0x10: {  	[smem:$0x3FB5] =	sst s8  }
0x11: {  	[smem:$0x3FB6] =	sst s9;
	s0 =	simm.s32 @!p0 $0x0  }
0x12: {  	s1 =	sld [smem:$0x3F9C];
	s0 =	simm.s32 @p0 $0x1  }
0x13: {  	[smem:$0x3FB7] =	sst s0;
	s0 =	simm.s32 @!p1 $0x0  }
0x14: {  	s2 =	sld [smem:$0x3F9B];
	s0 =	simm.s32 @p1 $0x1  }
0x15: {  	[smem:$0x3FB8] =	sst s0;
	s0 =	simm.s32 @!p2 $0x0  }
0x16: {  	s3 =	sld [smem:$0x3FDB];
	s0 =	simm.s32 @p2 $0x1  }
0x17: {  	s4 =	simm.s32 $0x1BF5;
	[smem:$0x3FBA] =	sst s0  }
0x18: {  	s0 =	sld [smem:$0x3F9D];
	_ =	swait.ge [sflag:s4], $0x0  }
0x19: {  	s7 =	sld [smem:$0x3F9E]  }
0x1a: {  	s8 =	sadd.s32 $0xFFFFE003, lr  }
0x1b: {  	s9 =	sadd.s32 $0xFFFFFEF7, lr;
	s5 =	simm.s32 $0xFFFFFFFF;
	p2 =	slt.u32 s8, $0xFFFFF086  }
0x1c: {  	p1 =	slt.u32 s9, $0xF7A;
	s5 =	simm.s32 @!p2 $0x0  }
0x1d: {  	s5 =	simm.s32 @p1 $0x1;
	p0 =	seq.s32 s7, s2  }
0x1e: {  	s7 =	smul.u32 @!p0 $0xF7A, s2;
	p2 =	seq.s32 @!p0 s5, $0x0  }
0x1f: {  	s9 =	smul.u32 $0xF7A, s1;
	s8 =	simm.s32 @!p0 $0x1BF5;
	p2 =	por !p2, p0  }
0x20: {  	[sflag:s8] =	ssyncset.s32 @!p0 $0xFFFFF086;
	s6 =	sadd.s32 @!p0 s3, s7;
	s7 =	simm.s32 @!p0 $0x108  }
0x21: {  	s3 =	sadd.s32 s3, s9;
	s6 =	sadd.s32 @!p0 $0x88, s6;
	s7 =	simm.s32 @p2 $0x1082  }
0x22: {  	[simem:s7], [sflag:s8] =	dma.local @!p0 [hbm:s6], $0xF7A  }
0x23: {  	s9 =	sor.u32 $0xD0000000, s2;
	s6 =	simm.s32 $0x108;
	_ =	swait.ge @!p0 [sflag:s8], $0x0  }
0x24: {  	s3 =	sadd.s32 $0x88, s3;
	s6 =	simm.s32 @!p1 $0x1082;
	[sflag:s4] =	ssyncset.s32 $0xFFFFF086  }
0x25: {  	[simem:s6], [sflag:s4] =	dma.local [hbm:s3], $0xF7A  }
0x26: {  	[smem:$0x3F9E] =	sst s1;
	(tag) =	ssettag s2;
	_ =	strace s9  }
0x27: {  	s1 =	sld [smem:$0x3FAE]  }
0x28: {  	s2 =	sld [smem:$0x3FAF]  }
0x29: {  	s4 =	sld [smem:$0x3FB1]  }
0x2a: {  	p0 =	seq.s32 s5, $0x0;
	s5 =	sld [smem:$0x3FB2]  }
0x2b: {  	s6 =	sld [smem:$0x3FB3]  }
0x2c: {  	s7 =	sld [smem:$0x3FB4]  }
0x2d: {  	s3 =	simm.s32 $0x108;
	s8 =	sld [smem:$0x3FB5]  }
0x2e: {  	s3 =	simm.s32 @!p0 $0x1082;
	s9 =	sld [smem:$0x3FB6]  }
0x2f: {  	lr =	sadd.s32 s0, s3;
	s0 =	sld [smem:$0x3FAD]  }
0x30: {  	s3 =	sld [smem:$0x3FB0]  }
0x31: {  	[smem:$0x3FB9] =	sst s10  }
0x32: {  	s10 =	sld [smem:$0x3FB7];
	_ =	sdelay $0x3  }
0x33: {  	p0 =	seq.s32 s10, $0x1;
	s10 =	sld [smem:$0x3FB9];
	_ =	sdelay $0x3  }
0x34: {  	[smem:$0x3FB9] =	sst s10  }
0x35: {  	s10 =	sld [smem:$0x3FB8];
	_ =	sdelay $0x3  }
0x36: {  	p1 =	seq.s32 s10, $0x1;
	s10 =	sld [smem:$0x3FB9];
	_ =	sdelay $0x3  }
0x37: {  	[smem:$0x3FB9] =	sst s10  }
0x38: {  	s10 =	sld [smem:$0x3FBA]  }
0x39: {  	_ = 	snop;
	(pc) =	sbr.ind lr, $3  }
0x3a: {  	_ = 	snop  }
0x3b: {  	_ = 	snop  }
0x3c: {  	p2 =	seq.s32 s10, $0x1;
	s10 =	sld [smem:$0x3FB9]  }
0x3d: {  	_ =	shalt  }
0x3e: {  	_ =	shalt  }
0x3f: {  	_ =	shalt  }
0x40: {  	_ =	shalt  }
0x41: {  	_ =	shalt  }
0x42: {  	_ =	shalt  }
0x43: {  	_ =	shalt  }
0x44: {  	_ =	shalt  }
0x45: {  	_ =	shalt  }
0x46: {  	_ =	shalt  }
0x47: {  	_ =	shalt  }
0x48: {  	_ =	shalt  }
0x49: {  	_ =	shalt  }
0x4a: {  	_ =	shalt  }
0x4b: {  	_ =	shalt  }
0x4c: {  	_ =	shalt  }
0x4d: {  	_ =	shalt  }
0x4e: {  	_ =	shalt  }
0x4f: {  	_ =	shalt  }
0x50: {  	_ =	shalt  }
0x51: {  	_ =	shalt  }
0x52: {  	_ =	shalt  }
0x53: {  	_ =	shalt  }
0x54: {  	_ =	shalt  }
0x55: {  	_ =	shalt  }
0x56: {  	_ =	shalt  }
0x57: {  	_ =	shalt  }
0x58: {  	_ =	shalt  }
0x59: {  	_ =	shalt  }
0x5a: {  	_ =	shalt  }
0x5b: {  	_ =	shalt  }
0x5c: {  	_ =	shalt  }
0x5d: {  	_ =	shalt  }
0x5e: {  	_ =	shalt  }
0x5f: {  	_ =	shalt  }
0x60: {  	_ =	shalt  }
0x61: {  	_ =	shalt  }
0x62: {  	_ =	shalt  }
0x63: {  	_ =	shalt  }
0x64: {  	_ =	shalt  }
0x65: {  	_ =	shalt  }
0x66: {  	_ =	shalt  }
0x67: {  	_ =	shalt  }
0x68: {  	_ =	shalt  }
0x69: {  	_ =	shalt  }
0x6a: {  	_ =	shalt  }
0x6b: {  	_ =	shalt  }
0x6c: {  	_ =	shalt  }
0x6d: {  	_ =	shalt  }
0x6e: {  	_ =	shalt  }
0x6f: {  	_ =	shalt  }
0x70: {  	_ =	shalt  }
0x71: {  	_ =	shalt  }
0x72: {  	_ =	shalt  }
0x73: {  	_ =	shalt  }
0x74: {  	_ =	shalt  }
0x75: {  	_ =	shalt  }
0x76: {  	_ =	shalt  }
0x77: {  	_ =	shalt  }
0x78: {  	_ =	shalt  }
0x79: {  	_ =	shalt  }
0x7a: {  	_ =	shalt  }
0x7b: {  	_ =	shalt  }
0x7c: {  	_ =	shalt  }
0x7d: {  	_ =	shalt  }
0x7e: {  	_ =	shalt  }
0x7f: {  	_ =	shalt  }
0x80: {  	_ =	shalt  }
0x81: {  	_ =	shalt  }
0x82: {  	_ =	shalt  }
0x83: {  	_ =	shalt  }
0x84: {  	_ =	shalt  }
0x85: {  	_ =	shalt  }
0x86: {  	_ =	shalt  }
0x87: {  	_ =	shalt  }
.Lfunc_end0:
.L_simem_size_0:
called_computation_lowered:
.L_overlay_start_0:
0x88: {  	s2 =	sld [smem:$0x3FD9]  }
0x89: {  	s3 =	sld [smem:$0x3FFE];
	_ =	sdelay $0x1  }
0x8a: {  	s1 =	srdreg.scid  }
0x8b: {  	s0 =	sand.u32 $0x1, s1  }
0x8c: {  	s17 =	sshll.u32 s0, $0xA;
	s2 =	sadd.s32 s3, s2  }
0x8d: {  	s2 =	sadd.s32 s2, s17  }
0x8e: {  	[smem:$0x3FC5] =	sst s2  }
0x8f: {  	_ = 	snop  }
0x90: {  	s2 =	sld [smem:$0x3FD0];
	(tm) =	ssettm $0x1  }
0x91: {  	s18 =	sld [smem:$0x3FFB];
	_ =	sdelay $0x3  }
0x92: {  	_ =	strace s18  }
0x93: {  	s3 =	sld [smem:$0x3FFC];
	_ =	sdelay $0x3  }
0x94: {  	_ =	strace s3  }
0x95: {  	s3 =	sld [smem:$0x3FFD];
	_ =	sdelay $0x3  }
0x96: {  	_ =	strace s3  }
0x97: {  	_ =	strace $0x8FFFFFFF  }
0x98: {  	s19 =	sld [smem:$0x3FDB];
	_ =	sdelay $0x1  }
0x99: {  	s4 =	simm.s32 $_scs_section_size  }
0x9a: {  	s5 =	simm.s32 $_size__tile_overlayer_lowered;
	s6 =	simm.s32 $_tile_overlayer_lowered  }
0x9b: {  	s22 =	simm.s32 $0x1BFF;
	s21 =	sshll.u32 s6, $0x1;
	s3 =	sadd.s32 s4, s19  }
0x9c: {  	s7 =	simm.s32 $0x0;
	s20 =	sshll.u32 s5, $0x1;
	s5 =	sadd.s32 s21, s3  }
0x9d: {  	[timem:s7], [sflag:s22] =	dma.local [hbm:s5], s20  }
0x9e: {  	_ =	swait.ge [sflag:s22], s20  }
0x9f: {  	s4 =	ssub.s32 $0x0, s20;
	[sflag:s22] =	ssyncset.done $0x0  }
0xa0: {  	[sflag:s22] =	ssyncadd.s32 s4;
	_ =	sdelay $0x1  }
0xa1: {  	s23 =	simm.s32 $0x1B8B  }
0xa2: {  	_ =	swait.ge [sflag:s23], $0x1  }
0xa3: {  	[sflag:s23] =	ssyncset.done $0x0  }
0xa4: {  	s25 =	simm.s32 $0x1B8E;
	s24 =	sld [smem:$0x3FFE];
	[sflag:s23] =	ssyncadd.s32 $0xFFFFFFFF  }
0xa5: {  	s26 =	simm.s32 $execute0_lowered;
	[smem:$0x3FD2] =	sst s25  }
0xa6: {  	s5 =	sshll.u32 s26, $0x1;
	_ =	strace $0x80000046;
	[dreg:$0x1] =	wrdreg $0xFFFFFFFF  }
0xa7: {  	s28 =	simm.s32 $_size_execute0_lowered;
	s3 =	sadd.s32 s3, s5;
	[dreg:$0x0] =	wrdreg $0x0  }
0xa8: {  	s5 =	sshll.u32 s28, $0x1;
	[dreg:$0x2] =	wrdreg s3  }
0xa9: {  	[dreg:$0x3] =	wrdreg s5  }
0xaa: {  	[dreg:$0x4] =	wrdreg $0xC0  }
0xab: {  	_ =	task [dreg:s7], $0x5FFFF  }
0xac: {  	[dreg:$0x1] =	wrdreg $0xFFFFFFFF  }
0xad: {  	[dreg:$0x0] =	wrdreg $0x60  }
0xae: {  	[dreg:$0x2] =	wrdreg s2  }
0xaf: {  	[dreg:$0x3] =	wrdreg s24  }
0xb0: {  	[dreg:$0x4] =	wrdreg $0x9  }
0xb1: {  	_ =	task.clear_ibuf [dreg:s7], $0x5FFFF;
	_ =	strace $0x90000046  }
0xb2: {  	s29 =	simm.s32 $0x9;
	_ =	strace $0x80000048  }
0xb3: {  	_ =	swait.ge [sflag:s29], $0x1  }
0xb4: {  	[sflag:s29] =	ssyncadd.s32 $0xFFFFFFFF  }
0xb5: {  	_ =	strace $0x90000048  }
0xb6: {  	_ =	sfence  }
0xb7: {  	s30 =	sld [smem:$0x0];
	_ =	sdelay $0x2  }
0xb8: {  	s31 =	sshll.u32 s1, $0xD;
	s1 =	sshrl.u32 s1, $0x2  }
0xb9: {  	s3 =	sand.u32 $0x4000, s31;
	s1 =	sadd.s32 s1, s30  }
0xba: {  	s0 =	sor.u32 s3, s0;
	s1 =	sshll.u32 s1, $0x11  }
0xbb: {  	s0 =	sor.u32 s1, s0  }
0xbc: {  	s0 =	sadd.s32 $0x8F2B, s0  }
0xbd: {  	[sflag:s0] =	ssyncadd.remote.s32 $0x1  }
0xbe: {  	_ =	sfence.sel $0xFFFF  }
0xbf: {  	[dreg:$0x0] =	wrdreg $0xFFFFFFFF;
	(pc) =	sbr.abs _section_cstart, $3  }
0xc0: {  	[dreg:$0x1] =	wrdreg $0xFFFFFFFF  }
0xc1: {  	_ =	task.clear_ibuf [dreg:s7], $0x2FFFF;
	_ =	strace $0x9FFFFFFF  }
0xc2: {  	(tm) =	ssettm $0x7FFFFFFF  }
0xc3: {  	_ =	shalt  }
tec
execute0_lowered:
.L_overlay_start_1:
0x0: {  	(tag) =	ssettag $0x1  }
0x1: {  	s1 =	rddreg [dreg:$0x0]  }
0x2: {  	s6 =	rddreg [dreg:$0x1];
	s23 =	simm.s32 $0x0;
	s2 =	stileid.u32  }
0x3: {  	s4 =	srdreg.scid;
	[smem:$0x7FF] =	sst s23  }
0x4: {  	s5 =	sshrl.u32 s2, $0x1;
	s7 =	sshll.u32 s2, $0x1;
	s8 =	sand.u32 $0x1, s4  }
0x5: {  	s4 =	sadd.s32 $0xC00, s6;
	s13 =	sadd.s32 $0x3C00, s6;
	s0 =	smul.u32 $0x64, s5  }
0x6: {  	_ =	strace $0x80000047;
	s16 =	sand.u32 $0x2, s7;
	s18 =	smul.u32 $0x19000, s5  }
0x7: {  	s12 =	smul.u32 $0x320000, s5;
	s9 =	sor.u32 s8, s16;
	s8 =	ssub.s32 $0x2, s8  }
0x8: {  	s17 =	sadd.s32 s0, s6;
	s10 =	sshll.u32 s9, $0xA;
	s11 =	sshrl.u32 s8, $0x1  }
0x9: {  	s20 =	sshll.u32 s9, $0xD;
	s10 =	sor.u32 s18, s10;
	s0 =	ssub.s32 s8, s11  }
0xa: {  	s21 =	sadd.s32 $0x800, s17;
	s8 =	sadd.s32 $0x1C00, s6;
	s11 =	sadd.s32 $0x2C00, s6  }
0xb: {  	s28 =	sor.u32 $0x800, s20;
	s2 =	sor.u32 $0x1000, s20;
	s14 =	sor.u32 $0x1800, s20  }
0xc: {  	s19 =	sshrl.u32 s10, $0x3;
	[dreg:$0x4] =	wrdreg s21;
	s30 =	sor.u32 s12, s28  }
0xd: {  	s16 =	sor.u32 s12, s2;
	s17 =	sor.u32 s12, s14;
	s0 =	smax.u32 s0, $0x1  }
0xe: {  	s1 =	sadd.s32 s1, s19;
	s7 =	sshrl.u32 s30, $0x3;
	[smem:$0x7FD] =	sst s0  }
0xf: {  	[dreg:$0x3] =	wrdreg s1;
	s1 =	sor.u32 s12, s20;
	s18 =	sadd.s32 s4, s7  }
0x10: {  	s12 =	sadd.s32 $0x300000, s12;
	s19 =	sadd.s32 s7, s8;
	[dreg:$0x9] =	wrdreg s18  }
0x11: {  	s21 =	sadd.s32 s7, s13;
	s22 =	sshrl.u32 s1, $0x3;
	[dreg:$0xa] =	wrdreg s19  }
0x12: {  	s10 =	sor.u32 s12, s20;
	s20 =	sadd.s32 s7, s11;
	[dreg:$0xc] =	wrdreg s21  }
0x13: {  	s24 =	sadd.s32 s4, s22;
	[dreg:$0xb] =	wrdreg s20  }
0x14: {  	s25 =	sadd.s32 s22, s8;
	[dreg:$0x5] =	wrdreg s24  }
0x15: {  	s26 =	sadd.s32 s22, s11;
	[dreg:$0x6] =	wrdreg s25  }
0x16: {  	s29 =	sadd.s32 s22, s13;
	s22 =	sshrl.u32 s16, $0x3;
	[dreg:$0x7] =	wrdreg s26  }
0x17: {  	s3 =	sadd.s32 $0xF42C00, s6;
	[dreg:$0x8] =	wrdreg s29;
	s24 =	sadd.s32 s4, s22  }
0x18: {  	s6 =	sor.u32 s12, s28;
	s25 =	sadd.s32 s22, s8;
	[dreg:$0xd] =	wrdreg s24  }
0x19: {  	s1 =	sadd.s32 $0x20000, s1;
	s26 =	sadd.s32 s22, s11;
	[dreg:$0xe] =	wrdreg s25  }
0x1a: {  	s1 =	sshrl.u32 s1, $0x3;
	s28 =	sadd.s32 s22, s13;
	[dreg:$0xf] =	wrdreg s26  }
0x1b: {  	s20 =	sadd.s32 s4, s1;
	[dreg:$0x10] =	wrdreg s28  }
0x1c: {  	s21 =	sadd.s32 s1, s8;
	[dreg:$0x15] =	wrdreg s20  }
0x1d: {  	s15 =	sshll.u32 s9, $0x2;
	s22 =	sadd.s32 s1, s11;
	[dreg:$0x16] =	wrdreg s21  }
0x1e: {  	s29 =	sshrl.u32 s17, $0x3;
	s1 =	sadd.s32 s1, s13;
	[dreg:$0x17] =	wrdreg s22  }
0x1f: {  	s9 =	sor.u32 s12, s2;
	s30 =	sadd.s32 s4, s29;
	[dreg:$0x18] =	wrdreg s1  }
0x20: {  	s12 =	sor.u32 s12, s14;
	s14 =	sadd.s32 s29, s8;
	[dreg:$0x11] =	wrdreg s30  }
0x21: {  	s19 =	sadd.s32 $0x2E0000, s17;
	s16 =	sadd.s32 s29, s11;
	[dreg:$0x12] =	wrdreg s14  }
0x22: {  	s18 =	sadd.s32 s29, s13;
	s24 =	sshrl.u32 s19, $0x3;
	[dreg:$0x13] =	wrdreg s16  }
0x23: {  	[dreg:$0x14] =	wrdreg s18;
	s26 =	sadd.s32 s4, s24  }
0x24: {  	s28 =	sadd.s32 s24, s8;
	[dreg:$0x19] =	wrdreg s26  }
0x25: {  	s29 =	sadd.s32 s24, s11;
	[dreg:$0x1a] =	wrdreg s28  }
0x26: {  	s25 =	sshrl.u32 s10, $0x3;
	s1 =	sadd.s32 s24, s13;
	[dreg:$0x1b] =	wrdreg s29  }
0x27: {  	s30 =	sadd.s32 s4, s25;
	[dreg:$0x1c] =	wrdreg s1  }
0x28: {  	v0 =	vimm.s32 $0xB80;
	vm0 =	vcmask $0x300;
	v1 =	vimm.s32 $0x1B80;
	s2 =	sadd.s32 s25, s8;
	[dreg:$0x1d] =	wrdreg s30  }
0x29: {  	vm1 =	vcmask $0x704;
	v0 =	vsel vm0, $0x0, v0;
	v1 =	vsel vm0, $0x1000, v1;
	s10 =	sadd.s32 s25, s11;
	[dreg:$0x1e] =	wrdreg s2  }
0x2a: {  	vm15 =	vcmask $0xB08;
	v0 =	vsel vm1, $0x80, v0;
	v1 =	vsel vm1, $0x1080, v1;
	s20 =	sshrl.u32 s9, $0x3;
	s14 =	sadd.s32 s25, s13;
	[dreg:$0x1f] =	wrdreg s10  }
0x2b: {  	vm4 =	vcmask $0xF0C;
	v0 =	vsel vm15, $0x100, v0;
	v1 =	vsel vm15, $0x1100, v1;
	s22 =	sadd.s32 s4, s20;
	[smem:$0x7F0] =	sst s14  }
0x2c: {  	vm5 =	vcmask $0x1310;
	v0 =	vsel vm4, $0x180, v0;
	v1 =	vsel vm4, $0x1180, v1;
	s24 =	sadd.s32 s20, s8;
	[smem:$0x7F5] =	sst s22  }
0x2d: {  	vm6 =	vcmask $0x1714;
	v0 =	vsel vm5, $0x200, v0;
	v1 =	vsel vm5, $0x1200, v1;
	s16 =	sshrl.u32 s6, $0x3;
	s25 =	sadd.s32 s20, s11;
	[smem:$0x7F6] =	sst s24  }
0x2e: {  	vm7 =	vcmask $0x1B18;
	v0 =	vsel vm6, $0x280, v0;
	v1 =	vsel vm6, $0x1280, v1;
	s17 =	sadd.s32 s4, s16;
	[smem:$0x7F7] =	sst s25  }
0x2f: {  	vm8 =	vcmask $0x1F1C;
	v0 =	vsel vm7, $0x300, v0;
	v1 =	vsel vm7, $0x1300, v1;
	s18 =	sadd.s32 s16, s8;
	[smem:$0x7F1] =	sst s17  }
0x30: {  	s31 =	simm.s32 $0x16720;
	vm9 =	vcmask $0x2320;
	v0 =	vsel vm8, $0x380, v0;
	v1 =	vsel vm8, $0x1380, v1;
	s19 =	sadd.s32 s16, s11;
	[smem:$0x7F2] =	sst s18  }
0x31: {  	vm10 =	vcmask $0x2724;
	v0 =	vsel vm9, $0x800, v0;
	v1 =	vsel vm9, $0x1800, v1;
	s21 =	sshrl.u32 s12, $0x3;
	s1 =	sadd.s32 s16, s13;
	[smem:$0x7F3] =	sst s19  }
0x32: {  	vm11 =	vcmask $0x2B28;
	s5 =	smul.u32 $0x19, s5;
	v0 =	vsel vm10, $0x880, v0;
	v1 =	vsel vm10, $0x1880, v1;
	s26 =	sadd.s32 s4, s21;
	[smem:$0x7F4] =	sst s1  }
0x33: {  	vm12 =	vcmask $0x2F2C;
	s0 =	simm.s32 $0x100;
	v0 =	vsel vm11, $0x900, v0;
	v1 =	vsel vm11, $0x1900, v1;
	s28 =	sadd.s32 s21, s8;
	[smem:$0x7F9] =	sst s26  }
0x34: {  	vm13 =	vcmask $0x3330;
	v0 =	vsel vm12, $0x980, v0;
	v1 =	vsel vm12, $0x1980, v1;
	s6 =	simm.s32 $0x0;
	s29 =	sadd.s32 s21, s11;
	[smem:$0x7FA] =	sst s28  }
0x35: {  	vm14 =	vcmask $0x3734;
	v0 =	vsel vm13, $0xA00, v0;
	v1 =	vsel vm13, $0x1A00, v1;
	s30 =	sadd.s32 s21, s13;
	s14 =	simm.s32 $0x10720;
	[smem:$0x7FB] =	sst s29  }
0x36: {  	vm15 =	vcmask $0x3B38;
	s25 =	simm.s32 $0x14720;
	v0 =	vsel vm14, $0xA80, v0;
	v1 =	vsel vm14, $0x1A80, v1;
	s1 =	sadd.s32 s20, s13;
	[smem:$0x7FC] =	sst s30  }
0x37: {  	s10 =	simm.s32 $0x18720;
	s20 =	simm.s32 $0x12720;
	v0 =	vsel vm15, $0xB00, v0;
	v1 =	vsel vm15, $0x1B00, v1;
	[smem:$0x7F8] =	sst s1  }
.LBB2_1:
0x38: {  	[smem:$0x7EF] =	sst s6  }
0x39: {  	s1 =	rddreg [dreg:$0x3]  }
0x3a: {  	s2 =	simm.s32 $0x400;
	s28 =	simm.s32 $0x1000;
	s29 =	simm.s32 $0x1A  }
0x3b: {  	[tilespmem:s23], [sflag:$0x1A] =	stream.strided.gather [hbm4b:s1+s2], $0x6400, s28, s2, $0x38;
	[tilespmem:$0x1A720] =	vst v63  }
0x3c: {  	_ =	swait.ge [sflag:s29], $0x6400  }
0x3d: {  	[sflag:s29] =	ssyncset.done $0x0  }
0x3e: {  	s7 =	simm.s32 $0x6400;
	s30 =	rddreg [dreg:$0x4];
	[sflag:s29] =	ssyncadd.s32 $0xFFFF9C00  }
0x3f: {  	[tilespmem:s7], [sflag:$0x1A] =	stream.linear.gather [hbm4b:s30+s23], $0x320, $0x38;
	[tilespmem:$0x1A720] =	vst v63  }
0x40: {  	_ =	swait.ge [sflag:s29], $0x320  }
0x41: {  	[sflag:s29] =	ssyncset.done $0x0  }
0x42: {  	s6 =	simm.s32 $0x6720;
	[sflag:s29] =	ssyncadd.s32 $0xFFFFFCE0  }
0x43: {  	[tilespmem:s6], [sflag:$0x1] =	stream.indirect.gather [hbm4b:s3+s0], $0x20, s23, s0, $0xb8;
	[tilespmem:$0x1A720] =	vst v63  }
0x44: {  	s7 =	simm.s32 $0x8720  }
0x45: {  	[tilespmem:s7], [sflag:$0x2] =	stream.indirect.gather [hbm4b:s3+s0], $0x20, s0, s0, $0xb8;
	[tilespmem:$0x1A720] =	vst v63  }
0x46: {  	s9 =	simm.s32 $0x200;
	s12 =	simm.s32 $0xA720  }
0x47: {  	[tilespmem:s12], [sflag:$0x3] =	stream.indirect.gather [hbm4b:s3+s0], $0x20, s9, s0, $0xb8;
	[tilespmem:$0x1A720] =	vst v63  }
0x48: {  	s16 =	simm.s32 $0x300;
	s17 =	simm.s32 $0xC720  }
0x49: {  	[tilespmem:s17], [sflag:$0x4] =	stream.indirect.gather [hbm4b:s3+s0], $0x20, s16, s0, $0xb8;
	[tilespmem:$0x1A720] =	vst v63  }
0x4a: {  	s18 =	simm.s32 $0xE720;
	s19 =	simm.s32 $0x1  }
0x4b: {  	[tilespmem:s18], [sflag:$0x5] =	stream.indirect.gather [hbm4b:s3+s0], $0x20, s2, s0, $0xb8;
	[tilespmem:$0x1A720] =	vst v63  }
0x4c: {  	_ =	swait.ge [sflag:s19], $0x2000  }
0x4d: {  	[sflag:s19] =	ssyncset.done $0x0  }
0x4e: {  	[sflag:s19] =	ssyncadd.s32 $0xFFFFE000  }
0x4f: {  	v2 =	vld [tilespmem:$0x6400]  }
0x50: {  	s21 =	simm.s32 $0x7;
	s26 =	simm.s32 $0x2;
	s1 =	simm.s32 $0x67A0;
	v3 =	vld [tilespmem:$0x6410]  }
0x51: {  	s6 =	simm.s32 $0x0;
	s7 =	sand.u32 $0x7F, s21;
	s16 =	sand.u32 $0x400, s23;
	v4 =	vld [tilespmem:s1+$0x60]  }
0x52: {  	s17 =	simm.s32 $0x1;
	s7 =	sor.u32 s7, s16;
	s18 =	sand.u32 $0x78, s6;
	v6 =	vld [tilespmem:s1+$0xFFFFFF80]  }
0x53: {  	s26 =	sand.u32 $0x7A, s26;
	s17 =	sand.u32 $0x79, s17;
	v8 =	vor.u32 s7, v0;
	s18 =	sor.u32 s18, s16;
	v5 =	vld [tilespmem:s1+$0x70]  }
0x54: {  	s22 =	simm.s32 $0x3;
	s26 =	sor.u32 s26, s16;
	v21 =	vor.u32 s7, v1;
	s17 =	sor.u32 s17, s16;
	v22 =	vor.u32 s18, v0;
	v20 =	vld [tilespmem:s1+$0xFFFFFF90]  }
0x55: {  	s24 =	simm.s32 $0x4;
	s7 =	sand.u32 $0x7B, s22;
	v14 =	vor.u32 s26, v0;
	v11 =	vor.u32 s26, v1;
	v15 =	vor.u32 s17, v0;
	v24 =	vld [tilespmem:s1+$0xFFFFFFA0]  }
0x56: {  	s28 =	simm.s32 $0x5;
	v13 =	vor.u32 s17, v1;
	s17 =	sand.u32 $0x7C, s24;
	s7 =	sor.u32 s7, s16;
	v16 =	vor.u32 s18, v1;
	v17 =	vld [tilespmem:s1+$0xFFFFFFB0];
	v4 =	vadd.f32 v4, v2  }
0x57: {  	s29 =	simm.s32 $0x6;
	v12 =	vor.u32 s7, v0;
	v9 =	vor.u32 s7, v1;
	s18 =	sand.u32 $0x7D, s28;
	s17 =	sor.u32 s17, s16;
	v18 =	vld [tilespmem:s1+$0xFFFFFFC0];
	v6 =	vadd.f32 v6, v2  }
0x58: {  	s7 =	sand.u32 $0x7E, s29;
	v10 =	vor.u32 s17, v0;
	v7 =	vor.u32 s17, v1;
	s30 =	sor.u32 s18, s16;
	v19 =	vld [tilespmem:s1+$0xFFFFFFD0];
	v25 =	vadd.f32 v5, v3;
	[tilespmem:v8+s14+$0x0] =	vst.idx.msk $0xffff, v4  }
0x59: {  	s7 =	sor.u32 s7, s16;
	v5 =	vor.u32 s30, v1;
	v23 =	vadd.f32 v20, v3;
	v20 =	vld [tilespmem:s1+$0xFFFFFFE0];
	v8 =	vor.u32 s30, v0;
	[tilespmem:v22+s14+$0x0] =	vst.idx.msk $0xffff, v6  }
0x5a: {  	v22 =	vadd.f32 v24, v2;
	v6 =	vor.u32 s7, v0;
	v4 =	vor.u32 s7, v1;
	s7 =	simm.s32 $0x0;
	[tilespmem:v21+s14+$0x0] =	vst.idx.msk $0xffff, v25;
	v21 =	vld [tilespmem:s1+$0xFFFFFFF0]  }
.LBB2_2:
0x5b: {  	[tilespmem:v16+s14+$0x0] =	vst.idx.msk $0xffff, v23;
	v16 =	vadd.f32 v17, v3;
	v17 =	vld [tilespmem:s1+$0x0];
	s16 =	smov.u32 s6;
	s6 =	sadd.s32 $0x8, s6  }
0x5c: {  	s17 =	sadd.s32 $0x9, s16;
	s18 =	sadd.s32 $0xA, s16;
	s26 =	sadd.s32 $0xB, s16;
	[tilespmem:v15+s14+$0x0] =	vst.idx.msk $0xffff, v22;
	v15 =	vadd.f32 v18, v2;
	v18 =	vld [tilespmem:s1+$0x10]  }
0x5d: {  	s28 =	sadd.s32 $0xC, s16;
	s29 =	sadd.s32 $0xD, s16;
	s12 =	sadd.s32 $0xE, s16;
	[tilespmem:v13+s14+$0x0] =	vst.idx.msk $0xffff, v16;
	v13 =	vadd.f32 v19, v3;
	v16 =	vld [tilespmem:s1+$0x20]  }
0x5e: {  	s19 =	sand.u32 $0x78, s6;
	s17 =	sand.u32 $0x79, s17;
	s18 =	sand.u32 $0x7A, s18;
	[tilespmem:v14+s14+$0x0] =	vst.idx.msk $0xffff, v15;
	v14 =	vadd.f32 v20, v2;
	v15 =	vld [tilespmem:s1+$0x30]  }
0x5f: {  	s26 =	sand.u32 $0x7B, s26;
	s28 =	sand.u32 $0x7C, s28;
	s29 =	sand.u32 $0x7D, s29;
	[tilespmem:v11+s14+$0x0] =	vst.idx.msk $0xffff, v13;
	v11 =	vadd.f32 v21, v3;
	v13 =	vld [tilespmem:s1+$0x40]  }
0x60: {  	s7 =	sadd.s32 $0x40, s7;
	s16 =	sadd.s32 $0xF, s16;
	[tilespmem:v12+s14+$0x0] =	vst.idx.msk $0xffff, v14;
	v12 =	vadd.f32 v17, v2;
	v14 =	vld [tilespmem:s1+$0x50];
	s1 =	sadd.s32 $0x100, s1  }
0x61: {  	s24 =	sand.u32 $0x400, s7;
	s12 =	sand.u32 $0x7E, s12;
	s16 =	sand.u32 $0x7F, s16;
	v19 =	vld [tilespmem:s1+$0x60];
	[tilespmem:v9+s14+$0x0] =	vst.idx.msk $0xffff, v11;
	v9 =	vadd.f32 v18, v3  }
0x62: {  	s19 =	sor.u32 s19, s24;
	s17 =	sor.u32 s17, s24;
	s16 =	sor.u32 s16, s24;
	v20 =	vld [tilespmem:s1+$0x70];
	[tilespmem:v10+s14+$0x0] =	vst.idx.msk $0xffff, v12;
	v10 =	vadd.f32 v16, v2  }
0x63: {  	v22 =	vor.u32 s19, v0;
	s18 =	sor.u32 s18, s24;
	s26 =	sor.u32 s26, s24;
	s28 =	sor.u32 s28, s24;
	v23 =	vor.u32 s16, v0;
	v21 =	vld [tilespmem:s1+$0xFFFFFF80];
	[tilespmem:v7+s14+$0x0] =	vst.idx.msk $0xffff, v9;
	v7 =	vadd.f32 v15, v3  }
0x64: {  	p0 =	slt.u32 s6, $0xF8;
	s12 =	sor.u32 s12, s24;
	v25 =	vor.u32 s16, v1;
	v16 =	vor.u32 s19, v1;
	s19 =	sor.u32 s29, s24;
	v24 =	vld [tilespmem:s1+$0xFFFFFF90];
	[tilespmem:v8+s14+$0x0] =	vst.idx.msk $0xffff, v10;
	v8 =	vadd.f32 v13, v2  }
0x65: {  	v15 =	vor.u32 s17, v0;
	v13 =	vor.u32 s17, v1;
	v26 =	vld [tilespmem:s1+$0xFFFFFFA0];
	[tilespmem:v5+s14+$0x0] =	vst.idx.msk $0xffff, v7;
	v5 =	vadd.f32 v14, v3  }
.Ltmp0:
0x66: {  	v11 =	vor.u32 s18, v1;
	v14 =	vor.u32 s18, v0;
	v17 =	vld [tilespmem:s1+$0xFFFFFFB0];
	v27 =	vadd.f32 v19, v2;
	[tilespmem:v6+s14+$0x0] =	vst.idx.msk $0xffff, v8;
	(pc) =	sbr.rel @p0 .LBB2_2-.Ltmp0, $4  }
0x67: {  	v12 =	vor.u32 s26, v0;
	v9 =	vor.u32 s26, v1;
	v18 =	vld [tilespmem:s1+$0xFFFFFFC0];
	v6 =	vadd.f32 v20, v3;
	[tilespmem:v4+s14+$0x0] =	vst.idx.msk $0xffff, v5  }
0x68: {  	v10 =	vor.u32 s28, v0;
	v7 =	vor.u32 s28, v1;
	v4 =	vadd.f32 v21, v2;
	v19 =	vld [tilespmem:s1+$0xFFFFFFD0];
	[tilespmem:v23+s14+$0x0] =	vst.idx.msk $0xffff, v27  }
0x69: {  	v8 =	vor.u32 s19, v0;
	v5 =	vor.u32 s19, v1;
	v23 =	vadd.f32 v24, v3;
	v20 =	vld [tilespmem:s1+$0xFFFFFFE0];
	[tilespmem:v25+s14+$0x0] =	vst.idx.msk $0xffff, v6  }
0x6a: {  	v6 =	vor.u32 s12, v0;
	[tilespmem:v22+s14+$0x0] =	vst.idx.msk $0xffff, v4;
	v22 =	vadd.f32 v26, v2;
	v21 =	vld [tilespmem:s1+$0xFFFFFFF0];
	v4 =	vor.u32 s12, v1  }
0x6b: {  	_ =	sdelay $0x3  }
0x6c: {  	[tilespmem:v16+s14+$0x0] =	vst.idx.msk $0xffff, v23;
	v16 =	vadd.f32 v17, v3;
	v17 =	vld [tilespmem:s1+$0x0]  }
0x6d: {  	[tilespmem:v15+s14+$0x0] =	vst.idx.msk $0xffff, v22;
	v15 =	vadd.f32 v18, v2;
	v18 =	vld [tilespmem:s1+$0x10]  }
0x6e: {  	[tilespmem:v13+s14+$0x0] =	vst.idx.msk $0xffff, v16;
	v13 =	vadd.f32 v19, v3;
	v16 =	vld [tilespmem:s1+$0x20]  }
0x6f: {  	[tilespmem:v14+s14+$0x0] =	vst.idx.msk $0xffff, v15;
	v14 =	vadd.f32 v20, v2;
	v15 =	vld [tilespmem:s1+$0x30]  }
0x70: {  	[tilespmem:v11+s14+$0x0] =	vst.idx.msk $0xffff, v13;
	v11 =	vadd.f32 v21, v3;
	v13 =	vld [tilespmem:s1+$0x40]  }
0x71: {  	[tilespmem:v12+s14+$0x0] =	vst.idx.msk $0xffff, v14;
	v12 =	vadd.f32 v17, v2;
	v14 =	vld [tilespmem:s1+$0x50]  }
0x72: {  	[tilespmem:v9+s14+$0x0] =	vst.idx.msk $0xffff, v11;
	v9 =	vadd.f32 v18, v3  }
0x73: {  	[tilespmem:v10+s14+$0x0] =	vst.idx.msk $0xffff, v12;
	v10 =	vadd.f32 v16, v2  }
0x74: {  	[tilespmem:v7+s14+$0x0] =	vst.idx.msk $0xffff, v9;
	v7 =	vadd.f32 v15, v3  }
0x75: {  	[tilespmem:v8+s14+$0x0] =	vst.idx.msk $0xffff, v10;
	v2 =	vadd.f32 v13, v2  }
0x76: {  	[tilespmem:v5+s14+$0x0] =	vst.idx.msk $0xffff, v7;
	v3 =	vadd.f32 v14, v3  }
0x77: {  	[tilespmem:v6+s14+$0x0] =	vst.idx.msk $0xffff, v2  }
0x78: {  	s30 =	simm.s32 $0x6720;
	s2 =	simm.s32 $0x500;
	[tilespmem:v4+s14+$0x0] =	vst.idx.msk $0xffff, v3  }
0x79: {  	[tilespmem:s30], [sflag:$0x1] =	stream.indirect.gather [hbm4b:s3+s0], $0x20, s2, s0, $0xb8;
	[tilespmem:$0x1A720] =	vst v63  }
0x7a: {  	s6 =	simm.s32 $0x0;
	s2 =	rddreg [dreg:$0x5]  }
0x7b: {  	[hbm4b:s2+s6] =	stream.linear.scatter [tilespmem:s14], [sflag:$0x6], $0x800, $0x38;
	[tilespmem:$0x1A720] =	vst v63  }
0x7c: {  	s9 =	simm.s32 $0x10F20;
	s7 =	rddreg [dreg:$0x6]  }
0x7d: {  	[hbm4b:s7+s6] =	stream.linear.scatter [tilespmem:s9], [sflag:$0x7], $0x800, $0x38;
	[tilespmem:$0x1A720] =	vst v63  }
0x7e: {  	s16 =	simm.s32 $0x11720;
	s12 =	rddreg [dreg:$0x7]  }
0x7f: {  	[hbm4b:s12+s6] =	stream.linear.scatter [tilespmem:s16], [sflag:$0x8], $0x800, $0x38;
	[tilespmem:$0x1A720] =	vst v63  }
0x80: {  	s18 =	simm.s32 $0x11F20;
	s19 =	simm.s32 $0x2;
	s17 =	rddreg [dreg:$0x8]  }
0x81: {  	[hbm4b:s17+s6] =	stream.linear.scatter [tilespmem:s18], [sflag:$0x9], $0x800, $0x38;
	[tilespmem:$0x1A720] =	vst v63  }
0x82: {  	_ =	swait.ge [sflag:s19], $0x2000  }
0x83: {  	[sflag:s19] =	ssyncset.done $0x0  }
0x84: {  	[sflag:s19] =	ssyncadd.s32 $0xFFFFE000  }
0x85: {  	v2 =	vld [tilespmem:$0x6400]  }
0x86: {  	s24 =	simm.s32 $0x3;
	s1 =	simm.s32 $0x87A0;
	s12 =	simm.s32 $0x7;
	v3 =	vld [tilespmem:$0x6410]  }
0x87: {  	s7 =	simm.s32 $0x0;
	s16 =	sand.u32 $0x400, s6;
	s12 =	sand.u32 $0x7F, s12;
	v4 =	vld [tilespmem:s1+$0x60]  }
0x88: {  	s24 =	sand.u32 $0x7B, s24;
	s18 =	sand.u32 $0x78, s7;
	s12 =	sor.u32 s12, s16;
	v6 =	vld [tilespmem:s1+$0xFFFFFF80]  }
0x89: {  	s26 =	sor.u32 s24, s16;
	s17 =	simm.s32 $0x1;
	s18 =	sor.u32 s18, s16;
	v7 =	vor.u32 s12, v0;
	v5 =	vld [tilespmem:s1+$0x70]  }
0x8a: {  	s21 =	simm.s32 $0x4;
	v12 =	vor.u32 s26, v0;
	s17 =	sand.u32 $0x79, s17;
	v21 =	vor.u32 s18, v0;
	v20 =	vld [tilespmem:s1+$0xFFFFFF90]  }
0x8b: {  	v9 =	vor.u32 s26, v1;
	v23 =	vor.u32 s12, v1;
	s12 =	sand.u32 $0x7C, s21;
	s17 =	sor.u32 s17, s16;
	v16 =	vor.u32 s18, v1;
	s19 =	simm.s32 $0x2;
	v24 =	vld [tilespmem:s1+$0xFFFFFFA0]  }
0x8c: {  	s22 =	simm.s32 $0x5;
	s12 =	sor.u32 s12, s16;
	v15 =	vor.u32 s17, v0;
	v13 =	vor.u32 s17, v1;
	s19 =	sand.u32 $0x7A, s19;
	v17 =	vld [tilespmem:s1+$0xFFFFFFB0];
	v4 =	vadd.f32 v4, v2  }
0x8d: {  	s28 =	simm.s32 $0x6;
	s17 =	sand.u32 $0x7D, s22;
	v10 =	vor.u32 s12, v0;
	v8 =	vor.u32 s12, v1;
	v18 =	vld [tilespmem:s1+$0xFFFFFFC0];
	s19 =	sor.u32 s19, s16;
	v6 =	vadd.f32 v6, v2  }
0x8e: {  	s29 =	sand.u32 $0x7E, s28;
	s17 =	sor.u32 s17, s16;
	v19 =	vld [tilespmem:s1+$0xFFFFFFD0];
	v14 =	vor.u32 s19, v0;
	v11 =	vor.u32 s19, v1;
	v25 =	vadd.f32 v5, v3;
	[tilespmem:v7+s20+$0x0] =	vst.idx.msk $0xffff, v4  }
0x8f: {  	s30 =	sor.u32 s29, s16;
	v22 =	vadd.f32 v20, v3;
	v20 =	vld [tilespmem:s1+$0xFFFFFFE0];
	v5 =	vor.u32 s17, v1;
	v7 =	vor.u32 s17, v0;
	[tilespmem:v21+s20+$0x0] =	vst.idx.msk $0xffff, v6  }
0x90: {  	v21 =	vld [tilespmem:s1+$0xFFFFFFF0];
	v6 =	vor.u32 s30, v0;
	v4 =	vor.u32 s30, v1;
	[tilespmem:v23+s20+$0x0] =	vst.idx.msk $0xffff, v25;
	v23 =	vadd.f32 v24, v2  }
.LBB2_4:
0x91: {  	[tilespmem:v16+s20+$0x0] =	vst.idx.msk $0xffff, v22;
	v16 =	vadd.f32 v17, v3;
	v17 =	vld [tilespmem:s1+$0x0];
	s12 =	smov.u32 s7;
	s7 =	sadd.s32 $0x8, s7  }
0x92: {  	s16 =	sadd.s32 $0x9, s12;
	s17 =	sadd.s32 $0xA, s12;
	s18 =	sadd.s32 $0xB, s12;
	[tilespmem:v15+s20+$0x0] =	vst.idx.msk $0xffff, v23;
	v15 =	vadd.f32 v18, v2;
	v18 =	vld [tilespmem:s1+$0x10]  }
0x93: {  	s19 =	sadd.s32 $0xC, s12;
	s24 =	sadd.s32 $0xD, s12;
	s26 =	sadd.s32 $0xE, s12;
	[tilespmem:v13+s20+$0x0] =	vst.idx.msk $0xffff, v16;
	v13 =	vadd.f32 v19, v3;
	v16 =	vld [tilespmem:s1+$0x20]  }
0x94: {  	s28 =	sand.u32 $0x78, s7;
	s16 =	sand.u32 $0x79, s16;
	s17 =	sand.u32 $0x7A, s17;
	[tilespmem:v14+s20+$0x0] =	vst.idx.msk $0xffff, v15;
	v14 =	vadd.f32 v20, v2;
	v15 =	vld [tilespmem:s1+$0x30]  }
0x95: {  	s18 =	sand.u32 $0x7B, s18;
	s19 =	sand.u32 $0x7C, s19;
	s24 =	sand.u32 $0x7D, s24;
	[tilespmem:v11+s20+$0x0] =	vst.idx.msk $0xffff, v13;
	v11 =	vadd.f32 v21, v3;
	v13 =	vld [tilespmem:s1+$0x40]  }
0x96: {  	s6 =	sadd.s32 $0x40, s6;
	s12 =	sadd.s32 $0xF, s12;
	[tilespmem:v12+s20+$0x0] =	vst.idx.msk $0xffff, v14;
	v12 =	vadd.f32 v17, v2;
	v14 =	vld [tilespmem:s1+$0x50];
	s1 =	sadd.s32 $0x100, s1  }
0x97: {  	s29 =	sand.u32 $0x400, s6;
	s26 =	sand.u32 $0x7E, s26;
	s12 =	sand.u32 $0x7F, s12;
	v19 =	vld [tilespmem:s1+$0x60];
	[tilespmem:v9+s20+$0x0] =	vst.idx.msk $0xffff, v11;
	v9 =	vadd.f32 v18, v3  }
0x98: {  	s28 =	sor.u32 s28, s29;
	s16 =	sor.u32 s16, s29;
	s12 =	sor.u32 s12, s29;
	v20 =	vld [tilespmem:s1+$0x70];
	[tilespmem:v10+s20+$0x0] =	vst.idx.msk $0xffff, v12;
	v10 =	vadd.f32 v16, v2  }
0x99: {  	v23 =	vor.u32 s28, v0;
	s17 =	sor.u32 s17, s29;
	s18 =	sor.u32 s18, s29;
	s19 =	sor.u32 s19, s29;
	v22 =	vor.u32 s12, v0;
	v21 =	vld [tilespmem:s1+$0xFFFFFF80];
	[tilespmem:v8+s20+$0x0] =	vst.idx.msk $0xffff, v9;
	v8 =	vadd.f32 v15, v3  }
0x9a: {  	p0 =	slt.u32 s7, $0xF8;
	s24 =	sor.u32 s24, s29;
	s26 =	sor.u32 s26, s29;
	v25 =	vor.u32 s12, v1;
	v16 =	vor.u32 s28, v1;
	v24 =	vld [tilespmem:s1+$0xFFFFFF90];
	[tilespmem:v7+s20+$0x0] =	vst.idx.msk $0xffff, v10;
	v7 =	vadd.f32 v13, v2  }
0x9b: {  	v15 =	vor.u32 s16, v0;
	v13 =	vor.u32 s16, v1;
	v26 =	vld [tilespmem:s1+$0xFFFFFFA0];
	[tilespmem:v5+s20+$0x0] =	vst.idx.msk $0xffff, v8;
	v5 =	vadd.f32 v14, v3  }
.Ltmp1:
0x9c: {  	v11 =	vor.u32 s17, v1;
	v14 =	vor.u32 s17, v0;
	v17 =	vld [tilespmem:s1+$0xFFFFFFB0];
	v27 =	vadd.f32 v19, v2;
	[tilespmem:v6+s20+$0x0] =	vst.idx.msk $0xffff, v7;
	(pc) =	sbr.rel @p0 .LBB2_4-.Ltmp1, $4  }
0x9d: {  	v12 =	vor.u32 s18, v0;
	v9 =	vor.u32 s18, v1;
	v18 =	vld [tilespmem:s1+$0xFFFFFFC0];
	v6 =	vadd.f32 v20, v3;
	[tilespmem:v4+s20+$0x0] =	vst.idx.msk $0xffff, v5  }
0x9e: {  	v10 =	vor.u32 s19, v0;
	v8 =	vor.u32 s19, v1;
	v4 =	vadd.f32 v21, v2;
	v19 =	vld [tilespmem:s1+$0xFFFFFFD0];
	[tilespmem:v22+s20+$0x0] =	vst.idx.msk $0xffff, v27  }
0x9f: {  	v7 =	vor.u32 s24, v0;
	v5 =	vor.u32 s24, v1;
	v22 =	vadd.f32 v24, v3;
	v20 =	vld [tilespmem:s1+$0xFFFFFFE0];
	[tilespmem:v25+s20+$0x0] =	vst.idx.msk $0xffff, v6  }
0xa0: {  	v6 =	vor.u32 s26, v0;
	[tilespmem:v23+s20+$0x0] =	vst.idx.msk $0xffff, v4;
	v23 =	vadd.f32 v26, v2;
	v21 =	vld [tilespmem:s1+$0xFFFFFFF0];
	v4 =	vor.u32 s26, v1  }
0xa1: {  	_ =	sdelay $0x3  }
0xa2: {  	[tilespmem:v16+s20+$0x0] =	vst.idx.msk $0xffff, v22;
	v16 =	vadd.f32 v17, v3;
	v17 =	vld [tilespmem:s1+$0x0]  }
0xa3: {  	[tilespmem:v15+s20+$0x0] =	vst.idx.msk $0xffff, v23;
	v15 =	vadd.f32 v18, v2;
	v18 =	vld [tilespmem:s1+$0x10]  }
0xa4: {  	[tilespmem:v13+s20+$0x0] =	vst.idx.msk $0xffff, v16;
	v13 =	vadd.f32 v19, v3;
	v16 =	vld [tilespmem:s1+$0x20]  }
0xa5: {  	[tilespmem:v14+s20+$0x0] =	vst.idx.msk $0xffff, v15;
	v14 =	vadd.f32 v20, v2;
	v15 =	vld [tilespmem:s1+$0x30]  }
0xa6: {  	[tilespmem:v11+s20+$0x0] =	vst.idx.msk $0xffff, v13;
	v11 =	vadd.f32 v21, v3;
	v13 =	vld [tilespmem:s1+$0x40]  }
0xa7: {  	[tilespmem:v12+s20+$0x0] =	vst.idx.msk $0xffff, v14;
	v12 =	vadd.f32 v17, v2;
	v14 =	vld [tilespmem:s1+$0x50]  }
0xa8: {  	[tilespmem:v9+s20+$0x0] =	vst.idx.msk $0xffff, v11;
	v9 =	vadd.f32 v18, v3  }
0xa9: {  	[tilespmem:v10+s20+$0x0] =	vst.idx.msk $0xffff, v12;
	v10 =	vadd.f32 v16, v2  }
0xaa: {  	[tilespmem:v8+s20+$0x0] =	vst.idx.msk $0xffff, v9;
	v8 =	vadd.f32 v15, v3  }
0xab: {  	[tilespmem:v7+s20+$0x0] =	vst.idx.msk $0xffff, v10;
	v2 =	vadd.f32 v13, v2  }
0xac: {  	[tilespmem:v5+s20+$0x0] =	vst.idx.msk $0xffff, v8;
	v3 =	vadd.f32 v14, v3  }
0xad: {  	[tilespmem:v6+s20+$0x0] =	vst.idx.msk $0xffff, v2  }
0xae: {  	s30 =	simm.s32 $0x8720;
	s2 =	simm.s32 $0x600;
	[tilespmem:v4+s20+$0x0] =	vst.idx.msk $0xffff, v3  }
0xaf: {  	[tilespmem:s30], [sflag:$0x2] =	stream.indirect.gather [hbm4b:s3+s0], $0x20, s2, s0, $0xb8;
	[tilespmem:$0x1A720] =	vst v63  }
0xb0: {  	s6 =	simm.s32 $0x0;
	s2 =	rddreg [dreg:$0x9]  }
0xb1: {  	[hbm4b:s2+s6] =	stream.linear.scatter [tilespmem:s20], [sflag:$0xA], $0x800, $0x38;
	[tilespmem:$0x1A720] =	vst v63  }
0xb2: {  	s9 =	simm.s32 $0x12F20;
	s7 =	rddreg [dreg:$0xa]  }
0xb3: {  	[hbm4b:s7+s6] =	stream.linear.scatter [tilespmem:s9], [sflag:$0xB], $0x800, $0x38;
	[tilespmem:$0x1A720] =	vst v63  }
0xb4: {  	s16 =	simm.s32 $0x13720;
	s12 =	rddreg [dreg:$0xb]  }
0xb5: {  	[hbm4b:s12+s6] =	stream.linear.scatter [tilespmem:s16], [sflag:$0xC], $0x800, $0x38;
	[tilespmem:$0x1A720] =	vst v63  }
0xb6: {  	s18 =	simm.s32 $0x13F20;
	s19 =	simm.s32 $0x3;
	s17 =	rddreg [dreg:$0xc]  }
0xb7: {  	[hbm4b:s17+s6] =	stream.linear.scatter [tilespmem:s18], [sflag:$0xD], $0x800, $0x38;
	[tilespmem:$0x1A720] =	vst v63  }
0xb8: {  	_ =	swait.ge [sflag:s19], $0x2000  }
0xb9: {  	[sflag:s19] =	ssyncset.done $0x0  }
0xba: {  	[sflag:s19] =	ssyncadd.s32 $0xFFFFE000  }
0xbb: {  	v2 =	vld [tilespmem:$0x6400]  }
0xbc: {  	s24 =	simm.s32 $0x3;
	s1 =	simm.s32 $0xA7A0;
	s12 =	simm.s32 $0x7;
	v3 =	vld [tilespmem:$0x6410]  }
0xbd: {  	s7 =	simm.s32 $0x0;
	s16 =	sand.u32 $0x400, s6;
	s12 =	sand.u32 $0x7F, s12;
	v4 =	vld [tilespmem:s1+$0x60]  }
0xbe: {  	s24 =	sand.u32 $0x7B, s24;
	s18 =	sand.u32 $0x78, s7;
	s12 =	sor.u32 s12, s16;
	v6 =	vld [tilespmem:s1+$0xFFFFFF80]  }
0xbf: {  	s26 =	sor.u32 s24, s16;
	s17 =	simm.s32 $0x1;
	s18 =	sor.u32 s18, s16;
	v7 =	vor.u32 s12, v0;
	v5 =	vld [tilespmem:s1+$0x70]  }
0xc0: {  	s21 =	simm.s32 $0x4;
	v12 =	vor.u32 s26, v0;
	s17 =	sand.u32 $0x79, s17;
	v21 =	vor.u32 s18, v0;
	v20 =	vld [tilespmem:s1+$0xFFFFFF90]  }
0xc1: {  	v9 =	vor.u32 s26, v1;
	v23 =	vor.u32 s12, v1;
	s12 =	sand.u32 $0x7C, s21;
	s17 =	sor.u32 s17, s16;
	v16 =	vor.u32 s18, v1;
	s19 =	simm.s32 $0x2;
	v24 =	vld [tilespmem:s1+$0xFFFFFFA0]  }
0xc2: {  	s22 =	simm.s32 $0x5;
	s12 =	sor.u32 s12, s16;
	v15 =	vor.u32 s17, v0;
	v13 =	vor.u32 s17, v1;
	s19 =	sand.u32 $0x7A, s19;
	v17 =	vld [tilespmem:s1+$0xFFFFFFB0];
	v4 =	vadd.f32 v4, v2  }
0xc3: {  	s28 =	simm.s32 $0x6;
	s17 =	sand.u32 $0x7D, s22;
	v10 =	vor.u32 s12, v0;
	v8 =	vor.u32 s12, v1;
	v18 =	vld [tilespmem:s1+$0xFFFFFFC0];
	s19 =	sor.u32 s19, s16;
	v6 =	vadd.f32 v6, v2  }
0xc4: {  	s29 =	sand.u32 $0x7E, s28;
	s17 =	sor.u32 s17, s16;
	v19 =	vld [tilespmem:s1+$0xFFFFFFD0];
	v14 =	vor.u32 s19, v0;
	v11 =	vor.u32 s19, v1;
	v25 =	vadd.f32 v5, v3;
	[tilespmem:v7+s25+$0x0] =	vst.idx.msk $0xffff, v4  }
0xc5: {  	s30 =	sor.u32 s29, s16;
	v22 =	vadd.f32 v20, v3;
	v20 =	vld [tilespmem:s1+$0xFFFFFFE0];
	v5 =	vor.u32 s17, v1;
	v7 =	vor.u32 s17, v0;
	[tilespmem:v21+s25+$0x0] =	vst.idx.msk $0xffff, v6  }
0xc6: {  	v21 =	vld [tilespmem:s1+$0xFFFFFFF0];
	v6 =	vor.u32 s30, v0;
	v4 =	vor.u32 s30, v1;
	[tilespmem:v23+s25+$0x0] =	vst.idx.msk $0xffff, v25;
	v23 =	vadd.f32 v24, v2  }
.LBB2_6:
0xc7: {  	[tilespmem:v16+s25+$0x0] =	vst.idx.msk $0xffff, v22;
	v16 =	vadd.f32 v17, v3;
	v17 =	vld [tilespmem:s1+$0x0];
	s12 =	smov.u32 s7;
	s7 =	sadd.s32 $0x8, s7  }
0xc8: {  	s16 =	sadd.s32 $0x9, s12;
	s17 =	sadd.s32 $0xA, s12;
	s18 =	sadd.s32 $0xB, s12;
	[tilespmem:v15+s25+$0x0] =	vst.idx.msk $0xffff, v23;
	v15 =	vadd.f32 v18, v2;
	v18 =	vld [tilespmem:s1+$0x10]  }
0xc9: {  	s19 =	sadd.s32 $0xC, s12;
	s24 =	sadd.s32 $0xD, s12;
	s26 =	sadd.s32 $0xE, s12;
	[tilespmem:v13+s25+$0x0] =	vst.idx.msk $0xffff, v16;
	v13 =	vadd.f32 v19, v3;
	v16 =	vld [tilespmem:s1+$0x20]  }
0xca: {  	s28 =	sand.u32 $0x78, s7;
	s16 =	sand.u32 $0x79, s16;
	s17 =	sand.u32 $0x7A, s17;
	[tilespmem:v14+s25+$0x0] =	vst.idx.msk $0xffff, v15;
	v14 =	vadd.f32 v20, v2;
	v15 =	vld [tilespmem:s1+$0x30]  }
0xcb: {  	s18 =	sand.u32 $0x7B, s18;
	s19 =	sand.u32 $0x7C, s19;
	s24 =	sand.u32 $0x7D, s24;
	[tilespmem:v11+s25+$0x0] =	vst.idx.msk $0xffff, v13;
	v11 =	vadd.f32 v21, v3;
	v13 =	vld [tilespmem:s1+$0x40]  }
0xcc: {  	s6 =	sadd.s32 $0x40, s6;
	s12 =	sadd.s32 $0xF, s12;
	[tilespmem:v12+s25+$0x0] =	vst.idx.msk $0xffff, v14;
	v12 =	vadd.f32 v17, v2;
	v14 =	vld [tilespmem:s1+$0x50];
	s1 =	sadd.s32 $0x100, s1  }
0xcd: {  	s29 =	sand.u32 $0x400, s6;
	s26 =	sand.u32 $0x7E, s26;
	s12 =	sand.u32 $0x7F, s12;
	v19 =	vld [tilespmem:s1+$0x60];
	[tilespmem:v9+s25+$0x0] =	vst.idx.msk $0xffff, v11;
	v9 =	vadd.f32 v18, v3  }
0xce: {  	s28 =	sor.u32 s28, s29;
	s16 =	sor.u32 s16, s29;
	s12 =	sor.u32 s12, s29;
	v20 =	vld [tilespmem:s1+$0x70];
	[tilespmem:v10+s25+$0x0] =	vst.idx.msk $0xffff, v12;
	v10 =	vadd.f32 v16, v2  }
0xcf: {  	v23 =	vor.u32 s28, v0;
	s17 =	sor.u32 s17, s29;
	s18 =	sor.u32 s18, s29;
	s19 =	sor.u32 s19, s29;
	v22 =	vor.u32 s12, v0;
	v21 =	vld [tilespmem:s1+$0xFFFFFF80];
	[tilespmem:v8+s25+$0x0] =	vst.idx.msk $0xffff, v9;
	v8 =	vadd.f32 v15, v3  }
0xd0: {  	p0 =	slt.u32 s7, $0xF8;
	s24 =	sor.u32 s24, s29;
	s26 =	sor.u32 s26, s29;
	v25 =	vor.u32 s12, v1;
	v16 =	vor.u32 s28, v1;
	v24 =	vld [tilespmem:s1+$0xFFFFFF90];
	[tilespmem:v7+s25+$0x0] =	vst.idx.msk $0xffff, v10;
	v7 =	vadd.f32 v13, v2  }
0xd1: {  	v15 =	vor.u32 s16, v0;
	v13 =	vor.u32 s16, v1;
	v26 =	vld [tilespmem:s1+$0xFFFFFFA0];
	[tilespmem:v5+s25+$0x0] =	vst.idx.msk $0xffff, v8;
	v5 =	vadd.f32 v14, v3  }
.Ltmp2:
0xd2: {  	v11 =	vor.u32 s17, v1;
	v14 =	vor.u32 s17, v0;
	v17 =	vld [tilespmem:s1+$0xFFFFFFB0];
	v27 =	vadd.f32 v19, v2;
	[tilespmem:v6+s25+$0x0] =	vst.idx.msk $0xffff, v7;
	(pc) =	sbr.rel @p0 .LBB2_6-.Ltmp2, $4  }
0xd3: {  	v12 =	vor.u32 s18, v0;
	v9 =	vor.u32 s18, v1;
	v18 =	vld [tilespmem:s1+$0xFFFFFFC0];
	v6 =	vadd.f32 v20, v3;
	[tilespmem:v4+s25+$0x0] =	vst.idx.msk $0xffff, v5  }
0xd4: {  	v10 =	vor.u32 s19, v0;
	v8 =	vor.u32 s19, v1;
	v4 =	vadd.f32 v21, v2;
	v19 =	vld [tilespmem:s1+$0xFFFFFFD0];
	[tilespmem:v22+s25+$0x0] =	vst.idx.msk $0xffff, v27  }
0xd5: {  	v7 =	vor.u32 s24, v0;
	v5 =	vor.u32 s24, v1;
	v22 =	vadd.f32 v24, v3;
	v20 =	vld [tilespmem:s1+$0xFFFFFFE0];
	[tilespmem:v25+s25+$0x0] =	vst.idx.msk $0xffff, v6  }
0xd6: {  	v6 =	vor.u32 s26, v0;
	[tilespmem:v23+s25+$0x0] =	vst.idx.msk $0xffff, v4;
	v23 =	vadd.f32 v26, v2;
	v21 =	vld [tilespmem:s1+$0xFFFFFFF0];
	v4 =	vor.u32 s26, v1  }
0xd7: {  	_ =	sdelay $0x3  }
0xd8: {  	[tilespmem:v16+s25+$0x0] =	vst.idx.msk $0xffff, v22;
	v16 =	vadd.f32 v17, v3;
	v17 =	vld [tilespmem:s1+$0x0]  }
0xd9: {  	[tilespmem:v15+s25+$0x0] =	vst.idx.msk $0xffff, v23;
	v15 =	vadd.f32 v18, v2;
	v18 =	vld [tilespmem:s1+$0x10]  }
0xda: {  	[tilespmem:v13+s25+$0x0] =	vst.idx.msk $0xffff, v16;
	v13 =	vadd.f32 v19, v3;
	v16 =	vld [tilespmem:s1+$0x20]  }
0xdb: {  	[tilespmem:v14+s25+$0x0] =	vst.idx.msk $0xffff, v15;
	v14 =	vadd.f32 v20, v2;
	v15 =	vld [tilespmem:s1+$0x30]  }
0xdc: {  	[tilespmem:v11+s25+$0x0] =	vst.idx.msk $0xffff, v13;
	v11 =	vadd.f32 v21, v3;
	v13 =	vld [tilespmem:s1+$0x40]  }
0xdd: {  	[tilespmem:v12+s25+$0x0] =	vst.idx.msk $0xffff, v14;
	v12 =	vadd.f32 v17, v2;
	v14 =	vld [tilespmem:s1+$0x50]  }
0xde: {  	[tilespmem:v9+s25+$0x0] =	vst.idx.msk $0xffff, v11;
	v9 =	vadd.f32 v18, v3  }
0xdf: {  	[tilespmem:v10+s25+$0x0] =	vst.idx.msk $0xffff, v12;
	v10 =	vadd.f32 v16, v2  }
0xe0: {  	[tilespmem:v8+s25+$0x0] =	vst.idx.msk $0xffff, v9;
	v8 =	vadd.f32 v15, v3  }
0xe1: {  	[tilespmem:v7+s25+$0x0] =	vst.idx.msk $0xffff, v10;
	v2 =	vadd.f32 v13, v2  }
0xe2: {  	[tilespmem:v5+s25+$0x0] =	vst.idx.msk $0xffff, v8;
	v3 =	vadd.f32 v14, v3  }
0xe3: {  	[tilespmem:v6+s25+$0x0] =	vst.idx.msk $0xffff, v2  }
0xe4: {  	s30 =	simm.s32 $0xA720;
	s2 =	simm.s32 $0x700;
	[tilespmem:v4+s25+$0x0] =	vst.idx.msk $0xffff, v3  }
0xe5: {  	[tilespmem:s30], [sflag:$0x3] =	stream.indirect.gather [hbm4b:s3+s0], $0x20, s2, s0, $0xb8;
	[tilespmem:$0x1A720] =	vst v63  }
0xe6: {  	s6 =	simm.s32 $0x0;
	s2 =	rddreg [dreg:$0xd]  }
0xe7: {  	[hbm4b:s2+s6] =	stream.linear.scatter [tilespmem:s25], [sflag:$0xE], $0x800, $0x38;
	[tilespmem:$0x1A720] =	vst v63  }
0xe8: {  	s9 =	simm.s32 $0x14F20;
	s7 =	rddreg [dreg:$0xe]  }
0xe9: {  	[hbm4b:s7+s6] =	stream.linear.scatter [tilespmem:s9], [sflag:$0xF], $0x800, $0x38;
	[tilespmem:$0x1A720] =	vst v63  }
0xea: {  	s16 =	simm.s32 $0x15720;
	s12 =	rddreg [dreg:$0xf]  }
0xeb: {  	[hbm4b:s12+s6] =	stream.linear.scatter [tilespmem:s16], [sflag:$0x10], $0x800, $0x38;
	[tilespmem:$0x1A720] =	vst v63  }
0xec: {  	s18 =	simm.s32 $0x15F20;
	s19 =	simm.s32 $0x4;
	s17 =	rddreg [dreg:$0x10]  }
0xed: {  	[hbm4b:s17+s6] =	stream.linear.scatter [tilespmem:s18], [sflag:$0x11], $0x800, $0x38;
	[tilespmem:$0x1A720] =	vst v63  }
0xee: {  	_ =	swait.ge [sflag:s19], $0x2000  }
0xef: {  	[sflag:s19] =	ssyncset.done $0x0  }
0xf0: {  	[sflag:s19] =	ssyncadd.s32 $0xFFFFE000  }
0xf1: {  	v2 =	vld [tilespmem:$0x6400]  }
0xf2: {  	s24 =	simm.s32 $0x3;
	s1 =	simm.s32 $0xC7A0;
	s12 =	simm.s32 $0x7;
	v3 =	vld [tilespmem:$0x6410]  }
0xf3: {  	s7 =	simm.s32 $0x0;
	s16 =	sand.u32 $0x400, s6;
	s12 =	sand.u32 $0x7F, s12;
	v4 =	vld [tilespmem:s1+$0x60]  }
0xf4: {  	s24 =	sand.u32 $0x7B, s24;
	s18 =	sand.u32 $0x78, s7;
	s12 =	sor.u32 s12, s16;
	v6 =	vld [tilespmem:s1+$0xFFFFFF80]  }
0xf5: {  	s26 =	sor.u32 s24, s16;
	s17 =	simm.s32 $0x1;
	s18 =	sor.u32 s18, s16;
	v7 =	vor.u32 s12, v0;
	v5 =	vld [tilespmem:s1+$0x70]  }
0xf6: {  	s21 =	simm.s32 $0x4;
	v12 =	vor.u32 s26, v0;
	s17 =	sand.u32 $0x79, s17;
	v21 =	vor.u32 s18, v0;
	v20 =	vld [tilespmem:s1+$0xFFFFFF90]  }
0xf7: {  	v9 =	vor.u32 s26, v1;
	v23 =	vor.u32 s12, v1;
	s12 =	sand.u32 $0x7C, s21;
	s17 =	sor.u32 s17, s16;
	v16 =	vor.u32 s18, v1;
	s19 =	simm.s32 $0x2;
	v24 =	vld [tilespmem:s1+$0xFFFFFFA0]  }
0xf8: {  	s22 =	simm.s32 $0x5;
	s12 =	sor.u32 s12, s16;
	v15 =	vor.u32 s17, v0;
	v13 =	vor.u32 s17, v1;
	s19 =	sand.u32 $0x7A, s19;
	v17 =	vld [tilespmem:s1+$0xFFFFFFB0];
	v4 =	vadd.f32 v4, v2  }
0xf9: {  	s28 =	simm.s32 $0x6;
	s17 =	sand.u32 $0x7D, s22;
	v10 =	vor.u32 s12, v0;
	v8 =	vor.u32 s12, v1;
	v18 =	vld [tilespmem:s1+$0xFFFFFFC0];
	s19 =	sor.u32 s19, s16;
	v6 =	vadd.f32 v6, v2  }
0xfa: {  	s29 =	sand.u32 $0x7E, s28;
	s17 =	sor.u32 s17, s16;
	v19 =	vld [tilespmem:s1+$0xFFFFFFD0];
	v14 =	vor.u32 s19, v0;
	v11 =	vor.u32 s19, v1;
	v25 =	vadd.f32 v5, v3;
	[tilespmem:v7+s31+$0x0] =	vst.idx.msk $0xffff, v4  }
0xfb: {  	s30 =	sor.u32 s29, s16;
	v22 =	vadd.f32 v20, v3;
	v20 =	vld [tilespmem:s1+$0xFFFFFFE0];
	v5 =	vor.u32 s17, v1;
	v7 =	vor.u32 s17, v0;
	[tilespmem:v21+s31+$0x0] =	vst.idx.msk $0xffff, v6  }
0xfc: {  	v21 =	vld [tilespmem:s1+$0xFFFFFFF0];
	v6 =	vor.u32 s30, v0;
	v4 =	vor.u32 s30, v1;
	[tilespmem:v23+s31+$0x0] =	vst.idx.msk $0xffff, v25;
	v23 =	vadd.f32 v24, v2  }
.LBB2_8:
0xfd: {  	[tilespmem:v16+s31+$0x0] =	vst.idx.msk $0xffff, v22;
	v16 =	vadd.f32 v17, v3;
	v17 =	vld [tilespmem:s1+$0x0];
	s12 =	smov.u32 s7;
	s7 =	sadd.s32 $0x8, s7  }
0xfe: {  	s16 =	sadd.s32 $0x9, s12;
	s17 =	sadd.s32 $0xA, s12;
	s18 =	sadd.s32 $0xB, s12;
	[tilespmem:v15+s31+$0x0] =	vst.idx.msk $0xffff, v23;
	v15 =	vadd.f32 v18, v2;
	v18 =	vld [tilespmem:s1+$0x10]  }
0xff: {  	s19 =	sadd.s32 $0xC, s12;
	s24 =	sadd.s32 $0xD, s12;
	s26 =	sadd.s32 $0xE, s12;
	[tilespmem:v13+s31+$0x0] =	vst.idx.msk $0xffff, v16;
	v13 =	vadd.f32 v19, v3;
	v16 =	vld [tilespmem:s1+$0x20]  }
0x100: {  	s28 =	sand.u32 $0x78, s7;
	s16 =	sand.u32 $0x79, s16;
	s17 =	sand.u32 $0x7A, s17;
	[tilespmem:v14+s31+$0x0] =	vst.idx.msk $0xffff, v15;
	v14 =	vadd.f32 v20, v2;
	v15 =	vld [tilespmem:s1+$0x30]  }
0x101: {  	s18 =	sand.u32 $0x7B, s18;
	s19 =	sand.u32 $0x7C, s19;
	s24 =	sand.u32 $0x7D, s24;
	[tilespmem:v11+s31+$0x0] =	vst.idx.msk $0xffff, v13;
	v11 =	vadd.f32 v21, v3;
	v13 =	vld [tilespmem:s1+$0x40]  }
0x102: {  	s6 =	sadd.s32 $0x40, s6;
	s12 =	sadd.s32 $0xF, s12;
	[tilespmem:v12+s31+$0x0] =	vst.idx.msk $0xffff, v14;
	v12 =	vadd.f32 v17, v2;
	v14 =	vld [tilespmem:s1+$0x50];
	s1 =	sadd.s32 $0x100, s1  }
0x103: {  	s29 =	sand.u32 $0x400, s6;
	s26 =	sand.u32 $0x7E, s26;
	s12 =	sand.u32 $0x7F, s12;
	v19 =	vld [tilespmem:s1+$0x60];
	[tilespmem:v9+s31+$0x0] =	vst.idx.msk $0xffff, v11;
	v9 =	vadd.f32 v18, v3  }
0x104: {  	s28 =	sor.u32 s28, s29;
	s16 =	sor.u32 s16, s29;
	s12 =	sor.u32 s12, s29;
	v20 =	vld [tilespmem:s1+$0x70];
	[tilespmem:v10+s31+$0x0] =	vst.idx.msk $0xffff, v12;
	v10 =	vadd.f32 v16, v2  }
0x105: {  	v23 =	vor.u32 s28, v0;
	s17 =	sor.u32 s17, s29;
	s18 =	sor.u32 s18, s29;
	s19 =	sor.u32 s19, s29;
	v22 =	vor.u32 s12, v0;
	v21 =	vld [tilespmem:s1+$0xFFFFFF80];
	[tilespmem:v8+s31+$0x0] =	vst.idx.msk $0xffff, v9;
	v8 =	vadd.f32 v15, v3  }
0x106: {  	p0 =	slt.u32 s7, $0xF8;
	s24 =	sor.u32 s24, s29;
	s26 =	sor.u32 s26, s29;
	v25 =	vor.u32 s12, v1;
	v16 =	vor.u32 s28, v1;
	v24 =	vld [tilespmem:s1+$0xFFFFFF90];
	[tilespmem:v7+s31+$0x0] =	vst.idx.msk $0xffff, v10;
	v7 =	vadd.f32 v13, v2  }
0x107: {  	v15 =	vor.u32 s16, v0;
	v13 =	vor.u32 s16, v1;
	v26 =	vld [tilespmem:s1+$0xFFFFFFA0];
	[tilespmem:v5+s31+$0x0] =	vst.idx.msk $0xffff, v8;
	v5 =	vadd.f32 v14, v3  }
.Ltmp3:
0x108: {  	v11 =	vor.u32 s17, v1;
	v14 =	vor.u32 s17, v0;
	v17 =	vld [tilespmem:s1+$0xFFFFFFB0];
	v27 =	vadd.f32 v19, v2;
	[tilespmem:v6+s31+$0x0] =	vst.idx.msk $0xffff, v7;
	(pc) =	sbr.rel @p0 .LBB2_8-.Ltmp3, $4  }
0x109: {  	v12 =	vor.u32 s18, v0;
	v9 =	vor.u32 s18, v1;
	v18 =	vld [tilespmem:s1+$0xFFFFFFC0];
	v6 =	vadd.f32 v20, v3;
	[tilespmem:v4+s31+$0x0] =	vst.idx.msk $0xffff, v5  }
0x10a: {  	v10 =	vor.u32 s19, v0;
	v8 =	vor.u32 s19, v1;
	v4 =	vadd.f32 v21, v2;
	v19 =	vld [tilespmem:s1+$0xFFFFFFD0];
	[tilespmem:v22+s31+$0x0] =	vst.idx.msk $0xffff, v27  }
0x10b: {  	v7 =	vor.u32 s24, v0;
	v5 =	vor.u32 s24, v1;
	v22 =	vadd.f32 v24, v3;
	v20 =	vld [tilespmem:s1+$0xFFFFFFE0];
	[tilespmem:v25+s31+$0x0] =	vst.idx.msk $0xffff, v6  }
0x10c: {  	v6 =	vor.u32 s26, v0;
	[tilespmem:v23+s31+$0x0] =	vst.idx.msk $0xffff, v4;
	v23 =	vadd.f32 v26, v2;
	v21 =	vld [tilespmem:s1+$0xFFFFFFF0];
	v4 =	vor.u32 s26, v1  }
0x10d: {  	_ =	sdelay $0x3  }
0x10e: {  	[tilespmem:v16+s31+$0x0] =	vst.idx.msk $0xffff, v22;
	v16 =	vadd.f32 v17, v3;
	v17 =	vld [tilespmem:s1+$0x0]  }
0x10f: {  	[tilespmem:v15+s31+$0x0] =	vst.idx.msk $0xffff, v23;
	v15 =	vadd.f32 v18, v2;
	v18 =	vld [tilespmem:s1+$0x10]  }
0x110: {  	[tilespmem:v13+s31+$0x0] =	vst.idx.msk $0xffff, v16;
	v13 =	vadd.f32 v19, v3;
	v16 =	vld [tilespmem:s1+$0x20]  }
0x111: {  	[tilespmem:v14+s31+$0x0] =	vst.idx.msk $0xffff, v15;
	v14 =	vadd.f32 v20, v2;
	v15 =	vld [tilespmem:s1+$0x30]  }
0x112: {  	[tilespmem:v11+s31+$0x0] =	vst.idx.msk $0xffff, v13;
	v11 =	vadd.f32 v21, v3;
	v13 =	vld [tilespmem:s1+$0x40]  }
0x113: {  	[tilespmem:v12+s31+$0x0] =	vst.idx.msk $0xffff, v14;
	v12 =	vadd.f32 v17, v2;
	v14 =	vld [tilespmem:s1+$0x50]  }
0x114: {  	[tilespmem:v9+s31+$0x0] =	vst.idx.msk $0xffff, v11;
	v9 =	vadd.f32 v18, v3  }
0x115: {  	[tilespmem:v10+s31+$0x0] =	vst.idx.msk $0xffff, v12;
	v10 =	vadd.f32 v16, v2  }
0x116: {  	[tilespmem:v8+s31+$0x0] =	vst.idx.msk $0xffff, v9;
	v8 =	vadd.f32 v15, v3  }
0x117: {  	[tilespmem:v7+s31+$0x0] =	vst.idx.msk $0xffff, v10;
	v2 =	vadd.f32 v13, v2  }
0x118: {  	[tilespmem:v5+s31+$0x0] =	vst.idx.msk $0xffff, v8;
	v3 =	vadd.f32 v14, v3  }
0x119: {  	[tilespmem:v6+s31+$0x0] =	vst.idx.msk $0xffff, v2  }
0x11a: {  	s30 =	simm.s32 $0xC720;
	s2 =	simm.s32 $0x800;
	[tilespmem:v4+s31+$0x0] =	vst.idx.msk $0xffff, v3  }
0x11b: {  	[tilespmem:s30], [sflag:$0x4] =	stream.indirect.gather [hbm4b:s3+s0], $0x20, s2, s0, $0xb8;
	[tilespmem:$0x1A720] =	vst v63  }
0x11c: {  	s6 =	simm.s32 $0x0;
	s2 =	rddreg [dreg:$0x11]  }
0x11d: {  	[hbm4b:s2+s6] =	stream.linear.scatter [tilespmem:s31], [sflag:$0x12], $0x800, $0x38;
	[tilespmem:$0x1A720] =	vst v63  }
0x11e: {  	s9 =	simm.s32 $0x16F20;
	s7 =	rddreg [dreg:$0x12]  }
0x11f: {  	[hbm4b:s7+s6] =	stream.linear.scatter [tilespmem:s9], [sflag:$0x13], $0x800, $0x38;
	[tilespmem:$0x1A720] =	vst v63  }
0x120: {  	s16 =	simm.s32 $0x17720;
	s12 =	rddreg [dreg:$0x13]  }
0x121: {  	[hbm4b:s12+s6] =	stream.linear.scatter [tilespmem:s16], [sflag:$0x14], $0x800, $0x38;
	[tilespmem:$0x1A720] =	vst v63  }
0x122: {  	s18 =	simm.s32 $0x17F20;
	s19 =	simm.s32 $0x5;
	s17 =	rddreg [dreg:$0x14]  }
0x123: {  	[hbm4b:s17+s6] =	stream.linear.scatter [tilespmem:s18], [sflag:$0x15], $0x800, $0x38;
	[tilespmem:$0x1A720] =	vst v63  }
0x124: {  	_ =	swait.ge [sflag:s19], $0x2000  }
0x125: {  	[sflag:s19] =	ssyncset.done $0x0  }
0x126: {  	[sflag:s19] =	ssyncadd.s32 $0xFFFFE000  }
0x127: {  	v2 =	vld [tilespmem:$0x6420]  }
0x128: {  	s24 =	simm.s32 $0x3;
	s1 =	simm.s32 $0xE7A0;
	s12 =	simm.s32 $0x7;
	v3 =	vld [tilespmem:$0x6430]  }
0x129: {  	s7 =	simm.s32 $0x0;
	s16 =	sand.u32 $0x400, s6;
	s12 =	sand.u32 $0x7F, s12;
	v4 =	vld [tilespmem:s1+$0x60]  }
0x12a: {  	s24 =	sand.u32 $0x7B, s24;
	s18 =	sand.u32 $0x78, s7;
	s12 =	sor.u32 s12, s16;
	v6 =	vld [tilespmem:s1+$0xFFFFFF80]  }
0x12b: {  	s26 =	sor.u32 s24, s16;
	s17 =	simm.s32 $0x1;
	s18 =	sor.u32 s18, s16;
	v7 =	vor.u32 s12, v0;
	v5 =	vld [tilespmem:s1+$0x70]  }
0x12c: {  	s21 =	simm.s32 $0x4;
	v12 =	vor.u32 s26, v0;
	s17 =	sand.u32 $0x79, s17;
	v21 =	vor.u32 s18, v0;
	v20 =	vld [tilespmem:s1+$0xFFFFFF90]  }
0x12d: {  	v9 =	vor.u32 s26, v1;
	v23 =	vor.u32 s12, v1;
	s12 =	sand.u32 $0x7C, s21;
	s17 =	sor.u32 s17, s16;
	v16 =	vor.u32 s18, v1;
	s19 =	simm.s32 $0x2;
	v24 =	vld [tilespmem:s1+$0xFFFFFFA0]  }
0x12e: {  	s22 =	simm.s32 $0x5;
	s12 =	sor.u32 s12, s16;
	v15 =	vor.u32 s17, v0;
	v13 =	vor.u32 s17, v1;
	s19 =	sand.u32 $0x7A, s19;
	v17 =	vld [tilespmem:s1+$0xFFFFFFB0];
	v4 =	vadd.f32 v4, v2  }
0x12f: {  	s28 =	simm.s32 $0x6;
	s17 =	sand.u32 $0x7D, s22;
	v10 =	vor.u32 s12, v0;
	v8 =	vor.u32 s12, v1;
	v18 =	vld [tilespmem:s1+$0xFFFFFFC0];
	s19 =	sor.u32 s19, s16;
	v6 =	vadd.f32 v6, v2  }
0x130: {  	s29 =	sand.u32 $0x7E, s28;
	s17 =	sor.u32 s17, s16;
	v19 =	vld [tilespmem:s1+$0xFFFFFFD0];
	v14 =	vor.u32 s19, v0;
	v11 =	vor.u32 s19, v1;
	v25 =	vadd.f32 v5, v3;
	[tilespmem:v7+s10+$0x0] =	vst.idx.msk $0xffff, v4  }
0x131: {  	s30 =	sor.u32 s29, s16;
	v22 =	vadd.f32 v20, v3;
	v20 =	vld [tilespmem:s1+$0xFFFFFFE0];
	v5 =	vor.u32 s17, v1;
	v7 =	vor.u32 s17, v0;
	[tilespmem:v21+s10+$0x0] =	vst.idx.msk $0xffff, v6  }
0x132: {  	v21 =	vld [tilespmem:s1+$0xFFFFFFF0];
	v6 =	vor.u32 s30, v0;
	v4 =	vor.u32 s30, v1;
	[tilespmem:v23+s10+$0x0] =	vst.idx.msk $0xffff, v25;
	v23 =	vadd.f32 v24, v2  }
.LBB2_10:
0x133: {  	[tilespmem:v16+s10+$0x0] =	vst.idx.msk $0xffff, v22;
	v16 =	vadd.f32 v17, v3;
	v17 =	vld [tilespmem:s1+$0x0];
	s12 =	smov.u32 s7;
	s7 =	sadd.s32 $0x8, s7  }
0x134: {  	s16 =	sadd.s32 $0x9, s12;
	s17 =	sadd.s32 $0xA, s12;
	s18 =	sadd.s32 $0xB, s12;
	[tilespmem:v15+s10+$0x0] =	vst.idx.msk $0xffff, v23;
	v15 =	vadd.f32 v18, v2;
	v18 =	vld [tilespmem:s1+$0x10]  }
0x135: {  	s19 =	sadd.s32 $0xC, s12;
	s24 =	sadd.s32 $0xD, s12;
	s26 =	sadd.s32 $0xE, s12;
	[tilespmem:v13+s10+$0x0] =	vst.idx.msk $0xffff, v16;
	v13 =	vadd.f32 v19, v3;
	v16 =	vld [tilespmem:s1+$0x20]  }
0x136: {  	s28 =	sand.u32 $0x78, s7;
	s16 =	sand.u32 $0x79, s16;
	s17 =	sand.u32 $0x7A, s17;
	[tilespmem:v14+s10+$0x0] =	vst.idx.msk $0xffff, v15;
	v14 =	vadd.f32 v20, v2;
	v15 =	vld [tilespmem:s1+$0x30]  }
0x137: {  	s18 =	sand.u32 $0x7B, s18;
	s19 =	sand.u32 $0x7C, s19;
	s24 =	sand.u32 $0x7D, s24;
	[tilespmem:v11+s10+$0x0] =	vst.idx.msk $0xffff, v13;
	v11 =	vadd.f32 v21, v3;
	v13 =	vld [tilespmem:s1+$0x40]  }
0x138: {  	s6 =	sadd.s32 $0x40, s6;
	s12 =	sadd.s32 $0xF, s12;
	[tilespmem:v12+s10+$0x0] =	vst.idx.msk $0xffff, v14;
	v12 =	vadd.f32 v17, v2;
	v14 =	vld [tilespmem:s1+$0x50];
	s1 =	sadd.s32 $0x100, s1  }
0x139: {  	s29 =	sand.u32 $0x400, s6;
	s26 =	sand.u32 $0x7E, s26;
	s12 =	sand.u32 $0x7F, s12;
	v19 =	vld [tilespmem:s1+$0x60];
	[tilespmem:v9+s10+$0x0] =	vst.idx.msk $0xffff, v11;
	v9 =	vadd.f32 v18, v3  }
0x13a: {  	s28 =	sor.u32 s28, s29;
	s16 =	sor.u32 s16, s29;
	s12 =	sor.u32 s12, s29;
	v20 =	vld [tilespmem:s1+$0x70];
	[tilespmem:v10+s10+$0x0] =	vst.idx.msk $0xffff, v12;
	v10 =	vadd.f32 v16, v2  }
0x13b: {  	v23 =	vor.u32 s28, v0;
	s17 =	sor.u32 s17, s29;
	s18 =	sor.u32 s18, s29;
	s19 =	sor.u32 s19, s29;
	v22 =	vor.u32 s12, v0;
	v21 =	vld [tilespmem:s1+$0xFFFFFF80];
	[tilespmem:v8+s10+$0x0] =	vst.idx.msk $0xffff, v9;
	v8 =	vadd.f32 v15, v3  }
0x13c: {  	p0 =	slt.u32 s7, $0xF8;
	s24 =	sor.u32 s24, s29;
	s26 =	sor.u32 s26, s29;
	v25 =	vor.u32 s12, v1;
	v16 =	vor.u32 s28, v1;
	v24 =	vld [tilespmem:s1+$0xFFFFFF90];
	[tilespmem:v7+s10+$0x0] =	vst.idx.msk $0xffff, v10;
	v7 =	vadd.f32 v13, v2  }
0x13d: {  	v15 =	vor.u32 s16, v0;
	v13 =	vor.u32 s16, v1;
	v26 =	vld [tilespmem:s1+$0xFFFFFFA0];
	[tilespmem:v5+s10+$0x0] =	vst.idx.msk $0xffff, v8;
	v5 =	vadd.f32 v14, v3  }
.Ltmp4:
0x13e: {  	v11 =	vor.u32 s17, v1;
	v14 =	vor.u32 s17, v0;
	v17 =	vld [tilespmem:s1+$0xFFFFFFB0];
	v27 =	vadd.f32 v19, v2;
	[tilespmem:v6+s10+$0x0] =	vst.idx.msk $0xffff, v7;
	(pc) =	sbr.rel @p0 .LBB2_10-.Ltmp4, $4  }
0x13f: {  	v12 =	vor.u32 s18, v0;
	v9 =	vor.u32 s18, v1;
	v18 =	vld [tilespmem:s1+$0xFFFFFFC0];
	v6 =	vadd.f32 v20, v3;
	[tilespmem:v4+s10+$0x0] =	vst.idx.msk $0xffff, v5  }
0x140: {  	v10 =	vor.u32 s19, v0;
	v8 =	vor.u32 s19, v1;
	v4 =	vadd.f32 v21, v2;
	v19 =	vld [tilespmem:s1+$0xFFFFFFD0];
	[tilespmem:v22+s10+$0x0] =	vst.idx.msk $0xffff, v27  }
0x141: {  	v7 =	vor.u32 s24, v0;
	v5 =	vor.u32 s24, v1;
	v22 =	vadd.f32 v24, v3;
	v20 =	vld [tilespmem:s1+$0xFFFFFFE0];
	[tilespmem:v25+s10+$0x0] =	vst.idx.msk $0xffff, v6  }
0x142: {  	v6 =	vor.u32 s26, v0;
	[tilespmem:v23+s10+$0x0] =	vst.idx.msk $0xffff, v4;
	v23 =	vadd.f32 v26, v2;
	v21 =	vld [tilespmem:s1+$0xFFFFFFF0];
	v4 =	vor.u32 s26, v1  }
0x143: {  	_ =	sdelay $0x3  }
0x144: {  	[tilespmem:v16+s10+$0x0] =	vst.idx.msk $0xffff, v22;
	v49 =	vadd.f32 v17, v3;
	v50 =	vld [tilespmem:s1+$0x0]  }
0x145: {  	v54 =	vld [tilespmem:s1+$0x20];
	[tilespmem:v15+s10+$0x0] =	vst.idx.msk $0xffff, v23;
	v51 =	vadd.f32 v18, v2  }
0x146: {  	v58 =	vld [tilespmem:s1+$0x40];
	[tilespmem:v13+s10+$0x0] =	vst.idx.msk $0xffff, v49;
	v53 =	vadd.f32 v19, v3  }
0x147: {  	v52 =	vld [tilespmem:s1+$0x10];
	[tilespmem:v14+s10+$0x0] =	vst.idx.msk $0xffff, v51;
	v55 =	vadd.f32 v20, v2  }
0x148: {  	v56 =	vld [tilespmem:s1+$0x30];
	[tilespmem:v11+s10+$0x0] =	vst.idx.msk $0xffff, v53;
	v57 =	vadd.f32 v21, v3  }
0x149: {  	v60 =	vld [tilespmem:s1+$0x50];
	[tilespmem:v12+s10+$0x0] =	vst.idx.msk $0xffff, v55;
	v59 =	vadd.f32 v50, v2  }
0x14a: {  	v62 =	vadd.f32 v54, v2;
	[tilespmem:v9+s10+$0x0] =	vst.idx.msk $0xffff, v57  }
0x14b: {  	v2 =	vadd.f32 v58, v2;
	[tilespmem:v10+s10+$0x0] =	vst.idx.msk $0xffff, v59  }
0x14c: {  	v61 =	vadd.f32 v52, v3;
	[tilespmem:v7+s10+$0x0] =	vst.idx.msk $0xffff, v62  }
0x14d: {  	v63 =	vadd.f32 v56, v3;
	[tilespmem:v6+s10+$0x0] =	vst.idx.msk $0xffff, v2  }
0x14e: {  	v3 =	vadd.f32 v60, v3;
	[tilespmem:v8+s10+$0x0] =	vst.idx.msk $0xffff, v61  }
0x14f: {  	[tilespmem:v5+s10+$0x0] =	vst.idx.msk $0xffff, v63  }
0x150: {  	s19 =	simm.s32 $0xE720;
	s2 =	simm.s32 $0x900;
	[tilespmem:v4+s10+$0x0] =	vst.idx.msk $0xffff, v3  }
0x151: {  	[tilespmem:s19], [sflag:$0x5] =	stream.indirect.gather [hbm4b:s3+s0], $0x20, s2, s0, $0xb8;
	[tilespmem:$0x1A720] =	vst v63  }
0x152: {  	s21 =	rddreg [dreg:$0x15]  }
0x153: {  	[hbm4b:s21+s23] =	stream.linear.scatter [tilespmem:s10], [sflag:$0x16], $0x800, $0x38;
	[tilespmem:$0x1A720] =	vst v63  }
0x154: {  	s24 =	simm.s32 $0x18F20;
	s22 =	rddreg [dreg:$0x16]  }
0x155: {  	[hbm4b:s22+s23] =	stream.linear.scatter [tilespmem:s24], [sflag:$0x17], $0x800, $0x38;
	[tilespmem:$0x1A720] =	vst v63  }
0x156: {  	s28 =	simm.s32 $0x19720;
	s26 =	rddreg [dreg:$0x17]  }
0x157: {  	[hbm4b:s26+s23] =	stream.linear.scatter [tilespmem:s28], [sflag:$0x18], $0x800, $0x38;
	[tilespmem:$0x1A720] =	vst v63  }
0x158: {  	s30 =	simm.s32 $0x19F20;
	s29 =	rddreg [dreg:$0x18];
	s26 =	simm.s32 $0x1  }
0x159: {  	[hbm4b:s29+s23] =	stream.linear.scatter [tilespmem:s30], [sflag:$0x19], $0x800, $0x38;
	[tilespmem:$0x1A720] =	vst v63  }
.LBB2_12:
0x15a: {  	s1 =	simm.s32 $0x1  }
0x15b: {  	_ =	swait.ge [sflag:s1], $0x2000  }
0x15c: {  	[sflag:s1] =	ssyncset.done $0x0  }
0x15d: {  	s16 =	simm.s32 $0x6;
	[sflag:s1] =	ssyncadd.s32 $0xFFFFE000  }
0x15e: {  	_ =	swait.ge [sflag:s16], $0x800  }
0x15f: {  	[sflag:s16] =	ssyncset.done $0x0  }
0x160: {  	s17 =	simm.s32 $0x7;
	[sflag:s16] =	ssyncadd.s32 $0xFFFFF800  }
0x161: {  	_ =	swait.ge [sflag:s17], $0x800  }
0x162: {  	[sflag:s17] =	ssyncset.done $0x0  }
0x163: {  	s18 =	simm.s32 $0x8;
	[sflag:s17] =	ssyncadd.s32 $0xFFFFF800  }
0x164: {  	_ =	swait.ge [sflag:s18], $0x800  }
0x165: {  	[sflag:s18] =	ssyncset.done $0x0  }
0x166: {  	s29 =	smul.u32 $0x5, s26;
	s2 =	simm.s32 $0x9;
	[sflag:s18] =	ssyncadd.s32 $0xFFFFF800  }
0x167: {  	_ =	swait.ge [sflag:s2], $0x800  }
0x168: {  	s19 =	sshll.u32 s29, $0x3;
	[sflag:s2] =	ssyncset.done $0x0  }
0x169: {  	s1 =	sand.u32 $0x3FFFFFE0, s19;
	[sflag:s2] =	ssyncadd.s32 $0xFFFFF800  }
0x16a: {  	s6 =	simm.s32 $0x0;
	v3 =	vld [tilespmem:s1+$0x6400]  }
0x16b: {  	s12 =	simm.s32 $0x7;
	s7 =	simm.s32 $0x0;
	v2 =	vld [tilespmem:s1+$0x6410];
	s1 =	simm.s32 $0x67A0  }
0x16c: {  	s24 =	simm.s32 $0x3;
	s12 =	sand.u32 $0x7F, s12;
	s16 =	sand.u32 $0x400, s6;
	v4 =	vld [tilespmem:s1+$0x60]  }
0x16d: {  	s19 =	simm.s32 $0x2;
	s12 =	sor.u32 s12, s16;
	s18 =	sand.u32 $0x78, s7;
	v6 =	vld [tilespmem:s1+$0xFFFFFF80]  }
0x16e: {  	s24 =	sand.u32 $0x7B, s24;
	s19 =	sand.u32 $0x7A, s19;
	v7 =	vor.u32 s12, v0;
	s18 =	sor.u32 s18, s16;
	v5 =	vld [tilespmem:s1+$0x70]  }
0x16f: {  	s19 =	sor.u32 s19, s16;
	s23 =	sor.u32 s24, s16;
	v23 =	vor.u32 s12, v1;
	s17 =	simm.s32 $0x1;
	v21 =	vor.u32 s18, v0;
	v20 =	vld [tilespmem:s1+$0xFFFFFF90]  }
0x170: {  	s21 =	simm.s32 $0x4;
	v14 =	vor.u32 s19, v0;
	v11 =	vor.u32 s19, v1;
	v12 =	vor.u32 s23, v0;
	s17 =	sand.u32 $0x79, s17;
	v24 =	vld [tilespmem:s1+$0xFFFFFFA0]  }
0x171: {  	s22 =	simm.s32 $0x5;
	s12 =	sand.u32 $0x7C, s21;
	v9 =	vor.u32 s23, v1;
	s17 =	sor.u32 s17, s16;
	v16 =	vor.u32 s18, v1;
	v17 =	vld [tilespmem:s1+$0xFFFFFFB0];
	v4 =	vadd.f32 v4, v3  }
0x172: {  	s24 =	simm.s32 $0x6;
	s12 =	sor.u32 s12, s16;
	v15 =	vor.u32 s17, v0;
	v13 =	vor.u32 s17, v1;
	s17 =	sand.u32 $0x7D, s22;
	v18 =	vld [tilespmem:s1+$0xFFFFFFC0];
	v6 =	vadd.f32 v6, v3  }
0x173: {  	s28 =	sand.u32 $0x7E, s24;
	v10 =	vor.u32 s12, v0;
	v8 =	vor.u32 s12, v1;
	s17 =	sor.u32 s17, s16;
	v19 =	vld [tilespmem:s1+$0xFFFFFFD0];
	v25 =	vadd.f32 v5, v2;
	[tilespmem:v7+s14+$0x0] =	vst.idx.msk $0xffff, v4  }
0x174: {  	s30 =	sor.u32 s28, s16;
	v22 =	vadd.f32 v20, v2;
	v20 =	vld [tilespmem:s1+$0xFFFFFFE0];
	v5 =	vor.u32 s17, v1;
	v7 =	vor.u32 s17, v0;
	[tilespmem:v21+s14+$0x0] =	vst.idx.msk $0xffff, v6  }
0x175: {  	s16 =	sshrl.u32 s29, $0x2;
	v21 =	vld [tilespmem:s1+$0xFFFFFFF0];
	v6 =	vor.u32 s30, v0;
	v4 =	vor.u32 s30, v1;
	[tilespmem:v23+s14+$0x0] =	vst.idx.msk $0xffff, v25;
	v23 =	vadd.f32 v24, v3  }
.LBB2_13:
0x176: {  	[tilespmem:v16+s14+$0x0] =	vst.idx.msk $0xffff, v22;
	v16 =	vadd.f32 v17, v2;
	v17 =	vld [tilespmem:s1+$0x0];
	s12 =	smov.u32 s7;
	s7 =	sadd.s32 $0x8, s7  }
0x177: {  	s17 =	sadd.s32 $0x9, s12;
	s18 =	sadd.s32 $0xA, s12;
	s19 =	sadd.s32 $0xB, s12;
	[tilespmem:v15+s14+$0x0] =	vst.idx.msk $0xffff, v23;
	v15 =	vadd.f32 v18, v3;
	v18 =	vld [tilespmem:s1+$0x10]  }
0x178: {  	s24 =	sadd.s32 $0xC, s12;
	s28 =	sadd.s32 $0xD, s12;
	s30 =	sadd.s32 $0xE, s12;
	[tilespmem:v13+s14+$0x0] =	vst.idx.msk $0xffff, v16;
	v13 =	vadd.f32 v19, v2;
	v16 =	vld [tilespmem:s1+$0x20]  }
0x179: {  	s9 =	sand.u32 $0x78, s7;
	s17 =	sand.u32 $0x79, s17;
	s18 =	sand.u32 $0x7A, s18;
	[tilespmem:v14+s14+$0x0] =	vst.idx.msk $0xffff, v15;
	v14 =	vadd.f32 v20, v3;
	v15 =	vld [tilespmem:s1+$0x30]  }
0x17a: {  	s19 =	sand.u32 $0x7B, s19;
	s24 =	sand.u32 $0x7C, s24;
	s28 =	sand.u32 $0x7D, s28;
	[tilespmem:v11+s14+$0x0] =	vst.idx.msk $0xffff, v13;
	v11 =	vadd.f32 v21, v2;
	v13 =	vld [tilespmem:s1+$0x40]  }
0x17b: {  	s6 =	sadd.s32 $0x40, s6;
	s12 =	sadd.s32 $0xF, s12;
	[tilespmem:v12+s14+$0x0] =	vst.idx.msk $0xffff, v14;
	v12 =	vadd.f32 v17, v3;
	v14 =	vld [tilespmem:s1+$0x50];
	s1 =	sadd.s32 $0x100, s1  }
0x17c: {  	s21 =	sand.u32 $0x400, s6;
	s30 =	sand.u32 $0x7E, s30;
	s12 =	sand.u32 $0x7F, s12;
	v19 =	vld [tilespmem:s1+$0x60];
	[tilespmem:v9+s14+$0x0] =	vst.idx.msk $0xffff, v11;
	v9 =	vadd.f32 v18, v2  }
0x17d: {  	s9 =	sor.u32 s9, s21;
	s17 =	sor.u32 s17, s21;
	s12 =	sor.u32 s12, s21;
	v20 =	vld [tilespmem:s1+$0x70];
	[tilespmem:v10+s14+$0x0] =	vst.idx.msk $0xffff, v12;
	v10 =	vadd.f32 v16, v3  }
0x17e: {  	v23 =	vor.u32 s9, v0;
	s18 =	sor.u32 s18, s21;
	s19 =	sor.u32 s19, s21;
	s24 =	sor.u32 s24, s21;
	v22 =	vor.u32 s12, v0;
	v21 =	vld [tilespmem:s1+$0xFFFFFF80];
	[tilespmem:v8+s14+$0x0] =	vst.idx.msk $0xffff, v9;
	v8 =	vadd.f32 v15, v2  }
0x17f: {  	p0 =	slt.u32 s7, $0xF8;
	v25 =	vor.u32 s12, v1;
	v16 =	vor.u32 s9, v1;
	s9 =	sor.u32 s28, s21;
	s21 =	sor.u32 s30, s21;
	v24 =	vld [tilespmem:s1+$0xFFFFFF90];
	[tilespmem:v7+s14+$0x0] =	vst.idx.msk $0xffff, v10;
	v7 =	vadd.f32 v13, v3  }
0x180: {  	v15 =	vor.u32 s17, v0;
	v13 =	vor.u32 s17, v1;
	v26 =	vld [tilespmem:s1+$0xFFFFFFA0];
	[tilespmem:v5+s14+$0x0] =	vst.idx.msk $0xffff, v8;
	v5 =	vadd.f32 v14, v2  }
.Ltmp5:
0x181: {  	v11 =	vor.u32 s18, v1;
	v14 =	vor.u32 s18, v0;
	v17 =	vld [tilespmem:s1+$0xFFFFFFB0];
	v27 =	vadd.f32 v19, v3;
	[tilespmem:v6+s14+$0x0] =	vst.idx.msk $0xffff, v7;
	(pc) =	sbr.rel @p0 .LBB2_13-.Ltmp5, $4  }
0x182: {  	v12 =	vor.u32 s19, v0;
	v9 =	vor.u32 s19, v1;
	v18 =	vld [tilespmem:s1+$0xFFFFFFC0];
	v6 =	vadd.f32 v20, v2;
	[tilespmem:v4+s14+$0x0] =	vst.idx.msk $0xffff, v5  }
0x183: {  	v10 =	vor.u32 s24, v0;
	v8 =	vor.u32 s24, v1;
	v4 =	vadd.f32 v21, v3;
	v19 =	vld [tilespmem:s1+$0xFFFFFFD0];
	[tilespmem:v22+s14+$0x0] =	vst.idx.msk $0xffff, v27  }
0x184: {  	v7 =	vor.u32 s9, v0;
	v5 =	vor.u32 s9, v1;
	v22 =	vadd.f32 v24, v2;
	v20 =	vld [tilespmem:s1+$0xFFFFFFE0];
	[tilespmem:v25+s14+$0x0] =	vst.idx.msk $0xffff, v6  }
0x185: {  	v6 =	vor.u32 s21, v0;
	[tilespmem:v23+s14+$0x0] =	vst.idx.msk $0xffff, v4;
	v23 =	vadd.f32 v26, v3;
	v21 =	vld [tilespmem:s1+$0xFFFFFFF0];
	v4 =	vor.u32 s21, v1  }
0x186: {  	_ =	sdelay $0x3  }
0x187: {  	[tilespmem:v16+s14+$0x0] =	vst.idx.msk $0xffff, v22;
	v16 =	vadd.f32 v17, v2;
	v17 =	vld [tilespmem:s1+$0x0]  }
0x188: {  	[tilespmem:v15+s14+$0x0] =	vst.idx.msk $0xffff, v23;
	v15 =	vadd.f32 v18, v3;
	v18 =	vld [tilespmem:s1+$0x10]  }
0x189: {  	[tilespmem:v13+s14+$0x0] =	vst.idx.msk $0xffff, v16;
	v13 =	vadd.f32 v19, v2;
	v16 =	vld [tilespmem:s1+$0x20]  }
0x18a: {  	[tilespmem:v14+s14+$0x0] =	vst.idx.msk $0xffff, v15;
	v14 =	vadd.f32 v20, v3;
	v15 =	vld [tilespmem:s1+$0x30]  }
0x18b: {  	[tilespmem:v11+s14+$0x0] =	vst.idx.msk $0xffff, v13;
	v11 =	vadd.f32 v21, v2;
	v13 =	vld [tilespmem:s1+$0x40]  }
0x18c: {  	[tilespmem:v12+s14+$0x0] =	vst.idx.msk $0xffff, v14;
	v12 =	vadd.f32 v17, v3;
	v14 =	vld [tilespmem:s1+$0x50]  }
0x18d: {  	[tilespmem:v9+s14+$0x0] =	vst.idx.msk $0xffff, v11;
	v9 =	vadd.f32 v18, v2  }
0x18e: {  	[tilespmem:v10+s14+$0x0] =	vst.idx.msk $0xffff, v12;
	v10 =	vadd.f32 v16, v3  }
0x18f: {  	[tilespmem:v8+s14+$0x0] =	vst.idx.msk $0xffff, v9;
	v8 =	vadd.f32 v15, v2  }
0x190: {  	s28 =	smul.u32 $0x500, s26;
	[tilespmem:v7+s14+$0x0] =	vst.idx.msk $0xffff, v10;
	v3 =	vadd.f32 v13, v3  }
0x191: {  	[tilespmem:v5+s14+$0x0] =	vst.idx.msk $0xffff, v8;
	v2 =	vadd.f32 v14, v2  }
0x192: {  	s19 =	sadd.s32 $0x500, s28;
	[tilespmem:v6+s14+$0x0] =	vst.idx.msk $0xffff, v3  }
0x193: {  	s2 =	simm.s32 $0x6720;
	s21 =	sand.u32 $0x3, s29;
	s1 =	sand.u32 $0x1FF00, s19;
	[tilespmem:v4+s14+$0x0] =	vst.idx.msk $0xffff, v2  }
0x194: {  	[tilespmem:s2], [sflag:$0x1] =	stream.indirect.gather [hbm4b:s3+s0], $0x20, s1, s0, $0xb8;
	[tilespmem:$0x1A720] =	vst v63  }
0x195: {  	s6 =	sadd.s32 s5, s16;
	s1 =	sor.u32 s15, s21  }
0x196: {  	s6 =	sshll.u32 s6, $0x11;
	s1 =	sshll.u32 s1, $0xB  }
0x197: {  	s6 =	sor.u32 s1, s6  }
0x198: {  	s6 =	sshrl.u32 s6, $0x3  }
0x199: {  	s7 =	simm.s32 $0x0;
	s6 =	sadd.s32 s4, s6  }
0x19a: {  	[hbm4b:s6+s7] =	stream.linear.scatter [tilespmem:s14], [sflag:$0x6], $0x800, $0x38;
	[tilespmem:$0x1A720] =	vst v63  }
0x19b: {  	s22 =	simm.s32 $0x10F20;
	s9 =	sadd.s32 $0x1000, s6  }
0x19c: {  	[hbm4b:s9+s7] =	stream.linear.scatter [tilespmem:s22], [sflag:$0x7], $0x800, $0x38;
	[tilespmem:$0x1A720] =	vst v63  }
0x19d: {  	s24 =	simm.s32 $0x11720;
	s23 =	sadd.s32 $0x2000, s6  }
0x19e: {  	[hbm4b:s23+s7] =	stream.linear.scatter [tilespmem:s24], [sflag:$0x8], $0x800, $0x38;
	[tilespmem:$0x1A720] =	vst v63  }
0x19f: {  	s30 =	simm.s32 $0x11F20;
	s6 =	sadd.s32 $0x3000, s6;
	s9 =	simm.s32 $0x2  }
0x1a0: {  	[hbm4b:s6+s7] =	stream.linear.scatter [tilespmem:s30], [sflag:$0x9], $0x800, $0x38;
	[tilespmem:$0x1A720] =	vst v63  }
0x1a1: {  	_ =	swait.ge [sflag:s9], $0x2000  }
0x1a2: {  	[sflag:s9] =	ssyncset.done $0x0  }
0x1a3: {  	s12 =	simm.s32 $0xA;
	[sflag:s9] =	ssyncadd.s32 $0xFFFFE000  }
0x1a4: {  	_ =	swait.ge [sflag:s12], $0x800  }
0x1a5: {  	[sflag:s12] =	ssyncset.done $0x0  }
0x1a6: {  	s16 =	simm.s32 $0xB;
	[sflag:s12] =	ssyncadd.s32 $0xFFFFF800  }
0x1a7: {  	_ =	swait.ge [sflag:s16], $0x800  }
0x1a8: {  	[sflag:s16] =	ssyncset.done $0x0  }
0x1a9: {  	s17 =	simm.s32 $0xC;
	[sflag:s16] =	ssyncadd.s32 $0xFFFFF800  }
0x1aa: {  	_ =	swait.ge [sflag:s17], $0x800  }
0x1ab: {  	[sflag:s17] =	ssyncset.done $0x0  }
0x1ac: {  	s18 =	simm.s32 $0xD;
	[sflag:s17] =	ssyncadd.s32 $0xFFFFF800  }
0x1ad: {  	s6 =	sadd.s32 $0x1, s29;
	_ =	swait.ge [sflag:s18], $0x800  }
0x1ae: {  	s19 =	sshll.u32 s6, $0x3;
	[sflag:s18] =	ssyncset.done $0x0  }
0x1af: {  	s9 =	sand.u32 $0x3FFFFFE0, s19;
	[sflag:s18] =	ssyncadd.s32 $0xFFFFF800  }
0x1b0: {  	s21 =	simm.s32 $0x7;
	v3 =	vld [tilespmem:s9+$0x6400]  }
0x1b1: {  	s19 =	simm.s32 $0x2;
	s12 =	simm.s32 $0x1;
	s16 =	simm.s32 $0x87A0;
	v2 =	vld [tilespmem:s9+$0x6410]  }
0x1b2: {  	s17 =	simm.s32 $0x0;
	s18 =	sand.u32 $0x400, s7;
	s9 =	sand.u32 $0x7F, s21;
	v4 =	vld [tilespmem:s16+$0x60]  }
0x1b3: {  	s12 =	sand.u32 $0x79, s12;
	s21 =	sand.u32 $0x78, s17;
	v6 =	vld [tilespmem:s16+$0xFFFFFF80];
	s9 =	sor.u32 s9, s18  }
0x1b4: {  	s19 =	sand.u32 $0x7A, s19;
	v5 =	vld [tilespmem:s16+$0x70];
	s12 =	sor.u32 s12, s18;
	s21 =	sor.u32 s21, s18;
	v7 =	vor.u32 s9, v0  }
0x1b5: {  	s24 =	simm.s32 $0x3;
	v23 =	vld [tilespmem:s16+$0xFFFFFF90];
	s19 =	sor.u32 s19, s18;
	v15 =	vor.u32 s12, v0;
	v22 =	vor.u32 s21, v0  }
0x1b6: {  	s22 =	simm.s32 $0x4;
	s23 =	simm.s32 $0x5;
	s24 =	sand.u32 $0x7B, s24;
	v24 =	vld [tilespmem:s16+$0xFFFFFFA0];
	v13 =	vor.u32 s12, v1;
	v14 =	vor.u32 s19, v0;
	v21 =	vor.u32 s9, v1  }
0x1b7: {  	s30 =	simm.s32 $0x6;
	v17 =	vld [tilespmem:s16+$0xFFFFFFB0];
	v11 =	vor.u32 s19, v1;
	v16 =	vor.u32 s21, v1;
	s9 =	sand.u32 $0x7C, s22;
	s21 =	sor.u32 s24, s18;
	v4 =	vadd.f32 v4, v3  }
0x1b8: {  	v18 =	vld [tilespmem:s16+$0xFFFFFFC0];
	s12 =	sand.u32 $0x7D, s23;
	s19 =	sand.u32 $0x7E, s30;
	v12 =	vor.u32 s21, v0;
	v9 =	vor.u32 s21, v1;
	s9 =	sor.u32 s9, s18;
	v26 =	vadd.f32 v6, v3  }
0x1b9: {  	v19 =	vld [tilespmem:s16+$0xFFFFFFD0];
	s12 =	sor.u32 s12, s18;
	s18 =	sor.u32 s19, s18;
	v10 =	vor.u32 s9, v0;
	v8 =	vor.u32 s9, v1;
	v25 =	vadd.f32 v5, v2;
	[tilespmem:v7+s20+$0x0] =	vst.idx.msk $0xffff, v4  }
0x1ba: {  	v20 =	vld [tilespmem:s16+$0xFFFFFFE0];
	v5 =	vor.u32 s12, v1;
	v6 =	vor.u32 s18, v0;
	v23 =	vadd.f32 v23, v2;
	[tilespmem:v22+s20+$0x0] =	vst.idx.msk $0xffff, v26  }
0x1bb: {  	v7 =	vor.u32 s12, v0;
	v4 =	vor.u32 s18, v1;
	s18 =	sshrl.u32 s6, $0x2;
	v22 =	vadd.f32 v24, v3;
	[tilespmem:v21+s20+$0x0] =	vst.idx.msk $0xffff, v25;
	v21 =	vld [tilespmem:s16+$0xFFFFFFF0]  }
.LBB2_15:
0x1bc: {  	[tilespmem:v16+s20+$0x0] =	vst.idx.msk $0xffff, v23;
	v16 =	vadd.f32 v17, v2;
	v17 =	vld [tilespmem:s16+$0x0];
	s9 =	smov.u32 s17;
	s17 =	sadd.s32 $0x8, s17  }
0x1bd: {  	s12 =	sadd.s32 $0x9, s9;
	s19 =	sadd.s32 $0xA, s9;
	s21 =	sadd.s32 $0xB, s9;
	[tilespmem:v15+s20+$0x0] =	vst.idx.msk $0xffff, v22;
	v15 =	vadd.f32 v18, v3;
	v18 =	vld [tilespmem:s16+$0x10]  }
0x1be: {  	s24 =	sadd.s32 $0xC, s9;
	s30 =	sadd.s32 $0xD, s9;
	s22 =	sadd.s32 $0xE, s9;
	[tilespmem:v13+s20+$0x0] =	vst.idx.msk $0xffff, v16;
	v13 =	vadd.f32 v19, v2;
	v16 =	vld [tilespmem:s16+$0x20]  }
0x1bf: {  	s23 =	sand.u32 $0x78, s17;
	s12 =	sand.u32 $0x79, s12;
	s19 =	sand.u32 $0x7A, s19;
	[tilespmem:v14+s20+$0x0] =	vst.idx.msk $0xffff, v15;
	v14 =	vadd.f32 v20, v3;
	v15 =	vld [tilespmem:s16+$0x30]  }
0x1c0: {  	s21 =	sand.u32 $0x7B, s21;
	s24 =	sand.u32 $0x7C, s24;
	s30 =	sand.u32 $0x7D, s30;
	[tilespmem:v11+s20+$0x0] =	vst.idx.msk $0xffff, v13;
	v11 =	vadd.f32 v21, v2;
	v13 =	vld [tilespmem:s16+$0x40]  }
0x1c1: {  	s7 =	sadd.s32 $0x40, s7;
	s9 =	sadd.s32 $0xF, s9;
	[tilespmem:v12+s20+$0x0] =	vst.idx.msk $0xffff, v14;
	v12 =	vadd.f32 v17, v3;
	v14 =	vld [tilespmem:s16+$0x50];
	s16 =	sadd.s32 $0x100, s16  }
0x1c2: {  	s2 =	sand.u32 $0x400, s7;
	s22 =	sand.u32 $0x7E, s22;
	s9 =	sand.u32 $0x7F, s9;
	v19 =	vld [tilespmem:s16+$0x60];
	[tilespmem:v9+s20+$0x0] =	vst.idx.msk $0xffff, v11;
	v9 =	vadd.f32 v18, v2  }
0x1c3: {  	s23 =	sor.u32 s23, s2;
	s12 =	sor.u32 s12, s2;
	s9 =	sor.u32 s9, s2;
	v20 =	vld [tilespmem:s16+$0x70];
	[tilespmem:v10+s20+$0x0] =	vst.idx.msk $0xffff, v12;
	v10 =	vadd.f32 v16, v3  }
0x1c4: {  	v22 =	vor.u32 s23, v0;
	s19 =	sor.u32 s19, s2;
	s21 =	sor.u32 s21, s2;
	s24 =	sor.u32 s24, s2;
	v23 =	vor.u32 s9, v0;
	v21 =	vld [tilespmem:s16+$0xFFFFFF80];
	[tilespmem:v8+s20+$0x0] =	vst.idx.msk $0xffff, v9;
	v8 =	vadd.f32 v15, v2  }
0x1c5: {  	p0 =	slt.u32 s17, $0xF8;
	v25 =	vor.u32 s9, v1;
	v16 =	vor.u32 s23, v1;
	s23 =	sor.u32 s30, s2;
	s2 =	sor.u32 s22, s2;
	v24 =	vld [tilespmem:s16+$0xFFFFFF90];
	[tilespmem:v7+s20+$0x0] =	vst.idx.msk $0xffff, v10;
	v7 =	vadd.f32 v13, v3  }
0x1c6: {  	v15 =	vor.u32 s12, v0;
	v13 =	vor.u32 s12, v1;
	v26 =	vld [tilespmem:s16+$0xFFFFFFA0];
	[tilespmem:v5+s20+$0x0] =	vst.idx.msk $0xffff, v8;
	v5 =	vadd.f32 v14, v2  }
.Ltmp6:
0x1c7: {  	v11 =	vor.u32 s19, v1;
	v14 =	vor.u32 s19, v0;
	v17 =	vld [tilespmem:s16+$0xFFFFFFB0];
	v27 =	vadd.f32 v19, v3;
	[tilespmem:v6+s20+$0x0] =	vst.idx.msk $0xffff, v7;
	(pc) =	sbr.rel @p0 .LBB2_15-.Ltmp6, $4  }
0x1c8: {  	v12 =	vor.u32 s21, v0;
	v9 =	vor.u32 s21, v1;
	v18 =	vld [tilespmem:s16+$0xFFFFFFC0];
	v6 =	vadd.f32 v20, v2;
	[tilespmem:v4+s20+$0x0] =	vst.idx.msk $0xffff, v5  }
0x1c9: {  	v10 =	vor.u32 s24, v0;
	v8 =	vor.u32 s24, v1;
	v4 =	vadd.f32 v21, v3;
	v19 =	vld [tilespmem:s16+$0xFFFFFFD0];
	[tilespmem:v23+s20+$0x0] =	vst.idx.msk $0xffff, v27  }
0x1ca: {  	v7 =	vor.u32 s23, v0;
	v5 =	vor.u32 s23, v1;
	v23 =	vadd.f32 v24, v2;
	v20 =	vld [tilespmem:s16+$0xFFFFFFE0];
	[tilespmem:v25+s20+$0x0] =	vst.idx.msk $0xffff, v6  }
0x1cb: {  	v6 =	vor.u32 s2, v0;
	[tilespmem:v22+s20+$0x0] =	vst.idx.msk $0xffff, v4;
	v22 =	vadd.f32 v26, v3;
	v21 =	vld [tilespmem:s16+$0xFFFFFFF0];
	v4 =	vor.u32 s2, v1  }
0x1cc: {  	_ =	sdelay $0x3  }
0x1cd: {  	[tilespmem:v16+s20+$0x0] =	vst.idx.msk $0xffff, v23;
	v16 =	vadd.f32 v17, v2;
	v17 =	vld [tilespmem:s16+$0x0]  }
0x1ce: {  	[tilespmem:v15+s20+$0x0] =	vst.idx.msk $0xffff, v22;
	v15 =	vadd.f32 v18, v3;
	v18 =	vld [tilespmem:s16+$0x10]  }
0x1cf: {  	[tilespmem:v13+s20+$0x0] =	vst.idx.msk $0xffff, v16;
	v13 =	vadd.f32 v19, v2;
	v16 =	vld [tilespmem:s16+$0x20]  }
0x1d0: {  	[tilespmem:v14+s20+$0x0] =	vst.idx.msk $0xffff, v15;
	v14 =	vadd.f32 v20, v3;
	v15 =	vld [tilespmem:s16+$0x30]  }
0x1d1: {  	[tilespmem:v11+s20+$0x0] =	vst.idx.msk $0xffff, v13;
	v11 =	vadd.f32 v21, v2;
	v13 =	vld [tilespmem:s16+$0x40]  }
0x1d2: {  	[tilespmem:v12+s20+$0x0] =	vst.idx.msk $0xffff, v14;
	v12 =	vadd.f32 v17, v3;
	v14 =	vld [tilespmem:s16+$0x50]  }
0x1d3: {  	[tilespmem:v9+s20+$0x0] =	vst.idx.msk $0xffff, v11;
	v9 =	vadd.f32 v18, v2  }
0x1d4: {  	[tilespmem:v10+s20+$0x0] =	vst.idx.msk $0xffff, v12;
	v10 =	vadd.f32 v16, v3  }
0x1d5: {  	[tilespmem:v8+s20+$0x0] =	vst.idx.msk $0xffff, v9;
	v8 =	vadd.f32 v15, v2  }
0x1d6: {  	[tilespmem:v7+s20+$0x0] =	vst.idx.msk $0xffff, v10;
	v3 =	vadd.f32 v13, v3  }
0x1d7: {  	[tilespmem:v5+s20+$0x0] =	vst.idx.msk $0xffff, v8;
	v2 =	vadd.f32 v14, v2  }
0x1d8: {  	s2 =	sadd.s32 $0x600, s28;
	[tilespmem:v6+s20+$0x0] =	vst.idx.msk $0xffff, v3  }
0x1d9: {  	s7 =	simm.s32 $0x8720;
	s21 =	sand.u32 $0x3, s6;
	s2 =	sand.u32 $0x1FF00, s2;
	[tilespmem:v4+s20+$0x0] =	vst.idx.msk $0xffff, v2  }
0x1da: {  	[tilespmem:s7], [sflag:$0x2] =	stream.indirect.gather [hbm4b:s3+s0], $0x20, s2, s0, $0xb8;
	[tilespmem:$0x1A720] =	vst v63  }
0x1db: {  	s22 =	sadd.s32 s5, s18;
	s2 =	sor.u32 s15, s21  }
0x1dc: {  	s6 =	sshll.u32 s22, $0xE;
	s2 =	sshll.u32 s2, $0x8  }
0x1dd: {  	s2 =	sor.u32 s2, s6  }
0x1de: {  	s7 =	simm.s32 $0x0;
	s6 =	sadd.s32 s4, s2  }
0x1df: {  	[hbm4b:s6+s7] =	stream.linear.scatter [tilespmem:s20], [sflag:$0xA], $0x800, $0x38;
	[tilespmem:$0x1A720] =	vst v63  }
0x1e0: {  	s9 =	simm.s32 $0x12F20;
	s23 =	sadd.s32 s2, s8  }
0x1e1: {  	[hbm4b:s23+s7] =	stream.linear.scatter [tilespmem:s9], [sflag:$0xB], $0x800, $0x38;
	[tilespmem:$0x1A720] =	vst v63  }
0x1e2: {  	s30 =	simm.s32 $0x13720;
	s24 =	sadd.s32 s2, s11  }
0x1e3: {  	[hbm4b:s24+s7] =	stream.linear.scatter [tilespmem:s30], [sflag:$0xC], $0x800, $0x38;
	[tilespmem:$0x1A720] =	vst v63  }
0x1e4: {  	s12 =	simm.s32 $0x13F20;
	s16 =	simm.s32 $0x3;
	s2 =	sadd.s32 s2, s13  }
0x1e5: {  	[hbm4b:s2+s7] =	stream.linear.scatter [tilespmem:s12], [sflag:$0xD], $0x800, $0x38;
	[tilespmem:$0x1A720] =	vst v63  }
0x1e6: {  	_ =	swait.ge [sflag:s16], $0x2000  }
0x1e7: {  	[sflag:s16] =	ssyncset.done $0x0  }
0x1e8: {  	s17 =	simm.s32 $0xE;
	[sflag:s16] =	ssyncadd.s32 $0xFFFFE000  }
0x1e9: {  	_ =	swait.ge [sflag:s17], $0x800  }
0x1ea: {  	[sflag:s17] =	ssyncset.done $0x0  }
0x1eb: {  	s18 =	simm.s32 $0xF;
	[sflag:s17] =	ssyncadd.s32 $0xFFFFF800  }
0x1ec: {  	_ =	swait.ge [sflag:s18], $0x800  }
0x1ed: {  	[sflag:s18] =	ssyncset.done $0x0  }
0x1ee: {  	s19 =	simm.s32 $0x10;
	[sflag:s18] =	ssyncadd.s32 $0xFFFFF800  }
0x1ef: {  	_ =	swait.ge [sflag:s19], $0x800  }
0x1f0: {  	[sflag:s19] =	ssyncset.done $0x0  }
0x1f1: {  	s21 =	simm.s32 $0x11;
	[sflag:s19] =	ssyncadd.s32 $0xFFFFF800  }
0x1f2: {  	s6 =	sadd.s32 $0x2, s29;
	_ =	swait.ge [sflag:s21], $0x800  }
0x1f3: {  	s22 =	sshll.u32 s6, $0x3;
	[sflag:s21] =	ssyncset.done $0x0  }
0x1f4: {  	s2 =	sand.u32 $0x3FFFFFE0, s22;
	[sflag:s21] =	ssyncadd.s32 $0xFFFFF800  }
0x1f5: {  	s23 =	simm.s32 $0x7;
	v3 =	vld [tilespmem:s2+$0x6400]  }
0x1f6: {  	s24 =	simm.s32 $0x1;
	s30 =	simm.s32 $0x2;
	s16 =	simm.s32 $0xA7A0;
	v2 =	vld [tilespmem:s2+$0x6410]  }
0x1f7: {  	s12 =	sand.u32 $0x400, s7;
	s17 =	simm.s32 $0x0;
	s2 =	sand.u32 $0x7F, s23;
	v4 =	vld [tilespmem:s16+$0x60]  }
0x1f8: {  	s9 =	sand.u32 $0x79, s24;
	s19 =	sand.u32 $0x78, s17;
	v6 =	vld [tilespmem:s16+$0xFFFFFF80];
	s2 =	sor.u32 s2, s12  }
0x1f9: {  	s9 =	sor.u32 s9, s12;
	s18 =	sand.u32 $0x7A, s30;
	s19 =	sor.u32 s19, s12;
	v5 =	vld [tilespmem:s16+$0x70];
	v7 =	vor.u32 s2, v0  }
0x1fa: {  	v15 =	vor.u32 s9, v0;
	s18 =	sor.u32 s18, s12;
	v22 =	vor.u32 s19, v0;
	s21 =	simm.s32 $0x3;
	v23 =	vld [tilespmem:s16+$0xFFFFFF90]  }
0x1fb: {  	s22 =	simm.s32 $0x4;
	v13 =	vor.u32 s9, v1;
	s30 =	simm.s32 $0x6;
	v14 =	vor.u32 s18, v0;
	s24 =	sand.u32 $0x7B, s21;
	v24 =	vld [tilespmem:s16+$0xFFFFFFA0];
	v21 =	vor.u32 s2, v1  }
0x1fc: {  	v11 =	vor.u32 s18, v1;
	v16 =	vor.u32 s19, v1;
	s23 =	simm.s32 $0x5;
	v17 =	vld [tilespmem:s16+$0xFFFFFFB0];
	s19 =	sor.u32 s24, s12;
	s2 =	sand.u32 $0x7C, s22;
	v4 =	vadd.f32 v4, v3  }
0x1fd: {  	s18 =	sand.u32 $0x7E, s30;
	v18 =	vld [tilespmem:s16+$0xFFFFFFC0];
	s9 =	sand.u32 $0x7D, s23;
	v12 =	vor.u32 s19, v0;
	v9 =	vor.u32 s19, v1;
	s2 =	sor.u32 s2, s12;
	v26 =	vadd.f32 v6, v3  }
0x1fe: {  	v19 =	vld [tilespmem:s16+$0xFFFFFFD0];
	s9 =	sor.u32 s9, s12;
	s12 =	sor.u32 s18, s12;
	v10 =	vor.u32 s2, v0;
	v8 =	vor.u32 s2, v1;
	v25 =	vadd.f32 v5, v2;
	[tilespmem:v7+s25+$0x0] =	vst.idx.msk $0xffff, v4  }
0x1ff: {  	v20 =	vld [tilespmem:s16+$0xFFFFFFE0];
	v5 =	vor.u32 s9, v1;
	v6 =	vor.u32 s12, v0;
	v23 =	vadd.f32 v23, v2;
	[tilespmem:v22+s25+$0x0] =	vst.idx.msk $0xffff, v26  }
0x200: {  	s18 =	sshrl.u32 s6, $0x2;
	v7 =	vor.u32 s9, v0;
	v4 =	vor.u32 s12, v1;
	v22 =	vadd.f32 v24, v3;
	[tilespmem:v21+s25+$0x0] =	vst.idx.msk $0xffff, v25;
	v21 =	vld [tilespmem:s16+$0xFFFFFFF0]  }
.LBB2_17:
0x201: {  	[tilespmem:v16+s25+$0x0] =	vst.idx.msk $0xffff, v23;
	v16 =	vadd.f32 v17, v2;
	v17 =	vld [tilespmem:s16+$0x0];
	s2 =	smov.u32 s17;
	s17 =	sadd.s32 $0x8, s17  }
0x202: {  	s9 =	sadd.s32 $0x9, s2;
	s12 =	sadd.s32 $0xA, s2;
	s19 =	sadd.s32 $0xB, s2;
	[tilespmem:v15+s25+$0x0] =	vst.idx.msk $0xffff, v22;
	v15 =	vadd.f32 v18, v3;
	v18 =	vld [tilespmem:s16+$0x10]  }
0x203: {  	s21 =	sadd.s32 $0xC, s2;
	s22 =	sadd.s32 $0xD, s2;
	s23 =	sadd.s32 $0xE, s2;
	[tilespmem:v13+s25+$0x0] =	vst.idx.msk $0xffff, v16;
	v13 =	vadd.f32 v19, v2;
	v16 =	vld [tilespmem:s16+$0x20]  }
0x204: {  	s24 =	sand.u32 $0x78, s17;
	s9 =	sand.u32 $0x79, s9;
	s12 =	sand.u32 $0x7A, s12;
	[tilespmem:v14+s25+$0x0] =	vst.idx.msk $0xffff, v15;
	v14 =	vadd.f32 v20, v3;
	v15 =	vld [tilespmem:s16+$0x30]  }
0x205: {  	s19 =	sand.u32 $0x7B, s19;
	s21 =	sand.u32 $0x7C, s21;
	s22 =	sand.u32 $0x7D, s22;
	[tilespmem:v11+s25+$0x0] =	vst.idx.msk $0xffff, v13;
	v11 =	vadd.f32 v21, v2;
	v13 =	vld [tilespmem:s16+$0x40]  }
0x206: {  	s7 =	sadd.s32 $0x40, s7;
	s2 =	sadd.s32 $0xF, s2;
	[tilespmem:v12+s25+$0x0] =	vst.idx.msk $0xffff, v14;
	v12 =	vadd.f32 v17, v3;
	v14 =	vld [tilespmem:s16+$0x50];
	s16 =	sadd.s32 $0x100, s16  }
0x207: {  	s30 =	sand.u32 $0x400, s7;
	s23 =	sand.u32 $0x7E, s23;
	s2 =	sand.u32 $0x7F, s2;
	v19 =	vld [tilespmem:s16+$0x60];
	[tilespmem:v9+s25+$0x0] =	vst.idx.msk $0xffff, v11;
	v9 =	vadd.f32 v18, v2  }
0x208: {  	s24 =	sor.u32 s24, s30;
	s9 =	sor.u32 s9, s30;
	s2 =	sor.u32 s2, s30;
	v20 =	vld [tilespmem:s16+$0x70];
	[tilespmem:v10+s25+$0x0] =	vst.idx.msk $0xffff, v12;
	v10 =	vadd.f32 v16, v3  }
0x209: {  	v22 =	vor.u32 s24, v0;
	s12 =	sor.u32 s12, s30;
	s19 =	sor.u32 s19, s30;
	s21 =	sor.u32 s21, s30;
	v23 =	vor.u32 s2, v0;
	v21 =	vld [tilespmem:s16+$0xFFFFFF80];
	[tilespmem:v8+s25+$0x0] =	vst.idx.msk $0xffff, v9;
	v8 =	vadd.f32 v15, v2  }
0x20a: {  	p0 =	slt.u32 s17, $0xF8;
	s22 =	sor.u32 s22, s30;
	s23 =	sor.u32 s23, s30;
	v25 =	vor.u32 s2, v1;
	v16 =	vor.u32 s24, v1;
	v24 =	vld [tilespmem:s16+$0xFFFFFF90];
	[tilespmem:v7+s25+$0x0] =	vst.idx.msk $0xffff, v10;
	v7 =	vadd.f32 v13, v3  }
0x20b: {  	v15 =	vor.u32 s9, v0;
	v13 =	vor.u32 s9, v1;
	v26 =	vld [tilespmem:s16+$0xFFFFFFA0];
	[tilespmem:v5+s25+$0x0] =	vst.idx.msk $0xffff, v8;
	v5 =	vadd.f32 v14, v2  }
.Ltmp7:
0x20c: {  	v11 =	vor.u32 s12, v1;
	v14 =	vor.u32 s12, v0;
	v17 =	vld [tilespmem:s16+$0xFFFFFFB0];
	v27 =	vadd.f32 v19, v3;
	[tilespmem:v6+s25+$0x0] =	vst.idx.msk $0xffff, v7;
	(pc) =	sbr.rel @p0 .LBB2_17-.Ltmp7, $4  }
0x20d: {  	v12 =	vor.u32 s19, v0;
	v9 =	vor.u32 s19, v1;
	v18 =	vld [tilespmem:s16+$0xFFFFFFC0];
	v6 =	vadd.f32 v20, v2;
	[tilespmem:v4+s25+$0x0] =	vst.idx.msk $0xffff, v5  }
0x20e: {  	v10 =	vor.u32 s21, v0;
	v8 =	vor.u32 s21, v1;
	v4 =	vadd.f32 v21, v3;
	v19 =	vld [tilespmem:s16+$0xFFFFFFD0];
	[tilespmem:v23+s25+$0x0] =	vst.idx.msk $0xffff, v27  }
0x20f: {  	v7 =	vor.u32 s22, v0;
	v5 =	vor.u32 s22, v1;
	v23 =	vadd.f32 v24, v2;
	v20 =	vld [tilespmem:s16+$0xFFFFFFE0];
	[tilespmem:v25+s25+$0x0] =	vst.idx.msk $0xffff, v6  }
0x210: {  	v6 =	vor.u32 s23, v0;
	[tilespmem:v22+s25+$0x0] =	vst.idx.msk $0xffff, v4;
	v22 =	vadd.f32 v26, v3;
	v21 =	vld [tilespmem:s16+$0xFFFFFFF0];
	v4 =	vor.u32 s23, v1  }
0x211: {  	_ =	sdelay $0x3  }
0x212: {  	[tilespmem:v16+s25+$0x0] =	vst.idx.msk $0xffff, v23;
	v16 =	vadd.f32 v17, v2;
	v17 =	vld [tilespmem:s16+$0x0]  }
0x213: {  	[tilespmem:v15+s25+$0x0] =	vst.idx.msk $0xffff, v22;
	v15 =	vadd.f32 v18, v3;
	v18 =	vld [tilespmem:s16+$0x10]  }
0x214: {  	[tilespmem:v13+s25+$0x0] =	vst.idx.msk $0xffff, v16;
	v13 =	vadd.f32 v19, v2;
	v16 =	vld [tilespmem:s16+$0x20]  }
0x215: {  	[tilespmem:v14+s25+$0x0] =	vst.idx.msk $0xffff, v15;
	v14 =	vadd.f32 v20, v3;
	v15 =	vld [tilespmem:s16+$0x30]  }
0x216: {  	[tilespmem:v11+s25+$0x0] =	vst.idx.msk $0xffff, v13;
	v11 =	vadd.f32 v21, v2;
	v13 =	vld [tilespmem:s16+$0x40]  }
0x217: {  	[tilespmem:v12+s25+$0x0] =	vst.idx.msk $0xffff, v14;
	v12 =	vadd.f32 v17, v3;
	v14 =	vld [tilespmem:s16+$0x50]  }
0x218: {  	[tilespmem:v9+s25+$0x0] =	vst.idx.msk $0xffff, v11;
	v9 =	vadd.f32 v18, v2  }
0x219: {  	[tilespmem:v10+s25+$0x0] =	vst.idx.msk $0xffff, v12;
	v10 =	vadd.f32 v16, v3  }
0x21a: {  	[tilespmem:v8+s25+$0x0] =	vst.idx.msk $0xffff, v9;
	v8 =	vadd.f32 v15, v2  }
0x21b: {  	[tilespmem:v7+s25+$0x0] =	vst.idx.msk $0xffff, v10;
	v3 =	vadd.f32 v13, v3  }
0x21c: {  	[tilespmem:v5+s25+$0x0] =	vst.idx.msk $0xffff, v8;
	v2 =	vadd.f32 v14, v2  }
0x21d: {  	s2 =	sadd.s32 $0x700, s28;
	[tilespmem:v6+s25+$0x0] =	vst.idx.msk $0xffff, v3  }
0x21e: {  	s7 =	simm.s32 $0xA720;
	s21 =	sand.u32 $0x3, s6;
	s2 =	sand.u32 $0x1FF00, s2;
	[tilespmem:v4+s25+$0x0] =	vst.idx.msk $0xffff, v2  }
0x21f: {  	[tilespmem:s7], [sflag:$0x3] =	stream.indirect.gather [hbm4b:s3+s0], $0x20, s2, s0, $0xb8;
	[tilespmem:$0x1A720] =	vst v63  }
0x220: {  	s22 =	sadd.s32 s5, s18;
	s2 =	sor.u32 s15, s21  }
0x221: {  	s6 =	sshll.u32 s22, $0xE;
	s2 =	sshll.u32 s2, $0x8  }
0x222: {  	s2 =	sor.u32 s2, s6  }
0x223: {  	s7 =	simm.s32 $0x0;
	s6 =	sadd.s32 s4, s2  }
0x224: {  	[hbm4b:s6+s7] =	stream.linear.scatter [tilespmem:s25], [sflag:$0xE], $0x800, $0x38;
	[tilespmem:$0x1A720] =	vst v63  }
0x225: {  	s9 =	simm.s32 $0x14F20;
	s23 =	sadd.s32 s2, s8  }
0x226: {  	[hbm4b:s23+s7] =	stream.linear.scatter [tilespmem:s9], [sflag:$0xF], $0x800, $0x38;
	[tilespmem:$0x1A720] =	vst v63  }
0x227: {  	s30 =	simm.s32 $0x15720;
	s24 =	sadd.s32 s2, s11  }
0x228: {  	[hbm4b:s24+s7] =	stream.linear.scatter [tilespmem:s30], [sflag:$0x10], $0x800, $0x38;
	[tilespmem:$0x1A720] =	vst v63  }
0x229: {  	s12 =	simm.s32 $0x15F20;
	s16 =	simm.s32 $0x4;
	s2 =	sadd.s32 s2, s13  }
0x22a: {  	[hbm4b:s2+s7] =	stream.linear.scatter [tilespmem:s12], [sflag:$0x11], $0x800, $0x38;
	[tilespmem:$0x1A720] =	vst v63  }
0x22b: {  	_ =	swait.ge [sflag:s16], $0x2000  }
0x22c: {  	[sflag:s16] =	ssyncset.done $0x0  }
0x22d: {  	s17 =	simm.s32 $0x12;
	[sflag:s16] =	ssyncadd.s32 $0xFFFFE000  }
0x22e: {  	_ =	swait.ge [sflag:s17], $0x800  }
0x22f: {  	[sflag:s17] =	ssyncset.done $0x0  }
0x230: {  	s18 =	simm.s32 $0x13;
	[sflag:s17] =	ssyncadd.s32 $0xFFFFF800  }
0x231: {  	_ =	swait.ge [sflag:s18], $0x800  }
0x232: {  	[sflag:s18] =	ssyncset.done $0x0  }
0x233: {  	s19 =	simm.s32 $0x14;
	[sflag:s18] =	ssyncadd.s32 $0xFFFFF800  }
0x234: {  	_ =	swait.ge [sflag:s19], $0x800  }
0x235: {  	[sflag:s19] =	ssyncset.done $0x0  }
0x236: {  	s21 =	simm.s32 $0x15;
	[sflag:s19] =	ssyncadd.s32 $0xFFFFF800  }
0x237: {  	s6 =	sadd.s32 $0x3, s29;
	_ =	swait.ge [sflag:s21], $0x800  }
0x238: {  	s22 =	sshll.u32 s6, $0x3;
	[sflag:s21] =	ssyncset.done $0x0  }
0x239: {  	s2 =	sand.u32 $0x3FFFFFE0, s22;
	[sflag:s21] =	ssyncadd.s32 $0xFFFFF800  }
0x23a: {  	s23 =	simm.s32 $0x7;
	v3 =	vld [tilespmem:s2+$0x6400]  }
0x23b: {  	s24 =	simm.s32 $0x1;
	s30 =	simm.s32 $0x2;
	s16 =	simm.s32 $0xC7A0;
	v2 =	vld [tilespmem:s2+$0x6410]  }
0x23c: {  	s12 =	sand.u32 $0x400, s7;
	s17 =	simm.s32 $0x0;
	s2 =	sand.u32 $0x7F, s23;
	v4 =	vld [tilespmem:s16+$0x60]  }
0x23d: {  	s9 =	sand.u32 $0x79, s24;
	s19 =	sand.u32 $0x78, s17;
	v6 =	vld [tilespmem:s16+$0xFFFFFF80];
	s2 =	sor.u32 s2, s12  }
0x23e: {  	s9 =	sor.u32 s9, s12;
	s18 =	sand.u32 $0x7A, s30;
	s19 =	sor.u32 s19, s12;
	v5 =	vld [tilespmem:s16+$0x70];
	v7 =	vor.u32 s2, v0  }
0x23f: {  	v15 =	vor.u32 s9, v0;
	s18 =	sor.u32 s18, s12;
	v22 =	vor.u32 s19, v0;
	s21 =	simm.s32 $0x3;
	v23 =	vld [tilespmem:s16+$0xFFFFFF90]  }
0x240: {  	s22 =	simm.s32 $0x4;
	v13 =	vor.u32 s9, v1;
	v14 =	vor.u32 s18, v0;
	s24 =	sand.u32 $0x7B, s21;
	v24 =	vld [tilespmem:s16+$0xFFFFFFA0];
	v21 =	vor.u32 s2, v1  }
0x241: {  	v11 =	vor.u32 s18, v1;
	v16 =	vor.u32 s19, v1;
	s23 =	simm.s32 $0x5;
	v17 =	vld [tilespmem:s16+$0xFFFFFFB0];
	s19 =	sor.u32 s24, s12;
	s2 =	sand.u32 $0x7C, s22;
	v4 =	vadd.f32 v4, v3  }
0x242: {  	s30 =	simm.s32 $0x6;
	v18 =	vld [tilespmem:s16+$0xFFFFFFC0];
	s9 =	sand.u32 $0x7D, s23;
	v12 =	vor.u32 s19, v0;
	v9 =	vor.u32 s19, v1;
	s2 =	sor.u32 s2, s12;
	v25 =	vadd.f32 v6, v3  }
0x243: {  	s18 =	sand.u32 $0x7E, s30;
	v19 =	vld [tilespmem:s16+$0xFFFFFFD0];
	s9 =	sor.u32 s9, s12;
	v10 =	vor.u32 s2, v0;
	v8 =	vor.u32 s2, v1;
	v5 =	vadd.f32 v5, v2;
	[tilespmem:v7+s31+$0x0] =	vst.idx.msk $0xffff, v4  }
0x244: {  	v20 =	vld [tilespmem:s16+$0xFFFFFFE0];
	s12 =	sor.u32 s18, s12;
	v6 =	vor.u32 s9, v1;
	v23 =	vadd.f32 v23, v2;
	v7 =	vor.u32 s9, v0;
	[tilespmem:v22+s31+$0x0] =	vst.idx.msk $0xffff, v25  }
0x245: {  	s18 =	sshrl.u32 s6, $0x2;
	v4 =	vor.u32 s12, v1;
	v22 =	vadd.f32 v24, v3;
	[tilespmem:v21+s31+$0x0] =	vst.idx.msk $0xffff, v5;
	v5 =	vor.u32 s12, v0;
	v21 =	vld [tilespmem:s16+$0xFFFFFFF0]  }
.LBB2_19:
0x246: {  	[tilespmem:v16+s31+$0x0] =	vst.idx.msk $0xffff, v23;
	v16 =	vadd.f32 v17, v2;
	v17 =	vld [tilespmem:s16+$0x0];
	s2 =	smov.u32 s17;
	s17 =	sadd.s32 $0x8, s17  }
0x247: {  	s9 =	sadd.s32 $0x9, s2;
	s12 =	sadd.s32 $0xA, s2;
	s19 =	sadd.s32 $0xB, s2;
	[tilespmem:v15+s31+$0x0] =	vst.idx.msk $0xffff, v22;
	v15 =	vadd.f32 v18, v3;
	v18 =	vld [tilespmem:s16+$0x10]  }
0x248: {  	s21 =	sadd.s32 $0xC, s2;
	s22 =	sadd.s32 $0xD, s2;
	s23 =	sadd.s32 $0xE, s2;
	[tilespmem:v13+s31+$0x0] =	vst.idx.msk $0xffff, v16;
	v13 =	vadd.f32 v19, v2;
	v16 =	vld [tilespmem:s16+$0x20]  }
0x249: {  	s24 =	sand.u32 $0x78, s17;
	s9 =	sand.u32 $0x79, s9;
	s12 =	sand.u32 $0x7A, s12;
	[tilespmem:v14+s31+$0x0] =	vst.idx.msk $0xffff, v15;
	v14 =	vadd.f32 v20, v3;
	v15 =	vld [tilespmem:s16+$0x30]  }
0x24a: {  	s19 =	sand.u32 $0x7B, s19;
	s21 =	sand.u32 $0x7C, s21;
	s22 =	sand.u32 $0x7D, s22;
	[tilespmem:v11+s31+$0x0] =	vst.idx.msk $0xffff, v13;
	v11 =	vadd.f32 v21, v2;
	v13 =	vld [tilespmem:s16+$0x40]  }
0x24b: {  	s7 =	sadd.s32 $0x40, s7;
	s2 =	sadd.s32 $0xF, s2;
	[tilespmem:v12+s31+$0x0] =	vst.idx.msk $0xffff, v14;
	v12 =	vadd.f32 v17, v3;
	v14 =	vld [tilespmem:s16+$0x50];
	s16 =	sadd.s32 $0x100, s16  }
0x24c: {  	s30 =	sand.u32 $0x400, s7;
	s23 =	sand.u32 $0x7E, s23;
	s2 =	sand.u32 $0x7F, s2;
	v19 =	vld [tilespmem:s16+$0x60];
	[tilespmem:v9+s31+$0x0] =	vst.idx.msk $0xffff, v11;
	v9 =	vadd.f32 v18, v2  }
0x24d: {  	s24 =	sor.u32 s24, s30;
	s9 =	sor.u32 s9, s30;
	s2 =	sor.u32 s2, s30;
	v20 =	vld [tilespmem:s16+$0x70];
	[tilespmem:v10+s31+$0x0] =	vst.idx.msk $0xffff, v12;
	v10 =	vadd.f32 v16, v3  }
0x24e: {  	v22 =	vor.u32 s24, v0;
	s12 =	sor.u32 s12, s30;
	s19 =	sor.u32 s19, s30;
	s21 =	sor.u32 s21, s30;
	v23 =	vor.u32 s2, v0;
	v21 =	vld [tilespmem:s16+$0xFFFFFF80];
	[tilespmem:v8+s31+$0x0] =	vst.idx.msk $0xffff, v9;
	v8 =	vadd.f32 v15, v2  }
0x24f: {  	p0 =	slt.u32 s17, $0xF8;
	s22 =	sor.u32 s22, s30;
	s23 =	sor.u32 s23, s30;
	v25 =	vor.u32 s2, v1;
	v16 =	vor.u32 s24, v1;
	v24 =	vld [tilespmem:s16+$0xFFFFFF90];
	[tilespmem:v7+s31+$0x0] =	vst.idx.msk $0xffff, v10;
	v7 =	vadd.f32 v13, v3  }
0x250: {  	v15 =	vor.u32 s9, v0;
	v13 =	vor.u32 s9, v1;
	v26 =	vld [tilespmem:s16+$0xFFFFFFA0];
	[tilespmem:v6+s31+$0x0] =	vst.idx.msk $0xffff, v8;
	v6 =	vadd.f32 v14, v2  }
.Ltmp8:
0x251: {  	v11 =	vor.u32 s12, v1;
	v14 =	vor.u32 s12, v0;
	v17 =	vld [tilespmem:s16+$0xFFFFFFB0];
	v27 =	vadd.f32 v19, v3;
	[tilespmem:v5+s31+$0x0] =	vst.idx.msk $0xffff, v7;
	(pc) =	sbr.rel @p0 .LBB2_19-.Ltmp8, $4  }
0x252: {  	v12 =	vor.u32 s19, v0;
	v9 =	vor.u32 s19, v1;
	v18 =	vld [tilespmem:s16+$0xFFFFFFC0];
	v5 =	vadd.f32 v20, v2;
	[tilespmem:v4+s31+$0x0] =	vst.idx.msk $0xffff, v6  }
0x253: {  	v10 =	vor.u32 s21, v0;
	v8 =	vor.u32 s21, v1;
	v4 =	vadd.f32 v21, v3;
	v19 =	vld [tilespmem:s16+$0xFFFFFFD0];
	[tilespmem:v23+s31+$0x0] =	vst.idx.msk $0xffff, v27  }
0x254: {  	v7 =	vor.u32 s22, v0;
	v6 =	vor.u32 s22, v1;
	v23 =	vadd.f32 v24, v2;
	v20 =	vld [tilespmem:s16+$0xFFFFFFE0];
	[tilespmem:v25+s31+$0x0] =	vst.idx.msk $0xffff, v5  }
0x255: {  	v5 =	vor.u32 s23, v0;
	[tilespmem:v22+s31+$0x0] =	vst.idx.msk $0xffff, v4;
	v22 =	vadd.f32 v26, v3;
	v21 =	vld [tilespmem:s16+$0xFFFFFFF0];
	v4 =	vor.u32 s23, v1  }
0x256: {  	_ =	sdelay $0x3  }
0x257: {  	[tilespmem:v16+s31+$0x0] =	vst.idx.msk $0xffff, v23;
	v16 =	vadd.f32 v17, v2;
	v17 =	vld [tilespmem:s16+$0x0]  }
0x258: {  	[tilespmem:v15+s31+$0x0] =	vst.idx.msk $0xffff, v22;
	v15 =	vadd.f32 v18, v3;
	v18 =	vld [tilespmem:s16+$0x10]  }
0x259: {  	[tilespmem:v13+s31+$0x0] =	vst.idx.msk $0xffff, v16;
	v13 =	vadd.f32 v19, v2;
	v16 =	vld [tilespmem:s16+$0x20]  }
0x25a: {  	[tilespmem:v14+s31+$0x0] =	vst.idx.msk $0xffff, v15;
	v14 =	vadd.f32 v20, v3;
	v15 =	vld [tilespmem:s16+$0x30]  }
0x25b: {  	[tilespmem:v11+s31+$0x0] =	vst.idx.msk $0xffff, v13;
	v11 =	vadd.f32 v21, v2;
	v13 =	vld [tilespmem:s16+$0x40]  }
0x25c: {  	[tilespmem:v12+s31+$0x0] =	vst.idx.msk $0xffff, v14;
	v12 =	vadd.f32 v17, v3;
	v14 =	vld [tilespmem:s16+$0x50]  }
0x25d: {  	[tilespmem:v9+s31+$0x0] =	vst.idx.msk $0xffff, v11;
	v9 =	vadd.f32 v18, v2  }
0x25e: {  	[tilespmem:v10+s31+$0x0] =	vst.idx.msk $0xffff, v12;
	v10 =	vadd.f32 v16, v3  }
0x25f: {  	[tilespmem:v8+s31+$0x0] =	vst.idx.msk $0xffff, v9;
	v8 =	vadd.f32 v15, v2  }
0x260: {  	s2 =	sshll.u32 s26, $0x8;
	[tilespmem:v7+s31+$0x0] =	vst.idx.msk $0xffff, v10;
	v3 =	vadd.f32 v13, v3  }
0x261: {  	s7 =	sand.u32 $0xFC00, s28;
	s2 =	sand.u32 $0x300, s2;
	[tilespmem:v6+s31+$0x0] =	vst.idx.msk $0xffff, v8;
	v2 =	vadd.f32 v14, v2  }
0x262: {  	s2 =	sor.u32 s2, s7;
	[tilespmem:v5+s31+$0x0] =	vst.idx.msk $0xffff, v3  }
0x263: {  	s30 =	simm.s32 $0xC720;
	s7 =	sand.u32 $0x3, s6;
	s2 =	sadd.s32 $0x800, s2;
	[tilespmem:v4+s31+$0x0] =	vst.idx.msk $0xffff, v2  }
0x264: {  	[tilespmem:s30], [sflag:$0x4] =	stream.indirect.gather [hbm4b:s3+s0], $0x20, s2, s0, $0xb8;
	[tilespmem:$0x1A720] =	vst v63  }
0x265: {  	s9 =	sadd.s32 s5, s18;
	s2 =	sor.u32 s15, s7  }
0x266: {  	s6 =	sshll.u32 s9, $0xE;
	s2 =	sshll.u32 s2, $0x8  }
0x267: {  	s2 =	sor.u32 s2, s6  }
0x268: {  	s6 =	simm.s32 $0x0;
	s12 =	sadd.s32 s4, s2  }
0x269: {  	[hbm4b:s12+s6] =	stream.linear.scatter [tilespmem:s31], [sflag:$0x12], $0x800, $0x38;
	[tilespmem:$0x1A720] =	vst v63  }
0x26a: {  	s9 =	simm.s32 $0x16F20;
	s16 =	sadd.s32 s2, s8  }
0x26b: {  	[hbm4b:s16+s6] =	stream.linear.scatter [tilespmem:s9], [sflag:$0x13], $0x800, $0x38;
	[tilespmem:$0x1A720] =	vst v63  }
0x26c: {  	s18 =	simm.s32 $0x17720;
	s17 =	sadd.s32 s2, s11  }
0x26d: {  	[hbm4b:s17+s6] =	stream.linear.scatter [tilespmem:s18], [sflag:$0x14], $0x800, $0x38;
	[tilespmem:$0x1A720] =	vst v63  }
0x26e: {  	s19 =	simm.s32 $0x17F20;
	s21 =	simm.s32 $0x5;
	s2 =	sadd.s32 s2, s13  }
0x26f: {  	[hbm4b:s2+s6] =	stream.linear.scatter [tilespmem:s19], [sflag:$0x15], $0x800, $0x38;
	[tilespmem:$0x1A720] =	vst v63  }
0x270: {  	_ =	swait.ge [sflag:s21], $0x2000  }
0x271: {  	[sflag:s21] =	ssyncset.done $0x0  }
0x272: {  	s22 =	simm.s32 $0x16;
	[sflag:s21] =	ssyncadd.s32 $0xFFFFE000  }
0x273: {  	_ =	swait.ge [sflag:s22], $0x800  }
0x274: {  	[sflag:s22] =	ssyncset.done $0x0  }
0x275: {  	s23 =	simm.s32 $0x17;
	[sflag:s22] =	ssyncadd.s32 $0xFFFFF800  }
0x276: {  	_ =	swait.ge [sflag:s23], $0x800  }
0x277: {  	[sflag:s23] =	ssyncset.done $0x0  }
0x278: {  	s24 =	simm.s32 $0x18;
	[sflag:s23] =	ssyncadd.s32 $0xFFFFF800  }
0x279: {  	_ =	swait.ge [sflag:s24], $0x800  }
0x27a: {  	[sflag:s24] =	ssyncset.done $0x0  }
0x27b: {  	s17 =	sadd.s32 $0x4, s29;
	s29 =	simm.s32 $0x19;
	[sflag:s24] =	ssyncadd.s32 $0xFFFFF800  }
0x27c: {  	_ =	swait.ge [sflag:s29], $0x800  }
0x27d: {  	s30 =	sshll.u32 s17, $0x3;
	[sflag:s29] =	ssyncset.done $0x0  }
0x27e: {  	s2 =	sand.u32 $0x3FFFFFE0, s30;
	[sflag:s29] =	ssyncadd.s32 $0xFFFFF800  }
0x27f: {  	v3 =	vld [tilespmem:s2+$0x6400]  }
0x280: {  	s7 =	simm.s32 $0xE7A0;
	s12 =	sand.u32 $0x400, s6;
	s9 =	simm.s32 $0x7;
	v2 =	vld [tilespmem:s2+$0x6410]  }
0x281: {  	s16 =	simm.s32 $0x0;
	s18 =	simm.s32 $0x1;
	s2 =	sand.u32 $0x7F, s9;
	v4 =	vld [tilespmem:s7+$0x60]  }
0x282: {  	s19 =	sand.u32 $0x78, s16;
	s21 =	simm.s32 $0x3;
	v6 =	vld [tilespmem:s7+$0xFFFFFF80];
	s2 =	sor.u32 s2, s12  }
0x283: {  	s30 =	simm.s32 $0x6;
	s19 =	sor.u32 s19, s12;
	s29 =	sand.u32 $0x7B, s21;
	v5 =	vld [tilespmem:s7+$0x70];
	v7 =	vor.u32 s2, v0  }
0x284: {  	v22 =	vor.u32 s19, v0;
	v16 =	vor.u32 s19, v1;
	s22 =	simm.s32 $0x2;
	s9 =	sand.u32 $0x79, s18;
	v23 =	vld [tilespmem:s7+$0xFFFFFF90];
	s19 =	sor.u32 s29, s12  }
0x285: {  	s23 =	simm.s32 $0x4;
	s18 =	sand.u32 $0x7A, s22;
	v24 =	vld [tilespmem:s7+$0xFFFFFFA0];
	s9 =	sor.u32 s9, s12;
	v12 =	vor.u32 s19, v0;
	v9 =	vor.u32 s19, v1;
	v21 =	vor.u32 s2, v1  }
0x286: {  	s24 =	simm.s32 $0x5;
	v17 =	vld [tilespmem:s7+$0xFFFFFFB0];
	s18 =	sor.u32 s18, s12;
	v15 =	vor.u32 s9, v0;
	v13 =	vor.u32 s9, v1;
	s2 =	sand.u32 $0x7C, s23;
	v4 =	vadd.f32 v4, v3  }
0x287: {  	v18 =	vld [tilespmem:s7+$0xFFFFFFC0];
	v14 =	vor.u32 s18, v0;
	v11 =	vor.u32 s18, v1;
	s9 =	sand.u32 $0x7D, s24;
	s18 =	sand.u32 $0x7E, s30;
	s2 =	sor.u32 s2, s12;
	v26 =	vadd.f32 v6, v3  }
0x288: {  	v19 =	vld [tilespmem:s7+$0xFFFFFFD0];
	s9 =	sor.u32 s9, s12;
	s12 =	sor.u32 s18, s12;
	v10 =	vor.u32 s2, v0;
	v8 =	vor.u32 s2, v1;
	v25 =	vadd.f32 v5, v2;
	[tilespmem:v7+s10+$0x0] =	vst.idx.msk $0xffff, v4  }
0x289: {  	v20 =	vld [tilespmem:s7+$0xFFFFFFE0];
	v5 =	vor.u32 s9, v1;
	v6 =	vor.u32 s12, v0;
	v23 =	vadd.f32 v23, v2;
	[tilespmem:v22+s10+$0x0] =	vst.idx.msk $0xffff, v26  }
0x28a: {  	s17 =	sshrl.u32 s17, $0x2;
	v7 =	vor.u32 s9, v0;
	v4 =	vor.u32 s12, v1;
	v22 =	vadd.f32 v24, v3;
	[tilespmem:v21+s10+$0x0] =	vst.idx.msk $0xffff, v25;
	v21 =	vld [tilespmem:s7+$0xFFFFFFF0]  }
.LBB2_21:
0x28b: {  	[tilespmem:v16+s10+$0x0] =	vst.idx.msk $0xffff, v23;
	v16 =	vadd.f32 v17, v2;
	v17 =	vld [tilespmem:s7+$0x0];
	s2 =	smov.u32 s16;
	s16 =	sadd.s32 $0x8, s16  }
0x28c: {  	s9 =	sadd.s32 $0x9, s2;
	s12 =	sadd.s32 $0xA, s2;
	s18 =	sadd.s32 $0xB, s2;
	[tilespmem:v15+s10+$0x0] =	vst.idx.msk $0xffff, v22;
	v15 =	vadd.f32 v18, v3;
	v18 =	vld [tilespmem:s7+$0x10]  }
0x28d: {  	s19 =	sadd.s32 $0xC, s2;
	s21 =	sadd.s32 $0xD, s2;
	s22 =	sadd.s32 $0xE, s2;
	[tilespmem:v13+s10+$0x0] =	vst.idx.msk $0xffff, v16;
	v13 =	vadd.f32 v19, v2;
	v16 =	vld [tilespmem:s7+$0x20]  }
0x28e: {  	s23 =	sand.u32 $0x78, s16;
	s9 =	sand.u32 $0x79, s9;
	s12 =	sand.u32 $0x7A, s12;
	[tilespmem:v14+s10+$0x0] =	vst.idx.msk $0xffff, v15;
	v14 =	vadd.f32 v20, v3;
	v15 =	vld [tilespmem:s7+$0x30]  }
0x28f: {  	s18 =	sand.u32 $0x7B, s18;
	s19 =	sand.u32 $0x7C, s19;
	s21 =	sand.u32 $0x7D, s21;
	[tilespmem:v11+s10+$0x0] =	vst.idx.msk $0xffff, v13;
	v11 =	vadd.f32 v21, v2;
	v13 =	vld [tilespmem:s7+$0x40]  }
0x290: {  	s6 =	sadd.s32 $0x40, s6;
	s2 =	sadd.s32 $0xF, s2;
	[tilespmem:v12+s10+$0x0] =	vst.idx.msk $0xffff, v14;
	v12 =	vadd.f32 v17, v3;
	v14 =	vld [tilespmem:s7+$0x50];
	s7 =	sadd.s32 $0x100, s7  }
0x291: {  	s24 =	sand.u32 $0x400, s6;
	s22 =	sand.u32 $0x7E, s22;
	s2 =	sand.u32 $0x7F, s2;
	v19 =	vld [tilespmem:s7+$0x60];
	[tilespmem:v9+s10+$0x0] =	vst.idx.msk $0xffff, v11;
	v9 =	vadd.f32 v18, v2  }
0x292: {  	s23 =	sor.u32 s23, s24;
	s9 =	sor.u32 s9, s24;
	s2 =	sor.u32 s2, s24;
	v20 =	vld [tilespmem:s7+$0x70];
	[tilespmem:v10+s10+$0x0] =	vst.idx.msk $0xffff, v12;
	v10 =	vadd.f32 v16, v3  }
0x293: {  	v22 =	vor.u32 s23, v0;
	s12 =	sor.u32 s12, s24;
	s18 =	sor.u32 s18, s24;
	s19 =	sor.u32 s19, s24;
	v23 =	vor.u32 s2, v0;
	v21 =	vld [tilespmem:s7+$0xFFFFFF80];
	[tilespmem:v8+s10+$0x0] =	vst.idx.msk $0xffff, v9;
	v8 =	vadd.f32 v15, v2  }
0x294: {  	p0 =	slt.u32 s16, $0xF8;
	s21 =	sor.u32 s21, s24;
	s22 =	sor.u32 s22, s24;
	v25 =	vor.u32 s2, v1;
	v16 =	vor.u32 s23, v1;
	v24 =	vld [tilespmem:s7+$0xFFFFFF90];
	[tilespmem:v7+s10+$0x0] =	vst.idx.msk $0xffff, v10;
	v7 =	vadd.f32 v13, v3  }
0x295: {  	v15 =	vor.u32 s9, v0;
	v13 =	vor.u32 s9, v1;
	v26 =	vld [tilespmem:s7+$0xFFFFFFA0];
	[tilespmem:v5+s10+$0x0] =	vst.idx.msk $0xffff, v8;
	v5 =	vadd.f32 v14, v2  }
.Ltmp9:
0x296: {  	v11 =	vor.u32 s12, v1;
	v14 =	vor.u32 s12, v0;
	v17 =	vld [tilespmem:s7+$0xFFFFFFB0];
	v27 =	vadd.f32 v19, v3;
	[tilespmem:v6+s10+$0x0] =	vst.idx.msk $0xffff, v7;
	(pc) =	sbr.rel @p0 .LBB2_21-.Ltmp9, $4  }
0x297: {  	v12 =	vor.u32 s18, v0;
	v9 =	vor.u32 s18, v1;
	v18 =	vld [tilespmem:s7+$0xFFFFFFC0];
	v6 =	vadd.f32 v20, v2;
	[tilespmem:v4+s10+$0x0] =	vst.idx.msk $0xffff, v5  }
0x298: {  	v10 =	vor.u32 s19, v0;
	v8 =	vor.u32 s19, v1;
	v4 =	vadd.f32 v21, v3;
	v19 =	vld [tilespmem:s7+$0xFFFFFFD0];
	[tilespmem:v23+s10+$0x0] =	vst.idx.msk $0xffff, v27  }
0x299: {  	v7 =	vor.u32 s21, v0;
	v5 =	vor.u32 s21, v1;
	v23 =	vadd.f32 v24, v2;
	v20 =	vld [tilespmem:s7+$0xFFFFFFE0];
	[tilespmem:v25+s10+$0x0] =	vst.idx.msk $0xffff, v6  }
0x29a: {  	v6 =	vor.u32 s22, v0;
	[tilespmem:v22+s10+$0x0] =	vst.idx.msk $0xffff, v4;
	v22 =	vadd.f32 v26, v3;
	v21 =	vld [tilespmem:s7+$0xFFFFFFF0];
	v4 =	vor.u32 s22, v1  }
0x29b: {  	_ =	sdelay $0x3  }
0x29c: {  	[tilespmem:v16+s10+$0x0] =	vst.idx.msk $0xffff, v23;
	v49 =	vadd.f32 v17, v2;
	v50 =	vld [tilespmem:s7+$0x0]  }
0x29d: {  	v54 =	vld [tilespmem:s7+$0x20];
	[tilespmem:v15+s10+$0x0] =	vst.idx.msk $0xffff, v22;
	v51 =	vadd.f32 v18, v3  }
0x29e: {  	v58 =	vld [tilespmem:s7+$0x40];
	[tilespmem:v13+s10+$0x0] =	vst.idx.msk $0xffff, v49;
	v53 =	vadd.f32 v19, v2  }
0x29f: {  	v52 =	vld [tilespmem:s7+$0x10];
	[tilespmem:v14+s10+$0x0] =	vst.idx.msk $0xffff, v51;
	v55 =	vadd.f32 v20, v3  }
0x2a0: {  	v56 =	vld [tilespmem:s7+$0x30];
	[tilespmem:v11+s10+$0x0] =	vst.idx.msk $0xffff, v53;
	v57 =	vadd.f32 v21, v2  }
0x2a1: {  	v60 =	vld [tilespmem:s7+$0x50];
	[tilespmem:v12+s10+$0x0] =	vst.idx.msk $0xffff, v55;
	v59 =	vadd.f32 v50, v3  }
0x2a2: {  	v62 =	vadd.f32 v54, v3;
	[tilespmem:v9+s10+$0x0] =	vst.idx.msk $0xffff, v57  }
0x2a3: {  	v3 =	vadd.f32 v58, v3;
	[tilespmem:v10+s10+$0x0] =	vst.idx.msk $0xffff, v59  }
0x2a4: {  	v61 =	vadd.f32 v52, v2;
	[tilespmem:v7+s10+$0x0] =	vst.idx.msk $0xffff, v62  }
0x2a5: {  	v63 =	vadd.f32 v56, v2;
	[tilespmem:v6+s10+$0x0] =	vst.idx.msk $0xffff, v3  }
0x2a6: {  	v2 =	vadd.f32 v60, v2;
	[tilespmem:v8+s10+$0x0] =	vst.idx.msk $0xffff, v61  }
0x2a7: {  	s2 =	sadd.s32 $0x900, s28;
	[tilespmem:v5+s10+$0x0] =	vst.idx.msk $0xffff, v63  }
0x2a8: {  	s6 =	simm.s32 $0xE720;
	s21 =	sadd.s32 s5, s17;
	s2 =	sand.u32 $0x1FF00, s2;
	[tilespmem:v4+s10+$0x0] =	vst.idx.msk $0xffff, v2  }
0x2a9: {  	[tilespmem:s6], [sflag:$0x5] =	stream.indirect.gather [hbm4b:s3+s0], $0x20, s2, s0, $0xb8;
	[tilespmem:$0x1A720] =	vst v63  }
0x2aa: {  	s2 =	sshll.u32 s21, $0x11  }
0x2ab: {  	s1 =	sor.u32 s1, s2  }
0x2ac: {  	s1 =	sshrl.u32 s1, $0x3  }
0x2ad: {  	s23 =	simm.s32 $0x0;
	s26 =	sadd.s32 $0x1, s26;
	s1 =	sadd.s32 s4, s1  }
0x2ae: {  	[hbm4b:s1+s23] =	stream.linear.scatter [tilespmem:s10], [sflag:$0x16], $0x800, $0x38;
	[tilespmem:$0x1A720] =	vst v63  }
0x2af: {  	s24 =	simm.s32 $0x18F20;
	p0 =	sne.s32 s26, $0x13;
	s22 =	sadd.s32 $0x1000, s1  }
0x2b0: {  	[hbm4b:s22+s23] =	stream.linear.scatter [tilespmem:s24], [sflag:$0x17], $0x800, $0x38;
	[tilespmem:$0x1A720] =	vst v63  }
.Ltmp10:
0x2b1: {  	_ = 	snop;
	(pc) =	sbr.rel @p0 .LBB2_12-.Ltmp10, $4  }
0x2b2: {  	s29 =	simm.s32 $0x19720;
	s28 =	sadd.s32 $0x2000, s1  }
0x2b3: {  	[hbm4b:s28+s23] =	stream.linear.scatter [tilespmem:s29], [sflag:$0x18], $0x800, $0x38;
	[tilespmem:$0x1A720] =	vst v63  }
0x2b4: {  	s30 =	simm.s32 $0x19F20;
	s1 =	sadd.s32 $0x3000, s1  }
0x2b5: {  	[hbm4b:s1+s23] =	stream.linear.scatter [tilespmem:s30], [sflag:$0x19], $0x800, $0x38;
	[tilespmem:$0x1A720] =	vst v63  }
0x2b6: {  	s1 =	simm.s32 $0x1  }
0x2b7: {  	_ =	swait.ge [sflag:s1], $0x2000  }
0x2b8: {  	[sflag:s1] =	ssyncset.done $0x0  }
0x2b9: {  	s17 =	simm.s32 $0x6;
	[sflag:s1] =	ssyncadd.s32 $0xFFFFE000  }
0x2ba: {  	_ =	swait.ge [sflag:s17], $0x800  }
0x2bb: {  	[sflag:s17] =	ssyncset.done $0x0  }
0x2bc: {  	s18 =	simm.s32 $0x7;
	[sflag:s17] =	ssyncadd.s32 $0xFFFFF800  }
0x2bd: {  	_ =	swait.ge [sflag:s18], $0x800  }
0x2be: {  	[sflag:s18] =	ssyncset.done $0x0  }
0x2bf: {  	s19 =	simm.s32 $0x8;
	[sflag:s18] =	ssyncadd.s32 $0xFFFFF800  }
0x2c0: {  	_ =	swait.ge [sflag:s19], $0x800  }
0x2c1: {  	[sflag:s19] =	ssyncset.done $0x0  }
0x2c2: {  	s21 =	simm.s32 $0x9;
	[sflag:s19] =	ssyncadd.s32 $0xFFFFF800  }
0x2c3: {  	_ =	swait.ge [sflag:s21], $0x800  }
0x2c4: {  	[sflag:s21] =	ssyncset.done $0x0  }
0x2c5: {  	[sflag:s21] =	ssyncadd.s32 $0xFFFFF800  }
0x2c6: {  	v2 =	vld [tilespmem:$0x66E0]  }
0x2c7: {  	s6 =	simm.s32 $0x0;
	s2 =	simm.s32 $0x7;
	s1 =	simm.s32 $0x67A0;
	v3 =	vld [tilespmem:$0x66F0]  }
0x2c8: {  	s7 =	simm.s32 $0x0;
	s9 =	sand.u32 $0x400, s6;
	s2 =	sand.u32 $0x7F, s2;
	v4 =	vld [tilespmem:s1+$0x60]  }
0x2c9: {  	s12 =	simm.s32 $0x1;
	s16 =	sand.u32 $0x78, s7;
	s2 =	sor.u32 s2, s9;
	v6 =	vld [tilespmem:s1+$0xFFFFFF80]  }
0x2ca: {  	s22 =	simm.s32 $0x4;
	s12 =	sand.u32 $0x79, s12;
	s16 =	sor.u32 s16, s9;
	v7 =	vor.u32 s2, v0;
	v5 =	vld [tilespmem:s1+$0x70]  }
0x2cb: {  	s12 =	sor.u32 s12, s9;
	v21 =	vor.u32 s16, v0;
	v23 =	vor.u32 s2, v1;
	s2 =	sand.u32 $0x7C, s22;
	s17 =	simm.s32 $0x2;
	v20 =	vld [tilespmem:s1+$0xFFFFFF90]  }
0x2cc: {  	v16 =	vor.u32 s16, v1;
	v15 =	vor.u32 s12, v0;
	v13 =	vor.u32 s12, v1;
	s2 =	sor.u32 s2, s9;
	s17 =	sand.u32 $0x7A, s17;
	s18 =	simm.s32 $0x3;
	v24 =	vld [tilespmem:s1+$0xFFFFFFA0]  }
0x2cd: {  	s24 =	simm.s32 $0x5;
	v10 =	vor.u32 s2, v0;
	v8 =	vor.u32 s2, v1;
	s17 =	sor.u32 s17, s9;
	s18 =	sand.u32 $0x7B, s18;
	v17 =	vld [tilespmem:s1+$0xFFFFFFB0];
	v4 =	vadd.f32 v4, v2  }
0x2ce: {  	s28 =	simm.s32 $0x6;
	s12 =	sand.u32 $0x7D, s24;
	v14 =	vor.u32 s17, v0;
	v11 =	vor.u32 s17, v1;
	s26 =	sor.u32 s18, s9;
	v18 =	vld [tilespmem:s1+$0xFFFFFFC0];
	v6 =	vadd.f32 v6, v2  }
0x2cf: {  	s29 =	sand.u32 $0x7E, s28;
	s12 =	sor.u32 s12, s9;
	v12 =	vor.u32 s26, v0;
	v9 =	vor.u32 s26, v1;
	v19 =	vld [tilespmem:s1+$0xFFFFFFD0];
	v25 =	vadd.f32 v5, v3;
	[tilespmem:v7+s14+$0x0] =	vst.idx.msk $0xffff, v4  }
0x2d0: {  	s30 =	sor.u32 s29, s9;
	v22 =	vadd.f32 v20, v3;
	v20 =	vld [tilespmem:s1+$0xFFFFFFE0];
	v5 =	vor.u32 s12, v1;
	v7 =	vor.u32 s12, v0;
	[tilespmem:v21+s14+$0x0] =	vst.idx.msk $0xffff, v6  }
0x2d1: {  	v21 =	vld [tilespmem:s1+$0xFFFFFFF0];
	v6 =	vor.u32 s30, v0;
	v4 =	vor.u32 s30, v1;
	[tilespmem:v23+s14+$0x0] =	vst.idx.msk $0xffff, v25;
	v23 =	vadd.f32 v24, v2  }
.LBB2_24:
0x2d2: {  	[tilespmem:v16+s14+$0x0] =	vst.idx.msk $0xffff, v22;
	v16 =	vadd.f32 v17, v3;
	v17 =	vld [tilespmem:s1+$0x0];
	s2 =	smov.u32 s7;
	s7 =	sadd.s32 $0x8, s7  }
0x2d3: {  	s9 =	sadd.s32 $0x9, s2;
	s12 =	sadd.s32 $0xA, s2;
	s16 =	sadd.s32 $0xB, s2;
	[tilespmem:v15+s14+$0x0] =	vst.idx.msk $0xffff, v23;
	v15 =	vadd.f32 v18, v2;
	v18 =	vld [tilespmem:s1+$0x10]  }
0x2d4: {  	s17 =	sadd.s32 $0xC, s2;
	s18 =	sadd.s32 $0xD, s2;
	s19 =	sadd.s32 $0xE, s2;
	[tilespmem:v13+s14+$0x0] =	vst.idx.msk $0xffff, v16;
	v13 =	vadd.f32 v19, v3;
	v16 =	vld [tilespmem:s1+$0x20]  }
0x2d5: {  	s21 =	sand.u32 $0x78, s7;
	s9 =	sand.u32 $0x79, s9;
	s12 =	sand.u32 $0x7A, s12;
	[tilespmem:v14+s14+$0x0] =	vst.idx.msk $0xffff, v15;
	v14 =	vadd.f32 v20, v2;
	v15 =	vld [tilespmem:s1+$0x30]  }
0x2d6: {  	s16 =	sand.u32 $0x7B, s16;
	s17 =	sand.u32 $0x7C, s17;
	s18 =	sand.u32 $0x7D, s18;
	[tilespmem:v11+s14+$0x0] =	vst.idx.msk $0xffff, v13;
	v11 =	vadd.f32 v21, v3;
	v13 =	vld [tilespmem:s1+$0x40]  }
0x2d7: {  	s6 =	sadd.s32 $0x40, s6;
	s2 =	sadd.s32 $0xF, s2;
	[tilespmem:v12+s14+$0x0] =	vst.idx.msk $0xffff, v14;
	v12 =	vadd.f32 v17, v2;
	v14 =	vld [tilespmem:s1+$0x50];
	s1 =	sadd.s32 $0x100, s1  }
0x2d8: {  	s22 =	sand.u32 $0x400, s6;
	s19 =	sand.u32 $0x7E, s19;
	s2 =	sand.u32 $0x7F, s2;
	v19 =	vld [tilespmem:s1+$0x60];
	[tilespmem:v9+s14+$0x0] =	vst.idx.msk $0xffff, v11;
	v9 =	vadd.f32 v18, v3  }
0x2d9: {  	s21 =	sor.u32 s21, s22;
	s9 =	sor.u32 s9, s22;
	s2 =	sor.u32 s2, s22;
	v20 =	vld [tilespmem:s1+$0x70];
	[tilespmem:v10+s14+$0x0] =	vst.idx.msk $0xffff, v12;
	v10 =	vadd.f32 v16, v2  }
0x2da: {  	v23 =	vor.u32 s21, v0;
	s12 =	sor.u32 s12, s22;
	s16 =	sor.u32 s16, s22;
	s17 =	sor.u32 s17, s22;
	v22 =	vor.u32 s2, v0;
	v21 =	vld [tilespmem:s1+$0xFFFFFF80];
	[tilespmem:v8+s14+$0x0] =	vst.idx.msk $0xffff, v9;
	v8 =	vadd.f32 v15, v3  }
0x2db: {  	p0 =	slt.u32 s7, $0xF8;
	s18 =	sor.u32 s18, s22;
	s19 =	sor.u32 s19, s22;
	v25 =	vor.u32 s2, v1;
	v16 =	vor.u32 s21, v1;
	v24 =	vld [tilespmem:s1+$0xFFFFFF90];
	[tilespmem:v7+s14+$0x0] =	vst.idx.msk $0xffff, v10;
	v7 =	vadd.f32 v13, v2  }
0x2dc: {  	v15 =	vor.u32 s9, v0;
	v13 =	vor.u32 s9, v1;
	v26 =	vld [tilespmem:s1+$0xFFFFFFA0];
	[tilespmem:v5+s14+$0x0] =	vst.idx.msk $0xffff, v8;
	v5 =	vadd.f32 v14, v3  }
.Ltmp11:
0x2dd: {  	v11 =	vor.u32 s12, v1;
	v14 =	vor.u32 s12, v0;
	v17 =	vld [tilespmem:s1+$0xFFFFFFB0];
	v27 =	vadd.f32 v19, v2;
	[tilespmem:v6+s14+$0x0] =	vst.idx.msk $0xffff, v7;
	(pc) =	sbr.rel @p0 .LBB2_24-.Ltmp11, $4  }
0x2de: {  	v12 =	vor.u32 s16, v0;
	v9 =	vor.u32 s16, v1;
	v18 =	vld [tilespmem:s1+$0xFFFFFFC0];
	v6 =	vadd.f32 v20, v3;
	[tilespmem:v4+s14+$0x0] =	vst.idx.msk $0xffff, v5  }
0x2df: {  	v10 =	vor.u32 s17, v0;
	v8 =	vor.u32 s17, v1;
	v4 =	vadd.f32 v21, v2;
	v19 =	vld [tilespmem:s1+$0xFFFFFFD0];
	[tilespmem:v22+s14+$0x0] =	vst.idx.msk $0xffff, v27  }
0x2e0: {  	v7 =	vor.u32 s18, v0;
	v5 =	vor.u32 s18, v1;
	v22 =	vadd.f32 v24, v3;
	v20 =	vld [tilespmem:s1+$0xFFFFFFE0];
	[tilespmem:v25+s14+$0x0] =	vst.idx.msk $0xffff, v6  }
0x2e1: {  	v6 =	vor.u32 s19, v0;
	[tilespmem:v23+s14+$0x0] =	vst.idx.msk $0xffff, v4;
	v23 =	vadd.f32 v26, v2;
	v21 =	vld [tilespmem:s1+$0xFFFFFFF0];
	v4 =	vor.u32 s19, v1  }
0x2e2: {  	_ =	sdelay $0x3  }
0x2e3: {  	[tilespmem:v16+s14+$0x0] =	vst.idx.msk $0xffff, v22;
	v16 =	vadd.f32 v17, v3;
	v17 =	vld [tilespmem:s1+$0x0]  }
0x2e4: {  	[tilespmem:v15+s14+$0x0] =	vst.idx.msk $0xffff, v23;
	v15 =	vadd.f32 v18, v2;
	v18 =	vld [tilespmem:s1+$0x10]  }
0x2e5: {  	[tilespmem:v13+s14+$0x0] =	vst.idx.msk $0xffff, v16;
	v13 =	vadd.f32 v19, v3;
	v16 =	vld [tilespmem:s1+$0x20]  }
0x2e6: {  	[tilespmem:v14+s14+$0x0] =	vst.idx.msk $0xffff, v15;
	v14 =	vadd.f32 v20, v2;
	v15 =	vld [tilespmem:s1+$0x30]  }
0x2e7: {  	[tilespmem:v11+s14+$0x0] =	vst.idx.msk $0xffff, v13;
	v11 =	vadd.f32 v21, v3;
	v13 =	vld [tilespmem:s1+$0x40]  }
0x2e8: {  	[tilespmem:v12+s14+$0x0] =	vst.idx.msk $0xffff, v14;
	v12 =	vadd.f32 v17, v2;
	v14 =	vld [tilespmem:s1+$0x50]  }
0x2e9: {  	[tilespmem:v9+s14+$0x0] =	vst.idx.msk $0xffff, v11;
	v9 =	vadd.f32 v18, v3  }
0x2ea: {  	[tilespmem:v10+s14+$0x0] =	vst.idx.msk $0xffff, v12;
	v10 =	vadd.f32 v16, v2  }
0x2eb: {  	[tilespmem:v8+s14+$0x0] =	vst.idx.msk $0xffff, v9;
	v8 =	vadd.f32 v15, v3  }
0x2ec: {  	[tilespmem:v7+s14+$0x0] =	vst.idx.msk $0xffff, v10;
	v2 =	vadd.f32 v13, v2  }
0x2ed: {  	[tilespmem:v5+s14+$0x0] =	vst.idx.msk $0xffff, v8;
	v3 =	vadd.f32 v14, v3  }
0x2ee: {  	[tilespmem:v6+s14+$0x0] =	vst.idx.msk $0xffff, v2  }
0x2ef: {  	[tilespmem:v4+s14+$0x0] =	vst.idx.msk $0xffff, v3  }
0x2f0: {  	s1 =	simm.s32 $0x0;
	s2 =	rddreg [dreg:$0x19]  }
0x2f1: {  	[hbm4b:s2+s1] =	stream.linear.scatter [tilespmem:s14], [sflag:$0x6], $0x800, $0x38;
	[tilespmem:$0x1A720] =	vst v63  }
0x2f2: {  	s6 =	simm.s32 $0x10F20;
	s28 =	rddreg [dreg:$0x1a]  }
0x2f3: {  	[hbm4b:s28+s1] =	stream.linear.scatter [tilespmem:s6], [sflag:$0x7], $0x800, $0x38;
	[tilespmem:$0x1A720] =	vst v63  }
0x2f4: {  	s30 =	simm.s32 $0x11720;
	s29 =	rddreg [dreg:$0x1b]  }
0x2f5: {  	[hbm4b:s29+s1] =	stream.linear.scatter [tilespmem:s30], [sflag:$0x8], $0x800, $0x38;
	[tilespmem:$0x1A720] =	vst v63  }
0x2f6: {  	s9 =	simm.s32 $0x11F20;
	s12 =	simm.s32 $0x2;
	s7 =	rddreg [dreg:$0x1c]  }
0x2f7: {  	[hbm4b:s7+s1] =	stream.linear.scatter [tilespmem:s9], [sflag:$0x9], $0x800, $0x38;
	[tilespmem:$0x1A720] =	vst v63  }
0x2f8: {  	_ =	swait.ge [sflag:s12], $0x2000  }
0x2f9: {  	[sflag:s12] =	ssyncset.done $0x0  }
0x2fa: {  	s16 =	simm.s32 $0xA;
	[sflag:s12] =	ssyncadd.s32 $0xFFFFE000  }
0x2fb: {  	_ =	swait.ge [sflag:s16], $0x800  }
0x2fc: {  	[sflag:s16] =	ssyncset.done $0x0  }
0x2fd: {  	s17 =	simm.s32 $0xB;
	[sflag:s16] =	ssyncadd.s32 $0xFFFFF800  }
0x2fe: {  	_ =	swait.ge [sflag:s17], $0x800  }
0x2ff: {  	[sflag:s17] =	ssyncset.done $0x0  }
0x300: {  	s18 =	simm.s32 $0xC;
	[sflag:s17] =	ssyncadd.s32 $0xFFFFF800  }
0x301: {  	_ =	swait.ge [sflag:s18], $0x800  }
0x302: {  	[sflag:s18] =	ssyncset.done $0x0  }
0x303: {  	s19 =	simm.s32 $0xD;
	[sflag:s18] =	ssyncadd.s32 $0xFFFFF800  }
0x304: {  	_ =	swait.ge [sflag:s19], $0x800  }
0x305: {  	[sflag:s19] =	ssyncset.done $0x0  }
0x306: {  	[sflag:s19] =	ssyncadd.s32 $0xFFFFF800  }
0x307: {  	v2 =	vld [tilespmem:$0x6700]  }
0x308: {  	s21 =	simm.s32 $0x7;
	s22 =	simm.s32 $0x4;
	s6 =	simm.s32 $0x87A0;
	v3 =	vld [tilespmem:$0x6710]  }
0x309: {  	s2 =	sand.u32 $0x7F, s21;
	s7 =	simm.s32 $0x0;
	s9 =	sand.u32 $0x400, s1;
	v4 =	vld [tilespmem:s6+$0x60]  }
0x30a: {  	s2 =	sor.u32 s2, s9;
	s12 =	simm.s32 $0x1;
	s16 =	sand.u32 $0x78, s7;
	v6 =	vld [tilespmem:s6+$0xFFFFFF80]  }
0x30b: {  	v7 =	vor.u32 s2, v0;
	v23 =	vor.u32 s2, v1;
	s2 =	sand.u32 $0x7C, s22;
	s12 =	sand.u32 $0x79, s12;
	s16 =	sor.u32 s16, s9;
	v5 =	vld [tilespmem:s6+$0x70]  }
0x30c: {  	s2 =	sor.u32 s2, s9;
	s12 =	sor.u32 s12, s9;
	v21 =	vor.u32 s16, v0;
	s17 =	simm.s32 $0x2;
	v20 =	vld [tilespmem:s6+$0xFFFFFF90]  }
0x30d: {  	v10 =	vor.u32 s2, v0;
	v8 =	vor.u32 s2, v1;
	v15 =	vor.u32 s12, v0;
	s17 =	sand.u32 $0x7A, s17;
	s18 =	simm.s32 $0x3;
	v24 =	vld [tilespmem:s6+$0xFFFFFFA0]  }
0x30e: {  	s24 =	simm.s32 $0x5;
	v13 =	vor.u32 s12, v1;
	v16 =	vor.u32 s16, v1;
	s17 =	sor.u32 s17, s9;
	s18 =	sand.u32 $0x7B, s18;
	v17 =	vld [tilespmem:s6+$0xFFFFFFB0];
	v4 =	vadd.f32 v4, v2  }
0x30f: {  	s28 =	simm.s32 $0x6;
	s12 =	sand.u32 $0x7D, s24;
	v14 =	vor.u32 s17, v0;
	v11 =	vor.u32 s17, v1;
	s26 =	sor.u32 s18, s9;
	v18 =	vld [tilespmem:s6+$0xFFFFFFC0];
	v6 =	vadd.f32 v6, v2  }
0x310: {  	s29 =	sand.u32 $0x7E, s28;
	s12 =	sor.u32 s12, s9;
	v12 =	vor.u32 s26, v0;
	v9 =	vor.u32 s26, v1;
	v19 =	vld [tilespmem:s6+$0xFFFFFFD0];
	v25 =	vadd.f32 v5, v3;
	[tilespmem:v7+s20+$0x0] =	vst.idx.msk $0xffff, v4  }
0x311: {  	s30 =	sor.u32 s29, s9;
	v22 =	vadd.f32 v20, v3;
	v20 =	vld [tilespmem:s6+$0xFFFFFFE0];
	v5 =	vor.u32 s12, v1;
	v7 =	vor.u32 s12, v0;
	[tilespmem:v21+s20+$0x0] =	vst.idx.msk $0xffff, v6  }
0x312: {  	v21 =	vld [tilespmem:s6+$0xFFFFFFF0];
	v6 =	vor.u32 s30, v0;
	v4 =	vor.u32 s30, v1;
	[tilespmem:v23+s20+$0x0] =	vst.idx.msk $0xffff, v25;
	v23 =	vadd.f32 v24, v2  }
.LBB2_26:
0x313: {  	[tilespmem:v16+s20+$0x0] =	vst.idx.msk $0xffff, v22;
	v16 =	vadd.f32 v17, v3;
	v17 =	vld [tilespmem:s6+$0x0];
	s2 =	smov.u32 s7;
	s7 =	sadd.s32 $0x8, s7  }
0x314: {  	s9 =	sadd.s32 $0x9, s2;
	s12 =	sadd.s32 $0xA, s2;
	s16 =	sadd.s32 $0xB, s2;
	[tilespmem:v15+s20+$0x0] =	vst.idx.msk $0xffff, v23;
	v15 =	vadd.f32 v18, v2;
	v18 =	vld [tilespmem:s6+$0x10]  }
0x315: {  	s17 =	sadd.s32 $0xC, s2;
	s18 =	sadd.s32 $0xD, s2;
	s19 =	sadd.s32 $0xE, s2;
	[tilespmem:v13+s20+$0x0] =	vst.idx.msk $0xffff, v16;
	v13 =	vadd.f32 v19, v3;
	v16 =	vld [tilespmem:s6+$0x20]  }
0x316: {  	s21 =	sand.u32 $0x78, s7;
	s9 =	sand.u32 $0x79, s9;
	s12 =	sand.u32 $0x7A, s12;
	[tilespmem:v14+s20+$0x0] =	vst.idx.msk $0xffff, v15;
	v14 =	vadd.f32 v20, v2;
	v15 =	vld [tilespmem:s6+$0x30]  }
0x317: {  	s16 =	sand.u32 $0x7B, s16;
	s17 =	sand.u32 $0x7C, s17;
	s18 =	sand.u32 $0x7D, s18;
	[tilespmem:v11+s20+$0x0] =	vst.idx.msk $0xffff, v13;
	v11 =	vadd.f32 v21, v3;
	v13 =	vld [tilespmem:s6+$0x40]  }
0x318: {  	s1 =	sadd.s32 $0x40, s1;
	s2 =	sadd.s32 $0xF, s2;
	[tilespmem:v12+s20+$0x0] =	vst.idx.msk $0xffff, v14;
	v12 =	vadd.f32 v17, v2;
	v14 =	vld [tilespmem:s6+$0x50];
	s6 =	sadd.s32 $0x100, s6  }
0x319: {  	s22 =	sand.u32 $0x400, s1;
	s19 =	sand.u32 $0x7E, s19;
	s2 =	sand.u32 $0x7F, s2;
	v19 =	vld [tilespmem:s6+$0x60];
	[tilespmem:v9+s20+$0x0] =	vst.idx.msk $0xffff, v11;
	v9 =	vadd.f32 v18, v3  }
0x31a: {  	s21 =	sor.u32 s21, s22;
	s9 =	sor.u32 s9, s22;
	s2 =	sor.u32 s2, s22;
	v20 =	vld [tilespmem:s6+$0x70];
	[tilespmem:v10+s20+$0x0] =	vst.idx.msk $0xffff, v12;
	v10 =	vadd.f32 v16, v2  }
0x31b: {  	v23 =	vor.u32 s21, v0;
	s12 =	sor.u32 s12, s22;
	s16 =	sor.u32 s16, s22;
	s17 =	sor.u32 s17, s22;
	v22 =	vor.u32 s2, v0;
	v21 =	vld [tilespmem:s6+$0xFFFFFF80];
	[tilespmem:v8+s20+$0x0] =	vst.idx.msk $0xffff, v9;
	v8 =	vadd.f32 v15, v3  }
0x31c: {  	p0 =	slt.u32 s7, $0xF8;
	s18 =	sor.u32 s18, s22;
	s19 =	sor.u32 s19, s22;
	v25 =	vor.u32 s2, v1;
	v16 =	vor.u32 s21, v1;
	v24 =	vld [tilespmem:s6+$0xFFFFFF90];
	[tilespmem:v7+s20+$0x0] =	vst.idx.msk $0xffff, v10;
	v7 =	vadd.f32 v13, v2  }
0x31d: {  	v15 =	vor.u32 s9, v0;
	v13 =	vor.u32 s9, v1;
	v26 =	vld [tilespmem:s6+$0xFFFFFFA0];
	[tilespmem:v5+s20+$0x0] =	vst.idx.msk $0xffff, v8;
	v5 =	vadd.f32 v14, v3  }
.Ltmp12:
0x31e: {  	v11 =	vor.u32 s12, v1;
	v14 =	vor.u32 s12, v0;
	v17 =	vld [tilespmem:s6+$0xFFFFFFB0];
	v27 =	vadd.f32 v19, v2;
	[tilespmem:v6+s20+$0x0] =	vst.idx.msk $0xffff, v7;
	(pc) =	sbr.rel @p0 .LBB2_26-.Ltmp12, $4  }
0x31f: {  	v12 =	vor.u32 s16, v0;
	v9 =	vor.u32 s16, v1;
	v18 =	vld [tilespmem:s6+$0xFFFFFFC0];
	v6 =	vadd.f32 v20, v3;
	[tilespmem:v4+s20+$0x0] =	vst.idx.msk $0xffff, v5  }
0x320: {  	v10 =	vor.u32 s17, v0;
	v8 =	vor.u32 s17, v1;
	v4 =	vadd.f32 v21, v2;
	v19 =	vld [tilespmem:s6+$0xFFFFFFD0];
	[tilespmem:v22+s20+$0x0] =	vst.idx.msk $0xffff, v27  }
0x321: {  	v7 =	vor.u32 s18, v0;
	v5 =	vor.u32 s18, v1;
	v22 =	vadd.f32 v24, v3;
	v20 =	vld [tilespmem:s6+$0xFFFFFFE0];
	[tilespmem:v25+s20+$0x0] =	vst.idx.msk $0xffff, v6  }
0x322: {  	v6 =	vor.u32 s19, v0;
	[tilespmem:v23+s20+$0x0] =	vst.idx.msk $0xffff, v4;
	v23 =	vadd.f32 v26, v2;
	v21 =	vld [tilespmem:s6+$0xFFFFFFF0];
	v4 =	vor.u32 s19, v1  }
0x323: {  	_ =	sdelay $0x3  }
0x324: {  	[tilespmem:v16+s20+$0x0] =	vst.idx.msk $0xffff, v22;
	v16 =	vadd.f32 v17, v3;
	v17 =	vld [tilespmem:s6+$0x0]  }
0x325: {  	[tilespmem:v15+s20+$0x0] =	vst.idx.msk $0xffff, v23;
	v15 =	vadd.f32 v18, v2;
	v18 =	vld [tilespmem:s6+$0x10]  }
0x326: {  	[tilespmem:v13+s20+$0x0] =	vst.idx.msk $0xffff, v16;
	v13 =	vadd.f32 v19, v3;
	v16 =	vld [tilespmem:s6+$0x20]  }
0x327: {  	[tilespmem:v14+s20+$0x0] =	vst.idx.msk $0xffff, v15;
	v14 =	vadd.f32 v20, v2;
	v15 =	vld [tilespmem:s6+$0x30]  }
0x328: {  	[tilespmem:v11+s20+$0x0] =	vst.idx.msk $0xffff, v13;
	v11 =	vadd.f32 v21, v3;
	v13 =	vld [tilespmem:s6+$0x40]  }
0x329: {  	[tilespmem:v12+s20+$0x0] =	vst.idx.msk $0xffff, v14;
	v12 =	vadd.f32 v17, v2;
	v14 =	vld [tilespmem:s6+$0x50]  }
0x32a: {  	[tilespmem:v9+s20+$0x0] =	vst.idx.msk $0xffff, v11;
	v9 =	vadd.f32 v18, v3  }
0x32b: {  	[tilespmem:v10+s20+$0x0] =	vst.idx.msk $0xffff, v12;
	v10 =	vadd.f32 v16, v2  }
0x32c: {  	[tilespmem:v8+s20+$0x0] =	vst.idx.msk $0xffff, v9;
	v8 =	vadd.f32 v15, v3  }
0x32d: {  	[tilespmem:v7+s20+$0x0] =	vst.idx.msk $0xffff, v10;
	v2 =	vadd.f32 v13, v2  }
0x32e: {  	[tilespmem:v5+s20+$0x0] =	vst.idx.msk $0xffff, v8;
	v3 =	vadd.f32 v14, v3  }
0x32f: {  	[tilespmem:v6+s20+$0x0] =	vst.idx.msk $0xffff, v2  }
0x330: {  	[tilespmem:v4+s20+$0x0] =	vst.idx.msk $0xffff, v3  }
0x331: {  	s2 =	rddreg [dreg:$0x1d]  }
0x332: {  	s1 =	simm.s32 $0x0;
	s26 =	rddreg [dreg:$0x1e]  }
0x333: {  	[hbm4b:s2+s1] =	stream.linear.scatter [tilespmem:s20], [sflag:$0xA], $0x800, $0x38;
	[tilespmem:$0x1A720] =	vst v63  }
0x334: {  	s28 =	simm.s32 $0x12F20;
	s29 =	rddreg [dreg:$0x1f]  }
0x335: {  	[hbm4b:s26+s1] =	stream.linear.scatter [tilespmem:s28], [sflag:$0xB], $0x800, $0x38;
	[tilespmem:$0x1A720] =	vst v63  }
0x336: {  	s30 =	simm.s32 $0x13720;
	s7 =	sld [smem:$0x7F0]  }
0x337: {  	[hbm4b:s29+s1] =	stream.linear.scatter [tilespmem:s30], [sflag:$0xC], $0x800, $0x38;
	[tilespmem:$0x1A720] =	vst v63  }
0x338: {  	s9 =	simm.s32 $0x13F20;
	s12 =	simm.s32 $0x3  }
0x339: {  	[hbm4b:s7+s1] =	stream.linear.scatter [tilespmem:s9], [sflag:$0xD], $0x800, $0x38;
	[tilespmem:$0x1A720] =	vst v63  }
0x33a: {  	_ =	swait.ge [sflag:s12], $0x2000  }
0x33b: {  	[sflag:s12] =	ssyncset.done $0x0  }
0x33c: {  	s16 =	simm.s32 $0xE;
	[sflag:s12] =	ssyncadd.s32 $0xFFFFE000  }
0x33d: {  	_ =	swait.ge [sflag:s16], $0x800  }
0x33e: {  	[sflag:s16] =	ssyncset.done $0x0  }
0x33f: {  	s17 =	simm.s32 $0xF;
	[sflag:s16] =	ssyncadd.s32 $0xFFFFF800  }
0x340: {  	_ =	swait.ge [sflag:s17], $0x800  }
0x341: {  	[sflag:s17] =	ssyncset.done $0x0  }
0x342: {  	s18 =	simm.s32 $0x10;
	[sflag:s17] =	ssyncadd.s32 $0xFFFFF800  }
0x343: {  	_ =	swait.ge [sflag:s18], $0x800  }
0x344: {  	[sflag:s18] =	ssyncset.done $0x0  }
0x345: {  	s19 =	simm.s32 $0x11;
	[sflag:s18] =	ssyncadd.s32 $0xFFFFF800  }
0x346: {  	_ =	swait.ge [sflag:s19], $0x800  }
0x347: {  	[sflag:s19] =	ssyncset.done $0x0  }
0x348: {  	[sflag:s19] =	ssyncadd.s32 $0xFFFFF800  }
0x349: {  	v2 =	vld [tilespmem:$0x6700]  }
0x34a: {  	s21 =	simm.s32 $0x7;
	s22 =	simm.s32 $0x4;
	s6 =	simm.s32 $0xA7A0;
	v3 =	vld [tilespmem:$0x6710]  }
0x34b: {  	s2 =	sand.u32 $0x7F, s21;
	s7 =	simm.s32 $0x0;
	s9 =	sand.u32 $0x400, s1;
	v4 =	vld [tilespmem:s6+$0x60]  }
0x34c: {  	s2 =	sor.u32 s2, s9;
	s12 =	simm.s32 $0x1;
	s16 =	sand.u32 $0x78, s7;
	v6 =	vld [tilespmem:s6+$0xFFFFFF80]  }
0x34d: {  	v7 =	vor.u32 s2, v0;
	v23 =	vor.u32 s2, v1;
	s2 =	sand.u32 $0x7C, s22;
	s12 =	sand.u32 $0x79, s12;
	s16 =	sor.u32 s16, s9;
	v5 =	vld [tilespmem:s6+$0x70]  }
0x34e: {  	s2 =	sor.u32 s2, s9;
	s12 =	sor.u32 s12, s9;
	v21 =	vor.u32 s16, v0;
	s17 =	simm.s32 $0x2;
	v20 =	vld [tilespmem:s6+$0xFFFFFF90]  }
0x34f: {  	v10 =	vor.u32 s2, v0;
	v8 =	vor.u32 s2, v1;
	v15 =	vor.u32 s12, v0;
	s17 =	sand.u32 $0x7A, s17;
	s18 =	simm.s32 $0x3;
	v24 =	vld [tilespmem:s6+$0xFFFFFFA0]  }
0x350: {  	s24 =	simm.s32 $0x5;
	v13 =	vor.u32 s12, v1;
	v16 =	vor.u32 s16, v1;
	s17 =	sor.u32 s17, s9;
	s18 =	sand.u32 $0x7B, s18;
	v17 =	vld [tilespmem:s6+$0xFFFFFFB0];
	v4 =	vadd.f32 v4, v2  }
0x351: {  	s28 =	simm.s32 $0x6;
	s12 =	sand.u32 $0x7D, s24;
	v14 =	vor.u32 s17, v0;
	v11 =	vor.u32 s17, v1;
	s26 =	sor.u32 s18, s9;
	v18 =	vld [tilespmem:s6+$0xFFFFFFC0];
	v6 =	vadd.f32 v6, v2  }
0x352: {  	s29 =	sand.u32 $0x7E, s28;
	s12 =	sor.u32 s12, s9;
	v12 =	vor.u32 s26, v0;
	v9 =	vor.u32 s26, v1;
	v19 =	vld [tilespmem:s6+$0xFFFFFFD0];
	v25 =	vadd.f32 v5, v3;
	[tilespmem:v7+s25+$0x0] =	vst.idx.msk $0xffff, v4  }
0x353: {  	s30 =	sor.u32 s29, s9;
	v22 =	vadd.f32 v20, v3;
	v20 =	vld [tilespmem:s6+$0xFFFFFFE0];
	v5 =	vor.u32 s12, v1;
	v7 =	vor.u32 s12, v0;
	[tilespmem:v21+s25+$0x0] =	vst.idx.msk $0xffff, v6  }
0x354: {  	v21 =	vld [tilespmem:s6+$0xFFFFFFF0];
	v6 =	vor.u32 s30, v0;
	v4 =	vor.u32 s30, v1;
	[tilespmem:v23+s25+$0x0] =	vst.idx.msk $0xffff, v25;
	v23 =	vadd.f32 v24, v2  }
.LBB2_28:
0x355: {  	[tilespmem:v16+s25+$0x0] =	vst.idx.msk $0xffff, v22;
	v16 =	vadd.f32 v17, v3;
	v17 =	vld [tilespmem:s6+$0x0];
	s2 =	smov.u32 s7;
	s7 =	sadd.s32 $0x8, s7  }
0x356: {  	s9 =	sadd.s32 $0x9, s2;
	s12 =	sadd.s32 $0xA, s2;
	s16 =	sadd.s32 $0xB, s2;
	[tilespmem:v15+s25+$0x0] =	vst.idx.msk $0xffff, v23;
	v15 =	vadd.f32 v18, v2;
	v18 =	vld [tilespmem:s6+$0x10]  }
0x357: {  	s17 =	sadd.s32 $0xC, s2;
	s18 =	sadd.s32 $0xD, s2;
	s19 =	sadd.s32 $0xE, s2;
	[tilespmem:v13+s25+$0x0] =	vst.idx.msk $0xffff, v16;
	v13 =	vadd.f32 v19, v3;
	v16 =	vld [tilespmem:s6+$0x20]  }
0x358: {  	s21 =	sand.u32 $0x78, s7;
	s9 =	sand.u32 $0x79, s9;
	s12 =	sand.u32 $0x7A, s12;
	[tilespmem:v14+s25+$0x0] =	vst.idx.msk $0xffff, v15;
	v14 =	vadd.f32 v20, v2;
	v15 =	vld [tilespmem:s6+$0x30]  }
0x359: {  	s16 =	sand.u32 $0x7B, s16;
	s17 =	sand.u32 $0x7C, s17;
	s18 =	sand.u32 $0x7D, s18;
	[tilespmem:v11+s25+$0x0] =	vst.idx.msk $0xffff, v13;
	v11 =	vadd.f32 v21, v3;
	v13 =	vld [tilespmem:s6+$0x40]  }
0x35a: {  	s1 =	sadd.s32 $0x40, s1;
	s2 =	sadd.s32 $0xF, s2;
	[tilespmem:v12+s25+$0x0] =	vst.idx.msk $0xffff, v14;
	v12 =	vadd.f32 v17, v2;
	v14 =	vld [tilespmem:s6+$0x50];
	s6 =	sadd.s32 $0x100, s6  }
0x35b: {  	s22 =	sand.u32 $0x400, s1;
	s19 =	sand.u32 $0x7E, s19;
	s2 =	sand.u32 $0x7F, s2;
	v19 =	vld [tilespmem:s6+$0x60];
	[tilespmem:v9+s25+$0x0] =	vst.idx.msk $0xffff, v11;
	v9 =	vadd.f32 v18, v3  }
0x35c: {  	s21 =	sor.u32 s21, s22;
	s9 =	sor.u32 s9, s22;
	s2 =	sor.u32 s2, s22;
	v20 =	vld [tilespmem:s6+$0x70];
	[tilespmem:v10+s25+$0x0] =	vst.idx.msk $0xffff, v12;
	v10 =	vadd.f32 v16, v2  }
0x35d: {  	v23 =	vor.u32 s21, v0;
	s12 =	sor.u32 s12, s22;
	s16 =	sor.u32 s16, s22;
	s17 =	sor.u32 s17, s22;
	v22 =	vor.u32 s2, v0;
	v21 =	vld [tilespmem:s6+$0xFFFFFF80];
	[tilespmem:v8+s25+$0x0] =	vst.idx.msk $0xffff, v9;
	v8 =	vadd.f32 v15, v3  }
0x35e: {  	p0 =	slt.u32 s7, $0xF8;
	s18 =	sor.u32 s18, s22;
	s19 =	sor.u32 s19, s22;
	v25 =	vor.u32 s2, v1;
	v16 =	vor.u32 s21, v1;
	v24 =	vld [tilespmem:s6+$0xFFFFFF90];
	[tilespmem:v7+s25+$0x0] =	vst.idx.msk $0xffff, v10;
	v7 =	vadd.f32 v13, v2  }
0x35f: {  	v15 =	vor.u32 s9, v0;
	v13 =	vor.u32 s9, v1;
	v26 =	vld [tilespmem:s6+$0xFFFFFFA0];
	[tilespmem:v5+s25+$0x0] =	vst.idx.msk $0xffff, v8;
	v5 =	vadd.f32 v14, v3  }
.Ltmp13:
0x360: {  	v11 =	vor.u32 s12, v1;
	v14 =	vor.u32 s12, v0;
	v17 =	vld [tilespmem:s6+$0xFFFFFFB0];
	v27 =	vadd.f32 v19, v2;
	[tilespmem:v6+s25+$0x0] =	vst.idx.msk $0xffff, v7;
	(pc) =	sbr.rel @p0 .LBB2_28-.Ltmp13, $4  }
0x361: {  	v12 =	vor.u32 s16, v0;
	v9 =	vor.u32 s16, v1;
	v18 =	vld [tilespmem:s6+$0xFFFFFFC0];
	v6 =	vadd.f32 v20, v3;
	[tilespmem:v4+s25+$0x0] =	vst.idx.msk $0xffff, v5  }
0x362: {  	v10 =	vor.u32 s17, v0;
	v8 =	vor.u32 s17, v1;
	v4 =	vadd.f32 v21, v2;
	v19 =	vld [tilespmem:s6+$0xFFFFFFD0];
	[tilespmem:v22+s25+$0x0] =	vst.idx.msk $0xffff, v27  }
0x363: {  	v7 =	vor.u32 s18, v0;
	v5 =	vor.u32 s18, v1;
	v22 =	vadd.f32 v24, v3;
	v20 =	vld [tilespmem:s6+$0xFFFFFFE0];
	[tilespmem:v25+s25+$0x0] =	vst.idx.msk $0xffff, v6  }
0x364: {  	v6 =	vor.u32 s19, v0;
	[tilespmem:v23+s25+$0x0] =	vst.idx.msk $0xffff, v4;
	v23 =	vadd.f32 v26, v2;
	v21 =	vld [tilespmem:s6+$0xFFFFFFF0];
	v4 =	vor.u32 s19, v1  }
0x365: {  	_ =	sdelay $0x3  }
0x366: {  	[tilespmem:v16+s25+$0x0] =	vst.idx.msk $0xffff, v22;
	v16 =	vadd.f32 v17, v3;
	v17 =	vld [tilespmem:s6+$0x0]  }
0x367: {  	[tilespmem:v15+s25+$0x0] =	vst.idx.msk $0xffff, v23;
	v15 =	vadd.f32 v18, v2;
	v18 =	vld [tilespmem:s6+$0x10]  }
0x368: {  	[tilespmem:v13+s25+$0x0] =	vst.idx.msk $0xffff, v16;
	v13 =	vadd.f32 v19, v3;
	v16 =	vld [tilespmem:s6+$0x20]  }
0x369: {  	[tilespmem:v14+s25+$0x0] =	vst.idx.msk $0xffff, v15;
	v14 =	vadd.f32 v20, v2;
	v15 =	vld [tilespmem:s6+$0x30]  }
0x36a: {  	[tilespmem:v11+s25+$0x0] =	vst.idx.msk $0xffff, v13;
	v11 =	vadd.f32 v21, v3;
	v13 =	vld [tilespmem:s6+$0x40]  }
0x36b: {  	[tilespmem:v12+s25+$0x0] =	vst.idx.msk $0xffff, v14;
	v12 =	vadd.f32 v17, v2;
	v14 =	vld [tilespmem:s6+$0x50]  }
0x36c: {  	[tilespmem:v9+s25+$0x0] =	vst.idx.msk $0xffff, v11;
	v9 =	vadd.f32 v18, v3  }
0x36d: {  	[tilespmem:v10+s25+$0x0] =	vst.idx.msk $0xffff, v12;
	v10 =	vadd.f32 v16, v2  }
0x36e: {  	[tilespmem:v8+s25+$0x0] =	vst.idx.msk $0xffff, v9;
	v8 =	vadd.f32 v15, v3  }
0x36f: {  	[tilespmem:v7+s25+$0x0] =	vst.idx.msk $0xffff, v10;
	v2 =	vadd.f32 v13, v2  }
0x370: {  	[tilespmem:v5+s25+$0x0] =	vst.idx.msk $0xffff, v8;
	v3 =	vadd.f32 v14, v3  }
0x371: {  	[tilespmem:v6+s25+$0x0] =	vst.idx.msk $0xffff, v2  }
0x372: {  	[tilespmem:v4+s25+$0x0] =	vst.idx.msk $0xffff, v3  }
0x373: {  	s2 =	sld [smem:$0x7F1];
	_ =	sdelay $0x1  }
0x374: {  	s1 =	simm.s32 $0x0;
	s26 =	sld [smem:$0x7F2]  }
0x375: {  	[hbm4b:s2+s1] =	stream.linear.scatter [tilespmem:s25], [sflag:$0xE], $0x800, $0x38;
	[tilespmem:$0x1A720] =	vst v63  }
0x376: {  	s28 =	simm.s32 $0x14F20;
	s29 =	sld [smem:$0x7F3]  }
0x377: {  	[hbm4b:s26+s1] =	stream.linear.scatter [tilespmem:s28], [sflag:$0xF], $0x800, $0x38;
	[tilespmem:$0x1A720] =	vst v63  }
0x378: {  	s30 =	simm.s32 $0x15720;
	s7 =	sld [smem:$0x7F4]  }
0x379: {  	[hbm4b:s29+s1] =	stream.linear.scatter [tilespmem:s30], [sflag:$0x10], $0x800, $0x38;
	[tilespmem:$0x1A720] =	vst v63  }
0x37a: {  	s9 =	simm.s32 $0x15F20;
	s12 =	simm.s32 $0x4  }
0x37b: {  	[hbm4b:s7+s1] =	stream.linear.scatter [tilespmem:s9], [sflag:$0x11], $0x800, $0x38;
	[tilespmem:$0x1A720] =	vst v63  }
0x37c: {  	_ =	swait.ge [sflag:s12], $0x2000  }
0x37d: {  	[sflag:s12] =	ssyncset.done $0x0  }
0x37e: {  	s16 =	simm.s32 $0x12;
	[sflag:s12] =	ssyncadd.s32 $0xFFFFE000  }
0x37f: {  	_ =	swait.ge [sflag:s16], $0x800  }
0x380: {  	[sflag:s16] =	ssyncset.done $0x0  }
0x381: {  	s17 =	simm.s32 $0x13;
	[sflag:s16] =	ssyncadd.s32 $0xFFFFF800  }
0x382: {  	_ =	swait.ge [sflag:s17], $0x800  }
0x383: {  	[sflag:s17] =	ssyncset.done $0x0  }
0x384: {  	s18 =	simm.s32 $0x14;
	[sflag:s17] =	ssyncadd.s32 $0xFFFFF800  }
0x385: {  	_ =	swait.ge [sflag:s18], $0x800  }
0x386: {  	[sflag:s18] =	ssyncset.done $0x0  }
0x387: {  	s19 =	simm.s32 $0x15;
	[sflag:s18] =	ssyncadd.s32 $0xFFFFF800  }
0x388: {  	_ =	swait.ge [sflag:s19], $0x800  }
0x389: {  	[sflag:s19] =	ssyncset.done $0x0  }
0x38a: {  	[sflag:s19] =	ssyncadd.s32 $0xFFFFF800  }
0x38b: {  	v2 =	vld [tilespmem:$0x6700]  }
0x38c: {  	s21 =	simm.s32 $0x7;
	s22 =	simm.s32 $0x4;
	s6 =	simm.s32 $0xC7A0;
	v3 =	vld [tilespmem:$0x6710]  }
0x38d: {  	s2 =	sand.u32 $0x7F, s21;
	s7 =	simm.s32 $0x0;
	s9 =	sand.u32 $0x400, s1;
	v4 =	vld [tilespmem:s6+$0x60]  }
0x38e: {  	s2 =	sor.u32 s2, s9;
	s12 =	simm.s32 $0x1;
	s16 =	sand.u32 $0x78, s7;
	v6 =	vld [tilespmem:s6+$0xFFFFFF80]  }
0x38f: {  	v7 =	vor.u32 s2, v0;
	v23 =	vor.u32 s2, v1;
	s2 =	sand.u32 $0x7C, s22;
	s12 =	sand.u32 $0x79, s12;
	s16 =	sor.u32 s16, s9;
	v5 =	vld [tilespmem:s6+$0x70]  }
0x390: {  	s2 =	sor.u32 s2, s9;
	s12 =	sor.u32 s12, s9;
	v21 =	vor.u32 s16, v0;
	s17 =	simm.s32 $0x2;
	v20 =	vld [tilespmem:s6+$0xFFFFFF90]  }
0x391: {  	v10 =	vor.u32 s2, v0;
	v8 =	vor.u32 s2, v1;
	v15 =	vor.u32 s12, v0;
	s17 =	sand.u32 $0x7A, s17;
	s18 =	simm.s32 $0x3;
	v24 =	vld [tilespmem:s6+$0xFFFFFFA0]  }
0x392: {  	s24 =	simm.s32 $0x5;
	v13 =	vor.u32 s12, v1;
	v16 =	vor.u32 s16, v1;
	s17 =	sor.u32 s17, s9;
	s18 =	sand.u32 $0x7B, s18;
	v17 =	vld [tilespmem:s6+$0xFFFFFFB0];
	v4 =	vadd.f32 v4, v2  }
0x393: {  	s28 =	simm.s32 $0x6;
	s12 =	sand.u32 $0x7D, s24;
	v14 =	vor.u32 s17, v0;
	v11 =	vor.u32 s17, v1;
	s26 =	sor.u32 s18, s9;
	v18 =	vld [tilespmem:s6+$0xFFFFFFC0];
	v6 =	vadd.f32 v6, v2  }
0x394: {  	s29 =	sand.u32 $0x7E, s28;
	s12 =	sor.u32 s12, s9;
	v12 =	vor.u32 s26, v0;
	v9 =	vor.u32 s26, v1;
	v19 =	vld [tilespmem:s6+$0xFFFFFFD0];
	v25 =	vadd.f32 v5, v3;
	[tilespmem:v7+s31+$0x0] =	vst.idx.msk $0xffff, v4  }
0x395: {  	s30 =	sor.u32 s29, s9;
	v22 =	vadd.f32 v20, v3;
	v20 =	vld [tilespmem:s6+$0xFFFFFFE0];
	v5 =	vor.u32 s12, v1;
	v7 =	vor.u32 s12, v0;
	[tilespmem:v21+s31+$0x0] =	vst.idx.msk $0xffff, v6  }
0x396: {  	v21 =	vld [tilespmem:s6+$0xFFFFFFF0];
	v6 =	vor.u32 s30, v0;
	v4 =	vor.u32 s30, v1;
	[tilespmem:v23+s31+$0x0] =	vst.idx.msk $0xffff, v25;
	v23 =	vadd.f32 v24, v2  }
.LBB2_30:
0x397: {  	[tilespmem:v16+s31+$0x0] =	vst.idx.msk $0xffff, v22;
	v16 =	vadd.f32 v17, v3;
	v17 =	vld [tilespmem:s6+$0x0];
	s2 =	smov.u32 s7;
	s7 =	sadd.s32 $0x8, s7  }
0x398: {  	s9 =	sadd.s32 $0x9, s2;
	s12 =	sadd.s32 $0xA, s2;
	s16 =	sadd.s32 $0xB, s2;
	[tilespmem:v15+s31+$0x0] =	vst.idx.msk $0xffff, v23;
	v15 =	vadd.f32 v18, v2;
	v18 =	vld [tilespmem:s6+$0x10]  }
0x399: {  	s17 =	sadd.s32 $0xC, s2;
	s18 =	sadd.s32 $0xD, s2;
	s19 =	sadd.s32 $0xE, s2;
	[tilespmem:v13+s31+$0x0] =	vst.idx.msk $0xffff, v16;
	v13 =	vadd.f32 v19, v3;
	v16 =	vld [tilespmem:s6+$0x20]  }
0x39a: {  	s21 =	sand.u32 $0x78, s7;
	s9 =	sand.u32 $0x79, s9;
	s12 =	sand.u32 $0x7A, s12;
	[tilespmem:v14+s31+$0x0] =	vst.idx.msk $0xffff, v15;
	v14 =	vadd.f32 v20, v2;
	v15 =	vld [tilespmem:s6+$0x30]  }
0x39b: {  	s16 =	sand.u32 $0x7B, s16;
	s17 =	sand.u32 $0x7C, s17;
	s18 =	sand.u32 $0x7D, s18;
	[tilespmem:v11+s31+$0x0] =	vst.idx.msk $0xffff, v13;
	v11 =	vadd.f32 v21, v3;
	v13 =	vld [tilespmem:s6+$0x40]  }
0x39c: {  	s1 =	sadd.s32 $0x40, s1;
	s2 =	sadd.s32 $0xF, s2;
	[tilespmem:v12+s31+$0x0] =	vst.idx.msk $0xffff, v14;
	v12 =	vadd.f32 v17, v2;
	v14 =	vld [tilespmem:s6+$0x50];
	s6 =	sadd.s32 $0x100, s6  }
0x39d: {  	s22 =	sand.u32 $0x400, s1;
	s19 =	sand.u32 $0x7E, s19;
	s2 =	sand.u32 $0x7F, s2;
	v19 =	vld [tilespmem:s6+$0x60];
	[tilespmem:v9+s31+$0x0] =	vst.idx.msk $0xffff, v11;
	v9 =	vadd.f32 v18, v3  }
0x39e: {  	s21 =	sor.u32 s21, s22;
	s9 =	sor.u32 s9, s22;
	s2 =	sor.u32 s2, s22;
	v20 =	vld [tilespmem:s6+$0x70];
	[tilespmem:v10+s31+$0x0] =	vst.idx.msk $0xffff, v12;
	v10 =	vadd.f32 v16, v2  }
0x39f: {  	v23 =	vor.u32 s21, v0;
	s12 =	sor.u32 s12, s22;
	s16 =	sor.u32 s16, s22;
	s17 =	sor.u32 s17, s22;
	v22 =	vor.u32 s2, v0;
	v21 =	vld [tilespmem:s6+$0xFFFFFF80];
	[tilespmem:v8+s31+$0x0] =	vst.idx.msk $0xffff, v9;
	v8 =	vadd.f32 v15, v3  }
0x3a0: {  	p0 =	slt.u32 s7, $0xF8;
	s18 =	sor.u32 s18, s22;
	s19 =	sor.u32 s19, s22;
	v25 =	vor.u32 s2, v1;
	v16 =	vor.u32 s21, v1;
	v24 =	vld [tilespmem:s6+$0xFFFFFF90];
	[tilespmem:v7+s31+$0x0] =	vst.idx.msk $0xffff, v10;
	v7 =	vadd.f32 v13, v2  }
0x3a1: {  	v15 =	vor.u32 s9, v0;
	v13 =	vor.u32 s9, v1;
	v26 =	vld [tilespmem:s6+$0xFFFFFFA0];
	[tilespmem:v5+s31+$0x0] =	vst.idx.msk $0xffff, v8;
	v5 =	vadd.f32 v14, v3  }
.Ltmp14:
0x3a2: {  	v11 =	vor.u32 s12, v1;
	v14 =	vor.u32 s12, v0;
	v17 =	vld [tilespmem:s6+$0xFFFFFFB0];
	v27 =	vadd.f32 v19, v2;
	[tilespmem:v6+s31+$0x0] =	vst.idx.msk $0xffff, v7;
	(pc) =	sbr.rel @p0 .LBB2_30-.Ltmp14, $4  }
0x3a3: {  	v12 =	vor.u32 s16, v0;
	v9 =	vor.u32 s16, v1;
	v18 =	vld [tilespmem:s6+$0xFFFFFFC0];
	v6 =	vadd.f32 v20, v3;
	[tilespmem:v4+s31+$0x0] =	vst.idx.msk $0xffff, v5  }
0x3a4: {  	v10 =	vor.u32 s17, v0;
	v8 =	vor.u32 s17, v1;
	v4 =	vadd.f32 v21, v2;
	v19 =	vld [tilespmem:s6+$0xFFFFFFD0];
	[tilespmem:v22+s31+$0x0] =	vst.idx.msk $0xffff, v27  }
0x3a5: {  	v7 =	vor.u32 s18, v0;
	v5 =	vor.u32 s18, v1;
	v22 =	vadd.f32 v24, v3;
	v20 =	vld [tilespmem:s6+$0xFFFFFFE0];
	[tilespmem:v25+s31+$0x0] =	vst.idx.msk $0xffff, v6  }
0x3a6: {  	v6 =	vor.u32 s19, v0;
	[tilespmem:v23+s31+$0x0] =	vst.idx.msk $0xffff, v4;
	v23 =	vadd.f32 v26, v2;
	v21 =	vld [tilespmem:s6+$0xFFFFFFF0];
	v4 =	vor.u32 s19, v1  }
0x3a7: {  	_ =	sdelay $0x3  }
0x3a8: {  	[tilespmem:v16+s31+$0x0] =	vst.idx.msk $0xffff, v22;
	v16 =	vadd.f32 v17, v3;
	v17 =	vld [tilespmem:s6+$0x0]  }
0x3a9: {  	[tilespmem:v15+s31+$0x0] =	vst.idx.msk $0xffff, v23;
	v15 =	vadd.f32 v18, v2;
	v18 =	vld [tilespmem:s6+$0x10]  }
0x3aa: {  	[tilespmem:v13+s31+$0x0] =	vst.idx.msk $0xffff, v16;
	v13 =	vadd.f32 v19, v3;
	v16 =	vld [tilespmem:s6+$0x20]  }
0x3ab: {  	[tilespmem:v14+s31+$0x0] =	vst.idx.msk $0xffff, v15;
	v14 =	vadd.f32 v20, v2;
	v15 =	vld [tilespmem:s6+$0x30]  }
0x3ac: {  	[tilespmem:v11+s31+$0x0] =	vst.idx.msk $0xffff, v13;
	v11 =	vadd.f32 v21, v3;
	v13 =	vld [tilespmem:s6+$0x40]  }
0x3ad: {  	[tilespmem:v12+s31+$0x0] =	vst.idx.msk $0xffff, v14;
	v12 =	vadd.f32 v17, v2;
	v14 =	vld [tilespmem:s6+$0x50]  }
0x3ae: {  	[tilespmem:v9+s31+$0x0] =	vst.idx.msk $0xffff, v11;
	v9 =	vadd.f32 v18, v3  }
0x3af: {  	[tilespmem:v10+s31+$0x0] =	vst.idx.msk $0xffff, v12;
	v10 =	vadd.f32 v16, v2  }
0x3b0: {  	[tilespmem:v8+s31+$0x0] =	vst.idx.msk $0xffff, v9;
	v8 =	vadd.f32 v15, v3  }
0x3b1: {  	[tilespmem:v7+s31+$0x0] =	vst.idx.msk $0xffff, v10;
	v2 =	vadd.f32 v13, v2  }
0x3b2: {  	[tilespmem:v5+s31+$0x0] =	vst.idx.msk $0xffff, v8;
	v3 =	vadd.f32 v14, v3  }
0x3b3: {  	[tilespmem:v6+s31+$0x0] =	vst.idx.msk $0xffff, v2  }
0x3b4: {  	[tilespmem:v4+s31+$0x0] =	vst.idx.msk $0xffff, v3  }
0x3b5: {  	s2 =	sld [smem:$0x7F5];
	_ =	sdelay $0x1  }
0x3b6: {  	s1 =	simm.s32 $0x0;
	s26 =	sld [smem:$0x7F6]  }
0x3b7: {  	[hbm4b:s2+s1] =	stream.linear.scatter [tilespmem:s31], [sflag:$0x12], $0x800, $0x38;
	[tilespmem:$0x1A720] =	vst v63  }
0x3b8: {  	s28 =	simm.s32 $0x16F20;
	s29 =	sld [smem:$0x7F7]  }
0x3b9: {  	[hbm4b:s26+s1] =	stream.linear.scatter [tilespmem:s28], [sflag:$0x13], $0x800, $0x38;
	[tilespmem:$0x1A720] =	vst v63  }
0x3ba: {  	s30 =	simm.s32 $0x17720;
	s7 =	sld [smem:$0x7F8]  }
0x3bb: {  	[hbm4b:s29+s1] =	stream.linear.scatter [tilespmem:s30], [sflag:$0x14], $0x800, $0x38;
	[tilespmem:$0x1A720] =	vst v63  }
0x3bc: {  	s9 =	simm.s32 $0x17F20;
	s12 =	simm.s32 $0x5  }
0x3bd: {  	[hbm4b:s7+s1] =	stream.linear.scatter [tilespmem:s9], [sflag:$0x15], $0x800, $0x38;
	[tilespmem:$0x1A720] =	vst v63  }
0x3be: {  	_ =	swait.ge [sflag:s12], $0x2000  }
0x3bf: {  	[sflag:s12] =	ssyncset.done $0x0  }
0x3c0: {  	s16 =	simm.s32 $0x16;
	[sflag:s12] =	ssyncadd.s32 $0xFFFFE000  }
0x3c1: {  	_ =	swait.ge [sflag:s16], $0x800  }
0x3c2: {  	[sflag:s16] =	ssyncset.done $0x0  }
0x3c3: {  	s17 =	simm.s32 $0x17;
	[sflag:s16] =	ssyncadd.s32 $0xFFFFF800  }
0x3c4: {  	_ =	swait.ge [sflag:s17], $0x800  }
0x3c5: {  	[sflag:s17] =	ssyncset.done $0x0  }
0x3c6: {  	s18 =	simm.s32 $0x18;
	[sflag:s17] =	ssyncadd.s32 $0xFFFFF800  }
0x3c7: {  	_ =	swait.ge [sflag:s18], $0x800  }
0x3c8: {  	[sflag:s18] =	ssyncset.done $0x0  }
0x3c9: {  	s19 =	simm.s32 $0x19;
	[sflag:s18] =	ssyncadd.s32 $0xFFFFF800  }
0x3ca: {  	_ =	swait.ge [sflag:s19], $0x800  }
0x3cb: {  	[sflag:s19] =	ssyncset.done $0x0  }
0x3cc: {  	[sflag:s19] =	ssyncadd.s32 $0xFFFFF800  }
0x3cd: {  	v2 =	vld [tilespmem:$0x6700]  }
0x3ce: {  	s21 =	simm.s32 $0x7;
	s22 =	simm.s32 $0x4;
	s6 =	simm.s32 $0xE7A0;
	v3 =	vld [tilespmem:$0x6710]  }
0x3cf: {  	s2 =	sand.u32 $0x7F, s21;
	s7 =	simm.s32 $0x0;
	s9 =	sand.u32 $0x400, s1;
	v4 =	vld [tilespmem:s6+$0x60]  }
0x3d0: {  	s2 =	sor.u32 s2, s9;
	s12 =	simm.s32 $0x1;
	s16 =	sand.u32 $0x78, s7;
	v6 =	vld [tilespmem:s6+$0xFFFFFF80]  }
0x3d1: {  	v7 =	vor.u32 s2, v0;
	v23 =	vor.u32 s2, v1;
	s2 =	sand.u32 $0x7C, s22;
	s12 =	sand.u32 $0x79, s12;
	s16 =	sor.u32 s16, s9;
	v5 =	vld [tilespmem:s6+$0x70]  }
0x3d2: {  	s2 =	sor.u32 s2, s9;
	s12 =	sor.u32 s12, s9;
	v21 =	vor.u32 s16, v0;
	s17 =	simm.s32 $0x2;
	v20 =	vld [tilespmem:s6+$0xFFFFFF90]  }
0x3d3: {  	v10 =	vor.u32 s2, v0;
	v8 =	vor.u32 s2, v1;
	v15 =	vor.u32 s12, v0;
	s17 =	sand.u32 $0x7A, s17;
	s18 =	simm.s32 $0x3;
	v24 =	vld [tilespmem:s6+$0xFFFFFFA0]  }
0x3d4: {  	s24 =	simm.s32 $0x5;
	v13 =	vor.u32 s12, v1;
	v16 =	vor.u32 s16, v1;
	s17 =	sor.u32 s17, s9;
	s18 =	sand.u32 $0x7B, s18;
	v17 =	vld [tilespmem:s6+$0xFFFFFFB0];
	v4 =	vadd.f32 v4, v2  }
0x3d5: {  	s28 =	simm.s32 $0x6;
	s12 =	sand.u32 $0x7D, s24;
	v14 =	vor.u32 s17, v0;
	v11 =	vor.u32 s17, v1;
	s26 =	sor.u32 s18, s9;
	v18 =	vld [tilespmem:s6+$0xFFFFFFC0];
	v6 =	vadd.f32 v6, v2  }
0x3d6: {  	s29 =	sand.u32 $0x7E, s28;
	s12 =	sor.u32 s12, s9;
	v12 =	vor.u32 s26, v0;
	v9 =	vor.u32 s26, v1;
	v19 =	vld [tilespmem:s6+$0xFFFFFFD0];
	v25 =	vadd.f32 v5, v3;
	[tilespmem:v7+s10+$0x0] =	vst.idx.msk $0xffff, v4  }
0x3d7: {  	s30 =	sor.u32 s29, s9;
	v22 =	vadd.f32 v20, v3;
	v20 =	vld [tilespmem:s6+$0xFFFFFFE0];
	v5 =	vor.u32 s12, v1;
	v7 =	vor.u32 s12, v0;
	[tilespmem:v21+s10+$0x0] =	vst.idx.msk $0xffff, v6  }
0x3d8: {  	v21 =	vld [tilespmem:s6+$0xFFFFFFF0];
	v6 =	vor.u32 s30, v0;
	v4 =	vor.u32 s30, v1;
	[tilespmem:v23+s10+$0x0] =	vst.idx.msk $0xffff, v25;
	v23 =	vadd.f32 v24, v2  }
.LBB2_32:
0x3d9: {  	[tilespmem:v16+s10+$0x0] =	vst.idx.msk $0xffff, v22;
	v16 =	vadd.f32 v17, v3;
	v17 =	vld [tilespmem:s6+$0x0];
	s2 =	smov.u32 s7;
	s7 =	sadd.s32 $0x8, s7  }
0x3da: {  	s9 =	sadd.s32 $0x9, s2;
	s12 =	sadd.s32 $0xA, s2;
	s16 =	sadd.s32 $0xB, s2;
	[tilespmem:v15+s10+$0x0] =	vst.idx.msk $0xffff, v23;
	v15 =	vadd.f32 v18, v2;
	v18 =	vld [tilespmem:s6+$0x10]  }
0x3db: {  	s17 =	sadd.s32 $0xC, s2;
	s18 =	sadd.s32 $0xD, s2;
	s19 =	sadd.s32 $0xE, s2;
	[tilespmem:v13+s10+$0x0] =	vst.idx.msk $0xffff, v16;
	v13 =	vadd.f32 v19, v3;
	v16 =	vld [tilespmem:s6+$0x20]  }
0x3dc: {  	s21 =	sand.u32 $0x78, s7;
	s9 =	sand.u32 $0x79, s9;
	s12 =	sand.u32 $0x7A, s12;
	[tilespmem:v14+s10+$0x0] =	vst.idx.msk $0xffff, v15;
	v14 =	vadd.f32 v20, v2;
	v15 =	vld [tilespmem:s6+$0x30]  }
0x3dd: {  	s16 =	sand.u32 $0x7B, s16;
	s17 =	sand.u32 $0x7C, s17;
	s18 =	sand.u32 $0x7D, s18;
	[tilespmem:v11+s10+$0x0] =	vst.idx.msk $0xffff, v13;
	v11 =	vadd.f32 v21, v3;
	v13 =	vld [tilespmem:s6+$0x40]  }
0x3de: {  	s1 =	sadd.s32 $0x40, s1;
	s2 =	sadd.s32 $0xF, s2;
	[tilespmem:v12+s10+$0x0] =	vst.idx.msk $0xffff, v14;
	v12 =	vadd.f32 v17, v2;
	v14 =	vld [tilespmem:s6+$0x50];
	s6 =	sadd.s32 $0x100, s6  }
0x3df: {  	s22 =	sand.u32 $0x400, s1;
	s19 =	sand.u32 $0x7E, s19;
	s2 =	sand.u32 $0x7F, s2;
	v19 =	vld [tilespmem:s6+$0x60];
	[tilespmem:v9+s10+$0x0] =	vst.idx.msk $0xffff, v11;
	v9 =	vadd.f32 v18, v3  }
0x3e0: {  	s21 =	sor.u32 s21, s22;
	s9 =	sor.u32 s9, s22;
	s2 =	sor.u32 s2, s22;
	v20 =	vld [tilespmem:s6+$0x70];
	[tilespmem:v10+s10+$0x0] =	vst.idx.msk $0xffff, v12;
	v10 =	vadd.f32 v16, v2  }
0x3e1: {  	v23 =	vor.u32 s21, v0;
	s12 =	sor.u32 s12, s22;
	s16 =	sor.u32 s16, s22;
	s17 =	sor.u32 s17, s22;
	v22 =	vor.u32 s2, v0;
	v21 =	vld [tilespmem:s6+$0xFFFFFF80];
	[tilespmem:v8+s10+$0x0] =	vst.idx.msk $0xffff, v9;
	v8 =	vadd.f32 v15, v3  }
0x3e2: {  	p0 =	slt.u32 s7, $0xF8;
	s18 =	sor.u32 s18, s22;
	s19 =	sor.u32 s19, s22;
	v25 =	vor.u32 s2, v1;
	v16 =	vor.u32 s21, v1;
	v24 =	vld [tilespmem:s6+$0xFFFFFF90];
	[tilespmem:v7+s10+$0x0] =	vst.idx.msk $0xffff, v10;
	v7 =	vadd.f32 v13, v2  }
0x3e3: {  	v15 =	vor.u32 s9, v0;
	v13 =	vor.u32 s9, v1;
	v26 =	vld [tilespmem:s6+$0xFFFFFFA0];
	[tilespmem:v5+s10+$0x0] =	vst.idx.msk $0xffff, v8;
	v5 =	vadd.f32 v14, v3  }
.Ltmp15:
0x3e4: {  	v11 =	vor.u32 s12, v1;
	v14 =	vor.u32 s12, v0;
	v17 =	vld [tilespmem:s6+$0xFFFFFFB0];
	v27 =	vadd.f32 v19, v2;
	[tilespmem:v6+s10+$0x0] =	vst.idx.msk $0xffff, v7;
	(pc) =	sbr.rel @p0 .LBB2_32-.Ltmp15, $4  }
0x3e5: {  	v12 =	vor.u32 s16, v0;
	v9 =	vor.u32 s16, v1;
	v18 =	vld [tilespmem:s6+$0xFFFFFFC0];
	v6 =	vadd.f32 v20, v3;
	[tilespmem:v4+s10+$0x0] =	vst.idx.msk $0xffff, v5  }
0x3e6: {  	v10 =	vor.u32 s17, v0;
	v8 =	vor.u32 s17, v1;
	v4 =	vadd.f32 v21, v2;
	v19 =	vld [tilespmem:s6+$0xFFFFFFD0];
	[tilespmem:v22+s10+$0x0] =	vst.idx.msk $0xffff, v27  }
0x3e7: {  	v7 =	vor.u32 s18, v0;
	v5 =	vor.u32 s18, v1;
	v22 =	vadd.f32 v24, v3;
	v20 =	vld [tilespmem:s6+$0xFFFFFFE0];
	[tilespmem:v25+s10+$0x0] =	vst.idx.msk $0xffff, v6  }
0x3e8: {  	v6 =	vor.u32 s19, v0;
	[tilespmem:v23+s10+$0x0] =	vst.idx.msk $0xffff, v4;
	v23 =	vadd.f32 v26, v2;
	v21 =	vld [tilespmem:s6+$0xFFFFFFF0];
	v4 =	vor.u32 s19, v1  }
0x3e9: {  	_ =	sdelay $0x3  }
0x3ea: {  	[tilespmem:v16+s10+$0x0] =	vst.idx.msk $0xffff, v22;
	v49 =	vadd.f32 v17, v3;
	v50 =	vld [tilespmem:s6+$0x0]  }
0x3eb: {  	v54 =	vld [tilespmem:s6+$0x20];
	[tilespmem:v15+s10+$0x0] =	vst.idx.msk $0xffff, v23;
	v51 =	vadd.f32 v18, v2  }
0x3ec: {  	v58 =	vld [tilespmem:s6+$0x40];
	[tilespmem:v13+s10+$0x0] =	vst.idx.msk $0xffff, v49;
	v53 =	vadd.f32 v19, v3  }
0x3ed: {  	v52 =	vld [tilespmem:s6+$0x10];
	[tilespmem:v14+s10+$0x0] =	vst.idx.msk $0xffff, v51;
	v55 =	vadd.f32 v20, v2  }
0x3ee: {  	v56 =	vld [tilespmem:s6+$0x30];
	[tilespmem:v11+s10+$0x0] =	vst.idx.msk $0xffff, v53;
	v57 =	vadd.f32 v21, v3  }
0x3ef: {  	v59 =	vld [tilespmem:s6+$0x50];
	[tilespmem:v12+s10+$0x0] =	vst.idx.msk $0xffff, v55;
	v60 =	vadd.f32 v50, v2  }
0x3f0: {  	v62 =	vadd.f32 v54, v2;
	[tilespmem:v9+s10+$0x0] =	vst.idx.msk $0xffff, v57  }
0x3f1: {  	v2 =	vadd.f32 v58, v2;
	[tilespmem:v10+s10+$0x0] =	vst.idx.msk $0xffff, v60  }
0x3f2: {  	v61 =	vadd.f32 v52, v3;
	[tilespmem:v7+s10+$0x0] =	vst.idx.msk $0xffff, v62  }
0x3f3: {  	v63 =	vadd.f32 v56, v3;
	[tilespmem:v6+s10+$0x0] =	vst.idx.msk $0xffff, v2  }
0x3f4: {  	v3 =	vadd.f32 v59, v3;
	[tilespmem:v8+s10+$0x0] =	vst.idx.msk $0xffff, v61  }
0x3f5: {  	[tilespmem:v5+s10+$0x0] =	vst.idx.msk $0xffff, v63  }
0x3f6: {  	[tilespmem:v4+s10+$0x0] =	vst.idx.msk $0xffff, v3  }
0x3f7: {  	s1 =	sld [smem:$0x7F9];
	_ =	sdelay $0x1  }
0x3f8: {  	s16 =	sld [smem:$0x7FA]  }
0x3f9: {  	[hbm4b:s1+s23] =	stream.linear.scatter [tilespmem:s10], [sflag:$0x16], $0x800, $0x38;
	[tilespmem:$0x1A720] =	vst v63  }
0x3fa: {  	s2 =	simm.s32 $0x18F20;
	s17 =	sld [smem:$0x7FB]  }
0x3fb: {  	[hbm4b:s16+s23] =	stream.linear.scatter [tilespmem:s2], [sflag:$0x17], $0x800, $0x38;
	[tilespmem:$0x1A720] =	vst v63  }
0x3fc: {  	s18 =	simm.s32 $0x19720;
	s19 =	sld [smem:$0x7FC]  }
0x3fd: {  	[hbm4b:s17+s23] =	stream.linear.scatter [tilespmem:s18], [sflag:$0x18], $0x800, $0x38;
	[tilespmem:$0x1A720] =	vst v63  }
0x3fe: {  	s21 =	simm.s32 $0x19F20;
	s22 =	simm.s32 $0x6  }
0x3ff: {  	[hbm4b:s19+s23] =	stream.linear.scatter [tilespmem:s21], [sflag:$0x19], $0x800, $0x38;
	[tilespmem:$0x1A720] =	vst v63  }
0x400: {  	_ =	swait.ge [sflag:s22], $0x800  }
0x401: {  	[sflag:s22] =	ssyncset.done $0x0  }
0x402: {  	s24 =	simm.s32 $0x7;
	[sflag:s22] =	ssyncadd.s32 $0xFFFFF800  }
0x403: {  	_ =	swait.ge [sflag:s24], $0x800  }
0x404: {  	[sflag:s24] =	ssyncset.done $0x0  }
0x405: {  	s26 =	simm.s32 $0x8;
	[sflag:s24] =	ssyncadd.s32 $0xFFFFF800  }
0x406: {  	_ =	swait.ge [sflag:s26], $0x800  }
0x407: {  	[sflag:s26] =	ssyncset.done $0x0  }
0x408: {  	s28 =	simm.s32 $0x9;
	[sflag:s26] =	ssyncadd.s32 $0xFFFFF800  }
0x409: {  	_ =	swait.ge [sflag:s28], $0x800  }
0x40a: {  	[sflag:s28] =	ssyncset.done $0x0  }
0x40b: {  	s29 =	simm.s32 $0xA;
	[sflag:s28] =	ssyncadd.s32 $0xFFFFF800  }
0x40c: {  	_ =	swait.ge [sflag:s29], $0x800  }
0x40d: {  	[sflag:s29] =	ssyncset.done $0x0  }
0x40e: {  	s30 =	simm.s32 $0xB;
	[sflag:s29] =	ssyncadd.s32 $0xFFFFF800  }
0x40f: {  	_ =	swait.ge [sflag:s30], $0x800  }
0x410: {  	[sflag:s30] =	ssyncset.done $0x0  }
0x411: {  	s2 =	simm.s32 $0xC;
	[sflag:s30] =	ssyncadd.s32 $0xFFFFF800  }
0x412: {  	_ =	swait.ge [sflag:s2], $0x800  }
0x413: {  	[sflag:s2] =	ssyncset.done $0x0  }
0x414: {  	s6 =	simm.s32 $0xD;
	[sflag:s2] =	ssyncadd.s32 $0xFFFFF800  }
0x415: {  	_ =	swait.ge [sflag:s6], $0x800  }
0x416: {  	[sflag:s6] =	ssyncset.done $0x0  }
0x417: {  	s7 =	simm.s32 $0xE;
	[sflag:s6] =	ssyncadd.s32 $0xFFFFF800  }
0x418: {  	_ =	swait.ge [sflag:s7], $0x800  }
0x419: {  	[sflag:s7] =	ssyncset.done $0x0  }
0x41a: {  	s9 =	simm.s32 $0xF;
	[sflag:s7] =	ssyncadd.s32 $0xFFFFF800  }
0x41b: {  	_ =	swait.ge [sflag:s9], $0x800  }
0x41c: {  	[sflag:s9] =	ssyncset.done $0x0  }
0x41d: {  	s12 =	simm.s32 $0x10;
	[sflag:s9] =	ssyncadd.s32 $0xFFFFF800  }
0x41e: {  	_ =	swait.ge [sflag:s12], $0x800  }
0x41f: {  	[sflag:s12] =	ssyncset.done $0x0  }
0x420: {  	s16 =	simm.s32 $0x11;
	[sflag:s12] =	ssyncadd.s32 $0xFFFFF800  }
0x421: {  	_ =	swait.ge [sflag:s16], $0x800  }
0x422: {  	[sflag:s16] =	ssyncset.done $0x0  }
0x423: {  	s17 =	simm.s32 $0x12;
	[sflag:s16] =	ssyncadd.s32 $0xFFFFF800  }
0x424: {  	_ =	swait.ge [sflag:s17], $0x800  }
0x425: {  	[sflag:s17] =	ssyncset.done $0x0  }
0x426: {  	s18 =	simm.s32 $0x13;
	[sflag:s17] =	ssyncadd.s32 $0xFFFFF800  }
0x427: {  	_ =	swait.ge [sflag:s18], $0x800  }
0x428: {  	[sflag:s18] =	ssyncset.done $0x0  }
0x429: {  	s19 =	simm.s32 $0x14;
	[sflag:s18] =	ssyncadd.s32 $0xFFFFF800  }
0x42a: {  	_ =	swait.ge [sflag:s19], $0x800  }
0x42b: {  	[sflag:s19] =	ssyncset.done $0x0  }
0x42c: {  	s21 =	simm.s32 $0x15;
	[sflag:s19] =	ssyncadd.s32 $0xFFFFF800  }
0x42d: {  	_ =	swait.ge [sflag:s21], $0x800  }
0x42e: {  	[sflag:s21] =	ssyncset.done $0x0  }
0x42f: {  	s22 =	simm.s32 $0x16;
	[sflag:s21] =	ssyncadd.s32 $0xFFFFF800  }
0x430: {  	_ =	swait.ge [sflag:s22], $0x800  }
0x431: {  	[sflag:s22] =	ssyncset.done $0x0  }
0x432: {  	s24 =	simm.s32 $0x17;
	[sflag:s22] =	ssyncadd.s32 $0xFFFFF800  }
0x433: {  	_ =	swait.ge [sflag:s24], $0x800  }
0x434: {  	[sflag:s24] =	ssyncset.done $0x0  }
0x435: {  	s26 =	simm.s32 $0x18;
	[sflag:s24] =	ssyncadd.s32 $0xFFFFF800  }
0x436: {  	_ =	swait.ge [sflag:s26], $0x800  }
0x437: {  	[sflag:s26] =	ssyncset.done $0x0  }
0x438: {  	s28 =	simm.s32 $0x19;
	[sflag:s26] =	ssyncadd.s32 $0xFFFFF800  }
0x439: {  	_ =	swait.ge [sflag:s28], $0x800  }
0x43a: {  	s29 =	sld [smem:$0x7EF]  }
0x43b: {  	s30 =	sld [smem:$0x7FD];
	_ =	sdelay $0x1  }
0x43c: {  	s6 =	sadd.s32 $0x1, s29  }
0x43d: {  	p0 =	sne.s32 s6, s30  }
.Ltmp16:
0x43e: {  	_ = 	snop;
	(pc) =	sbr.rel @p0 .LBB2_1-.Ltmp16, $3  }
0x43f: {  	_ =	sdelay $0x1  }
0x440: {  	[sflag:s28] =	ssyncset.done $0x0  }
0x441: {  	[sflag:s28] =	ssyncadd.s32 $0xFFFFF800  }
0x442: {  	_ =	sfence.sel $0x180000  }
0x443: {  	[bflag:$0x0] =	sbarrier.arrive $0xFFFF  }
0x444: {  	_ =	strace $0x90000047  }
0x445: {  	s0 =	stileid.u32;
	[bflag:$0x2] =	sbarrier.arrive $0xFFFF  }
0x446: {  	p0 =	sne.s32 s0, $0x0;
	s0 =	rddreg [dreg:$0x2]  }
0x447: {  	s0 =	sadd.s32 @!p0 $0x100000, s0  }
0x448: {  	[sflag:s0] =	ssyncadd.tile.s32 @!p0 $0x1;
	_ =	shalt  }
.Lfunc_end2:
_tile_overlayer_lowered:
.L_overlay_start_2:
0x449: {  	(tag) =	ssettag $0x2  }
0x44a: {  	s0 =	rddreg [dreg:$0x0];
	s2 =	stileid.u32  }
0x44b: {  	s1 =	rddreg [dreg:$0x1];
	p0 =	sne.s32 s2, $0x0  }
0x44c: {  	s3 =	rddreg [dreg:$0x2];
	[bflag:$0x3] =	sbarrier.arrive $0xFFFF;
	s2 =	simm.s32 @!p0 $0x1C1A  }
0x44d: {  	[timem:s3], [sflag:s2] =	dma.local @!p0 [hbm:s0], s1  }
0x44e: {  	s0 =	simm.s32 @!p0 $0x1A  }
0x44f: {  	_ =	swait.ge @!p0 [sflag:s0], s1  }
0x450: {  	s1 =	ssub.s32 @!p0 $0x0, s1;
	[sflag:s0] =	ssyncset.done @!p0 $0x0  }
0x451: {  	[sflag:s0] =	ssyncadd.s32 @!p0 s1  }
0x452: {  	[bflag:$0x3] =	sbarrier.arrive $0xFFFF  }
0x453: {  	_ =	shalt  }

</sc_bundles>
